<compile_context>
chip_gen: v7x
topology: tpu7x:2x2x1
jax: 0.10.2.dev20260603
libtpu: 0.0.44.dev20260713+nightly
codegen_flags: <defaults>
</compile_context>

<pallas_src>
import functools

import jax
import jax.numpy as jnp
import numpy as np
from jax import lax
from jax.experimental import pallas as pl
from jax.experimental.pallas import tpu as pltpu
from jax.experimental.pallas import tpu_sc as plsc

T_SIZE = 2097152
TBL_MASK = np.int32(T_SIZE - 1)
CELL = np.float32(0.01)
INV_CELL = np.float32(100.0)
T_STEP = np.float32(0.01)
S = 128
N = 4096
NW = 32
RPW = N // NW
G = 16
NG = RPW // G
K = 16
NCH = S // K
DP = 8
NROWS = T_SIZE * 5 // DP
MAXQ = np.int32(NROWS - 1)
HA = np.int32(73856093)
HB = np.int32(19349663)
HC = np.int32(83492791)
RSQRT_MAGIC = np.int32(0x5F3759DF)
F1 = np.float32(1.0)
FH = np.float32(0.5)


def _fld(rayv, iota, gb, i):
    return plsc.load_gather(rayv, [gb + iota, jnp.full((16,), i, jnp.int32)])


def _rsqrt(x):
    y = plsc.bitcast(RSQRT_MAGIC - lax.shift_right_logical(plsc.bitcast(x, jnp.int32), 1),
                     jnp.float32)
    for _ in range(3):
        y = y * (np.float32(1.5) - FH * x * y * y)
    return y


def _sc_body(rays_h, beta_h, table_h,
             rgb_h, dep_h, nrm_h, acc_h, sg_h,
             rayv, betav, idxb0, idxb1, fb0, fb1, offb0, offb1, rowsb0, rowsb1,
             gradsb, rgbb, depb, nrmb, accb, sem0, sem1):
    cidx = lax.axis_index("c")
    sidx = lax.axis_index("s")
    wid = sidx * 2 + cidx
    r0 = wid * RPW
    iota = lax.iota(jnp.int32, 16)
    zeros = jnp.zeros((16,), jnp.float32)

    pltpu.sync_copy(rays_h.at[pl.ds(r0, RPW)], rayv)
    pltpu.sync_copy(beta_h, betav)

    def group_body(g, _):
        gb = g * G
        o_x = _fld(rayv, iota, gb, 0)
        o_y = _fld(rayv, iota, gb, 1)
        o_z = _fld(rayv, iota, gb, 2)
        d_x = _fld(rayv, iota, gb, 3)
        d_y = _fld(rayv, iota, gb, 4)
        d_z = _fld(rayv, iota, gb, 5)
        near_v = _fld(rayv, iota, gb, 6)
        far_v = _fld(rayv, iota, gb, 7)
        dn_v = _fld(rayv, iota, gb, 8)
        beta_c = jnp.maximum(betav[...], np.float32(1e-4))
        alpha = F1 / beta_c

        def phase_a(ch, idxb, fb, offb):
            s0 = ch * K

            def pa(sl, _):
                sf = (s0 + sl).astype(jnp.float32)
                tn = near_v + sf * T_STEP
                tf_ = tn + T_STEP
                tm = FH * (tn + tf_)
                i0 = []
                for axis, (o_, d_) in enumerate(((o_x, d_x), (o_y, d_y), (o_z, d_z))):
                    p = o_ + tm * d_
                    u = p / CELL
                    ti = u.astype(jnp.int32)
                    tif = ti.astype(jnp.float32)
                    lt = u < tif
                    i0.append(ti - lt.astype(jnp.int32))
                    fb[sl, axis, :] = u - (tif - lt.astype(jnp.float32))
                hx0 = i0[0] * HA
                hx1 = hx0 + HA
                hy0 = i0[1] * HB
                hy1 = hy0 + HB
                hz0 = i0[2] * HC
                hz1 = hz0 + HC
                for dx in (0, 1):
                    hx = hx1 if dx else hx0
                    for dy in (0, 1):
                        hxy = hx ^ (hy1 if dy else hy0)
                        for dz in (0, 1):
                            c = dx * 4 + dy * 2 + dz
                            h = (hxy ^ (hz1 if dz else hz0)) & TBL_MASK
                            w0 = h * 5
                            q = lax.shift_right_logical(w0, 1 + 2)
                            off = w0 & 7
                            q1 = jnp.minimum(q + 1, MAXQ)
                            ebase = (sl * 8 + c) * 32 + iota * 2
                            plsc.store_scatter(idxb, [ebase], q)
                            plsc.store_scatter(idxb, [ebase + 1], q1)
                            offb[sl, c, :] = off
                return 0

            lax.fori_loop(0, K, pa, 0)

        def fire(idxb, rowsb, sem):
            pltpu.async_copy(table_h.at[idxb], rowsb, sem)

        def waitd(idxb, rowsb, sem):
            pltpu.make_async_copy(table_h.at[idxb], rowsb, sem).wait()

        def phase_b(ch, rowsb, fb, offb, carry):
            s0 = ch * K

            def pb(sl, carry):
                (cs, cr, cg, cb_, cd, cnx, cny, cnz, ca) = carry
                sf = (s0 + sl).astype(jnp.float32)
                tn = near_v + sf * T_STEP
                tf_ = tn + T_STEP
                tm = FH * (tn + tf_)
                f0 = fb[sl, 0, :]
                f1 = fb[sl, 1, :]
                f2 = fb[sl, 2, :]
                m0 = F1 - f0
                m1 = F1 - f1
                m2 = F1 - f2
                wx = (m0, f0)
                wy = (m1, f1)
                wz = (m2, f2)
                rowbase = sl * 128
                e0 = e1 = e2 = e3 = e4 = zeros
                gx = gy = gz = zeros
                seven = jnp.full((16,), 7, jnp.int32)
                for dx in (0, 1):
                    for dy in (0, 1):
                        wxy = wx[dx] * wy[dy]
                        for dz in (0, 1):
                            c = dx * 4 + dy * 2 + dz
                            basew = (rowbase + c * 16 + iota) * 16 + offb[sl, c, :]

                            def ld(j, basew=basew):
                                w_ = basew + j
                                return plsc.load_gather(
                                    rowsb,
                                    [lax.shift_right_logical(w_, 3), w_ & seven])

                            r0c = ld(0)
                            wyz = wy[dy] * wz[dz]
                            wxz = wx[dx] * wz[dz]
                            w = wxy * wz[dz]
                            e0 = e0 + w * r0c
                            e1 = e1 + w * ld(1)
                            e2 = e2 + w * ld(2)
                            e3 = e3 + w * ld(3)
                            e4 = e4 + w * ld(4)
                            gx = gx + wyz * r0c if dx else gx - wyz * r0c
                            gy = gy + wxz * r0c if dy else gy - wxz * r0c
                            gz = gz + wxy * r0c if dz else gz - wxy * r0c
                maskf = jnp.where((tm <= far_v) & (e4 >= F1), F1, np.float32(0.0))
                sgx = (gx * INV_CELL) * maskf
                sgy = (gy * INV_CELL) * maskf
                sgz = (gz * INV_CELL) * maskf
                grows = iota * S + (s0 + sl)
                zi16 = jnp.zeros((16,), jnp.int32)
                plsc.store_scatter(gradsb, [zi16, grows], sgx)
                plsc.store_scatter(gradsb, [zi16 + 1, grows], sgy)
                plsc.store_scatter(gradsb, [zi16 + 2, grows], sgz)
                e = jnp.exp(-jnp.abs(e0) / beta_c) - F1
                sigma = FH * alpha * (F1 + jnp.sign(e0) * e) * maskf
                delta = (tf_ - tn) * sigma
                trans = jnp.exp(-cs)
                aa = F1 - jnp.exp(-delta)
                w_ = trans * aa
                n2 = jnp.maximum(sgx * sgx + sgy * sgy + sgz * sgz, np.float32(1e-24))
                rinv = _rsqrt(n2)
                return (cs + delta,
                        cr + w_ * e1, cg + w_ * e2, cb_ + w_ * e3,
                        cd + w_ * tm,
                        cnx + w_ * (sgx * rinv),
                        cny + w_ * (sgy * rinv),
                        cnz + w_ * (sgz * rinv),
                        ca + w_)

            return lax.fori_loop(0, K, pb, carry)

        carry0 = (zeros,) * 9
        phase_a(0, idxb0, fb0, offb0)
        fire(idxb0, rowsb0, sem0)

        def body2(i, carry):
            ch0 = 2 * i
            ch1 = ch0 + 1
            phase_a(ch1, idxb1, fb1, offb1)
            fire(idxb1, rowsb1, sem1)
            waitd(idxb0, rowsb0, sem0)
            carry = phase_b(ch0, rowsb0, fb0, offb0, carry)

            @pl.when(i < NCH // 2 - 1)
            def _():
                phase_a(ch0 + 2, idxb0, fb0, offb0)
                fire(idxb0, rowsb0, sem0)

            waitd(idxb1, rowsb1, sem1)
            return phase_b(ch1, rowsb1, fb1, offb1, carry)

        (cs, cr, cg, cb_, cd, cnx, cny, cnz, ca) = lax.fori_loop(
            0, NCH // 2, body2, carry0)

        zi = jnp.zeros((16,), jnp.int32)
        plsc.store_scatter(rgbb, [iota, zi], cr)
        plsc.store_scatter(rgbb, [iota, jnp.full((16,), 1, jnp.int32)], cg)
        plsc.store_scatter(rgbb, [iota, jnp.full((16,), 2, jnp.int32)], cb_)
        plsc.store_scatter(nrmb, [iota, zi], cnx)
        plsc.store_scatter(nrmb, [iota, jnp.full((16,), 1, jnp.int32)], cny)
        plsc.store_scatter(nrmb, [iota, jnp.full((16,), 2, jnp.int32)], cnz)
        plsc.store_scatter(depb, [iota, zi], cd / dn_v)
        plsc.store_scatter(accb, [iota, zi], ca)

        row0 = r0 + gb
        pltpu.sync_copy(rgbb, rgb_h.at[pl.ds(row0, G)])
        pltpu.sync_copy(nrmb, nrm_h.at[pl.ds(row0, G)])
        pltpu.sync_copy(depb, dep_h.at[pl.ds(row0, G)])
        pltpu.sync_copy(accb, acc_h.at[pl.ds(row0, G)])
        pltpu.sync_copy(gradsb, sg_h.at[:, pl.ds(row0 * S, G * S)])
        return 0

    lax.fori_loop(0, NG, group_body, 0)


_KERNEL_CACHE = []


def _build_voxels_sc():
    return functools.partial(
        pl.kernel,
        out_type=(
            jax.ShapeDtypeStruct((N, 3), jnp.float32),
            jax.ShapeDtypeStruct((N, 1), jnp.float32),
            jax.ShapeDtypeStruct((N, 3), jnp.float32),
            jax.ShapeDtypeStruct((N, 1), jnp.float32),
            jax.ShapeDtypeStruct((3, N * S), jnp.float32),
        ),
        mesh=plsc.VectorSubcoreMesh(core_axis_name="c", subcore_axis_name="s"),
        compiler_params=pltpu.CompilerParams(
            needs_layout_passes=False, use_tc_tiling_on_sc=False),
        scratch_types=[
            pltpu.VMEM((RPW, 9), jnp.float32),
            pltpu.VMEM((16,), jnp.float32),
            pltpu.VMEM((K * 256,), jnp.int32),
            pltpu.VMEM((K * 256,), jnp.int32),
            pltpu.VMEM((K, 3, 16), jnp.float32),
            pltpu.VMEM((K, 3, 16), jnp.float32),
            pltpu.VMEM((K, 8, 16), jnp.int32),
            pltpu.VMEM((K, 8, 16), jnp.int32),
            pltpu.VMEM((K * 256, DP), jnp.float32),
            pltpu.VMEM((K * 256, DP), jnp.float32),
            pltpu.VMEM((3, G * S), jnp.float32),
            pltpu.VMEM((G, 3), jnp.float32),
            pltpu.VMEM((G, 1), jnp.float32),
            pltpu.VMEM((G, 3), jnp.float32),
            pltpu.VMEM((G, 1), jnp.float32),
            pltpu.SemaphoreType.DMA,
            pltpu.SemaphoreType.DMA,
        ],
    )(_sc_body)


def _voxels_sc(*args):
    if not _KERNEL_CACHE:
        _KERNEL_CACHE.append(_build_voxels_sc())
    return _KERNEL_CACHE[0](*args)


def kernel(rays_o, rays_d, rays_d_norm, near, far, table, beta):
    rays_pack = jnp.concatenate(
        [rays_o, rays_d, near, far, rays_d_norm], axis=1).astype(jnp.float32)
    beta16 = jnp.broadcast_to(beta.reshape(-1)[:1], (16,)).astype(jnp.float32)
    tablev = table.reshape(NROWS, DP)
    rgb, dep, nrm, acc, sgT = _voxels_sc(rays_pack, beta16, tablev)
    return rgb, dep, nrm, acc, sgT.T

# --- scband reference (transcript-rebuilt; emitter-appended) ---
"""Pipeline reference for scband-plain-voxels-71210557768318 (READ-ONLY COPY).

The authoritative reference and input builder live on the scoring server;
editing this copy changes nothing except your own understanding.
"""

import jax, jax.numpy as jnp
import numpy as np

T_SIZE = 2097152
CELL = 0.01
S = 128
T_STEP = 0.01


def _hash(ix, iy, iz):
    ux = ix.astype(jnp.uint32) * np.uint32(73856093)
    uy = iy.astype(jnp.uint32) * np.uint32(19349663)
    uz = iz.astype(jnp.uint32) * np.uint32(83492791)
    return ((ux ^ uy ^ uz) % np.uint32(T_SIZE)).astype(jnp.int32)


def _interp(pt, table):
    # trilinear interpolation over 8 hashed corners (linear interpolation in the sparse-dense grid)
    u = pt / CELL
    i0f = jnp.floor(u)
    f = u - i0f
    i0 = i0f.astype(jnp.int32)
    emb = jnp.zeros((table.shape[1],), table.dtype)
    for dx in (0, 1):
        for dy in (0, 1):
            for dz in (0, 1):
                w = ((f[0] if dx else 1.0 - f[0]) * (f[1] if dy else 1.0 - f[1]) * (f[2] if dz else 1.0 - f[2]))
                idx = _hash(i0[0] + dx, i0[1] + dy, i0[2] + dz)
                emb = emb + w * table[idx]
    return emb


def _sdf_point(pt, table):
    return _interp(pt, table)[0]


def _forward(rays_o, rays_d, rays_d_norm, near, far, table, beta):
    N = rays_o.shape[0]
    i = jnp.arange(S, dtype=jnp.float32)
    t_nears = near + i[None, :] * T_STEP          # [N, S]
    t_fars = t_nears + T_STEP
    t_mid = 0.5 * (t_nears + t_fars)
    x = rays_o[:, None, :] + t_mid[..., None] * rays_d[:, None, :]
    x_flat = x.reshape(-1, 3)
    emb = jax.vmap(_interp, in_axes=(0, None))(x_flat, table)   # [N*S, 5]
    range_mask = (t_mid <= far).reshape(-1)
    voxel_w = emb[:, 4]
    mask = range_mask & (voxel_w >= 1.0)
    maskf = mask.astype(jnp.float32)[:, None]
    sdfs = emb[:, 0:1]
    rgbs = emb[:, 1:4]
    # sdf spatial gradient via autodiff w.r.t. sample position (mirrors torch.autograd.grad)
    sdf_grads = jax.vmap(jax.grad(_sdf_point, argnums=0), in_axes=(0, None))(x_flat, table)
    sdf_grads = sdf_grads * maskf
    nrm = jnp.linalg.norm(sdf_grads, axis=-1, keepdims=True)
    normals = sdf_grads / jnp.maximum(nrm, 1e-12)
    # SDFToSigma
    beta_c = jnp.maximum(beta, 1e-4)
    alpha = 1.0 / beta_c
    sigma = 0.5 * alpha * (1.0 + jnp.sign(sdfs) * jnp.expm1(-jnp.abs(sdfs) / beta_c))
    sigma = sigma * maskf
    # render_weight_from_density (segments are contiguous per ray, fixed max length S)
    delta = (t_fars - t_nears).reshape(-1, 1) * sigma
    delta2 = delta.reshape(N, S)
    cs = jnp.cumsum(delta2, axis=1)
    trans = jnp.exp(-(cs - delta2))
    a = 1.0 - jnp.exp(-delta2)
    weights = (trans * a).reshape(-1, 1)
    ray_idx = jnp.repeat(jnp.arange(N), S)
    rendered_rgb = jax.ops.segment_sum(weights * rgbs, ray_idx, num_segments=N)
    rendered_depth = jax.ops.segment_sum(weights * t_mid.reshape(-1, 1), ray_idx, num_segments=N) / rays_d_norm
    rendered_normals = jax.ops.segment_sum(weights * normals, ray_idx, num_segments=N)
    acc = jax.ops.segment_sum(weights, ray_idx, num_segments=N)
    return rendered_rgb, rendered_depth, rendered_normals, acc, sdf_grads


def setup_inputs(seed: int = 0):
    key = jax.random.key(seed)
    k1, k2, k3, k4 = jax.random.split(key, 4)
    N = 4096
    rays_o = jax.random.uniform(k1, (N, 3), dtype=jnp.float32) * 2.0 - 1.0
    rays_d = jax.random.normal(k2, (N, 3), dtype=jnp.float32)
    rays_d = rays_d / jnp.linalg.norm(rays_d, axis=-1, keepdims=True)
    rays_d_norm = jnp.ones((N, 1), dtype=jnp.float32)
    near = jax.random.uniform(k3, (N, 1), dtype=jnp.float32) * 0.5
    far = jnp.ones((N, 1), dtype=jnp.float32)
    table = jax.random.uniform(k4, (T_SIZE, 5), dtype=jnp.float32) * 2.0
    beta = jnp.array([CELL], dtype=jnp.float32)
    return {"rays_o": rays_o, "rays_d": rays_d, "rays_d_norm": rays_d_norm, "near": near, "far": far, "table": table, "beta": beta}


def reference(rays_o, rays_d, rays_d_norm, near, far, table, beta):
    return _forward(rays_o, rays_d, rays_d_norm, near, far, table, beta)

if __name__ == "__main__":
    import jax
    _d = setup_inputs()
    print(jax.jit(kernel)(*tuple(_d.values())))

</pallas_src>

<mosaic_0001>
#map = affine_map<(d0, d1) -> (0, 0)>
#map1 = affine_map<(d0, d1) -> (0)>
module attributes {stable_mosaic.version = 14 : i64} {
  func.func @_sc_body(%arg0: i32, %arg1: i32, %arg2: memref<4096x9xf32, #tpu.memory_space<hbm>>, %arg3: memref<16xf32, #tpu.memory_space<hbm>>, %arg4: memref<1310720x8xf32, #tpu.memory_space<hbm>>, %arg5: memref<4096x3xf32, #tpu.memory_space<hbm>>, %arg6: memref<4096x1xf32, #tpu.memory_space<hbm>>, %arg7: memref<4096x3xf32, #tpu.memory_space<hbm>>, %arg8: memref<4096x1xf32, #tpu.memory_space<hbm>>, %arg9: memref<3x524288xf32, #tpu.memory_space<hbm>>, %arg10: memref<128x9xf32, #tpu.memory_space<vmem>>, %arg11: memref<16xf32, #tpu.memory_space<vmem>>, %arg12: memref<4096xi32, #tpu.memory_space<vmem>>, %arg13: memref<4096xi32, #tpu.memory_space<vmem>>, %arg14: memref<16x3x16xf32, #tpu.memory_space<vmem>>, %arg15: memref<16x3x16xf32, #tpu.memory_space<vmem>>, %arg16: memref<16x8x16xi32, #tpu.memory_space<vmem>>, %arg17: memref<16x8x16xi32, #tpu.memory_space<vmem>>, %arg18: memref<4096x8xf32, #tpu.memory_space<vmem>>, %arg19: memref<4096x8xf32, #tpu.memory_space<vmem>>, %arg20: memref<3x2048xf32, #tpu.memory_space<vmem>>, %arg21: memref<16x3xf32, #tpu.memory_space<vmem>>, %arg22: memref<16x1xf32, #tpu.memory_space<vmem>>, %arg23: memref<16x3xf32, #tpu.memory_space<vmem>>, %arg24: memref<16x1xf32, #tpu.memory_space<vmem>>, %arg25: memref<!tpu.dma_semaphore, #tpu.memory_space<semaphore_mem>>, %arg26: memref<!tpu.dma_semaphore, #tpu.memory_space<semaphore_mem>>) attributes {dimension_semantics = [#tpu.dimension_semantics<core_parallel>, #tpu.dimension_semantics<subcore_parallel>], iteration_bounds = array<i64: 2, 16>, scalar_prefetch = 0 : i64, scratch_operands = 17 : i64, tpu.core_type = #tpu.core_type<sc_vector_subcore>, window_params = [{transform_indices = #map}, {transform_indices = #map1}, {transform_indices = #map}, {transform_indices = #map}, {transform_indices = #map}, {transform_indices = #map}, {transform_indices = #map}, {transform_indices = #map}]} {
    %mul3A = arith.constant 2 : i32
    %mul3A_0 = arith.muli %arg1, %mul3A : i32
    %add3A = arith.addi %mul3A_0, %arg0 : i32
    %mul3A_1 = arith.constant 128 : i32
    %mul3A_2 = arith.muli %add3A, %mul3A_1 : i32
    %iota3A = tpu.iota {dimensions = array<i32: 0>} : vector<16xi32>
    %broadcast_in_dim3A = arith.constant 0.000000e+00 : f32
    %broadcast_in_dim3A_3 = vector.broadcast %broadcast_in_dim3A : f32 to vector<16xf32>
    "tpu.region"() ({
      %run_scoped3A = tpu.sem_alloc : memref<!tpu.dma_semaphore, #tpu.memory_space<semaphore_mem>>
      %dma_start3A = arith.constant 0 : i32
      %dma_start3A_10 = tpu.memref_slice %arg2[%mul3A_2, %dma_start3A] : memref<4096x9xf32, #tpu.memory_space<hbm>> -> memref<128x9xf32, #tpu.memory_space<hbm>>
      %dma_start3A_11 = arith.constant 0 : i32
      %dma_start3A_12 = tpu.memref_slice %arg2[%mul3A_2, %dma_start3A_11] : memref<4096x9xf32, #tpu.memory_space<hbm>> -> memref<128x9xf32, #tpu.memory_space<hbm>>
      tpu.enqueue_dma source(%dma_start3A_12 : memref<128x9xf32, #tpu.memory_space<hbm>>) target(%arg10 : memref<128x9xf32, #tpu.memory_space<vmem>>) target_semaphore(%run_scoped3A : memref<!tpu.dma_semaphore, #tpu.memory_space<semaphore_mem>>)
      %dma_wait3A = arith.constant 0 : i32
      %dma_wait3A_13 = tpu.memref_slice %arg2[%mul3A_2, %dma_wait3A] : memref<4096x9xf32, #tpu.memory_space<hbm>> -> memref<128x9xf32, #tpu.memory_space<hbm>>
      %dma_wait3A_14 = arith.constant 0 : i32
      %dma_wait3A_15 = tpu.memref_slice %arg2[%mul3A_2, %dma_wait3A_14] : memref<4096x9xf32, #tpu.memory_space<hbm>> -> memref<128x9xf32, #tpu.memory_space<hbm>>
      tpu.wait_dma2 semaphore(%run_scoped3A : memref<!tpu.dma_semaphore, #tpu.memory_space<semaphore_mem>>) src(%dma_wait3A_15 : memref<128x9xf32, #tpu.memory_space<hbm>>) dst(%arg10 : memref<128x9xf32, #tpu.memory_space<vmem>>)
      tpu.yield
    }) : () -> ()
    "tpu.region"() ({
      %run_scoped3A = tpu.sem_alloc : memref<!tpu.dma_semaphore, #tpu.memory_space<semaphore_mem>>
      tpu.enqueue_dma source(%arg3 : memref<16xf32, #tpu.memory_space<hbm>>) target(%arg11 : memref<16xf32, #tpu.memory_space<vmem>>) target_semaphore(%run_scoped3A : memref<!tpu.dma_semaphore, #tpu.memory_space<semaphore_mem>>)
      tpu.wait_dma2 semaphore(%run_scoped3A : memref<!tpu.dma_semaphore, #tpu.memory_space<semaphore_mem>>) src(%arg3 : memref<16xf32, #tpu.memory_space<hbm>>) dst(%arg11 : memref<16xf32, #tpu.memory_space<vmem>>)
      tpu.yield
    }) : () -> ()
    %scan3A = arith.constant 0 : i32
    %scan3A_4 = arith.constant 0 : i32
    %scan3A_5 = arith.constant 8 : i32
    %scan3A_6 = arith.addi %scan3A_4, %scan3A_5 : i32
    %scan3A_7 = arith.constant 1 : i32
    %scan3A_8 = scf.for %scan3A_10 = %scan3A_4 to %scan3A_6 step %scan3A_7 iter_args(%scan3A_11 = %scan3A) -> (i32)  : i32 {
      %mul3A_12 = arith.constant 16 : i32
      %mul3A_13 = arith.muli %scan3A_10, %mul3A_12 : i32
      %add3A_14 = vector.broadcast %mul3A_13 : i32 to vector<16xi32>
      %add3A_15 = arith.addi %add3A_14, %iota3A : vector<16xi32>
      %broadcast_in_dim3A_16 = arith.constant 0 : i32
      %broadcast_in_dim3A_17 = vector.broadcast %broadcast_in_dim3A_16 : i32 to vector<16xi32>
      %gather3A = tpu.vector_load_idx %arg10[%add3A_15, %broadcast_in_dim3A_17] : memref<128x9xf32, #tpu.memory_space<vmem>>[vector<16xi32>, vector<16xi32>], vector<16xf32>,
      %add3A_18 = vector.broadcast %mul3A_13 : i32 to vector<16xi32>
      %add3A_19 = arith.addi %add3A_18, %iota3A : vector<16xi32>
      %broadcast_in_dim3A_20 = arith.constant 1 : i32
      %broadcast_in_dim3A_21 = vector.broadcast %broadcast_in_dim3A_20 : i32 to vector<16xi32>
      %gather3A_22 = tpu.vector_load_idx %arg10[%add3A_19, %broadcast_in_dim3A_21] : memref<128x9xf32, #tpu.memory_space<vmem>>[vector<16xi32>, vector<16xi32>], vector<16xf32>,
      %add3A_23 = vector.broadcast %mul3A_13 : i32 to vector<16xi32>
      %add3A_24 = arith.addi %add3A_23, %iota3A : vector<16xi32>
      %broadcast_in_dim3A_25 = arith.constant 2 : i32
      %broadcast_in_dim3A_26 = vector.broadcast %broadcast_in_dim3A_25 : i32 to vector<16xi32>
      %gather3A_27 = tpu.vector_load_idx %arg10[%add3A_24, %broadcast_in_dim3A_26] : memref<128x9xf32, #tpu.memory_space<vmem>>[vector<16xi32>, vector<16xi32>], vector<16xf32>,
      %add3A_28 = vector.broadcast %mul3A_13 : i32 to vector<16xi32>
      %add3A_29 = arith.addi %add3A_28, %iota3A : vector<16xi32>
      %broadcast_in_dim3A_30 = arith.constant 3 : i32
      %broadcast_in_dim3A_31 = vector.broadcast %broadcast_in_dim3A_30 : i32 to vector<16xi32>
      %gather3A_32 = tpu.vector_load_idx %arg10[%add3A_29, %broadcast_in_dim3A_31] : memref<128x9xf32, #tpu.memory_space<vmem>>[vector<16xi32>, vector<16xi32>], vector<16xf32>,
      %add3A_33 = vector.broadcast %mul3A_13 : i32 to vector<16xi32>
      %add3A_34 = arith.addi %add3A_33, %iota3A : vector<16xi32>
      %broadcast_in_dim3A_35 = arith.constant 4 : i32
      %broadcast_in_dim3A_36 = vector.broadcast %broadcast_in_dim3A_35 : i32 to vector<16xi32>
      %gather3A_37 = tpu.vector_load_idx %arg10[%add3A_34, %broadcast_in_dim3A_36] : memref<128x9xf32, #tpu.memory_space<vmem>>[vector<16xi32>, vector<16xi32>], vector<16xf32>,
      %add3A_38 = vector.broadcast %mul3A_13 : i32 to vector<16xi32>
      %add3A_39 = arith.addi %add3A_38, %iota3A : vector<16xi32>
      %broadcast_in_dim3A_40 = arith.constant 5 : i32
      %broadcast_in_dim3A_41 = vector.broadcast %broadcast_in_dim3A_40 : i32 to vector<16xi32>
      %gather3A_42 = tpu.vector_load_idx %arg10[%add3A_39, %broadcast_in_dim3A_41] : memref<128x9xf32, #tpu.memory_space<vmem>>[vector<16xi32>, vector<16xi32>], vector<16xf32>,
      %add3A_43 = vector.broadcast %mul3A_13 : i32 to vector<16xi32>
      %add3A_44 = arith.addi %add3A_43, %iota3A : vector<16xi32>
      %broadcast_in_dim3A_45 = arith.constant 6 : i32
      %broadcast_in_dim3A_46 = vector.broadcast %broadcast_in_dim3A_45 : i32 to vector<16xi32>
      %gather3A_47 = tpu.vector_load_idx %arg10[%add3A_44, %broadcast_in_dim3A_46] : memref<128x9xf32, #tpu.memory_space<vmem>>[vector<16xi32>, vector<16xi32>], vector<16xf32>,
      %add3A_48 = vector.broadcast %mul3A_13 : i32 to vector<16xi32>
      %add3A_49 = arith.addi %add3A_48, %iota3A : vector<16xi32>
      %broadcast_in_dim3A_50 = arith.constant 7 : i32
      %broadcast_in_dim3A_51 = vector.broadcast %broadcast_in_dim3A_50 : i32 to vector<16xi32>
      %gather3A_52 = tpu.vector_load_idx %arg10[%add3A_49, %broadcast_in_dim3A_51] : memref<128x9xf32, #tpu.memory_space<vmem>>[vector<16xi32>, vector<16xi32>], vector<16xf32>,
      %add3A_53 = vector.broadcast %mul3A_13 : i32 to vector<16xi32>
      %add3A_54 = arith.addi %add3A_53, %iota3A : vector<16xi32>
      %broadcast_in_dim3A_55 = arith.constant 8 : i32
      %broadcast_in_dim3A_56 = vector.broadcast %broadcast_in_dim3A_55 : i32 to vector<16xi32>
      %gather3A_57 = tpu.vector_load_idx %arg10[%add3A_54, %broadcast_in_dim3A_56] : memref<128x9xf32, #tpu.memory_space<vmem>>[vector<16xi32>, vector<16xi32>], vector<16xf32>,
      %get3A = arith.constant 0 : index
      %get3A_58 = tpu.vector_load %arg11[%get3A] {strides = array<i32>} : memref<16xf32, #tpu.memory_space<vmem>>, vector<16xf32>,
      %max3A = arith.constant 9.99999974E-5 : f32
      %max3A_59 = vector.broadcast %max3A : f32 to vector<16xf32>
      %max3A_60 = arith.maximumf %get3A_58, %max3A_59 : vector<16xf32>
      %div3A = arith.constant 1.000000e+00 : f32
      %div3A_61 = vector.broadcast %div3A : f32 to vector<16xf32>
      %div3A_62 = arith.divf %div3A_61, %max3A_60 : vector<16xf32>
      %scan3A_63 = arith.constant 0 : i32
      %scan3A_64 = arith.constant 0 : i32
      %scan3A_65 = arith.constant 16 : i32
      %scan3A_66 = arith.addi %scan3A_64, %scan3A_65 : i32
      %scan3A_67 = arith.constant 1 : i32
      %scan3A_68 = scf.for %scan3A_93 = %scan3A_64 to %scan3A_66 step %scan3A_67 iter_args(%scan3A_94 = %scan3A_63) -> (i32)  : i32 {
        %add3A_95 = arith.constant 0 : i32
        %add3A_96 = arith.addi %add3A_95, %scan3A_93 : i32
        %convert_element_type3A = arith.sitofp %add3A_96 : i32 to f32
        %mul3A_97 = arith.constant 0.00999999977 : f32
        %mul3A_98 = arith.mulf %convert_element_type3A, %mul3A_97 : f32
        %add3A_99 = vector.broadcast %mul3A_98 : f32 to vector<16xf32>
        %add3A_100 = arith.addf %gather3A_47, %add3A_99 : vector<16xf32>
        %add3A_101 = arith.constant 0.00999999977 : f32
        %add3A_102 = vector.broadcast %add3A_101 : f32 to vector<16xf32>
        %add3A_103 = arith.addf %add3A_100, %add3A_102 : vector<16xf32>
        %add3A_104 = arith.addf %add3A_100, %add3A_103 : vector<16xf32>
        %mul3A_105 = arith.constant 5.000000e-01 : f32
        %mul3A_106 = vector.broadcast %mul3A_105 : f32 to vector<16xf32>
        %mul3A_107 = arith.mulf %mul3A_106, %add3A_104 : vector<16xf32>
        %mul3A_108 = arith.mulf %mul3A_107, %gather3A_32 : vector<16xf32>
        %add3A_109 = arith.addf %gather3A, %mul3A_108 : vector<16xf32>
        %div3A_110 = arith.constant 0.00999999977 : f32
        %div3A_111 = vector.broadcast %div3A_110 : f32 to vector<16xf32>
        %div3A_112 = arith.divf %add3A_109, %div3A_111 : vector<16xf32>
        %convert_element_type3A_113 = arith.fptosi %div3A_112 : vector<16xf32> to vector<16xi32>
        %convert_element_type3A_114 = arith.sitofp %convert_element_type3A_113 : vector<16xi32> to vector<16xf32>
        %lt3A = arith.cmpf olt, %div3A_112, %convert_element_type3A_114 : vector<16xf32>
        %convert_element_type3A_115 = arith.extui %lt3A : vector<16xi1> to vector<16xi32>
        %sub3A = arith.subi %convert_element_type3A_113, %convert_element_type3A_115 : vector<16xi32>
        %convert_element_type3A_116 = arith.extui %lt3A : vector<16xi1> to vector<16xi32>
        %convert_element_type3A_117 = arith.sitofp %convert_element_type3A_116 : vector<16xi32> to vector<16xf32>
        %sub3A_118 = arith.subf %convert_element_type3A_114, %convert_element_type3A_117 : vector<16xf32>
        %sub3A_119 = arith.subf %div3A_112, %sub3A_118 : vector<16xf32>
        %swap3A = arith.constant 0 : i32
        %swap3A_120 = arith.index_cast %scan3A_93 : i32 to index
        %swap3A_121 = arith.index_cast %swap3A : i32 to index
        %swap3A_122 = arith.constant 0 : index
        %swap3A_123 = tpu.vector_load %arg14[%swap3A_120, %swap3A_121, %swap3A_122] {strides = array<i32>} : memref<16x3x16xf32, #tpu.memory_space<vmem>>, vector<16xf32>,
        tpu.vector_store %arg14[%swap3A_120, %swap3A_121, %swap3A_122], %sub3A_119 {strides = array<i32>} : memref<16x3x16xf32, #tpu.memory_space<vmem>>, vector<16xf32>,
        %mul3A_124 = arith.mulf %mul3A_107, %gather3A_37 : vector<16xf32>
        %add3A_125 = arith.addf %gather3A_22, %mul3A_124 : vector<16xf32>
        %div3A_126 = arith.constant 0.00999999977 : f32
        %div3A_127 = vector.broadcast %div3A_126 : f32 to vector<16xf32>
        %div3A_128 = arith.divf %add3A_125, %div3A_127 : vector<16xf32>
        %convert_element_type3A_129 = arith.fptosi %div3A_128 : vector<16xf32> to vector<16xi32>
        %convert_element_type3A_130 = arith.sitofp %convert_element_type3A_129 : vector<16xi32> to vector<16xf32>
        %lt3A_131 = arith.cmpf olt, %div3A_128, %convert_element_type3A_130 : vector<16xf32>
        %convert_element_type3A_132 = arith.extui %lt3A_131 : vector<16xi1> to vector<16xi32>
        %sub3A_133 = arith.subi %convert_element_type3A_129, %convert_element_type3A_132 : vector<16xi32>
        %convert_element_type3A_134 = arith.extui %lt3A_131 : vector<16xi1> to vector<16xi32>
        %convert_element_type3A_135 = arith.sitofp %convert_element_type3A_134 : vector<16xi32> to vector<16xf32>
        %sub3A_136 = arith.subf %convert_element_type3A_130, %convert_element_type3A_135 : vector<16xf32>
        %sub3A_137 = arith.subf %div3A_128, %sub3A_136 : vector<16xf32>
        %swap3A_138 = arith.constant 1 : i32
        %swap3A_139 = arith.index_cast %scan3A_93 : i32 to index
        %swap3A_140 = arith.index_cast %swap3A_138 : i32 to index
        %swap3A_141 = arith.constant 0 : index
        %swap3A_142 = tpu.vector_load %arg14[%swap3A_139, %swap3A_140, %swap3A_141] {strides = array<i32>} : memref<16x3x16xf32, #tpu.memory_space<vmem>>, vector<16xf32>,
        tpu.vector_store %arg14[%swap3A_139, %swap3A_140, %swap3A_141], %sub3A_137 {strides = array<i32>} : memref<16x3x16xf32, #tpu.memory_space<vmem>>, vector<16xf32>,
        %mul3A_143 = arith.mulf %mul3A_107, %gather3A_42 : vector<16xf32>
        %add3A_144 = arith.addf %gather3A_27, %mul3A_143 : vector<16xf32>
        %div3A_145 = arith.constant 0.00999999977 : f32
        %div3A_146 = vector.broadcast %div3A_145 : f32 to vector<16xf32>
        %div3A_147 = arith.divf %add3A_144, %div3A_146 : vector<16xf32>
        %convert_element_type3A_148 = arith.fptosi %div3A_147 : vector<16xf32> to vector<16xi32>
        %convert_element_type3A_149 = arith.sitofp %convert_element_type3A_148 : vector<16xi32> to vector<16xf32>
        %lt3A_150 = arith.cmpf olt, %div3A_147, %convert_element_type3A_149 : vector<16xf32>
        %convert_element_type3A_151 = arith.extui %lt3A_150 : vector<16xi1> to vector<16xi32>
        %sub3A_152 = arith.subi %convert_element_type3A_148, %convert_element_type3A_151 : vector<16xi32>
        %convert_element_type3A_153 = arith.extui %lt3A_150 : vector<16xi1> to vector<16xi32>
        %convert_element_type3A_154 = arith.sitofp %convert_element_type3A_153 : vector<16xi32> to vector<16xf32>
        %sub3A_155 = arith.subf %convert_element_type3A_149, %convert_element_type3A_154 : vector<16xf32>
        %sub3A_156 = arith.subf %div3A_147, %sub3A_155 : vector<16xf32>
        %swap3A_157 = arith.constant 2 : i32
        %swap3A_158 = arith.index_cast %scan3A_93 : i32 to index
        %swap3A_159 = arith.index_cast %swap3A_157 : i32 to index
        %swap3A_160 = arith.constant 0 : index
        %swap3A_161 = tpu.vector_load %arg14[%swap3A_158, %swap3A_159, %swap3A_160] {strides = array<i32>} : memref<16x3x16xf32, #tpu.memory_space<vmem>>, vector<16xf32>,
        tpu.vector_store %arg14[%swap3A_158, %swap3A_159, %swap3A_160], %sub3A_156 {strides = array<i32>} : memref<16x3x16xf32, #tpu.memory_space<vmem>>, vector<16xf32>,
        %mul3A_162 = arith.constant 73856093 : i32
        %mul3A_163 = vector.broadcast %mul3A_162 : i32 to vector<16xi32>
        %mul3A_164 = arith.muli %sub3A, %mul3A_163 : vector<16xi32>
        %add3A_165 = arith.constant 73856093 : i32
        %add3A_166 = vector.broadcast %add3A_165 : i32 to vector<16xi32>
        %add3A_167 = arith.addi %mul3A_164, %add3A_166 : vector<16xi32>
        %mul3A_168 = arith.constant 19349663 : i32
        %mul3A_169 = vector.broadcast %mul3A_168 : i32 to vector<16xi32>
        %mul3A_170 = arith.muli %sub3A_133, %mul3A_169 : vector<16xi32>
        %add3A_171 = arith.constant 19349663 : i32
        %add3A_172 = vector.broadcast %add3A_171 : i32 to vector<16xi32>
        %add3A_173 = arith.addi %mul3A_170, %add3A_172 : vector<16xi32>
        %mul3A_174 = arith.constant 83492791 : i32
        %mul3A_175 = vector.broadcast %mul3A_174 : i32 to vector<16xi32>
        %mul3A_176 = arith.muli %sub3A_152, %mul3A_175 : vector<16xi32>
        %add3A_177 = arith.constant 83492791 : i32
        %add3A_178 = vector.broadcast %add3A_177 : i32 to vector<16xi32>
        %add3A_179 = arith.addi %mul3A_176, %add3A_178 : vector<16xi32>
        %xor3A = arith.xori %mul3A_164, %mul3A_170 : vector<16xi32>
        %xor3A_180 = arith.xori %xor3A, %mul3A_176 : vector<16xi32>
        %and3A = arith.constant 2097151 : i32
        %and3A_181 = vector.broadcast %and3A : i32 to vector<16xi32>
        %and3A_182 = arith.andi %xor3A_180, %and3A_181 : vector<16xi32>
        %mul3A_183 = arith.constant 5 : i32
        %mul3A_184 = vector.broadcast %mul3A_183 : i32 to vector<16xi32>
        %mul3A_185 = arith.muli %and3A_182, %mul3A_184 : vector<16xi32>
        %shift_right_logical3A = arith.constant 3 : i32
        %shift_right_logical3A_186 = vector.broadcast %shift_right_logical3A : i32 to vector<16xi32>
        %shift_right_logical3A_187 = arith.shrui %mul3A_185, %shift_right_logical3A_186 : vector<16xi32>
        %and3A_188 = arith.constant 7 : i32
        %and3A_189 = vector.broadcast %and3A_188 : i32 to vector<16xi32>
        %and3A_190 = arith.andi %mul3A_185, %and3A_189 : vector<16xi32>
        %add3A_191 = arith.constant 1 : i32
        %add3A_192 = vector.broadcast %add3A_191 : i32 to vector<16xi32>
        %add3A_193 = arith.addi %shift_right_logical3A_187, %add3A_192 : vector<16xi32>
        %min3A = arith.constant 1310719 : i32
        %min3A_194 = vector.broadcast %min3A : i32 to vector<16xi32>
        %min3A_195 = arith.minsi %add3A_193, %min3A_194 : vector<16xi32>
        %mul3A_196 = arith.constant 8 : i32
        %mul3A_197 = arith.muli %scan3A_93, %mul3A_196 : i32
        %add3A_198 = arith.constant 0 : i32
        %add3A_199 = arith.addi %mul3A_197, %add3A_198 : i32
        %mul3A_200 = arith.constant 32 : i32
        %mul3A_201 = arith.muli %add3A_199, %mul3A_200 : i32
        %mul3A_202 = arith.constant 2 : i32
        %mul3A_203 = vector.broadcast %mul3A_202 : i32 to vector<16xi32>
        %mul3A_204 = arith.muli %iota3A, %mul3A_203 : vector<16xi32>
        %add3A_205 = vector.broadcast %mul3A_201 : i32 to vector<16xi32>
        %add3A_206 = arith.addi %add3A_205, %mul3A_204 : vector<16xi32>
        tpu.vector_store_idx %arg12[%add3A_206], %shift_right_logical3A_187 : memref<4096xi32, #tpu.memory_space<vmem>>[vector<16xi32>], vector<16xi32>,
        %add3A_207 = arith.constant 1 : i32
        %add3A_208 = vector.broadcast %add3A_207 : i32 to vector<16xi32>
        %add3A_209 = arith.addi %add3A_206, %add3A_208 : vector<16xi32>
        tpu.vector_store_idx %arg12[%add3A_209], %min3A_195 : memref<4096xi32, #tpu.memory_space<vmem>>[vector<16xi32>], vector<16xi32>,
        %swap3A_210 = arith.constant 0 : i32
        %swap3A_211 = arith.index_cast %scan3A_93 : i32 to index
        %swap3A_212 = arith.index_cast %swap3A_210 : i32 to index
        %swap3A_213 = arith.constant 0 : index
        %swap3A_214 = tpu.vector_load %arg16[%swap3A_211, %swap3A_212, %swap3A_213] {strides = array<i32>} : memref<16x8x16xi32, #tpu.memory_space<vmem>>, vector<16xi32>,
        tpu.vector_store %arg16[%swap3A_211, %swap3A_212, %swap3A_213], %and3A_190 {strides = array<i32>} : memref<16x8x16xi32, #tpu.memory_space<vmem>>, vector<16xi32>,
        %xor3A_215 = arith.xori %xor3A, %add3A_179 : vector<16xi32>
        %and3A_216 = arith.constant 2097151 : i32
        %and3A_217 = vector.broadcast %and3A_216 : i32 to vector<16xi32>
        %and3A_218 = arith.andi %xor3A_215, %and3A_217 : vector<16xi32>
        %mul3A_219 = arith.constant 5 : i32
        %mul3A_220 = vector.broadcast %mul3A_219 : i32 to vector<16xi32>
        %mul3A_221 = arith.muli %and3A_218, %mul3A_220 : vector<16xi32>
        %shift_right_logical3A_222 = arith.constant 3 : i32
        %shift_right_logical3A_223 = vector.broadcast %shift_right_logical3A_222 : i32 to vector<16xi32>
        %shift_right_logical3A_224 = arith.shrui %mul3A_221, %shift_right_logical3A_223 : vector<16xi32>
        %and3A_225 = arith.constant 7 : i32
        %and3A_226 = vector.broadcast %and3A_225 : i32 to vector<16xi32>
        %and3A_227 = arith.andi %mul3A_221, %and3A_226 : vector<16xi32>
        %add3A_228 = arith.constant 1 : i32
        %add3A_229 = vector.broadcast %add3A_228 : i32 to vector<16xi32>
        %add3A_230 = arith.addi %shift_right_logical3A_224, %add3A_229 : vector<16xi32>
        %min3A_231 = arith.constant 1310719 : i32
        %min3A_232 = vector.broadcast %min3A_231 : i32 to vector<16xi32>
        %min3A_233 = arith.minsi %add3A_230, %min3A_232 : vector<16xi32>
        %mul3A_234 = arith.constant 8 : i32
        %mul3A_235 = arith.muli %scan3A_93, %mul3A_234 : i32
        %add3A_236 = arith.constant 1 : i32
        %add3A_237 = arith.addi %mul3A_235, %add3A_236 : i32
        %mul3A_238 = arith.constant 32 : i32
        %mul3A_239 = arith.muli %add3A_237, %mul3A_238 : i32
        %mul3A_240 = arith.constant 2 : i32
        %mul3A_241 = vector.broadcast %mul3A_240 : i32 to vector<16xi32>
        %mul3A_242 = arith.muli %iota3A, %mul3A_241 : vector<16xi32>
        %add3A_243 = vector.broadcast %mul3A_239 : i32 to vector<16xi32>
        %add3A_244 = arith.addi %add3A_243, %mul3A_242 : vector<16xi32>
        tpu.vector_store_idx %arg12[%add3A_244], %shift_right_logical3A_224 : memref<4096xi32, #tpu.memory_space<vmem>>[vector<16xi32>], vector<16xi32>,
        %add3A_245 = arith.constant 1 : i32
        %add3A_246 = vector.broadcast %add3A_245 : i32 to vector<16xi32>
        %add3A_247 = arith.addi %add3A_244, %add3A_246 : vector<16xi32>
        tpu.vector_store_idx %arg12[%add3A_247], %min3A_233 : memref<4096xi32, #tpu.memory_space<vmem>>[vector<16xi32>], vector<16xi32>,
        %swap3A_248 = arith.constant 1 : i32
        %swap3A_249 = arith.index_cast %scan3A_93 : i32 to index
        %swap3A_250 = arith.index_cast %swap3A_248 : i32 to index
        %swap3A_251 = arith.constant 0 : index
        %swap3A_252 = tpu.vector_load %arg16[%swap3A_249, %swap3A_250, %swap3A_251] {strides = array<i32>} : memref<16x8x16xi32, #tpu.memory_space<vmem>>, vector<16xi32>,
        tpu.vector_store %arg16[%swap3A_249, %swap3A_250, %swap3A_251], %and3A_227 {strides = array<i32>} : memref<16x8x16xi32, #tpu.memory_space<vmem>>, vector<16xi32>,
        %xor3A_253 = arith.xori %mul3A_164, %add3A_173 : vector<16xi32>
        %xor3A_254 = arith.xori %xor3A_253, %mul3A_176 : vector<16xi32>
        %and3A_255 = arith.constant 2097151 : i32
        %and3A_256 = vector.broadcast %and3A_255 : i32 to vector<16xi32>
        %and3A_257 = arith.andi %xor3A_254, %and3A_256 : vector<16xi32>
        %mul3A_258 = arith.constant 5 : i32
        %mul3A_259 = vector.broadcast %mul3A_258 : i32 to vector<16xi32>
        %mul3A_260 = arith.muli %and3A_257, %mul3A_259 : vector<16xi32>
        %shift_right_logical3A_261 = arith.constant 3 : i32
        %shift_right_logical3A_262 = vector.broadcast %shift_right_logical3A_261 : i32 to vector<16xi32>
        %shift_right_logical3A_263 = arith.shrui %mul3A_260, %shift_right_logical3A_262 : vector<16xi32>
        %and3A_264 = arith.constant 7 : i32
        %and3A_265 = vector.broadcast %and3A_264 : i32 to vector<16xi32>
        %and3A_266 = arith.andi %mul3A_260, %and3A_265 : vector<16xi32>
        %add3A_267 = arith.constant 1 : i32
        %add3A_268 = vector.broadcast %add3A_267 : i32 to vector<16xi32>
        %add3A_269 = arith.addi %shift_right_logical3A_263, %add3A_268 : vector<16xi32>
        %min3A_270 = arith.constant 1310719 : i32
        %min3A_271 = vector.broadcast %min3A_270 : i32 to vector<16xi32>
        %min3A_272 = arith.minsi %add3A_269, %min3A_271 : vector<16xi32>
        %mul3A_273 = arith.constant 8 : i32
        %mul3A_274 = arith.muli %scan3A_93, %mul3A_273 : i32
        %add3A_275 = arith.constant 2 : i32
        %add3A_276 = arith.addi %mul3A_274, %add3A_275 : i32
        %mul3A_277 = arith.constant 32 : i32
        %mul3A_278 = arith.muli %add3A_276, %mul3A_277 : i32
        %mul3A_279 = arith.constant 2 : i32
        %mul3A_280 = vector.broadcast %mul3A_279 : i32 to vector<16xi32>
        %mul3A_281 = arith.muli %iota3A, %mul3A_280 : vector<16xi32>
        %add3A_282 = vector.broadcast %mul3A_278 : i32 to vector<16xi32>
        %add3A_283 = arith.addi %add3A_282, %mul3A_281 : vector<16xi32>
        tpu.vector_store_idx %arg12[%add3A_283], %shift_right_logical3A_263 : memref<4096xi32, #tpu.memory_space<vmem>>[vector<16xi32>], vector<16xi32>,
        %add3A_284 = arith.constant 1 : i32
        %add3A_285 = vector.broadcast %add3A_284 : i32 to vector<16xi32>
        %add3A_286 = arith.addi %add3A_283, %add3A_285 : vector<16xi32>
        tpu.vector_store_idx %arg12[%add3A_286], %min3A_272 : memref<4096xi32, #tpu.memory_space<vmem>>[vector<16xi32>], vector<16xi32>,
        %swap3A_287 = arith.constant 2 : i32
        %swap3A_288 = arith.index_cast %scan3A_93 : i32 to index
        %swap3A_289 = arith.index_cast %swap3A_287 : i32 to index
        %swap3A_290 = arith.constant 0 : index
        %swap3A_291 = tpu.vector_load %arg16[%swap3A_288, %swap3A_289, %swap3A_290] {strides = array<i32>} : memref<16x8x16xi32, #tpu.memory_space<vmem>>, vector<16xi32>,
        tpu.vector_store %arg16[%swap3A_288, %swap3A_289, %swap3A_290], %and3A_266 {strides = array<i32>} : memref<16x8x16xi32, #tpu.memory_space<vmem>>, vector<16xi32>,
        %xor3A_292 = arith.xori %xor3A_253, %add3A_179 : vector<16xi32>
        %and3A_293 = arith.constant 2097151 : i32
        %and3A_294 = vector.broadcast %and3A_293 : i32 to vector<16xi32>
        %and3A_295 = arith.andi %xor3A_292, %and3A_294 : vector<16xi32>
        %mul3A_296 = arith.constant 5 : i32
        %mul3A_297 = vector.broadcast %mul3A_296 : i32 to vector<16xi32>
        %mul3A_298 = arith.muli %and3A_295, %mul3A_297 : vector<16xi32>
        %shift_right_logical3A_299 = arith.constant 3 : i32
        %shift_right_logical3A_300 = vector.broadcast %shift_right_logical3A_299 : i32 to vector<16xi32>
        %shift_right_logical3A_301 = arith.shrui %mul3A_298, %shift_right_logical3A_300 : vector<16xi32>
        %and3A_302 = arith.constant 7 : i32
        %and3A_303 = vector.broadcast %and3A_302 : i32 to vector<16xi32>
        %and3A_304 = arith.andi %mul3A_298, %and3A_303 : vector<16xi32>
        %add3A_305 = arith.constant 1 : i32
        %add3A_306 = vector.broadcast %add3A_305 : i32 to vector<16xi32>
        %add3A_307 = arith.addi %shift_right_logical3A_301, %add3A_306 : vector<16xi32>
        %min3A_308 = arith.constant 1310719 : i32
        %min3A_309 = vector.broadcast %min3A_308 : i32 to vector<16xi32>
        %min3A_310 = arith.minsi %add3A_307, %min3A_309 : vector<16xi32>
        %mul3A_311 = arith.constant 8 : i32
        %mul3A_312 = arith.muli %scan3A_93, %mul3A_311 : i32
        %add3A_313 = arith.constant 3 : i32
        %add3A_314 = arith.addi %mul3A_312, %add3A_313 : i32
        %mul3A_315 = arith.constant 32 : i32
        %mul3A_316 = arith.muli %add3A_314, %mul3A_315 : i32
        %mul3A_317 = arith.constant 2 : i32
        %mul3A_318 = vector.broadcast %mul3A_317 : i32 to vector<16xi32>
        %mul3A_319 = arith.muli %iota3A, %mul3A_318 : vector<16xi32>
        %add3A_320 = vector.broadcast %mul3A_316 : i32 to vector<16xi32>
        %add3A_321 = arith.addi %add3A_320, %mul3A_319 : vector<16xi32>
        tpu.vector_store_idx %arg12[%add3A_321], %shift_right_logical3A_301 : memref<4096xi32, #tpu.memory_space<vmem>>[vector<16xi32>], vector<16xi32>,
        %add3A_322 = arith.constant 1 : i32
        %add3A_323 = vector.broadcast %add3A_322 : i32 to vector<16xi32>
        %add3A_324 = arith.addi %add3A_321, %add3A_323 : vector<16xi32>
        tpu.vector_store_idx %arg12[%add3A_324], %min3A_310 : memref<4096xi32, #tpu.memory_space<vmem>>[vector<16xi32>], vector<16xi32>,
        %swap3A_325 = arith.constant 3 : i32
        %swap3A_326 = arith.index_cast %scan3A_93 : i32 to index
        %swap3A_327 = arith.index_cast %swap3A_325 : i32 to index
        %swap3A_328 = arith.constant 0 : index
        %swap3A_329 = tpu.vector_load %arg16[%swap3A_326, %swap3A_327, %swap3A_328] {strides = array<i32>} : memref<16x8x16xi32, #tpu.memory_space<vmem>>, vector<16xi32>,
        tpu.vector_store %arg16[%swap3A_326, %swap3A_327, %swap3A_328], %and3A_304 {strides = array<i32>} : memref<16x8x16xi32, #tpu.memory_space<vmem>>, vector<16xi32>,
        %xor3A_330 = arith.xori %add3A_167, %mul3A_170 : vector<16xi32>
        %xor3A_331 = arith.xori %xor3A_330, %mul3A_176 : vector<16xi32>
        %and3A_332 = arith.constant 2097151 : i32
        %and3A_333 = vector.broadcast %and3A_332 : i32 to vector<16xi32>
        %and3A_334 = arith.andi %xor3A_331, %and3A_333 : vector<16xi32>
        %mul3A_335 = arith.constant 5 : i32
        %mul3A_336 = vector.broadcast %mul3A_335 : i32 to vector<16xi32>
        %mul3A_337 = arith.muli %and3A_334, %mul3A_336 : vector<16xi32>
        %shift_right_logical3A_338 = arith.constant 3 : i32
        %shift_right_logical3A_339 = vector.broadcast %shift_right_logical3A_338 : i32 to vector<16xi32>
        %shift_right_logical3A_340 = arith.shrui %mul3A_337, %shift_right_logical3A_339 : vector<16xi32>
        %and3A_341 = arith.constant 7 : i32
        %and3A_342 = vector.broadcast %and3A_341 : i32 to vector<16xi32>
        %and3A_343 = arith.andi %mul3A_337, %and3A_342 : vector<16xi32>
        %add3A_344 = arith.constant 1 : i32
        %add3A_345 = vector.broadcast %add3A_344 : i32 to vector<16xi32>
        %add3A_346 = arith.addi %shift_right_logical3A_340, %add3A_345 : vector<16xi32>
        %min3A_347 = arith.constant 1310719 : i32
        %min3A_348 = vector.broadcast %min3A_347 : i32 to vector<16xi32>
        %min3A_349 = arith.minsi %add3A_346, %min3A_348 : vector<16xi32>
        %mul3A_350 = arith.constant 8 : i32
        %mul3A_351 = arith.muli %scan3A_93, %mul3A_350 : i32
        %add3A_352 = arith.constant 4 : i32
        %add3A_353 = arith.addi %mul3A_351, %add3A_352 : i32
        %mul3A_354 = arith.constant 32 : i32
        %mul3A_355 = arith.muli %add3A_353, %mul3A_354 : i32
        %mul3A_356 = arith.constant 2 : i32
        %mul3A_357 = vector.broadcast %mul3A_356 : i32 to vector<16xi32>
        %mul3A_358 = arith.muli %iota3A, %mul3A_357 : vector<16xi32>
        %add3A_359 = vector.broadcast %mul3A_355 : i32 to vector<16xi32>
        %add3A_360 = arith.addi %add3A_359, %mul3A_358 : vector<16xi32>
        tpu.vector_store_idx %arg12[%add3A_360], %shift_right_logical3A_340 : memref<4096xi32, #tpu.memory_space<vmem>>[vector<16xi32>], vector<16xi32>,
        %add3A_361 = arith.constant 1 : i32
        %add3A_362 = vector.broadcast %add3A_361 : i32 to vector<16xi32>
        %add3A_363 = arith.addi %add3A_360, %add3A_362 : vector<16xi32>
        tpu.vector_store_idx %arg12[%add3A_363], %min3A_349 : memref<4096xi32, #tpu.memory_space<vmem>>[vector<16xi32>], vector<16xi32>,
        %swap3A_364 = arith.constant 4 : i32
        %swap3A_365 = arith.index_cast %scan3A_93 : i32 to index
        %swap3A_366 = arith.index_cast %swap3A_364 : i32 to index
        %swap3A_367 = arith.constant 0 : index
        %swap3A_368 = tpu.vector_load %arg16[%swap3A_365, %swap3A_366, %swap3A_367] {strides = array<i32>} : memref<16x8x16xi32, #tpu.memory_space<vmem>>, vector<16xi32>,
        tpu.vector_store %arg16[%swap3A_365, %swap3A_366, %swap3A_367], %and3A_343 {strides = array<i32>} : memref<16x8x16xi32, #tpu.memory_space<vmem>>, vector<16xi32>,
        %xor3A_369 = arith.xori %xor3A_330, %add3A_179 : vector<16xi32>
        %and3A_370 = arith.constant 2097151 : i32
        %and3A_371 = vector.broadcast %and3A_370 : i32 to vector<16xi32>
        %and3A_372 = arith.andi %xor3A_369, %and3A_371 : vector<16xi32>
        %mul3A_373 = arith.constant 5 : i32
        %mul3A_374 = vector.broadcast %mul3A_373 : i32 to vector<16xi32>
        %mul3A_375 = arith.muli %and3A_372, %mul3A_374 : vector<16xi32>
        %shift_right_logical3A_376 = arith.constant 3 : i32
        %shift_right_logical3A_377 = vector.broadcast %shift_right_logical3A_376 : i32 to vector<16xi32>
        %shift_right_logical3A_378 = arith.shrui %mul3A_375, %shift_right_logical3A_377 : vector<16xi32>
        %and3A_379 = arith.constant 7 : i32
        %and3A_380 = vector.broadcast %and3A_379 : i32 to vector<16xi32>
        %and3A_381 = arith.andi %mul3A_375, %and3A_380 : vector<16xi32>
        %add3A_382 = arith.constant 1 : i32
        %add3A_383 = vector.broadcast %add3A_382 : i32 to vector<16xi32>
        %add3A_384 = arith.addi %shift_right_logical3A_378, %add3A_383 : vector<16xi32>
        %min3A_385 = arith.constant 1310719 : i32
        %min3A_386 = vector.broadcast %min3A_385 : i32 to vector<16xi32>
        %min3A_387 = arith.minsi %add3A_384, %min3A_386 : vector<16xi32>
        %mul3A_388 = arith.constant 8 : i32
        %mul3A_389 = arith.muli %scan3A_93, %mul3A_388 : i32
        %add3A_390 = arith.constant 5 : i32
        %add3A_391 = arith.addi %mul3A_389, %add3A_390 : i32
        %mul3A_392 = arith.constant 32 : i32
        %mul3A_393 = arith.muli %add3A_391, %mul3A_392 : i32
        %mul3A_394 = arith.constant 2 : i32
        %mul3A_395 = vector.broadcast %mul3A_394 : i32 to vector<16xi32>
        %mul3A_396 = arith.muli %iota3A, %mul3A_395 : vector<16xi32>
        %add3A_397 = vector.broadcast %mul3A_393 : i32 to vector<16xi32>
        %add3A_398 = arith.addi %add3A_397, %mul3A_396 : vector<16xi32>
        tpu.vector_store_idx %arg12[%add3A_398], %shift_right_logical3A_378 : memref<4096xi32, #tpu.memory_space<vmem>>[vector<16xi32>], vector<16xi32>,
        %add3A_399 = arith.constant 1 : i32
        %add3A_400 = vector.broadcast %add3A_399 : i32 to vector<16xi32>
        %add3A_401 = arith.addi %add3A_398, %add3A_400 : vector<16xi32>
        tpu.vector_store_idx %arg12[%add3A_401], %min3A_387 : memref<4096xi32, #tpu.memory_space<vmem>>[vector<16xi32>], vector<16xi32>,
        %swap3A_402 = arith.constant 5 : i32
        %swap3A_403 = arith.index_cast %scan3A_93 : i32 to index
        %swap3A_404 = arith.index_cast %swap3A_402 : i32 to index
        %swap3A_405 = arith.constant 0 : index
        %swap3A_406 = tpu.vector_load %arg16[%swap3A_403, %swap3A_404, %swap3A_405] {strides = array<i32>} : memref<16x8x16xi32, #tpu.memory_space<vmem>>, vector<16xi32>,
        tpu.vector_store %arg16[%swap3A_403, %swap3A_404, %swap3A_405], %and3A_381 {strides = array<i32>} : memref<16x8x16xi32, #tpu.memory_space<vmem>>, vector<16xi32>,
        %xor3A_407 = arith.xori %add3A_167, %add3A_173 : vector<16xi32>
        %xor3A_408 = arith.xori %xor3A_407, %mul3A_176 : vector<16xi32>
        %and3A_409 = arith.constant 2097151 : i32
        %and3A_410 = vector.broadcast %and3A_409 : i32 to vector<16xi32>
        %and3A_411 = arith.andi %xor3A_408, %and3A_410 : vector<16xi32>
        %mul3A_412 = arith.constant 5 : i32
        %mul3A_413 = vector.broadcast %mul3A_412 : i32 to vector<16xi32>
        %mul3A_414 = arith.muli %and3A_411, %mul3A_413 : vector<16xi32>
        %shift_right_logical3A_415 = arith.constant 3 : i32
        %shift_right_logical3A_416 = vector.broadcast %shift_right_logical3A_415 : i32 to vector<16xi32>
        %shift_right_logical3A_417 = arith.shrui %mul3A_414, %shift_right_logical3A_416 : vector<16xi32>
        %and3A_418 = arith.constant 7 : i32
        %and3A_419 = vector.broadcast %and3A_418 : i32 to vector<16xi32>
        %and3A_420 = arith.andi %mul3A_414, %and3A_419 : vector<16xi32>
        %add3A_421 = arith.constant 1 : i32
        %add3A_422 = vector.broadcast %add3A_421 : i32 to vector<16xi32>
        %add3A_423 = arith.addi %shift_right_logical3A_417, %add3A_422 : vector<16xi32>
        %min3A_424 = arith.constant 1310719 : i32
        %min3A_425 = vector.broadcast %min3A_424 : i32 to vector<16xi32>
        %min3A_426 = arith.minsi %add3A_423, %min3A_425 : vector<16xi32>
        %mul3A_427 = arith.constant 8 : i32
        %mul3A_428 = arith.muli %scan3A_93, %mul3A_427 : i32
        %add3A_429 = arith.constant 6 : i32
        %add3A_430 = arith.addi %mul3A_428, %add3A_429 : i32
        %mul3A_431 = arith.constant 32 : i32
        %mul3A_432 = arith.muli %add3A_430, %mul3A_431 : i32
        %mul3A_433 = arith.constant 2 : i32
        %mul3A_434 = vector.broadcast %mul3A_433 : i32 to vector<16xi32>
        %mul3A_435 = arith.muli %iota3A, %mul3A_434 : vector<16xi32>
        %add3A_436 = vector.broadcast %mul3A_432 : i32 to vector<16xi32>
        %add3A_437 = arith.addi %add3A_436, %mul3A_435 : vector<16xi32>
        tpu.vector_store_idx %arg12[%add3A_437], %shift_right_logical3A_417 : memref<4096xi32, #tpu.memory_space<vmem>>[vector<16xi32>], vector<16xi32>,
        %add3A_438 = arith.constant 1 : i32
        %add3A_439 = vector.broadcast %add3A_438 : i32 to vector<16xi32>
        %add3A_440 = arith.addi %add3A_437, %add3A_439 : vector<16xi32>
        tpu.vector_store_idx %arg12[%add3A_440], %min3A_426 : memref<4096xi32, #tpu.memory_space<vmem>>[vector<16xi32>], vector<16xi32>,
        %swap3A_441 = arith.constant 6 : i32
        %swap3A_442 = arith.index_cast %scan3A_93 : i32 to index
        %swap3A_443 = arith.index_cast %swap3A_441 : i32 to index
        %swap3A_444 = arith.constant 0 : index
        %swap3A_445 = tpu.vector_load %arg16[%swap3A_442, %swap3A_443, %swap3A_444] {strides = array<i32>} : memref<16x8x16xi32, #tpu.memory_space<vmem>>, vector<16xi32>,
        tpu.vector_store %arg16[%swap3A_442, %swap3A_443, %swap3A_444], %and3A_420 {strides = array<i32>} : memref<16x8x16xi32, #tpu.memory_space<vmem>>, vector<16xi32>,
        %xor3A_446 = arith.xori %xor3A_407, %add3A_179 : vector<16xi32>
        %and3A_447 = arith.constant 2097151 : i32
        %and3A_448 = vector.broadcast %and3A_447 : i32 to vector<16xi32>
        %and3A_449 = arith.andi %xor3A_446, %and3A_448 : vector<16xi32>
        %mul3A_450 = arith.constant 5 : i32
        %mul3A_451 = vector.broadcast %mul3A_450 : i32 to vector<16xi32>
        %mul3A_452 = arith.muli %and3A_449, %mul3A_451 : vector<16xi32>
        %shift_right_logical3A_453 = arith.constant 3 : i32
        %shift_right_logical3A_454 = vector.broadcast %shift_right_logical3A_453 : i32 to vector<16xi32>
        %shift_right_logical3A_455 = arith.shrui %mul3A_452, %shift_right_logical3A_454 : vector<16xi32>
        %and3A_456 = arith.constant 7 : i32
        %and3A_457 = vector.broadcast %and3A_456 : i32 to vector<16xi32>
        %and3A_458 = arith.andi %mul3A_452, %and3A_457 : vector<16xi32>
        %add3A_459 = arith.constant 1 : i32
        %add3A_460 = vector.broadcast %add3A_459 : i32 to vector<16xi32>
        %add3A_461 = arith.addi %shift_right_logical3A_455, %add3A_460 : vector<16xi32>
        %min3A_462 = arith.constant 1310719 : i32
        %min3A_463 = vector.broadcast %min3A_462 : i32 to vector<16xi32>
        %min3A_464 = arith.minsi %add3A_461, %min3A_463 : vector<16xi32>
        %mul3A_465 = arith.constant 8 : i32
        %mul3A_466 = arith.muli %scan3A_93, %mul3A_465 : i32
        %add3A_467 = arith.constant 7 : i32
        %add3A_468 = arith.addi %mul3A_466, %add3A_467 : i32
        %mul3A_469 = arith.constant 32 : i32
        %mul3A_470 = arith.muli %add3A_468, %mul3A_469 : i32
        %mul3A_471 = arith.constant 2 : i32
        %mul3A_472 = vector.broadcast %mul3A_471 : i32 to vector<16xi32>
        %mul3A_473 = arith.muli %iota3A, %mul3A_472 : vector<16xi32>
        %add3A_474 = vector.broadcast %mul3A_470 : i32 to vector<16xi32>
        %add3A_475 = arith.addi %add3A_474, %mul3A_473 : vector<16xi32>
        tpu.vector_store_idx %arg12[%add3A_475], %shift_right_logical3A_455 : memref<4096xi32, #tpu.memory_space<vmem>>[vector<16xi32>], vector<16xi32>,
        %add3A_476 = arith.constant 1 : i32
        %add3A_477 = vector.broadcast %add3A_476 : i32 to vector<16xi32>
        %add3A_478 = arith.addi %add3A_475, %add3A_477 : vector<16xi32>
        tpu.vector_store_idx %arg12[%add3A_478], %min3A_464 : memref<4096xi32, #tpu.memory_space<vmem>>[vector<16xi32>], vector<16xi32>,
        %swap3A_479 = arith.constant 7 : i32
        %swap3A_480 = arith.index_cast %scan3A_93 : i32 to index
        %swap3A_481 = arith.index_cast %swap3A_479 : i32 to index
        %swap3A_482 = arith.constant 0 : index
        %swap3A_483 = tpu.vector_load %arg16[%swap3A_480, %swap3A_481, %swap3A_482] {strides = array<i32>} : memref<16x8x16xi32, #tpu.memory_space<vmem>>, vector<16xi32>,
        tpu.vector_store %arg16[%swap3A_480, %swap3A_481, %swap3A_482], %and3A_458 {strides = array<i32>} : memref<16x8x16xi32, #tpu.memory_space<vmem>>, vector<16xi32>,
        %scan3A_484 = arith.constant 0 : i32
        scf.yield %scan3A_484 : i32
      }
      %scan3A_69 = arith.constant 16 : i32
      %dma_start3A = arith.constant 0 : i32
      %dma_start3A_70 = arith.constant 0 : i32
      %dma_start3A_71 = tpu.memref_slice %arg4[%dma_start3A, %dma_start3A_70] : memref<1310720x8xf32, #tpu.memory_space<hbm>> -> memref<1310720x8xf32, #tpu.memory_space<hbm>>
      tpu.enqueue_indirect_dma source(%dma_start3A_71 : memref<1310720x8xf32, #tpu.memory_space<hbm>>) target(%arg18 : memref<4096x8xf32, #tpu.memory_space<vmem>>) offsets(%arg12 : memref<4096xi32, #tpu.memory_space<vmem>>) semaphore(%arg25 : memref<!tpu.dma_semaphore, #tpu.memory_space<semaphore_mem>>)
      %scan3A_72 = arith.constant 0 : i32
      %scan3A_73 = arith.constant 4 : i32
      %scan3A_74 = arith.addi %scan3A_72, %scan3A_73 : i32
      %scan3A_75 = arith.constant 1 : i32
      %scan3A_76:9 = scf.for %scan3A_93 = %scan3A_72 to %scan3A_74 step %scan3A_75 iter_args(%scan3A_94 = %broadcast_in_dim3A_3, %scan3A_95 = %broadcast_in_dim3A_3, %scan3A_96 = %broadcast_in_dim3A_3, %scan3A_97 = %broadcast_in_dim3A_3, %scan3A_98 = %broadcast_in_dim3A_3, %scan3A_99 = %broadcast_in_dim3A_3, %scan3A_100 = %broadcast_in_dim3A_3, %scan3A_101 = %broadcast_in_dim3A_3, %scan3A_102 = %broadcast_in_dim3A_3) -> (vector<16xf32>, vector<16xf32>, vector<16xf32>, vector<16xf32>, vector<16xf32>, vector<16xf32>, vector<16xf32>, vector<16xf32>, vector<16xf32>)  : i32 {
        %mul3A_103 = arith.constant 2 : i32
        %mul3A_104 = arith.muli %mul3A_103, %scan3A_93 : i32
        %add3A_105 = arith.constant 1 : i32
        %add3A_106 = arith.addi %mul3A_104, %add3A_105 : i32
        %mul3A_107 = arith.constant 16 : i32
        %mul3A_108 = arith.muli %add3A_106, %mul3A_107 : i32
        %scan3A_109 = arith.constant 0 : i32
        %scan3A_110 = arith.constant 0 : i32
        %scan3A_111 = arith.constant 16 : i32
        %scan3A_112 = arith.addi %scan3A_110, %scan3A_111 : i32
        %scan3A_113 = arith.constant 1 : i32
        %scan3A_114 = scf.for %scan3A_142 = %scan3A_110 to %scan3A_112 step %scan3A_113 iter_args(%scan3A_143 = %scan3A_109) -> (i32)  : i32 {
          %add3A_144 = arith.addi %mul3A_108, %scan3A_142 : i32
          %convert_element_type3A_145 = arith.sitofp %add3A_144 : i32 to f32
          %mul3A_146 = arith.constant 0.00999999977 : f32
          %mul3A_147 = arith.mulf %convert_element_type3A_145, %mul3A_146 : f32
          %add3A_148 = vector.broadcast %mul3A_147 : f32 to vector<16xf32>
          %add3A_149 = arith.addf %gather3A_47, %add3A_148 : vector<16xf32>
          %add3A_150 = arith.constant 0.00999999977 : f32
          %add3A_151 = vector.broadcast %add3A_150 : f32 to vector<16xf32>
          %add3A_152 = arith.addf %add3A_149, %add3A_151 : vector<16xf32>
          %add3A_153 = arith.addf %add3A_149, %add3A_152 : vector<16xf32>
          %mul3A_154 = arith.constant 5.000000e-01 : f32
          %mul3A_155 = vector.broadcast %mul3A_154 : f32 to vector<16xf32>
          %mul3A_156 = arith.mulf %mul3A_155, %add3A_153 : vector<16xf32>
          %mul3A_157 = arith.mulf %mul3A_156, %gather3A_32 : vector<16xf32>
          %add3A_158 = arith.addf %gather3A, %mul3A_157 : vector<16xf32>
          %div3A_159 = arith.constant 0.00999999977 : f32
          %div3A_160 = vector.broadcast %div3A_159 : f32 to vector<16xf32>
          %div3A_161 = arith.divf %add3A_158, %div3A_160 : vector<16xf32>
          %convert_element_type3A_162 = arith.fptosi %div3A_161 : vector<16xf32> to vector<16xi32>
          %convert_element_type3A_163 = arith.sitofp %convert_element_type3A_162 : vector<16xi32> to vector<16xf32>
          %lt3A_164 = arith.cmpf olt, %div3A_161, %convert_element_type3A_163 : vector<16xf32>
          %convert_element_type3A_165 = arith.extui %lt3A_164 : vector<16xi1> to vector<16xi32>
          %sub3A = arith.subi %convert_element_type3A_162, %convert_element_type3A_165 : vector<16xi32>
          %convert_element_type3A_166 = arith.extui %lt3A_164 : vector<16xi1> to vector<16xi32>
          %convert_element_type3A_167 = arith.sitofp %convert_element_type3A_166 : vector<16xi32> to vector<16xf32>
          %sub3A_168 = arith.subf %convert_element_type3A_163, %convert_element_type3A_167 : vector<16xf32>
          %sub3A_169 = arith.subf %div3A_161, %sub3A_168 : vector<16xf32>
          %swap3A = arith.constant 0 : i32
          %swap3A_170 = arith.index_cast %scan3A_142 : i32 to index
          %swap3A_171 = arith.index_cast %swap3A : i32 to index
          %swap3A_172 = arith.constant 0 : index
          %swap3A_173 = tpu.vector_load %arg15[%swap3A_170, %swap3A_171, %swap3A_172] {strides = array<i32>} : memref<16x3x16xf32, #tpu.memory_space<vmem>>, vector<16xf32>,
          tpu.vector_store %arg15[%swap3A_170, %swap3A_171, %swap3A_172], %sub3A_169 {strides = array<i32>} : memref<16x3x16xf32, #tpu.memory_space<vmem>>, vector<16xf32>,
          %mul3A_174 = arith.mulf %mul3A_156, %gather3A_37 : vector<16xf32>
          %add3A_175 = arith.addf %gather3A_22, %mul3A_174 : vector<16xf32>
          %div3A_176 = arith.constant 0.00999999977 : f32
          %div3A_177 = vector.broadcast %div3A_176 : f32 to vector<16xf32>
          %div3A_178 = arith.divf %add3A_175, %div3A_177 : vector<16xf32>
          %convert_element_type3A_179 = arith.fptosi %div3A_178 : vector<16xf32> to vector<16xi32>
          %convert_element_type3A_180 = arith.sitofp %convert_element_type3A_179 : vector<16xi32> to vector<16xf32>
          %lt3A_181 = arith.cmpf olt, %div3A_178, %convert_element_type3A_180 : vector<16xf32>
          %convert_element_type3A_182 = arith.extui %lt3A_181 : vector<16xi1> to vector<16xi32>
          %sub3A_183 = arith.subi %convert_element_type3A_179, %convert_element_type3A_182 : vector<16xi32>
          %convert_element_type3A_184 = arith.extui %lt3A_181 : vector<16xi1> to vector<16xi32>
          %convert_element_type3A_185 = arith.sitofp %convert_element_type3A_184 : vector<16xi32> to vector<16xf32>
          %sub3A_186 = arith.subf %convert_element_type3A_180, %convert_element_type3A_185 : vector<16xf32>
          %sub3A_187 = arith.subf %div3A_178, %sub3A_186 : vector<16xf32>
          %swap3A_188 = arith.constant 1 : i32
          %swap3A_189 = arith.index_cast %scan3A_142 : i32 to index
          %swap3A_190 = arith.index_cast %swap3A_188 : i32 to index
          %swap3A_191 = arith.constant 0 : index
          %swap3A_192 = tpu.vector_load %arg15[%swap3A_189, %swap3A_190, %swap3A_191] {strides = array<i32>} : memref<16x3x16xf32, #tpu.memory_space<vmem>>, vector<16xf32>,
          tpu.vector_store %arg15[%swap3A_189, %swap3A_190, %swap3A_191], %sub3A_187 {strides = array<i32>} : memref<16x3x16xf32, #tpu.memory_space<vmem>>, vector<16xf32>,
          %mul3A_193 = arith.mulf %mul3A_156, %gather3A_42 : vector<16xf32>
          %add3A_194 = arith.addf %gather3A_27, %mul3A_193 : vector<16xf32>
          %div3A_195 = arith.constant 0.00999999977 : f32
          %div3A_196 = vector.broadcast %div3A_195 : f32 to vector<16xf32>
          %div3A_197 = arith.divf %add3A_194, %div3A_196 : vector<16xf32>
          %convert_element_type3A_198 = arith.fptosi %div3A_197 : vector<16xf32> to vector<16xi32>
          %convert_element_type3A_199 = arith.sitofp %convert_element_type3A_198 : vector<16xi32> to vector<16xf32>
          %lt3A_200 = arith.cmpf olt, %div3A_197, %convert_element_type3A_199 : vector<16xf32>
          %convert_element_type3A_201 = arith.extui %lt3A_200 : vector<16xi1> to vector<16xi32>
          %sub3A_202 = arith.subi %convert_element_type3A_198, %convert_element_type3A_201 : vector<16xi32>
          %convert_element_type3A_203 = arith.extui %lt3A_200 : vector<16xi1> to vector<16xi32>
          %convert_element_type3A_204 = arith.sitofp %convert_element_type3A_203 : vector<16xi32> to vector<16xf32>
          %sub3A_205 = arith.subf %convert_element_type3A_199, %convert_element_type3A_204 : vector<16xf32>
          %sub3A_206 = arith.subf %div3A_197, %sub3A_205 : vector<16xf32>
          %swap3A_207 = arith.constant 2 : i32
          %swap3A_208 = arith.index_cast %scan3A_142 : i32 to index
          %swap3A_209 = arith.index_cast %swap3A_207 : i32 to index
          %swap3A_210 = arith.constant 0 : index
          %swap3A_211 = tpu.vector_load %arg15[%swap3A_208, %swap3A_209, %swap3A_210] {strides = array<i32>} : memref<16x3x16xf32, #tpu.memory_space<vmem>>, vector<16xf32>,
          tpu.vector_store %arg15[%swap3A_208, %swap3A_209, %swap3A_210], %sub3A_206 {strides = array<i32>} : memref<16x3x16xf32, #tpu.memory_space<vmem>>, vector<16xf32>,
          %mul3A_212 = arith.constant 73856093 : i32
          %mul3A_213 = vector.broadcast %mul3A_212 : i32 to vector<16xi32>
          %mul3A_214 = arith.muli %sub3A, %mul3A_213 : vector<16xi32>
          %add3A_215 = arith.constant 73856093 : i32
          %add3A_216 = vector.broadcast %add3A_215 : i32 to vector<16xi32>
          %add3A_217 = arith.addi %mul3A_214, %add3A_216 : vector<16xi32>
          %mul3A_218 = arith.constant 19349663 : i32
          %mul3A_219 = vector.broadcast %mul3A_218 : i32 to vector<16xi32>
          %mul3A_220 = arith.muli %sub3A_183, %mul3A_219 : vector<16xi32>
          %add3A_221 = arith.constant 19349663 : i32
          %add3A_222 = vector.broadcast %add3A_221 : i32 to vector<16xi32>
          %add3A_223 = arith.addi %mul3A_220, %add3A_222 : vector<16xi32>
          %mul3A_224 = arith.constant 83492791 : i32
          %mul3A_225 = vector.broadcast %mul3A_224 : i32 to vector<16xi32>
          %mul3A_226 = arith.muli %sub3A_202, %mul3A_225 : vector<16xi32>
          %add3A_227 = arith.constant 83492791 : i32
          %add3A_228 = vector.broadcast %add3A_227 : i32 to vector<16xi32>
          %add3A_229 = arith.addi %mul3A_226, %add3A_228 : vector<16xi32>
          %xor3A = arith.xori %mul3A_214, %mul3A_220 : vector<16xi32>
          %xor3A_230 = arith.xori %xor3A, %mul3A_226 : vector<16xi32>
          %and3A = arith.constant 2097151 : i32
          %and3A_231 = vector.broadcast %and3A : i32 to vector<16xi32>
          %and3A_232 = arith.andi %xor3A_230, %and3A_231 : vector<16xi32>
          %mul3A_233 = arith.constant 5 : i32
          %mul3A_234 = vector.broadcast %mul3A_233 : i32 to vector<16xi32>
          %mul3A_235 = arith.muli %and3A_232, %mul3A_234 : vector<16xi32>
          %shift_right_logical3A = arith.constant 3 : i32
          %shift_right_logical3A_236 = vector.broadcast %shift_right_logical3A : i32 to vector<16xi32>
          %shift_right_logical3A_237 = arith.shrui %mul3A_235, %shift_right_logical3A_236 : vector<16xi32>
          %and3A_238 = arith.constant 7 : i32
          %and3A_239 = vector.broadcast %and3A_238 : i32 to vector<16xi32>
          %and3A_240 = arith.andi %mul3A_235, %and3A_239 : vector<16xi32>
          %add3A_241 = arith.constant 1 : i32
          %add3A_242 = vector.broadcast %add3A_241 : i32 to vector<16xi32>
          %add3A_243 = arith.addi %shift_right_logical3A_237, %add3A_242 : vector<16xi32>
          %min3A = arith.constant 1310719 : i32
          %min3A_244 = vector.broadcast %min3A : i32 to vector<16xi32>
          %min3A_245 = arith.minsi %add3A_243, %min3A_244 : vector<16xi32>
          %mul3A_246 = arith.constant 8 : i32
          %mul3A_247 = arith.muli %scan3A_142, %mul3A_246 : i32
          %add3A_248 = arith.constant 0 : i32
          %add3A_249 = arith.addi %mul3A_247, %add3A_248 : i32
          %mul3A_250 = arith.constant 32 : i32
          %mul3A_251 = arith.muli %add3A_249, %mul3A_250 : i32
          %mul3A_252 = arith.constant 2 : i32
          %mul3A_253 = vector.broadcast %mul3A_252 : i32 to vector<16xi32>
          %mul3A_254 = arith.muli %iota3A, %mul3A_253 : vector<16xi32>
          %add3A_255 = vector.broadcast %mul3A_251 : i32 to vector<16xi32>
          %add3A_256 = arith.addi %add3A_255, %mul3A_254 : vector<16xi32>
          tpu.vector_store_idx %arg13[%add3A_256], %shift_right_logical3A_237 : memref<4096xi32, #tpu.memory_space<vmem>>[vector<16xi32>], vector<16xi32>,
          %add3A_257 = arith.constant 1 : i32
          %add3A_258 = vector.broadcast %add3A_257 : i32 to vector<16xi32>
          %add3A_259 = arith.addi %add3A_256, %add3A_258 : vector<16xi32>
          tpu.vector_store_idx %arg13[%add3A_259], %min3A_245 : memref<4096xi32, #tpu.memory_space<vmem>>[vector<16xi32>], vector<16xi32>,
          %swap3A_260 = arith.constant 0 : i32
          %swap3A_261 = arith.index_cast %scan3A_142 : i32 to index
          %swap3A_262 = arith.index_cast %swap3A_260 : i32 to index
          %swap3A_263 = arith.constant 0 : index
          %swap3A_264 = tpu.vector_load %arg17[%swap3A_261, %swap3A_262, %swap3A_263] {strides = array<i32>} : memref<16x8x16xi32, #tpu.memory_space<vmem>>, vector<16xi32>,
          tpu.vector_store %arg17[%swap3A_261, %swap3A_262, %swap3A_263], %and3A_240 {strides = array<i32>} : memref<16x8x16xi32, #tpu.memory_space<vmem>>, vector<16xi32>,
          %xor3A_265 = arith.xori %xor3A, %add3A_229 : vector<16xi32>
          %and3A_266 = arith.constant 2097151 : i32
          %and3A_267 = vector.broadcast %and3A_266 : i32 to vector<16xi32>
          %and3A_268 = arith.andi %xor3A_265, %and3A_267 : vector<16xi32>
          %mul3A_269 = arith.constant 5 : i32
          %mul3A_270 = vector.broadcast %mul3A_269 : i32 to vector<16xi32>
          %mul3A_271 = arith.muli %and3A_268, %mul3A_270 : vector<16xi32>
          %shift_right_logical3A_272 = arith.constant 3 : i32
          %shift_right_logical3A_273 = vector.broadcast %shift_right_logical3A_272 : i32 to vector<16xi32>
          %shift_right_logical3A_274 = arith.shrui %mul3A_271, %shift_right_logical3A_273 : vector<16xi32>
          %and3A_275 = arith.constant 7 : i32
          %and3A_276 = vector.broadcast %and3A_275 : i32 to vector<16xi32>
          %and3A_277 = arith.andi %mul3A_271, %and3A_276 : vector<16xi32>
          %add3A_278 = arith.constant 1 : i32
          %add3A_279 = vector.broadcast %add3A_278 : i32 to vector<16xi32>
          %add3A_280 = arith.addi %shift_right_logical3A_274, %add3A_279 : vector<16xi32>
          %min3A_281 = arith.constant 1310719 : i32
          %min3A_282 = vector.broadcast %min3A_281 : i32 to vector<16xi32>
          %min3A_283 = arith.minsi %add3A_280, %min3A_282 : vector<16xi32>
          %mul3A_284 = arith.constant 8 : i32
          %mul3A_285 = arith.muli %scan3A_142, %mul3A_284 : i32
          %add3A_286 = arith.constant 1 : i32
          %add3A_287 = arith.addi %mul3A_285, %add3A_286 : i32
          %mul3A_288 = arith.constant 32 : i32
          %mul3A_289 = arith.muli %add3A_287, %mul3A_288 : i32
          %mul3A_290 = arith.constant 2 : i32
          %mul3A_291 = vector.broadcast %mul3A_290 : i32 to vector<16xi32>
          %mul3A_292 = arith.muli %iota3A, %mul3A_291 : vector<16xi32>
          %add3A_293 = vector.broadcast %mul3A_289 : i32 to vector<16xi32>
          %add3A_294 = arith.addi %add3A_293, %mul3A_292 : vector<16xi32>
          tpu.vector_store_idx %arg13[%add3A_294], %shift_right_logical3A_274 : memref<4096xi32, #tpu.memory_space<vmem>>[vector<16xi32>], vector<16xi32>,
          %add3A_295 = arith.constant 1 : i32
          %add3A_296 = vector.broadcast %add3A_295 : i32 to vector<16xi32>
          %add3A_297 = arith.addi %add3A_294, %add3A_296 : vector<16xi32>
          tpu.vector_store_idx %arg13[%add3A_297], %min3A_283 : memref<4096xi32, #tpu.memory_space<vmem>>[vector<16xi32>], vector<16xi32>,
          %swap3A_298 = arith.constant 1 : i32
          %swap3A_299 = arith.index_cast %scan3A_142 : i32 to index
          %swap3A_300 = arith.index_cast %swap3A_298 : i32 to index
          %swap3A_301 = arith.constant 0 : index
          %swap3A_302 = tpu.vector_load %arg17[%swap3A_299, %swap3A_300, %swap3A_301] {strides = array<i32>} : memref<16x8x16xi32, #tpu.memory_space<vmem>>, vector<16xi32>,
          tpu.vector_store %arg17[%swap3A_299, %swap3A_300, %swap3A_301], %and3A_277 {strides = array<i32>} : memref<16x8x16xi32, #tpu.memory_space<vmem>>, vector<16xi32>,
          %xor3A_303 = arith.xori %mul3A_214, %add3A_223 : vector<16xi32>
          %xor3A_304 = arith.xori %xor3A_303, %mul3A_226 : vector<16xi32>
          %and3A_305 = arith.constant 2097151 : i32
          %and3A_306 = vector.broadcast %and3A_305 : i32 to vector<16xi32>
          %and3A_307 = arith.andi %xor3A_304, %and3A_306 : vector<16xi32>
          %mul3A_308 = arith.constant 5 : i32
          %mul3A_309 = vector.broadcast %mul3A_308 : i32 to vector<16xi32>
          %mul3A_310 = arith.muli %and3A_307, %mul3A_309 : vector<16xi32>
          %shift_right_logical3A_311 = arith.constant 3 : i32
          %shift_right_logical3A_312 = vector.broadcast %shift_right_logical3A_311 : i32 to vector<16xi32>
          %shift_right_logical3A_313 = arith.shrui %mul3A_310, %shift_right_logical3A_312 : vector<16xi32>
          %and3A_314 = arith.constant 7 : i32
          %and3A_315 = vector.broadcast %and3A_314 : i32 to vector<16xi32>
          %and3A_316 = arith.andi %mul3A_310, %and3A_315 : vector<16xi32>
          %add3A_317 = arith.constant 1 : i32
          %add3A_318 = vector.broadcast %add3A_317 : i32 to vector<16xi32>
          %add3A_319 = arith.addi %shift_right_logical3A_313, %add3A_318 : vector<16xi32>
          %min3A_320 = arith.constant 1310719 : i32
          %min3A_321 = vector.broadcast %min3A_320 : i32 to vector<16xi32>
          %min3A_322 = arith.minsi %add3A_319, %min3A_321 : vector<16xi32>
          %mul3A_323 = arith.constant 8 : i32
          %mul3A_324 = arith.muli %scan3A_142, %mul3A_323 : i32
          %add3A_325 = arith.constant 2 : i32
          %add3A_326 = arith.addi %mul3A_324, %add3A_325 : i32
          %mul3A_327 = arith.constant 32 : i32
          %mul3A_328 = arith.muli %add3A_326, %mul3A_327 : i32
          %mul3A_329 = arith.constant 2 : i32
          %mul3A_330 = vector.broadcast %mul3A_329 : i32 to vector<16xi32>
          %mul3A_331 = arith.muli %iota3A, %mul3A_330 : vector<16xi32>
          %add3A_332 = vector.broadcast %mul3A_328 : i32 to vector<16xi32>
          %add3A_333 = arith.addi %add3A_332, %mul3A_331 : vector<16xi32>
          tpu.vector_store_idx %arg13[%add3A_333], %shift_right_logical3A_313 : memref<4096xi32, #tpu.memory_space<vmem>>[vector<16xi32>], vector<16xi32>,
          %add3A_334 = arith.constant 1 : i32
          %add3A_335 = vector.broadcast %add3A_334 : i32 to vector<16xi32>
          %add3A_336 = arith.addi %add3A_333, %add3A_335 : vector<16xi32>
          tpu.vector_store_idx %arg13[%add3A_336], %min3A_322 : memref<4096xi32, #tpu.memory_space<vmem>>[vector<16xi32>], vector<16xi32>,
          %swap3A_337 = arith.constant 2 : i32
          %swap3A_338 = arith.index_cast %scan3A_142 : i32 to index
          %swap3A_339 = arith.index_cast %swap3A_337 : i32 to index
          %swap3A_340 = arith.constant 0 : index
          %swap3A_341 = tpu.vector_load %arg17[%swap3A_338, %swap3A_339, %swap3A_340] {strides = array<i32>} : memref<16x8x16xi32, #tpu.memory_space<vmem>>, vector<16xi32>,
          tpu.vector_store %arg17[%swap3A_338, %swap3A_339, %swap3A_340], %and3A_316 {strides = array<i32>} : memref<16x8x16xi32, #tpu.memory_space<vmem>>, vector<16xi32>,
          %xor3A_342 = arith.xori %xor3A_303, %add3A_229 : vector<16xi32>
          %and3A_343 = arith.constant 2097151 : i32
          %and3A_344 = vector.broadcast %and3A_343 : i32 to vector<16xi32>
          %and3A_345 = arith.andi %xor3A_342, %and3A_344 : vector<16xi32>
          %mul3A_346 = arith.constant 5 : i32
          %mul3A_347 = vector.broadcast %mul3A_346 : i32 to vector<16xi32>
          %mul3A_348 = arith.muli %and3A_345, %mul3A_347 : vector<16xi32>
          %shift_right_logical3A_349 = arith.constant 3 : i32
          %shift_right_logical3A_350 = vector.broadcast %shift_right_logical3A_349 : i32 to vector<16xi32>
          %shift_right_logical3A_351 = arith.shrui %mul3A_348, %shift_right_logical3A_350 : vector<16xi32>
          %and3A_352 = arith.constant 7 : i32
          %and3A_353 = vector.broadcast %and3A_352 : i32 to vector<16xi32>
          %and3A_354 = arith.andi %mul3A_348, %and3A_353 : vector<16xi32>
          %add3A_355 = arith.constant 1 : i32
          %add3A_356 = vector.broadcast %add3A_355 : i32 to vector<16xi32>
          %add3A_357 = arith.addi %shift_right_logical3A_351, %add3A_356 : vector<16xi32>
          %min3A_358 = arith.constant 1310719 : i32
          %min3A_359 = vector.broadcast %min3A_358 : i32 to vector<16xi32>
          %min3A_360 = arith.minsi %add3A_357, %min3A_359 : vector<16xi32>
          %mul3A_361 = arith.constant 8 : i32
          %mul3A_362 = arith.muli %scan3A_142, %mul3A_361 : i32
          %add3A_363 = arith.constant 3 : i32
          %add3A_364 = arith.addi %mul3A_362, %add3A_363 : i32
          %mul3A_365 = arith.constant 32 : i32
          %mul3A_366 = arith.muli %add3A_364, %mul3A_365 : i32
          %mul3A_367 = arith.constant 2 : i32
          %mul3A_368 = vector.broadcast %mul3A_367 : i32 to vector<16xi32>
          %mul3A_369 = arith.muli %iota3A, %mul3A_368 : vector<16xi32>
          %add3A_370 = vector.broadcast %mul3A_366 : i32 to vector<16xi32>
          %add3A_371 = arith.addi %add3A_370, %mul3A_369 : vector<16xi32>
          tpu.vector_store_idx %arg13[%add3A_371], %shift_right_logical3A_351 : memref<4096xi32, #tpu.memory_space<vmem>>[vector<16xi32>], vector<16xi32>,
          %add3A_372 = arith.constant 1 : i32
          %add3A_373 = vector.broadcast %add3A_372 : i32 to vector<16xi32>
          %add3A_374 = arith.addi %add3A_371, %add3A_373 : vector<16xi32>
          tpu.vector_store_idx %arg13[%add3A_374], %min3A_360 : memref<4096xi32, #tpu.memory_space<vmem>>[vector<16xi32>], vector<16xi32>,
          %swap3A_375 = arith.constant 3 : i32
          %swap3A_376 = arith.index_cast %scan3A_142 : i32 to index
          %swap3A_377 = arith.index_cast %swap3A_375 : i32 to index
          %swap3A_378 = arith.constant 0 : index
          %swap3A_379 = tpu.vector_load %arg17[%swap3A_376, %swap3A_377, %swap3A_378] {strides = array<i32>} : memref<16x8x16xi32, #tpu.memory_space<vmem>>, vector<16xi32>,
          tpu.vector_store %arg17[%swap3A_376, %swap3A_377, %swap3A_378], %and3A_354 {strides = array<i32>} : memref<16x8x16xi32, #tpu.memory_space<vmem>>, vector<16xi32>,
          %xor3A_380 = arith.xori %add3A_217, %mul3A_220 : vector<16xi32>
          %xor3A_381 = arith.xori %xor3A_380, %mul3A_226 : vector<16xi32>
          %and3A_382 = arith.constant 2097151 : i32
          %and3A_383 = vector.broadcast %and3A_382 : i32 to vector<16xi32>
          %and3A_384 = arith.andi %xor3A_381, %and3A_383 : vector<16xi32>
          %mul3A_385 = arith.constant 5 : i32
          %mul3A_386 = vector.broadcast %mul3A_385 : i32 to vector<16xi32>
          %mul3A_387 = arith.muli %and3A_384, %mul3A_386 : vector<16xi32>
          %shift_right_logical3A_388 = arith.constant 3 : i32
          %shift_right_logical3A_389 = vector.broadcast %shift_right_logical3A_388 : i32 to vector<16xi32>
          %shift_right_logical3A_390 = arith.shrui %mul3A_387, %shift_right_logical3A_389 : vector<16xi32>
          %and3A_391 = arith.constant 7 : i32
          %and3A_392 = vector.broadcast %and3A_391 : i32 to vector<16xi32>
          %and3A_393 = arith.andi %mul3A_387, %and3A_392 : vector<16xi32>
          %add3A_394 = arith.constant 1 : i32
          %add3A_395 = vector.broadcast %add3A_394 : i32 to vector<16xi32>
          %add3A_396 = arith.addi %shift_right_logical3A_390, %add3A_395 : vector<16xi32>
          %min3A_397 = arith.constant 1310719 : i32
          %min3A_398 = vector.broadcast %min3A_397 : i32 to vector<16xi32>
          %min3A_399 = arith.minsi %add3A_396, %min3A_398 : vector<16xi32>
          %mul3A_400 = arith.constant 8 : i32
          %mul3A_401 = arith.muli %scan3A_142, %mul3A_400 : i32
          %add3A_402 = arith.constant 4 : i32
          %add3A_403 = arith.addi %mul3A_401, %add3A_402 : i32
          %mul3A_404 = arith.constant 32 : i32
          %mul3A_405 = arith.muli %add3A_403, %mul3A_404 : i32
          %mul3A_406 = arith.constant 2 : i32
          %mul3A_407 = vector.broadcast %mul3A_406 : i32 to vector<16xi32>
          %mul3A_408 = arith.muli %iota3A, %mul3A_407 : vector<16xi32>
          %add3A_409 = vector.broadcast %mul3A_405 : i32 to vector<16xi32>
          %add3A_410 = arith.addi %add3A_409, %mul3A_408 : vector<16xi32>
          tpu.vector_store_idx %arg13[%add3A_410], %shift_right_logical3A_390 : memref<4096xi32, #tpu.memory_space<vmem>>[vector<16xi32>], vector<16xi32>,
          %add3A_411 = arith.constant 1 : i32
          %add3A_412 = vector.broadcast %add3A_411 : i32 to vector<16xi32>
          %add3A_413 = arith.addi %add3A_410, %add3A_412 : vector<16xi32>
          tpu.vector_store_idx %arg13[%add3A_413], %min3A_399 : memref<4096xi32, #tpu.memory_space<vmem>>[vector<16xi32>], vector<16xi32>,
          %swap3A_414 = arith.constant 4 : i32
          %swap3A_415 = arith.index_cast %scan3A_142 : i32 to index
          %swap3A_416 = arith.index_cast %swap3A_414 : i32 to index
          %swap3A_417 = arith.constant 0 : index
          %swap3A_418 = tpu.vector_load %arg17[%swap3A_415, %swap3A_416, %swap3A_417] {strides = array<i32>} : memref<16x8x16xi32, #tpu.memory_space<vmem>>, vector<16xi32>,
          tpu.vector_store %arg17[%swap3A_415, %swap3A_416, %swap3A_417], %and3A_393 {strides = array<i32>} : memref<16x8x16xi32, #tpu.memory_space<vmem>>, vector<16xi32>,
          %xor3A_419 = arith.xori %xor3A_380, %add3A_229 : vector<16xi32>
          %and3A_420 = arith.constant 2097151 : i32
          %and3A_421 = vector.broadcast %and3A_420 : i32 to vector<16xi32>
          %and3A_422 = arith.andi %xor3A_419, %and3A_421 : vector<16xi32>
          %mul3A_423 = arith.constant 5 : i32
          %mul3A_424 = vector.broadcast %mul3A_423 : i32 to vector<16xi32>
          %mul3A_425 = arith.muli %and3A_422, %mul3A_424 : vector<16xi32>
          %shift_right_logical3A_426 = arith.constant 3 : i32
          %shift_right_logical3A_427 = vector.broadcast %shift_right_logical3A_426 : i32 to vector<16xi32>
          %shift_right_logical3A_428 = arith.shrui %mul3A_425, %shift_right_logical3A_427 : vector<16xi32>
          %and3A_429 = arith.constant 7 : i32
          %and3A_430 = vector.broadcast %and3A_429 : i32 to vector<16xi32>
          %and3A_431 = arith.andi %mul3A_425, %and3A_430 : vector<16xi32>
          %add3A_432 = arith.constant 1 : i32
          %add3A_433 = vector.broadcast %add3A_432 : i32 to vector<16xi32>
          %add3A_434 = arith.addi %shift_right_logical3A_428, %add3A_433 : vector<16xi32>
          %min3A_435 = arith.constant 1310719 : i32
          %min3A_436 = vector.broadcast %min3A_435 : i32 to vector<16xi32>
          %min3A_437 = arith.minsi %add3A_434, %min3A_436 : vector<16xi32>
          %mul3A_438 = arith.constant 8 : i32
          %mul3A_439 = arith.muli %scan3A_142, %mul3A_438 : i32
          %add3A_440 = arith.constant 5 : i32
          %add3A_441 = arith.addi %mul3A_439, %add3A_440 : i32
          %mul3A_442 = arith.constant 32 : i32
          %mul3A_443 = arith.muli %add3A_441, %mul3A_442 : i32
          %mul3A_444 = arith.constant 2 : i32
          %mul3A_445 = vector.broadcast %mul3A_444 : i32 to vector<16xi32>
          %mul3A_446 = arith.muli %iota3A, %mul3A_445 : vector<16xi32>
          %add3A_447 = vector.broadcast %mul3A_443 : i32 to vector<16xi32>
          %add3A_448 = arith.addi %add3A_447, %mul3A_446 : vector<16xi32>
          tpu.vector_store_idx %arg13[%add3A_448], %shift_right_logical3A_428 : memref<4096xi32, #tpu.memory_space<vmem>>[vector<16xi32>], vector<16xi32>,
          %add3A_449 = arith.constant 1 : i32
          %add3A_450 = vector.broadcast %add3A_449 : i32 to vector<16xi32>
          %add3A_451 = arith.addi %add3A_448, %add3A_450 : vector<16xi32>
          tpu.vector_store_idx %arg13[%add3A_451], %min3A_437 : memref<4096xi32, #tpu.memory_space<vmem>>[vector<16xi32>], vector<16xi32>,
          %swap3A_452 = arith.constant 5 : i32
          %swap3A_453 = arith.index_cast %scan3A_142 : i32 to index
          %swap3A_454 = arith.index_cast %swap3A_452 : i32 to index
          %swap3A_455 = arith.constant 0 : index
          %swap3A_456 = tpu.vector_load %arg17[%swap3A_453, %swap3A_454, %swap3A_455] {strides = array<i32>} : memref<16x8x16xi32, #tpu.memory_space<vmem>>, vector<16xi32>,
          tpu.vector_store %arg17[%swap3A_453, %swap3A_454, %swap3A_455], %and3A_431 {strides = array<i32>} : memref<16x8x16xi32, #tpu.memory_space<vmem>>, vector<16xi32>,
          %xor3A_457 = arith.xori %add3A_217, %add3A_223 : vector<16xi32>
          %xor3A_458 = arith.xori %xor3A_457, %mul3A_226 : vector<16xi32>
          %and3A_459 = arith.constant 2097151 : i32
          %and3A_460 = vector.broadcast %and3A_459 : i32 to vector<16xi32>
          %and3A_461 = arith.andi %xor3A_458, %and3A_460 : vector<16xi32>
          %mul3A_462 = arith.constant 5 : i32
          %mul3A_463 = vector.broadcast %mul3A_462 : i32 to vector<16xi32>
          %mul3A_464 = arith.muli %and3A_461, %mul3A_463 : vector<16xi32>
          %shift_right_logical3A_465 = arith.constant 3 : i32
          %shift_right_logical3A_466 = vector.broadcast %shift_right_logical3A_465 : i32 to vector<16xi32>
          %shift_right_logical3A_467 = arith.shrui %mul3A_464, %shift_right_logical3A_466 : vector<16xi32>
          %and3A_468 = arith.constant 7 : i32
          %and3A_469 = vector.broadcast %and3A_468 : i32 to vector<16xi32>
          %and3A_470 = arith.andi %mul3A_464, %and3A_469 : vector<16xi32>
          %add3A_471 = arith.constant 1 : i32
          %add3A_472 = vector.broadcast %add3A_471 : i32 to vector<16xi32>
          %add3A_473 = arith.addi %shift_right_logical3A_467, %add3A_472 : vector<16xi32>
          %min3A_474 = arith.constant 1310719 : i32
          %min3A_475 = vector.broadcast %min3A_474 : i32 to vector<16xi32>
          %min3A_476 = arith.minsi %add3A_473, %min3A_475 : vector<16xi32>
          %mul3A_477 = arith.constant 8 : i32
          %mul3A_478 = arith.muli %scan3A_142, %mul3A_477 : i32
          %add3A_479 = arith.constant 6 : i32
          %add3A_480 = arith.addi %mul3A_478, %add3A_479 : i32
          %mul3A_481 = arith.constant 32 : i32
          %mul3A_482 = arith.muli %add3A_480, %mul3A_481 : i32
          %mul3A_483 = arith.constant 2 : i32
          %mul3A_484 = vector.broadcast %mul3A_483 : i32 to vector<16xi32>
          %mul3A_485 = arith.muli %iota3A, %mul3A_484 : vector<16xi32>
          %add3A_486 = vector.broadcast %mul3A_482 : i32 to vector<16xi32>
          %add3A_487 = arith.addi %add3A_486, %mul3A_485 : vector<16xi32>
          tpu.vector_store_idx %arg13[%add3A_487], %shift_right_logical3A_467 : memref<4096xi32, #tpu.memory_space<vmem>>[vector<16xi32>], vector<16xi32>,
          %add3A_488 = arith.constant 1 : i32
          %add3A_489 = vector.broadcast %add3A_488 : i32 to vector<16xi32>
          %add3A_490 = arith.addi %add3A_487, %add3A_489 : vector<16xi32>
          tpu.vector_store_idx %arg13[%add3A_490], %min3A_476 : memref<4096xi32, #tpu.memory_space<vmem>>[vector<16xi32>], vector<16xi32>,
          %swap3A_491 = arith.constant 6 : i32
          %swap3A_492 = arith.index_cast %scan3A_142 : i32 to index
          %swap3A_493 = arith.index_cast %swap3A_491 : i32 to index
          %swap3A_494 = arith.constant 0 : index
          %swap3A_495 = tpu.vector_load %arg17[%swap3A_492, %swap3A_493, %swap3A_494] {strides = array<i32>} : memref<16x8x16xi32, #tpu.memory_space<vmem>>, vector<16xi32>,
          tpu.vector_store %arg17[%swap3A_492, %swap3A_493, %swap3A_494], %and3A_470 {strides = array<i32>} : memref<16x8x16xi32, #tpu.memory_space<vmem>>, vector<16xi32>,
          %xor3A_496 = arith.xori %xor3A_457, %add3A_229 : vector<16xi32>
          %and3A_497 = arith.constant 2097151 : i32
          %and3A_498 = vector.broadcast %and3A_497 : i32 to vector<16xi32>
          %and3A_499 = arith.andi %xor3A_496, %and3A_498 : vector<16xi32>
          %mul3A_500 = arith.constant 5 : i32
          %mul3A_501 = vector.broadcast %mul3A_500 : i32 to vector<16xi32>
          %mul3A_502 = arith.muli %and3A_499, %mul3A_501 : vector<16xi32>
          %shift_right_logical3A_503 = arith.constant 3 : i32
          %shift_right_logical3A_504 = vector.broadcast %shift_right_logical3A_503 : i32 to vector<16xi32>
          %shift_right_logical3A_505 = arith.shrui %mul3A_502, %shift_right_logical3A_504 : vector<16xi32>
          %and3A_506 = arith.constant 7 : i32
          %and3A_507 = vector.broadcast %and3A_506 : i32 to vector<16xi32>
          %and3A_508 = arith.andi %mul3A_502, %and3A_507 : vector<16xi32>
          %add3A_509 = arith.constant 1 : i32
          %add3A_510 = vector.broadcast %add3A_509 : i32 to vector<16xi32>
          %add3A_511 = arith.addi %shift_right_logical3A_505, %add3A_510 : vector<16xi32>
          %min3A_512 = arith.constant 1310719 : i32
          %min3A_513 = vector.broadcast %min3A_512 : i32 to vector<16xi32>
          %min3A_514 = arith.minsi %add3A_511, %min3A_513 : vector<16xi32>
          %mul3A_515 = arith.constant 8 : i32
          %mul3A_516 = arith.muli %scan3A_142, %mul3A_515 : i32
          %add3A_517 = arith.constant 7 : i32
          %add3A_518 = arith.addi %mul3A_516, %add3A_517 : i32
          %mul3A_519 = arith.constant 32 : i32
          %mul3A_520 = arith.muli %add3A_518, %mul3A_519 : i32
          %mul3A_521 = arith.constant 2 : i32
          %mul3A_522 = vector.broadcast %mul3A_521 : i32 to vector<16xi32>
          %mul3A_523 = arith.muli %iota3A, %mul3A_522 : vector<16xi32>
          %add3A_524 = vector.broadcast %mul3A_520 : i32 to vector<16xi32>
          %add3A_525 = arith.addi %add3A_524, %mul3A_523 : vector<16xi32>
          tpu.vector_store_idx %arg13[%add3A_525], %shift_right_logical3A_505 : memref<4096xi32, #tpu.memory_space<vmem>>[vector<16xi32>], vector<16xi32>,
          %add3A_526 = arith.constant 1 : i32
          %add3A_527 = vector.broadcast %add3A_526 : i32 to vector<16xi32>
          %add3A_528 = arith.addi %add3A_525, %add3A_527 : vector<16xi32>
          tpu.vector_store_idx %arg13[%add3A_528], %min3A_514 : memref<4096xi32, #tpu.memory_space<vmem>>[vector<16xi32>], vector<16xi32>,
          %swap3A_529 = arith.constant 7 : i32
          %swap3A_530 = arith.index_cast %scan3A_142 : i32 to index
          %swap3A_531 = arith.index_cast %swap3A_529 : i32 to index
          %swap3A_532 = arith.constant 0 : index
          %swap3A_533 = tpu.vector_load %arg17[%swap3A_530, %swap3A_531, %swap3A_532] {strides = array<i32>} : memref<16x8x16xi32, #tpu.memory_space<vmem>>, vector<16xi32>,
          tpu.vector_store %arg17[%swap3A_530, %swap3A_531, %swap3A_532], %and3A_508 {strides = array<i32>} : memref<16x8x16xi32, #tpu.memory_space<vmem>>, vector<16xi32>,
          %scan3A_534 = arith.constant 0 : i32
          scf.yield %scan3A_534 : i32
        }
        %scan3A_115 = arith.constant 16 : i32
        %dma_start3A_116 = arith.constant 0 : i32
        %dma_start3A_117 = arith.constant 0 : i32
        %dma_start3A_118 = tpu.memref_slice %arg4[%dma_start3A_116, %dma_start3A_117] : memref<1310720x8xf32, #tpu.memory_space<hbm>> -> memref<1310720x8xf32, #tpu.memory_space<hbm>>
        tpu.enqueue_indirect_dma source(%dma_start3A_118 : memref<1310720x8xf32, #tpu.memory_space<hbm>>) target(%arg19 : memref<4096x8xf32, #tpu.memory_space<vmem>>) offsets(%arg13 : memref<4096xi32, #tpu.memory_space<vmem>>) semaphore(%arg26 : memref<!tpu.dma_semaphore, #tpu.memory_space<semaphore_mem>>)
        %dma_wait3A = arith.constant 0 : i32
        %dma_wait3A_119 = arith.constant 0 : i32
        %dma_wait3A_120 = tpu.memref_slice %arg4[%dma_wait3A, %dma_wait3A_119] : memref<1310720x8xf32, #tpu.memory_space<hbm>> -> memref<1310720x8xf32, #tpu.memory_space<hbm>>
        tpu.wait_indirect_dma semaphore(%arg25 : memref<!tpu.dma_semaphore, #tpu.memory_space<semaphore_mem>>) src(%dma_wait3A_120 : memref<1310720x8xf32, #tpu.memory_space<hbm>>) dst(%arg18 : memref<4096x8xf32, #tpu.memory_space<vmem>>)
        %mul3A_121 = arith.constant 16 : i32
        %mul3A_122 = arith.muli %mul3A_104, %mul3A_121 : i32
        %scan3A_123 = arith.constant 0 : i32
        %scan3A_124 = arith.constant 16 : i32
        %scan3A_125 = arith.addi %scan3A_123, %scan3A_124 : i32
        %scan3A_126 = arith.constant 1 : i32
        %scan3A_127:9 = scf.for %scan3A_142 = %scan3A_123 to %scan3A_125 step %scan3A_126 iter_args(%scan3A_143 = %scan3A_94, %scan3A_144 = %scan3A_95, %scan3A_145 = %scan3A_96, %scan3A_146 = %scan3A_97, %scan3A_147 = %scan3A_98, %scan3A_148 = %scan3A_99, %scan3A_149 = %scan3A_100, %scan3A_150 = %scan3A_101, %scan3A_151 = %scan3A_102) -> (vector<16xf32>, vector<16xf32>, vector<16xf32>, vector<16xf32>, vector<16xf32>, vector<16xf32>, vector<16xf32>, vector<16xf32>, vector<16xf32>)  : i32 {
          %add3A_152 = arith.addi %mul3A_122, %scan3A_142 : i32
          %convert_element_type3A_153 = arith.sitofp %add3A_152 : i32 to f32
          %mul3A_154 = arith.constant 0.00999999977 : f32
          %mul3A_155 = arith.mulf %convert_element_type3A_153, %mul3A_154 : f32
          %add3A_156 = vector.broadcast %mul3A_155 : f32 to vector<16xf32>
          %add3A_157 = arith.addf %gather3A_47, %add3A_156 : vector<16xf32>
          %add3A_158 = arith.constant 0.00999999977 : f32
          %add3A_159 = vector.broadcast %add3A_158 : f32 to vector<16xf32>
          %add3A_160 = arith.addf %add3A_157, %add3A_159 : vector<16xf32>
          %add3A_161 = arith.addf %add3A_157, %add3A_160 : vector<16xf32>
          %mul3A_162 = arith.constant 5.000000e-01 : f32
          %mul3A_163 = vector.broadcast %mul3A_162 : f32 to vector<16xf32>
          %mul3A_164 = arith.mulf %mul3A_163, %add3A_161 : vector<16xf32>
          %get3A_165 = arith.constant 0 : i32
          %get3A_166 = arith.index_cast %scan3A_142 : i32 to index
          %get3A_167 = arith.index_cast %get3A_165 : i32 to index
          %get3A_168 = arith.constant 0 : index
          %get3A_169 = tpu.vector_load %arg14[%get3A_166, %get3A_167, %get3A_168] {strides = array<i32>} : memref<16x3x16xf32, #tpu.memory_space<vmem>>, vector<16xf32>,
          %get3A_170 = arith.constant 1 : i32
          %get3A_171 = arith.index_cast %scan3A_142 : i32 to index
          %get3A_172 = arith.index_cast %get3A_170 : i32 to index
          %get3A_173 = arith.constant 0 : index
          %get3A_174 = tpu.vector_load %arg14[%get3A_171, %get3A_172, %get3A_173] {strides = array<i32>} : memref<16x3x16xf32, #tpu.memory_space<vmem>>, vector<16xf32>,
          %get3A_175 = arith.constant 2 : i32
          %get3A_176 = arith.index_cast %scan3A_142 : i32 to index
          %get3A_177 = arith.index_cast %get3A_175 : i32 to index
          %get3A_178 = arith.constant 0 : index
          %get3A_179 = tpu.vector_load %arg14[%get3A_176, %get3A_177, %get3A_178] {strides = array<i32>} : memref<16x3x16xf32, #tpu.memory_space<vmem>>, vector<16xf32>,
          %sub3A = arith.constant 1.000000e+00 : f32
          %sub3A_180 = vector.broadcast %sub3A : f32 to vector<16xf32>
          %sub3A_181 = arith.subf %sub3A_180, %get3A_169 : vector<16xf32>
          %sub3A_182 = arith.constant 1.000000e+00 : f32
          %sub3A_183 = vector.broadcast %sub3A_182 : f32 to vector<16xf32>
          %sub3A_184 = arith.subf %sub3A_183, %get3A_174 : vector<16xf32>
          %sub3A_185 = arith.constant 1.000000e+00 : f32
          %sub3A_186 = vector.broadcast %sub3A_185 : f32 to vector<16xf32>
          %sub3A_187 = arith.subf %sub3A_186, %get3A_179 : vector<16xf32>
          %mul3A_188 = arith.constant 128 : i32
          %mul3A_189 = arith.muli %scan3A_142, %mul3A_188 : i32
          %broadcast_in_dim3A_190 = arith.constant 7 : i32
          %broadcast_in_dim3A_191 = vector.broadcast %broadcast_in_dim3A_190 : i32 to vector<16xi32>
          %mul3A_192 = arith.mulf %sub3A_181, %sub3A_184 : vector<16xf32>
          %add3A_193 = arith.constant 0 : i32
          %add3A_194 = arith.addi %mul3A_189, %add3A_193 : i32
          %add3A_195 = vector.broadcast %add3A_194 : i32 to vector<16xi32>
          %add3A_196 = arith.addi %add3A_195, %iota3A : vector<16xi32>
          %mul3A_197 = arith.constant 16 : i32
          %mul3A_198 = vector.broadcast %mul3A_197 : i32 to vector<16xi32>
          %mul3A_199 = arith.muli %add3A_196, %mul3A_198 : vector<16xi32>
          %get3A_200 = arith.constant 0 : i32
          %get3A_201 = arith.index_cast %scan3A_142 : i32 to index
          %get3A_202 = arith.index_cast %get3A_200 : i32 to index
          %get3A_203 = arith.constant 0 : index
          %get3A_204 = tpu.vector_load %arg16[%get3A_201, %get3A_202, %get3A_203] {strides = array<i32>} : memref<16x8x16xi32, #tpu.memory_space<vmem>>, vector<16xi32>,
          %add3A_205 = arith.addi %mul3A_199, %get3A_204 : vector<16xi32>
          %add3A_206 = arith.constant 0 : i32
          %add3A_207 = vector.broadcast %add3A_206 : i32 to vector<16xi32>
          %add3A_208 = arith.addi %add3A_205, %add3A_207 : vector<16xi32>
          %shift_right_logical3A = arith.constant 3 : i32
          %shift_right_logical3A_209 = vector.broadcast %shift_right_logical3A : i32 to vector<16xi32>
          %shift_right_logical3A_210 = arith.shrui %add3A_208, %shift_right_logical3A_209 : vector<16xi32>
          %and3A = arith.andi %add3A_208, %broadcast_in_dim3A_191 : vector<16xi32>
          %gather3A_211 = tpu.vector_load_idx %arg18[%shift_right_logical3A_210, %and3A] : memref<4096x8xf32, #tpu.memory_space<vmem>>[vector<16xi32>, vector<16xi32>], vector<16xf32>,
          %mul3A_212 = arith.mulf %sub3A_184, %sub3A_187 : vector<16xf32>
          %mul3A_213 = arith.mulf %sub3A_181, %sub3A_187 : vector<16xf32>
          %mul3A_214 = arith.mulf %mul3A_192, %sub3A_187 : vector<16xf32>
          %mul3A_215 = arith.mulf %mul3A_214, %gather3A_211 : vector<16xf32>
          %add3A_216 = arith.addf %broadcast_in_dim3A_3, %mul3A_215 : vector<16xf32>
          %add3A_217 = arith.constant 1 : i32
          %add3A_218 = vector.broadcast %add3A_217 : i32 to vector<16xi32>
          %add3A_219 = arith.addi %add3A_205, %add3A_218 : vector<16xi32>
          %shift_right_logical3A_220 = arith.constant 3 : i32
          %shift_right_logical3A_221 = vector.broadcast %shift_right_logical3A_220 : i32 to vector<16xi32>
          %shift_right_logical3A_222 = arith.shrui %add3A_219, %shift_right_logical3A_221 : vector<16xi32>
          %and3A_223 = arith.andi %add3A_219, %broadcast_in_dim3A_191 : vector<16xi32>
          %gather3A_224 = tpu.vector_load_idx %arg18[%shift_right_logical3A_222, %and3A_223] : memref<4096x8xf32, #tpu.memory_space<vmem>>[vector<16xi32>, vector<16xi32>], vector<16xf32>,
          %mul3A_225 = arith.mulf %mul3A_214, %gather3A_224 : vector<16xf32>
          %add3A_226 = arith.addf %broadcast_in_dim3A_3, %mul3A_225 : vector<16xf32>
          %add3A_227 = arith.constant 2 : i32
          %add3A_228 = vector.broadcast %add3A_227 : i32 to vector<16xi32>
          %add3A_229 = arith.addi %add3A_205, %add3A_228 : vector<16xi32>
          %shift_right_logical3A_230 = arith.constant 3 : i32
          %shift_right_logical3A_231 = vector.broadcast %shift_right_logical3A_230 : i32 to vector<16xi32>
          %shift_right_logical3A_232 = arith.shrui %add3A_229, %shift_right_logical3A_231 : vector<16xi32>
          %and3A_233 = arith.andi %add3A_229, %broadcast_in_dim3A_191 : vector<16xi32>
          %gather3A_234 = tpu.vector_load_idx %arg18[%shift_right_logical3A_232, %and3A_233] : memref<4096x8xf32, #tpu.memory_space<vmem>>[vector<16xi32>, vector<16xi32>], vector<16xf32>,
          %mul3A_235 = arith.mulf %mul3A_214, %gather3A_234 : vector<16xf32>
          %add3A_236 = arith.addf %broadcast_in_dim3A_3, %mul3A_235 : vector<16xf32>
          %add3A_237 = arith.constant 3 : i32
          %add3A_238 = vector.broadcast %add3A_237 : i32 to vector<16xi32>
          %add3A_239 = arith.addi %add3A_205, %add3A_238 : vector<16xi32>
          %shift_right_logical3A_240 = arith.constant 3 : i32
          %shift_right_logical3A_241 = vector.broadcast %shift_right_logical3A_240 : i32 to vector<16xi32>
          %shift_right_logical3A_242 = arith.shrui %add3A_239, %shift_right_logical3A_241 : vector<16xi32>
          %and3A_243 = arith.andi %add3A_239, %broadcast_in_dim3A_191 : vector<16xi32>
          %gather3A_244 = tpu.vector_load_idx %arg18[%shift_right_logical3A_242, %and3A_243] : memref<4096x8xf32, #tpu.memory_space<vmem>>[vector<16xi32>, vector<16xi32>], vector<16xf32>,
          %mul3A_245 = arith.mulf %mul3A_214, %gather3A_244 : vector<16xf32>
          %add3A_246 = arith.addf %broadcast_in_dim3A_3, %mul3A_245 : vector<16xf32>
          %add3A_247 = arith.constant 4 : i32
          %add3A_248 = vector.broadcast %add3A_247 : i32 to vector<16xi32>
          %add3A_249 = arith.addi %add3A_205, %add3A_248 : vector<16xi32>
          %shift_right_logical3A_250 = arith.constant 3 : i32
          %shift_right_logical3A_251 = vector.broadcast %shift_right_logical3A_250 : i32 to vector<16xi32>
          %shift_right_logical3A_252 = arith.shrui %add3A_249, %shift_right_logical3A_251 : vector<16xi32>
          %and3A_253 = arith.andi %add3A_249, %broadcast_in_dim3A_191 : vector<16xi32>
          %gather3A_254 = tpu.vector_load_idx %arg18[%shift_right_logical3A_252, %and3A_253] : memref<4096x8xf32, #tpu.memory_space<vmem>>[vector<16xi32>, vector<16xi32>], vector<16xf32>,
          %mul3A_255 = arith.mulf %mul3A_214, %gather3A_254 : vector<16xf32>
          %add3A_256 = arith.addf %broadcast_in_dim3A_3, %mul3A_255 : vector<16xf32>
          %mul3A_257 = arith.mulf %mul3A_212, %gather3A_211 : vector<16xf32>
          %sub3A_258 = arith.subf %broadcast_in_dim3A_3, %mul3A_257 : vector<16xf32>
          %mul3A_259 = arith.mulf %mul3A_213, %gather3A_211 : vector<16xf32>
          %sub3A_260 = arith.subf %broadcast_in_dim3A_3, %mul3A_259 : vector<16xf32>
          %mul3A_261 = arith.mulf %mul3A_192, %gather3A_211 : vector<16xf32>
          %sub3A_262 = arith.subf %broadcast_in_dim3A_3, %mul3A_261 : vector<16xf32>
          %add3A_263 = arith.constant 16 : i32
          %add3A_264 = arith.addi %mul3A_189, %add3A_263 : i32
          %add3A_265 = vector.broadcast %add3A_264 : i32 to vector<16xi32>
          %add3A_266 = arith.addi %add3A_265, %iota3A : vector<16xi32>
          %mul3A_267 = arith.constant 16 : i32
          %mul3A_268 = vector.broadcast %mul3A_267 : i32 to vector<16xi32>
          %mul3A_269 = arith.muli %add3A_266, %mul3A_268 : vector<16xi32>
          %get3A_270 = arith.constant 1 : i32
          %get3A_271 = arith.index_cast %scan3A_142 : i32 to index
          %get3A_272 = arith.index_cast %get3A_270 : i32 to index
          %get3A_273 = arith.constant 0 : index
          %get3A_274 = tpu.vector_load %arg16[%get3A_271, %get3A_272, %get3A_273] {strides = array<i32>} : memref<16x8x16xi32, #tpu.memory_space<vmem>>, vector<16xi32>,
          %add3A_275 = arith.addi %mul3A_269, %get3A_274 : vector<16xi32>
          %add3A_276 = arith.constant 0 : i32
          %add3A_277 = vector.broadcast %add3A_276 : i32 to vector<16xi32>
          %add3A_278 = arith.addi %add3A_275, %add3A_277 : vector<16xi32>
          %shift_right_logical3A_279 = arith.constant 3 : i32
          %shift_right_logical3A_280 = vector.broadcast %shift_right_logical3A_279 : i32 to vector<16xi32>
          %shift_right_logical3A_281 = arith.shrui %add3A_278, %shift_right_logical3A_280 : vector<16xi32>
          %and3A_282 = arith.andi %add3A_278, %broadcast_in_dim3A_191 : vector<16xi32>
          %gather3A_283 = tpu.vector_load_idx %arg18[%shift_right_logical3A_281, %and3A_282] : memref<4096x8xf32, #tpu.memory_space<vmem>>[vector<16xi32>, vector<16xi32>], vector<16xf32>,
          %mul3A_284 = arith.mulf %sub3A_184, %get3A_179 : vector<16xf32>
          %mul3A_285 = arith.mulf %sub3A_181, %get3A_179 : vector<16xf32>
          %mul3A_286 = arith.mulf %mul3A_192, %get3A_179 : vector<16xf32>
          %mul3A_287 = arith.mulf %mul3A_286, %gather3A_283 : vector<16xf32>
          %add3A_288 = arith.addf %add3A_216, %mul3A_287 : vector<16xf32>
          %add3A_289 = arith.constant 1 : i32
          %add3A_290 = vector.broadcast %add3A_289 : i32 to vector<16xi32>
          %add3A_291 = arith.addi %add3A_275, %add3A_290 : vector<16xi32>
          %shift_right_logical3A_292 = arith.constant 3 : i32
          %shift_right_logical3A_293 = vector.broadcast %shift_right_logical3A_292 : i32 to vector<16xi32>
          %shift_right_logical3A_294 = arith.shrui %add3A_291, %shift_right_logical3A_293 : vector<16xi32>
          %and3A_295 = arith.andi %add3A_291, %broadcast_in_dim3A_191 : vector<16xi32>
          %gather3A_296 = tpu.vector_load_idx %arg18[%shift_right_logical3A_294, %and3A_295] : memref<4096x8xf32, #tpu.memory_space<vmem>>[vector<16xi32>, vector<16xi32>], vector<16xf32>,
          %mul3A_297 = arith.mulf %mul3A_286, %gather3A_296 : vector<16xf32>
          %add3A_298 = arith.addf %add3A_226, %mul3A_297 : vector<16xf32>
          %add3A_299 = arith.constant 2 : i32
          %add3A_300 = vector.broadcast %add3A_299 : i32 to vector<16xi32>
          %add3A_301 = arith.addi %add3A_275, %add3A_300 : vector<16xi32>
          %shift_right_logical3A_302 = arith.constant 3 : i32
          %shift_right_logical3A_303 = vector.broadcast %shift_right_logical3A_302 : i32 to vector<16xi32>
          %shift_right_logical3A_304 = arith.shrui %add3A_301, %shift_right_logical3A_303 : vector<16xi32>
          %and3A_305 = arith.andi %add3A_301, %broadcast_in_dim3A_191 : vector<16xi32>
          %gather3A_306 = tpu.vector_load_idx %arg18[%shift_right_logical3A_304, %and3A_305] : memref<4096x8xf32, #tpu.memory_space<vmem>>[vector<16xi32>, vector<16xi32>], vector<16xf32>,
          %mul3A_307 = arith.mulf %mul3A_286, %gather3A_306 : vector<16xf32>
          %add3A_308 = arith.addf %add3A_236, %mul3A_307 : vector<16xf32>
          %add3A_309 = arith.constant 3 : i32
          %add3A_310 = vector.broadcast %add3A_309 : i32 to vector<16xi32>
          %add3A_311 = arith.addi %add3A_275, %add3A_310 : vector<16xi32>
          %shift_right_logical3A_312 = arith.constant 3 : i32
          %shift_right_logical3A_313 = vector.broadcast %shift_right_logical3A_312 : i32 to vector<16xi32>
          %shift_right_logical3A_314 = arith.shrui %add3A_311, %shift_right_logical3A_313 : vector<16xi32>
          %and3A_315 = arith.andi %add3A_311, %broadcast_in_dim3A_191 : vector<16xi32>
          %gather3A_316 = tpu.vector_load_idx %arg18[%shift_right_logical3A_314, %and3A_315] : memref<4096x8xf32, #tpu.memory_space<vmem>>[vector<16xi32>, vector<16xi32>], vector<16xf32>,
          %mul3A_317 = arith.mulf %mul3A_286, %gather3A_316 : vector<16xf32>
          %add3A_318 = arith.addf %add3A_246, %mul3A_317 : vector<16xf32>
          %add3A_319 = arith.constant 4 : i32
          %add3A_320 = vector.broadcast %add3A_319 : i32 to vector<16xi32>
          %add3A_321 = arith.addi %add3A_275, %add3A_320 : vector<16xi32>
          %shift_right_logical3A_322 = arith.constant 3 : i32
          %shift_right_logical3A_323 = vector.broadcast %shift_right_logical3A_322 : i32 to vector<16xi32>
          %shift_right_logical3A_324 = arith.shrui %add3A_321, %shift_right_logical3A_323 : vector<16xi32>
          %and3A_325 = arith.andi %add3A_321, %broadcast_in_dim3A_191 : vector<16xi32>
          %gather3A_326 = tpu.vector_load_idx %arg18[%shift_right_logical3A_324, %and3A_325] : memref<4096x8xf32, #tpu.memory_space<vmem>>[vector<16xi32>, vector<16xi32>], vector<16xf32>,
          %mul3A_327 = arith.mulf %mul3A_286, %gather3A_326 : vector<16xf32>
          %add3A_328 = arith.addf %add3A_256, %mul3A_327 : vector<16xf32>
          %mul3A_329 = arith.mulf %mul3A_284, %gather3A_283 : vector<16xf32>
          %sub3A_330 = arith.subf %sub3A_258, %mul3A_329 : vector<16xf32>
          %mul3A_331 = arith.mulf %mul3A_285, %gather3A_283 : vector<16xf32>
          %sub3A_332 = arith.subf %sub3A_260, %mul3A_331 : vector<16xf32>
          %mul3A_333 = arith.mulf %mul3A_192, %gather3A_283 : vector<16xf32>
          %add3A_334 = arith.addf %sub3A_262, %mul3A_333 : vector<16xf32>
          %mul3A_335 = arith.mulf %sub3A_181, %get3A_174 : vector<16xf32>
          %add3A_336 = arith.constant 32 : i32
          %add3A_337 = arith.addi %mul3A_189, %add3A_336 : i32
          %add3A_338 = vector.broadcast %add3A_337 : i32 to vector<16xi32>
          %add3A_339 = arith.addi %add3A_338, %iota3A : vector<16xi32>
          %mul3A_340 = arith.constant 16 : i32
          %mul3A_341 = vector.broadcast %mul3A_340 : i32 to vector<16xi32>
          %mul3A_342 = arith.muli %add3A_339, %mul3A_341 : vector<16xi32>
          %get3A_343 = arith.constant 2 : i32
          %get3A_344 = arith.index_cast %scan3A_142 : i32 to index
          %get3A_345 = arith.index_cast %get3A_343 : i32 to index
          %get3A_346 = arith.constant 0 : index
          %get3A_347 = tpu.vector_load %arg16[%get3A_344, %get3A_345, %get3A_346] {strides = array<i32>} : memref<16x8x16xi32, #tpu.memory_space<vmem>>, vector<16xi32>,
          %add3A_348 = arith.addi %mul3A_342, %get3A_347 : vector<16xi32>
          %add3A_349 = arith.constant 0 : i32
          %add3A_350 = vector.broadcast %add3A_349 : i32 to vector<16xi32>
          %add3A_351 = arith.addi %add3A_348, %add3A_350 : vector<16xi32>
          %shift_right_logical3A_352 = arith.constant 3 : i32
          %shift_right_logical3A_353 = vector.broadcast %shift_right_logical3A_352 : i32 to vector<16xi32>
          %shift_right_logical3A_354 = arith.shrui %add3A_351, %shift_right_logical3A_353 : vector<16xi32>
          %and3A_355 = arith.andi %add3A_351, %broadcast_in_dim3A_191 : vector<16xi32>
          %gather3A_356 = tpu.vector_load_idx %arg18[%shift_right_logical3A_354, %and3A_355] : memref<4096x8xf32, #tpu.memory_space<vmem>>[vector<16xi32>, vector<16xi32>], vector<16xf32>,
          %mul3A_357 = arith.mulf %get3A_174, %sub3A_187 : vector<16xf32>
          %mul3A_358 = arith.mulf %sub3A_181, %sub3A_187 : vector<16xf32>
          %mul3A_359 = arith.mulf %mul3A_335, %sub3A_187 : vector<16xf32>
          %mul3A_360 = arith.mulf %mul3A_359, %gather3A_356 : vector<16xf32>
          %add3A_361 = arith.addf %add3A_288, %mul3A_360 : vector<16xf32>
          %add3A_362 = arith.constant 1 : i32
          %add3A_363 = vector.broadcast %add3A_362 : i32 to vector<16xi32>
          %add3A_364 = arith.addi %add3A_348, %add3A_363 : vector<16xi32>
          %shift_right_logical3A_365 = arith.constant 3 : i32
          %shift_right_logical3A_366 = vector.broadcast %shift_right_logical3A_365 : i32 to vector<16xi32>
          %shift_right_logical3A_367 = arith.shrui %add3A_364, %shift_right_logical3A_366 : vector<16xi32>
          %and3A_368 = arith.andi %add3A_364, %broadcast_in_dim3A_191 : vector<16xi32>
          %gather3A_369 = tpu.vector_load_idx %arg18[%shift_right_logical3A_367, %and3A_368] : memref<4096x8xf32, #tpu.memory_space<vmem>>[vector<16xi32>, vector<16xi32>], vector<16xf32>,
          %mul3A_370 = arith.mulf %mul3A_359, %gather3A_369 : vector<16xf32>
          %add3A_371 = arith.addf %add3A_298, %mul3A_370 : vector<16xf32>
          %add3A_372 = arith.constant 2 : i32
          %add3A_373 = vector.broadcast %add3A_372 : i32 to vector<16xi32>
          %add3A_374 = arith.addi %add3A_348, %add3A_373 : vector<16xi32>
          %shift_right_logical3A_375 = arith.constant 3 : i32
          %shift_right_logical3A_376 = vector.broadcast %shift_right_logical3A_375 : i32 to vector<16xi32>
          %shift_right_logical3A_377 = arith.shrui %add3A_374, %shift_right_logical3A_376 : vector<16xi32>
          %and3A_378 = arith.andi %add3A_374, %broadcast_in_dim3A_191 : vector<16xi32>
          %gather3A_379 = tpu.vector_load_idx %arg18[%shift_right_logical3A_377, %and3A_378] : memref<4096x8xf32, #tpu.memory_space<vmem>>[vector<16xi32>, vector<16xi32>], vector<16xf32>,
          %mul3A_380 = arith.mulf %mul3A_359, %gather3A_379 : vector<16xf32>
          %add3A_381 = arith.addf %add3A_308, %mul3A_380 : vector<16xf32>
          %add3A_382 = arith.constant 3 : i32
          %add3A_383 = vector.broadcast %add3A_382 : i32 to vector<16xi32>
          %add3A_384 = arith.addi %add3A_348, %add3A_383 : vector<16xi32>
          %shift_right_logical3A_385 = arith.constant 3 : i32
          %shift_right_logical3A_386 = vector.broadcast %shift_right_logical3A_385 : i32 to vector<16xi32>
          %shift_right_logical3A_387 = arith.shrui %add3A_384, %shift_right_logical3A_386 : vector<16xi32>
          %and3A_388 = arith.andi %add3A_384, %broadcast_in_dim3A_191 : vector<16xi32>
          %gather3A_389 = tpu.vector_load_idx %arg18[%shift_right_logical3A_387, %and3A_388] : memref<4096x8xf32, #tpu.memory_space<vmem>>[vector<16xi32>, vector<16xi32>], vector<16xf32>,
          %mul3A_390 = arith.mulf %mul3A_359, %gather3A_389 : vector<16xf32>
          %add3A_391 = arith.addf %add3A_318, %mul3A_390 : vector<16xf32>
          %add3A_392 = arith.constant 4 : i32
          %add3A_393 = vector.broadcast %add3A_392 : i32 to vector<16xi32>
          %add3A_394 = arith.addi %add3A_348, %add3A_393 : vector<16xi32>
          %shift_right_logical3A_395 = arith.constant 3 : i32
          %shift_right_logical3A_396 = vector.broadcast %shift_right_logical3A_395 : i32 to vector<16xi32>
          %shift_right_logical3A_397 = arith.shrui %add3A_394, %shift_right_logical3A_396 : vector<16xi32>
          %and3A_398 = arith.andi %add3A_394, %broadcast_in_dim3A_191 : vector<16xi32>
          %gather3A_399 = tpu.vector_load_idx %arg18[%shift_right_logical3A_397, %and3A_398] : memref<4096x8xf32, #tpu.memory_space<vmem>>[vector<16xi32>, vector<16xi32>], vector<16xf32>,
          %mul3A_400 = arith.mulf %mul3A_359, %gather3A_399 : vector<16xf32>
          %add3A_401 = arith.addf %add3A_328, %mul3A_400 : vector<16xf32>
          %mul3A_402 = arith.mulf %mul3A_357, %gather3A_356 : vector<16xf32>
          %sub3A_403 = arith.subf %sub3A_330, %mul3A_402 : vector<16xf32>
          %mul3A_404 = arith.mulf %mul3A_358, %gather3A_356 : vector<16xf32>
          %add3A_405 = arith.addf %sub3A_332, %mul3A_404 : vector<16xf32>
          %mul3A_406 = arith.mulf %mul3A_335, %gather3A_356 : vector<16xf32>
          %sub3A_407 = arith.subf %add3A_334, %mul3A_406 : vector<16xf32>
          %add3A_408 = arith.constant 48 : i32
          %add3A_409 = arith.addi %mul3A_189, %add3A_408 : i32
          %add3A_410 = vector.broadcast %add3A_409 : i32 to vector<16xi32>
          %add3A_411 = arith.addi %add3A_410, %iota3A : vector<16xi32>
          %mul3A_412 = arith.constant 16 : i32
          %mul3A_413 = vector.broadcast %mul3A_412 : i32 to vector<16xi32>
          %mul3A_414 = arith.muli %add3A_411, %mul3A_413 : vector<16xi32>
          %get3A_415 = arith.constant 3 : i32
          %get3A_416 = arith.index_cast %scan3A_142 : i32 to index
          %get3A_417 = arith.index_cast %get3A_415 : i32 to index
          %get3A_418 = arith.constant 0 : index
          %get3A_419 = tpu.vector_load %arg16[%get3A_416, %get3A_417, %get3A_418] {strides = array<i32>} : memref<16x8x16xi32, #tpu.memory_space<vmem>>, vector<16xi32>,
          %add3A_420 = arith.addi %mul3A_414, %get3A_419 : vector<16xi32>
          %add3A_421 = arith.constant 0 : i32
          %add3A_422 = vector.broadcast %add3A_421 : i32 to vector<16xi32>
          %add3A_423 = arith.addi %add3A_420, %add3A_422 : vector<16xi32>
          %shift_right_logical3A_424 = arith.constant 3 : i32
          %shift_right_logical3A_425 = vector.broadcast %shift_right_logical3A_424 : i32 to vector<16xi32>
          %shift_right_logical3A_426 = arith.shrui %add3A_423, %shift_right_logical3A_425 : vector<16xi32>
          %and3A_427 = arith.andi %add3A_423, %broadcast_in_dim3A_191 : vector<16xi32>
          %gather3A_428 = tpu.vector_load_idx %arg18[%shift_right_logical3A_426, %and3A_427] : memref<4096x8xf32, #tpu.memory_space<vmem>>[vector<16xi32>, vector<16xi32>], vector<16xf32>,
          %mul3A_429 = arith.mulf %get3A_174, %get3A_179 : vector<16xf32>
          %mul3A_430 = arith.mulf %sub3A_181, %get3A_179 : vector<16xf32>
          %mul3A_431 = arith.mulf %mul3A_335, %get3A_179 : vector<16xf32>
          %mul3A_432 = arith.mulf %mul3A_431, %gather3A_428 : vector<16xf32>
          %add3A_433 = arith.addf %add3A_361, %mul3A_432 : vector<16xf32>
          %add3A_434 = arith.constant 1 : i32
          %add3A_435 = vector.broadcast %add3A_434 : i32 to vector<16xi32>
          %add3A_436 = arith.addi %add3A_420, %add3A_435 : vector<16xi32>
          %shift_right_logical3A_437 = arith.constant 3 : i32
          %shift_right_logical3A_438 = vector.broadcast %shift_right_logical3A_437 : i32 to vector<16xi32>
          %shift_right_logical3A_439 = arith.shrui %add3A_436, %shift_right_logical3A_438 : vector<16xi32>
          %and3A_440 = arith.andi %add3A_436, %broadcast_in_dim3A_191 : vector<16xi32>
          %gather3A_441 = tpu.vector_load_idx %arg18[%shift_right_logical3A_439, %and3A_440] : memref<4096x8xf32, #tpu.memory_space<vmem>>[vector<16xi32>, vector<16xi32>], vector<16xf32>,
          %mul3A_442 = arith.mulf %mul3A_431, %gather3A_441 : vector<16xf32>
          %add3A_443 = arith.addf %add3A_371, %mul3A_442 : vector<16xf32>
          %add3A_444 = arith.constant 2 : i32
          %add3A_445 = vector.broadcast %add3A_444 : i32 to vector<16xi32>
          %add3A_446 = arith.addi %add3A_420, %add3A_445 : vector<16xi32>
          %shift_right_logical3A_447 = arith.constant 3 : i32
          %shift_right_logical3A_448 = vector.broadcast %shift_right_logical3A_447 : i32 to vector<16xi32>
          %shift_right_logical3A_449 = arith.shrui %add3A_446, %shift_right_logical3A_448 : vector<16xi32>
          %and3A_450 = arith.andi %add3A_446, %broadcast_in_dim3A_191 : vector<16xi32>
          %gather3A_451 = tpu.vector_load_idx %arg18[%shift_right_logical3A_449, %and3A_450] : memref<4096x8xf32, #tpu.memory_space<vmem>>[vector<16xi32>, vector<16xi32>], vector<16xf32>,
          %mul3A_452 = arith.mulf %mul3A_431, %gather3A_451 : vector<16xf32>
          %add3A_453 = arith.addf %add3A_381, %mul3A_452 : vector<16xf32>
          %add3A_454 = arith.constant 3 : i32
          %add3A_455 = vector.broadcast %add3A_454 : i32 to vector<16xi32>
          %add3A_456 = arith.addi %add3A_420, %add3A_455 : vector<16xi32>
          %shift_right_logical3A_457 = arith.constant 3 : i32
          %shift_right_logical3A_458 = vector.broadcast %shift_right_logical3A_457 : i32 to vector<16xi32>
          %shift_right_logical3A_459 = arith.shrui %add3A_456, %shift_right_logical3A_458 : vector<16xi32>
          %and3A_460 = arith.andi %add3A_456, %broadcast_in_dim3A_191 : vector<16xi32>
          %gather3A_461 = tpu.vector_load_idx %arg18[%shift_right_logical3A_459, %and3A_460] : memref<4096x8xf32, #tpu.memory_space<vmem>>[vector<16xi32>, vector<16xi32>], vector<16xf32>,
          %mul3A_462 = arith.mulf %mul3A_431, %gather3A_461 : vector<16xf32>
          %add3A_463 = arith.addf %add3A_391, %mul3A_462 : vector<16xf32>
          %add3A_464 = arith.constant 4 : i32
          %add3A_465 = vector.broadcast %add3A_464 : i32 to vector<16xi32>
          %add3A_466 = arith.addi %add3A_420, %add3A_465 : vector<16xi32>
          %shift_right_logical3A_467 = arith.constant 3 : i32
          %shift_right_logical3A_468 = vector.broadcast %shift_right_logical3A_467 : i32 to vector<16xi32>
          %shift_right_logical3A_469 = arith.shrui %add3A_466, %shift_right_logical3A_468 : vector<16xi32>
          %and3A_470 = arith.andi %add3A_466, %broadcast_in_dim3A_191 : vector<16xi32>
          %gather3A_471 = tpu.vector_load_idx %arg18[%shift_right_logical3A_469, %and3A_470] : memref<4096x8xf32, #tpu.memory_space<vmem>>[vector<16xi32>, vector<16xi32>], vector<16xf32>,
          %mul3A_472 = arith.mulf %mul3A_431, %gather3A_471 : vector<16xf32>
          %add3A_473 = arith.addf %add3A_401, %mul3A_472 : vector<16xf32>
          %mul3A_474 = arith.mulf %mul3A_429, %gather3A_428 : vector<16xf32>
          %sub3A_475 = arith.subf %sub3A_403, %mul3A_474 : vector<16xf32>
          %mul3A_476 = arith.mulf %mul3A_430, %gather3A_428 : vector<16xf32>
          %add3A_477 = arith.addf %add3A_405, %mul3A_476 : vector<16xf32>
          %mul3A_478 = arith.mulf %mul3A_335, %gather3A_428 : vector<16xf32>
          %add3A_479 = arith.addf %sub3A_407, %mul3A_478 : vector<16xf32>
          %mul3A_480 = arith.mulf %get3A_169, %sub3A_184 : vector<16xf32>
          %add3A_481 = arith.constant 64 : i32
          %add3A_482 = arith.addi %mul3A_189, %add3A_481 : i32
          %add3A_483 = vector.broadcast %add3A_482 : i32 to vector<16xi32>
          %add3A_484 = arith.addi %add3A_483, %iota3A : vector<16xi32>
          %mul3A_485 = arith.constant 16 : i32
          %mul3A_486 = vector.broadcast %mul3A_485 : i32 to vector<16xi32>
          %mul3A_487 = arith.muli %add3A_484, %mul3A_486 : vector<16xi32>
          %get3A_488 = arith.constant 4 : i32
          %get3A_489 = arith.index_cast %scan3A_142 : i32 to index
          %get3A_490 = arith.index_cast %get3A_488 : i32 to index
          %get3A_491 = arith.constant 0 : index
          %get3A_492 = tpu.vector_load %arg16[%get3A_489, %get3A_490, %get3A_491] {strides = array<i32>} : memref<16x8x16xi32, #tpu.memory_space<vmem>>, vector<16xi32>,
          %add3A_493 = arith.addi %mul3A_487, %get3A_492 : vector<16xi32>
          %add3A_494 = arith.constant 0 : i32
          %add3A_495 = vector.broadcast %add3A_494 : i32 to vector<16xi32>
          %add3A_496 = arith.addi %add3A_493, %add3A_495 : vector<16xi32>
          %shift_right_logical3A_497 = arith.constant 3 : i32
          %shift_right_logical3A_498 = vector.broadcast %shift_right_logical3A_497 : i32 to vector<16xi32>
          %shift_right_logical3A_499 = arith.shrui %add3A_496, %shift_right_logical3A_498 : vector<16xi32>
          %and3A_500 = arith.andi %add3A_496, %broadcast_in_dim3A_191 : vector<16xi32>
          %gather3A_501 = tpu.vector_load_idx %arg18[%shift_right_logical3A_499, %and3A_500] : memref<4096x8xf32, #tpu.memory_space<vmem>>[vector<16xi32>, vector<16xi32>], vector<16xf32>,
          %mul3A_502 = arith.mulf %sub3A_184, %sub3A_187 : vector<16xf32>
          %mul3A_503 = arith.mulf %get3A_169, %sub3A_187 : vector<16xf32>
          %mul3A_504 = arith.mulf %mul3A_480, %sub3A_187 : vector<16xf32>
          %mul3A_505 = arith.mulf %mul3A_504, %gather3A_501 : vector<16xf32>
          %add3A_506 = arith.addf %add3A_433, %mul3A_505 : vector<16xf32>
          %add3A_507 = arith.constant 1 : i32
          %add3A_508 = vector.broadcast %add3A_507 : i32 to vector<16xi32>
          %add3A_509 = arith.addi %add3A_493, %add3A_508 : vector<16xi32>
          %shift_right_logical3A_510 = arith.constant 3 : i32
          %shift_right_logical3A_511 = vector.broadcast %shift_right_logical3A_510 : i32 to vector<16xi32>
          %shift_right_logical3A_512 = arith.shrui %add3A_509, %shift_right_logical3A_511 : vector<16xi32>
          %and3A_513 = arith.andi %add3A_509, %broadcast_in_dim3A_191 : vector<16xi32>
          %gather3A_514 = tpu.vector_load_idx %arg18[%shift_right_logical3A_512, %and3A_513] : memref<4096x8xf32, #tpu.memory_space<vmem>>[vector<16xi32>, vector<16xi32>], vector<16xf32>,
          %mul3A_515 = arith.mulf %mul3A_504, %gather3A_514 : vector<16xf32>
          %add3A_516 = arith.addf %add3A_443, %mul3A_515 : vector<16xf32>
          %add3A_517 = arith.constant 2 : i32
          %add3A_518 = vector.broadcast %add3A_517 : i32 to vector<16xi32>
          %add3A_519 = arith.addi %add3A_493, %add3A_518 : vector<16xi32>
          %shift_right_logical3A_520 = arith.constant 3 : i32
          %shift_right_logical3A_521 = vector.broadcast %shift_right_logical3A_520 : i32 to vector<16xi32>
          %shift_right_logical3A_522 = arith.shrui %add3A_519, %shift_right_logical3A_521 : vector<16xi32>
          %and3A_523 = arith.andi %add3A_519, %broadcast_in_dim3A_191 : vector<16xi32>
          %gather3A_524 = tpu.vector_load_idx %arg18[%shift_right_logical3A_522, %and3A_523] : memref<4096x8xf32, #tpu.memory_space<vmem>>[vector<16xi32>, vector<16xi32>], vector<16xf32>,
          %mul3A_525 = arith.mulf %mul3A_504, %gather3A_524 : vector<16xf32>
          %add3A_526 = arith.addf %add3A_453, %mul3A_525 : vector<16xf32>
          %add3A_527 = arith.constant 3 : i32
          %add3A_528 = vector.broadcast %add3A_527 : i32 to vector<16xi32>
          %add3A_529 = arith.addi %add3A_493, %add3A_528 : vector<16xi32>
          %shift_right_logical3A_530 = arith.constant 3 : i32
          %shift_right_logical3A_531 = vector.broadcast %shift_right_logical3A_530 : i32 to vector<16xi32>
          %shift_right_logical3A_532 = arith.shrui %add3A_529, %shift_right_logical3A_531 : vector<16xi32>
          %and3A_533 = arith.andi %add3A_529, %broadcast_in_dim3A_191 : vector<16xi32>
          %gather3A_534 = tpu.vector_load_idx %arg18[%shift_right_logical3A_532, %and3A_533] : memref<4096x8xf32, #tpu.memory_space<vmem>>[vector<16xi32>, vector<16xi32>], vector<16xf32>,
          %mul3A_535 = arith.mulf %mul3A_504, %gather3A_534 : vector<16xf32>
          %add3A_536 = arith.addf %add3A_463, %mul3A_535 : vector<16xf32>
          %add3A_537 = arith.constant 4 : i32
          %add3A_538 = vector.broadcast %add3A_537 : i32 to vector<16xi32>
          %add3A_539 = arith.addi %add3A_493, %add3A_538 : vector<16xi32>
          %shift_right_logical3A_540 = arith.constant 3 : i32
          %shift_right_logical3A_541 = vector.broadcast %shift_right_logical3A_540 : i32 to vector<16xi32>
          %shift_right_logical3A_542 = arith.shrui %add3A_539, %shift_right_logical3A_541 : vector<16xi32>
          %and3A_543 = arith.andi %add3A_539, %broadcast_in_dim3A_191 : vector<16xi32>
          %gather3A_544 = tpu.vector_load_idx %arg18[%shift_right_logical3A_542, %and3A_543] : memref<4096x8xf32, #tpu.memory_space<vmem>>[vector<16xi32>, vector<16xi32>], vector<16xf32>,
          %mul3A_545 = arith.mulf %mul3A_504, %gather3A_544 : vector<16xf32>
          %add3A_546 = arith.addf %add3A_473, %mul3A_545 : vector<16xf32>
          %mul3A_547 = arith.mulf %mul3A_502, %gather3A_501 : vector<16xf32>
          %add3A_548 = arith.addf %sub3A_475, %mul3A_547 : vector<16xf32>
          %mul3A_549 = arith.mulf %mul3A_503, %gather3A_501 : vector<16xf32>
          %sub3A_550 = arith.subf %add3A_477, %mul3A_549 : vector<16xf32>
          %mul3A_551 = arith.mulf %mul3A_480, %gather3A_501 : vector<16xf32>
          %sub3A_552 = arith.subf %add3A_479, %mul3A_551 : vector<16xf32>
          %add3A_553 = arith.constant 80 : i32
          %add3A_554 = arith.addi %mul3A_189, %add3A_553 : i32
          %add3A_555 = vector.broadcast %add3A_554 : i32 to vector<16xi32>
          %add3A_556 = arith.addi %add3A_555, %iota3A : vector<16xi32>
          %mul3A_557 = arith.constant 16 : i32
          %mul3A_558 = vector.broadcast %mul3A_557 : i32 to vector<16xi32>
          %mul3A_559 = arith.muli %add3A_556, %mul3A_558 : vector<16xi32>
          %get3A_560 = arith.constant 5 : i32
          %get3A_561 = arith.index_cast %scan3A_142 : i32 to index
          %get3A_562 = arith.index_cast %get3A_560 : i32 to index
          %get3A_563 = arith.constant 0 : index
          %get3A_564 = tpu.vector_load %arg16[%get3A_561, %get3A_562, %get3A_563] {strides = array<i32>} : memref<16x8x16xi32, #tpu.memory_space<vmem>>, vector<16xi32>,
          %add3A_565 = arith.addi %mul3A_559, %get3A_564 : vector<16xi32>
          %add3A_566 = arith.constant 0 : i32
          %add3A_567 = vector.broadcast %add3A_566 : i32 to vector<16xi32>
          %add3A_568 = arith.addi %add3A_565, %add3A_567 : vector<16xi32>
          %shift_right_logical3A_569 = arith.constant 3 : i32
          %shift_right_logical3A_570 = vector.broadcast %shift_right_logical3A_569 : i32 to vector<16xi32>
          %shift_right_logical3A_571 = arith.shrui %add3A_568, %shift_right_logical3A_570 : vector<16xi32>
          %and3A_572 = arith.andi %add3A_568, %broadcast_in_dim3A_191 : vector<16xi32>
          %gather3A_573 = tpu.vector_load_idx %arg18[%shift_right_logical3A_571, %and3A_572] : memref<4096x8xf32, #tpu.memory_space<vmem>>[vector<16xi32>, vector<16xi32>], vector<16xf32>,
          %mul3A_574 = arith.mulf %sub3A_184, %get3A_179 : vector<16xf32>
          %mul3A_575 = arith.mulf %get3A_169, %get3A_179 : vector<16xf32>
          %mul3A_576 = arith.mulf %mul3A_480, %get3A_179 : vector<16xf32>
          %mul3A_577 = arith.mulf %mul3A_576, %gather3A_573 : vector<16xf32>
          %add3A_578 = arith.addf %add3A_506, %mul3A_577 : vector<16xf32>
          %add3A_579 = arith.constant 1 : i32
          %add3A_580 = vector.broadcast %add3A_579 : i32 to vector<16xi32>
          %add3A_581 = arith.addi %add3A_565, %add3A_580 : vector<16xi32>
          %shift_right_logical3A_582 = arith.constant 3 : i32
          %shift_right_logical3A_583 = vector.broadcast %shift_right_logical3A_582 : i32 to vector<16xi32>
          %shift_right_logical3A_584 = arith.shrui %add3A_581, %shift_right_logical3A_583 : vector<16xi32>
          %and3A_585 = arith.andi %add3A_581, %broadcast_in_dim3A_191 : vector<16xi32>
          %gather3A_586 = tpu.vector_load_idx %arg18[%shift_right_logical3A_584, %and3A_585] : memref<4096x8xf32, #tpu.memory_space<vmem>>[vector<16xi32>, vector<16xi32>], vector<16xf32>,
          %mul3A_587 = arith.mulf %mul3A_576, %gather3A_586 : vector<16xf32>
          %add3A_588 = arith.addf %add3A_516, %mul3A_587 : vector<16xf32>
          %add3A_589 = arith.constant 2 : i32
          %add3A_590 = vector.broadcast %add3A_589 : i32 to vector<16xi32>
          %add3A_591 = arith.addi %add3A_565, %add3A_590 : vector<16xi32>
          %shift_right_logical3A_592 = arith.constant 3 : i32
          %shift_right_logical3A_593 = vector.broadcast %shift_right_logical3A_592 : i32 to vector<16xi32>
          %shift_right_logical3A_594 = arith.shrui %add3A_591, %shift_right_logical3A_593 : vector<16xi32>
          %and3A_595 = arith.andi %add3A_591, %broadcast_in_dim3A_191 : vector<16xi32>
          %gather3A_596 = tpu.vector_load_idx %arg18[%shift_right_logical3A_594, %and3A_595] : memref<4096x8xf32, #tpu.memory_space<vmem>>[vector<16xi32>, vector<16xi32>], vector<16xf32>,
          %mul3A_597 = arith.mulf %mul3A_576, %gather3A_596 : vector<16xf32>
          %add3A_598 = arith.addf %add3A_526, %mul3A_597 : vector<16xf32>
          %add3A_599 = arith.constant 3 : i32
          %add3A_600 = vector.broadcast %add3A_599 : i32 to vector<16xi32>
          %add3A_601 = arith.addi %add3A_565, %add3A_600 : vector<16xi32>
          %shift_right_logical3A_602 = arith.constant 3 : i32
          %shift_right_logical3A_603 = vector.broadcast %shift_right_logical3A_602 : i32 to vector<16xi32>
          %shift_right_logical3A_604 = arith.shrui %add3A_601, %shift_right_logical3A_603 : vector<16xi32>
          %and3A_605 = arith.andi %add3A_601, %broadcast_in_dim3A_191 : vector<16xi32>
          %gather3A_606 = tpu.vector_load_idx %arg18[%shift_right_logical3A_604, %and3A_605] : memref<4096x8xf32, #tpu.memory_space<vmem>>[vector<16xi32>, vector<16xi32>], vector<16xf32>,
          %mul3A_607 = arith.mulf %mul3A_576, %gather3A_606 : vector<16xf32>
          %add3A_608 = arith.addf %add3A_536, %mul3A_607 : vector<16xf32>
          %add3A_609 = arith.constant 4 : i32
          %add3A_610 = vector.broadcast %add3A_609 : i32 to vector<16xi32>
          %add3A_611 = arith.addi %add3A_565, %add3A_610 : vector<16xi32>
          %shift_right_logical3A_612 = arith.constant 3 : i32
          %shift_right_logical3A_613 = vector.broadcast %shift_right_logical3A_612 : i32 to vector<16xi32>
          %shift_right_logical3A_614 = arith.shrui %add3A_611, %shift_right_logical3A_613 : vector<16xi32>
          %and3A_615 = arith.andi %add3A_611, %broadcast_in_dim3A_191 : vector<16xi32>
          %gather3A_616 = tpu.vector_load_idx %arg18[%shift_right_logical3A_614, %and3A_615] : memref<4096x8xf32, #tpu.memory_space<vmem>>[vector<16xi32>, vector<16xi32>], vector<16xf32>,
          %mul3A_617 = arith.mulf %mul3A_576, %gather3A_616 : vector<16xf32>
          %add3A_618 = arith.addf %add3A_546, %mul3A_617 : vector<16xf32>
          %mul3A_619 = arith.mulf %mul3A_574, %gather3A_573 : vector<16xf32>
          %add3A_620 = arith.addf %add3A_548, %mul3A_619 : vector<16xf32>
          %mul3A_621 = arith.mulf %mul3A_575, %gather3A_573 : vector<16xf32>
          %sub3A_622 = arith.subf %sub3A_550, %mul3A_621 : vector<16xf32>
          %mul3A_623 = arith.mulf %mul3A_480, %gather3A_573 : vector<16xf32>
          %add3A_624 = arith.addf %sub3A_552, %mul3A_623 : vector<16xf32>
          %mul3A_625 = arith.mulf %get3A_169, %get3A_174 : vector<16xf32>
          %add3A_626 = arith.constant 96 : i32
          %add3A_627 = arith.addi %mul3A_189, %add3A_626 : i32
          %add3A_628 = vector.broadcast %add3A_627 : i32 to vector<16xi32>
          %add3A_629 = arith.addi %add3A_628, %iota3A : vector<16xi32>
          %mul3A_630 = arith.constant 16 : i32
          %mul3A_631 = vector.broadcast %mul3A_630 : i32 to vector<16xi32>
          %mul3A_632 = arith.muli %add3A_629, %mul3A_631 : vector<16xi32>
          %get3A_633 = arith.constant 6 : i32
          %get3A_634 = arith.index_cast %scan3A_142 : i32 to index
          %get3A_635 = arith.index_cast %get3A_633 : i32 to index
          %get3A_636 = arith.constant 0 : index
          %get3A_637 = tpu.vector_load %arg16[%get3A_634, %get3A_635, %get3A_636] {strides = array<i32>} : memref<16x8x16xi32, #tpu.memory_space<vmem>>, vector<16xi32>,
          %add3A_638 = arith.addi %mul3A_632, %get3A_637 : vector<16xi32>
          %add3A_639 = arith.constant 0 : i32
          %add3A_640 = vector.broadcast %add3A_639 : i32 to vector<16xi32>
          %add3A_641 = arith.addi %add3A_638, %add3A_640 : vector<16xi32>
          %shift_right_logical3A_642 = arith.constant 3 : i32
          %shift_right_logical3A_643 = vector.broadcast %shift_right_logical3A_642 : i32 to vector<16xi32>
          %shift_right_logical3A_644 = arith.shrui %add3A_641, %shift_right_logical3A_643 : vector<16xi32>
          %and3A_645 = arith.andi %add3A_641, %broadcast_in_dim3A_191 : vector<16xi32>
          %gather3A_646 = tpu.vector_load_idx %arg18[%shift_right_logical3A_644, %and3A_645] : memref<4096x8xf32, #tpu.memory_space<vmem>>[vector<16xi32>, vector<16xi32>], vector<16xf32>,
          %mul3A_647 = arith.mulf %get3A_174, %sub3A_187 : vector<16xf32>
          %mul3A_648 = arith.mulf %get3A_169, %sub3A_187 : vector<16xf32>
          %mul3A_649 = arith.mulf %mul3A_625, %sub3A_187 : vector<16xf32>
          %mul3A_650 = arith.mulf %mul3A_649, %gather3A_646 : vector<16xf32>
          %add3A_651 = arith.addf %add3A_578, %mul3A_650 : vector<16xf32>
          %add3A_652 = arith.constant 1 : i32
          %add3A_653 = vector.broadcast %add3A_652 : i32 to vector<16xi32>
          %add3A_654 = arith.addi %add3A_638, %add3A_653 : vector<16xi32>
          %shift_right_logical3A_655 = arith.constant 3 : i32
          %shift_right_logical3A_656 = vector.broadcast %shift_right_logical3A_655 : i32 to vector<16xi32>
          %shift_right_logical3A_657 = arith.shrui %add3A_654, %shift_right_logical3A_656 : vector<16xi32>
          %and3A_658 = arith.andi %add3A_654, %broadcast_in_dim3A_191 : vector<16xi32>
          %gather3A_659 = tpu.vector_load_idx %arg18[%shift_right_logical3A_657, %and3A_658] : memref<4096x8xf32, #tpu.memory_space<vmem>>[vector<16xi32>, vector<16xi32>], vector<16xf32>,
          %mul3A_660 = arith.mulf %mul3A_649, %gather3A_659 : vector<16xf32>
          %add3A_661 = arith.addf %add3A_588, %mul3A_660 : vector<16xf32>
          %add3A_662 = arith.constant 2 : i32
          %add3A_663 = vector.broadcast %add3A_662 : i32 to vector<16xi32>
          %add3A_664 = arith.addi %add3A_638, %add3A_663 : vector<16xi32>
          %shift_right_logical3A_665 = arith.constant 3 : i32
          %shift_right_logical3A_666 = vector.broadcast %shift_right_logical3A_665 : i32 to vector<16xi32>
          %shift_right_logical3A_667 = arith.shrui %add3A_664, %shift_right_logical3A_666 : vector<16xi32>
          %and3A_668 = arith.andi %add3A_664, %broadcast_in_dim3A_191 : vector<16xi32>
          %gather3A_669 = tpu.vector_load_idx %arg18[%shift_right_logical3A_667, %and3A_668] : memref<4096x8xf32, #tpu.memory_space<vmem>>[vector<16xi32>, vector<16xi32>], vector<16xf32>,
          %mul3A_670 = arith.mulf %mul3A_649, %gather3A_669 : vector<16xf32>
          %add3A_671 = arith.addf %add3A_598, %mul3A_670 : vector<16xf32>
          %add3A_672 = arith.constant 3 : i32
          %add3A_673 = vector.broadcast %add3A_672 : i32 to vector<16xi32>
          %add3A_674 = arith.addi %add3A_638, %add3A_673 : vector<16xi32>
          %shift_right_logical3A_675 = arith.constant 3 : i32
          %shift_right_logical3A_676 = vector.broadcast %shift_right_logical3A_675 : i32 to vector<16xi32>
          %shift_right_logical3A_677 = arith.shrui %add3A_674, %shift_right_logical3A_676 : vector<16xi32>
          %and3A_678 = arith.andi %add3A_674, %broadcast_in_dim3A_191 : vector<16xi32>
          %gather3A_679 = tpu.vector_load_idx %arg18[%shift_right_logical3A_677, %and3A_678] : memref<4096x8xf32, #tpu.memory_space<vmem>>[vector<16xi32>, vector<16xi32>], vector<16xf32>,
          %mul3A_680 = arith.mulf %mul3A_649, %gather3A_679 : vector<16xf32>
          %add3A_681 = arith.addf %add3A_608, %mul3A_680 : vector<16xf32>
          %add3A_682 = arith.constant 4 : i32
          %add3A_683 = vector.broadcast %add3A_682 : i32 to vector<16xi32>
          %add3A_684 = arith.addi %add3A_638, %add3A_683 : vector<16xi32>
          %shift_right_logical3A_685 = arith.constant 3 : i32
          %shift_right_logical3A_686 = vector.broadcast %shift_right_logical3A_685 : i32 to vector<16xi32>
          %shift_right_logical3A_687 = arith.shrui %add3A_684, %shift_right_logical3A_686 : vector<16xi32>
          %and3A_688 = arith.andi %add3A_684, %broadcast_in_dim3A_191 : vector<16xi32>
          %gather3A_689 = tpu.vector_load_idx %arg18[%shift_right_logical3A_687, %and3A_688] : memref<4096x8xf32, #tpu.memory_space<vmem>>[vector<16xi32>, vector<16xi32>], vector<16xf32>,
          %mul3A_690 = arith.mulf %mul3A_649, %gather3A_689 : vector<16xf32>
          %add3A_691 = arith.addf %add3A_618, %mul3A_690 : vector<16xf32>
          %mul3A_692 = arith.mulf %mul3A_647, %gather3A_646 : vector<16xf32>
          %add3A_693 = arith.addf %add3A_620, %mul3A_692 : vector<16xf32>
          %mul3A_694 = arith.mulf %mul3A_648, %gather3A_646 : vector<16xf32>
          %add3A_695 = arith.addf %sub3A_622, %mul3A_694 : vector<16xf32>
          %mul3A_696 = arith.mulf %mul3A_625, %gather3A_646 : vector<16xf32>
          %sub3A_697 = arith.subf %add3A_624, %mul3A_696 : vector<16xf32>
          %add3A_698 = arith.constant 112 : i32
          %add3A_699 = arith.addi %mul3A_189, %add3A_698 : i32
          %add3A_700 = vector.broadcast %add3A_699 : i32 to vector<16xi32>
          %add3A_701 = arith.addi %add3A_700, %iota3A : vector<16xi32>
          %mul3A_702 = arith.constant 16 : i32
          %mul3A_703 = vector.broadcast %mul3A_702 : i32 to vector<16xi32>
          %mul3A_704 = arith.muli %add3A_701, %mul3A_703 : vector<16xi32>
          %get3A_705 = arith.constant 7 : i32
          %get3A_706 = arith.index_cast %scan3A_142 : i32 to index
          %get3A_707 = arith.index_cast %get3A_705 : i32 to index
          %get3A_708 = arith.constant 0 : index
          %get3A_709 = tpu.vector_load %arg16[%get3A_706, %get3A_707, %get3A_708] {strides = array<i32>} : memref<16x8x16xi32, #tpu.memory_space<vmem>>, vector<16xi32>,
          %add3A_710 = arith.addi %mul3A_704, %get3A_709 : vector<16xi32>
          %add3A_711 = arith.constant 0 : i32
          %add3A_712 = vector.broadcast %add3A_711 : i32 to vector<16xi32>
          %add3A_713 = arith.addi %add3A_710, %add3A_712 : vector<16xi32>
          %shift_right_logical3A_714 = arith.constant 3 : i32
          %shift_right_logical3A_715 = vector.broadcast %shift_right_logical3A_714 : i32 to vector<16xi32>
          %shift_right_logical3A_716 = arith.shrui %add3A_713, %shift_right_logical3A_715 : vector<16xi32>
          %and3A_717 = arith.andi %add3A_713, %broadcast_in_dim3A_191 : vector<16xi32>
          %gather3A_718 = tpu.vector_load_idx %arg18[%shift_right_logical3A_716, %and3A_717] : memref<4096x8xf32, #tpu.memory_space<vmem>>[vector<16xi32>, vector<16xi32>], vector<16xf32>,
          %mul3A_719 = arith.mulf %get3A_174, %get3A_179 : vector<16xf32>
          %mul3A_720 = arith.mulf %get3A_169, %get3A_179 : vector<16xf32>
          %mul3A_721 = arith.mulf %mul3A_625, %get3A_179 : vector<16xf32>
          %mul3A_722 = arith.mulf %mul3A_721, %gather3A_718 : vector<16xf32>
          %add3A_723 = arith.addf %add3A_651, %mul3A_722 : vector<16xf32>
          %add3A_724 = arith.constant 1 : i32
          %add3A_725 = vector.broadcast %add3A_724 : i32 to vector<16xi32>
          %add3A_726 = arith.addi %add3A_710, %add3A_725 : vector<16xi32>
          %shift_right_logical3A_727 = arith.constant 3 : i32
          %shift_right_logical3A_728 = vector.broadcast %shift_right_logical3A_727 : i32 to vector<16xi32>
          %shift_right_logical3A_729 = arith.shrui %add3A_726, %shift_right_logical3A_728 : vector<16xi32>
          %and3A_730 = arith.andi %add3A_726, %broadcast_in_dim3A_191 : vector<16xi32>
          %gather3A_731 = tpu.vector_load_idx %arg18[%shift_right_logical3A_729, %and3A_730] : memref<4096x8xf32, #tpu.memory_space<vmem>>[vector<16xi32>, vector<16xi32>], vector<16xf32>,
          %mul3A_732 = arith.mulf %mul3A_721, %gather3A_731 : vector<16xf32>
          %add3A_733 = arith.addf %add3A_661, %mul3A_732 : vector<16xf32>
          %add3A_734 = arith.constant 2 : i32
          %add3A_735 = vector.broadcast %add3A_734 : i32 to vector<16xi32>
          %add3A_736 = arith.addi %add3A_710, %add3A_735 : vector<16xi32>
          %shift_right_logical3A_737 = arith.constant 3 : i32
          %shift_right_logical3A_738 = vector.broadcast %shift_right_logical3A_737 : i32 to vector<16xi32>
          %shift_right_logical3A_739 = arith.shrui %add3A_736, %shift_right_logical3A_738 : vector<16xi32>
          %and3A_740 = arith.andi %add3A_736, %broadcast_in_dim3A_191 : vector<16xi32>
          %gather3A_741 = tpu.vector_load_idx %arg18[%shift_right_logical3A_739, %and3A_740] : memref<4096x8xf32, #tpu.memory_space<vmem>>[vector<16xi32>, vector<16xi32>], vector<16xf32>,
          %mul3A_742 = arith.mulf %mul3A_721, %gather3A_741 : vector<16xf32>
          %add3A_743 = arith.addf %add3A_671, %mul3A_742 : vector<16xf32>
          %add3A_744 = arith.constant 3 : i32
          %add3A_745 = vector.broadcast %add3A_744 : i32 to vector<16xi32>
          %add3A_746 = arith.addi %add3A_710, %add3A_745 : vector<16xi32>
          %shift_right_logical3A_747 = arith.constant 3 : i32
          %shift_right_logical3A_748 = vector.broadcast %shift_right_logical3A_747 : i32 to vector<16xi32>
          %shift_right_logical3A_749 = arith.shrui %add3A_746, %shift_right_logical3A_748 : vector<16xi32>
          %and3A_750 = arith.andi %add3A_746, %broadcast_in_dim3A_191 : vector<16xi32>
          %gather3A_751 = tpu.vector_load_idx %arg18[%shift_right_logical3A_749, %and3A_750] : memref<4096x8xf32, #tpu.memory_space<vmem>>[vector<16xi32>, vector<16xi32>], vector<16xf32>,
          %mul3A_752 = arith.mulf %mul3A_721, %gather3A_751 : vector<16xf32>
          %add3A_753 = arith.addf %add3A_681, %mul3A_752 : vector<16xf32>
          %add3A_754 = arith.constant 4 : i32
          %add3A_755 = vector.broadcast %add3A_754 : i32 to vector<16xi32>
          %add3A_756 = arith.addi %add3A_710, %add3A_755 : vector<16xi32>
          %shift_right_logical3A_757 = arith.constant 3 : i32
          %shift_right_logical3A_758 = vector.broadcast %shift_right_logical3A_757 : i32 to vector<16xi32>
          %shift_right_logical3A_759 = arith.shrui %add3A_756, %shift_right_logical3A_758 : vector<16xi32>
          %and3A_760 = arith.andi %add3A_756, %broadcast_in_dim3A_191 : vector<16xi32>
          %gather3A_761 = tpu.vector_load_idx %arg18[%shift_right_logical3A_759, %and3A_760] : memref<4096x8xf32, #tpu.memory_space<vmem>>[vector<16xi32>, vector<16xi32>], vector<16xf32>,
          %mul3A_762 = arith.mulf %mul3A_721, %gather3A_761 : vector<16xf32>
          %add3A_763 = arith.addf %add3A_691, %mul3A_762 : vector<16xf32>
          %mul3A_764 = arith.mulf %mul3A_719, %gather3A_718 : vector<16xf32>
          %add3A_765 = arith.addf %add3A_693, %mul3A_764 : vector<16xf32>
          %mul3A_766 = arith.mulf %mul3A_720, %gather3A_718 : vector<16xf32>
          %add3A_767 = arith.addf %add3A_695, %mul3A_766 : vector<16xf32>
          %mul3A_768 = arith.mulf %mul3A_625, %gather3A_718 : vector<16xf32>
          %add3A_769 = arith.addf %sub3A_697, %mul3A_768 : vector<16xf32>
          %le3A = arith.cmpf ole, %mul3A_164, %gather3A_52 : vector<16xf32>
          %ge3A = arith.constant 1.000000e+00 : f32
          %ge3A_770 = vector.broadcast %ge3A : f32 to vector<16xf32>
          %ge3A_771 = arith.cmpf oge, %add3A_763, %ge3A_770 : vector<16xf32>
          %and3A_772 = arith.andi %le3A, %ge3A_771 : vector<16xi1>
          %jit3A = arith.constant 1.000000e+00 : f32
          %jit3A_773 = arith.constant 0.000000e+00 : f32
          %broadcast_in_dim3A_774 = vector.broadcast %jit3A : f32 to vector<16xf32>
          %broadcast_in_dim3A_775 = vector.broadcast %jit3A_773 : f32 to vector<16xf32>
          %select_n3A = arith.select %and3A_772, %broadcast_in_dim3A_774, %broadcast_in_dim3A_775 : vector<16xi1>, vector<16xf32>
          %mul3A_776 = arith.constant 1.000000e+02 : f32
          %mul3A_777 = vector.broadcast %mul3A_776 : f32 to vector<16xf32>
          %mul3A_778 = arith.mulf %add3A_765, %mul3A_777 : vector<16xf32>
          %mul3A_779 = arith.mulf %mul3A_778, %select_n3A : vector<16xf32>
          %mul3A_780 = arith.constant 1.000000e+02 : f32
          %mul3A_781 = vector.broadcast %mul3A_780 : f32 to vector<16xf32>
          %mul3A_782 = arith.mulf %add3A_767, %mul3A_781 : vector<16xf32>
          %mul3A_783 = arith.mulf %mul3A_782, %select_n3A : vector<16xf32>
          %mul3A_784 = arith.constant 1.000000e+02 : f32
          %mul3A_785 = vector.broadcast %mul3A_784 : f32 to vector<16xf32>
          %mul3A_786 = arith.mulf %add3A_769, %mul3A_785 : vector<16xf32>
          %mul3A_787 = arith.mulf %mul3A_786, %select_n3A : vector<16xf32>
          %mul3A_788 = arith.constant 128 : i32
          %mul3A_789 = vector.broadcast %mul3A_788 : i32 to vector<16xi32>
          %mul3A_790 = arith.muli %iota3A, %mul3A_789 : vector<16xi32>
          %add3A_791 = arith.addi %mul3A_122, %scan3A_142 : i32
          %add3A_792 = vector.broadcast %add3A_791 : i32 to vector<16xi32>
          %add3A_793 = arith.addi %mul3A_790, %add3A_792 : vector<16xi32>
          %broadcast_in_dim3A_794 = arith.constant 0 : i32
          %broadcast_in_dim3A_795 = vector.broadcast %broadcast_in_dim3A_794 : i32 to vector<16xi32>
          tpu.vector_store_idx %arg20[%broadcast_in_dim3A_795, %add3A_793], %mul3A_779 : memref<3x2048xf32, #tpu.memory_space<vmem>>[vector<16xi32>, vector<16xi32>], vector<16xf32>,
          %add3A_796 = arith.constant 1 : i32
          %add3A_797 = vector.broadcast %add3A_796 : i32 to vector<16xi32>
          %add3A_798 = arith.addi %broadcast_in_dim3A_795, %add3A_797 : vector<16xi32>
          tpu.vector_store_idx %arg20[%add3A_798, %add3A_793], %mul3A_783 : memref<3x2048xf32, #tpu.memory_space<vmem>>[vector<16xi32>, vector<16xi32>], vector<16xf32>,
          %add3A_799 = arith.constant 2 : i32
          %add3A_800 = vector.broadcast %add3A_799 : i32 to vector<16xi32>
          %add3A_801 = arith.addi %broadcast_in_dim3A_795, %add3A_800 : vector<16xi32>
          tpu.vector_store_idx %arg20[%add3A_801, %add3A_793], %mul3A_787 : memref<3x2048xf32, #tpu.memory_space<vmem>>[vector<16xi32>, vector<16xi32>], vector<16xf32>,
          %abs3A = math.absf %add3A_723 : vector<16xf32>
          %neg3A = arith.constant 0.000000e+00 : f32
          %neg3A_802 = vector.broadcast %neg3A : f32 to vector<16xf32>
          %neg3A_803 = arith.subf %neg3A_802, %abs3A : vector<16xf32>
          %div3A_804 = arith.divf %neg3A_803, %max3A_60 : vector<16xf32>
          %exp3A = math.exp %div3A_804 : vector<16xf32>
          %sub3A_805 = arith.constant 1.000000e+00 : f32
          %sub3A_806 = vector.broadcast %sub3A_805 : f32 to vector<16xf32>
          %sub3A_807 = arith.subf %exp3A, %sub3A_806 : vector<16xf32>
          %mul3A_808 = arith.constant 5.000000e-01 : f32
          %mul3A_809 = vector.broadcast %mul3A_808 : f32 to vector<16xf32>
          %mul3A_810 = arith.mulf %mul3A_809, %div3A_62 : vector<16xf32>
          %sign3A = tpu.bitcast %add3A_723 : vector<16xf32> -> vector<16xi32>
          %sign3A_811 = arith.constant -2147483648 : i32
          %sign3A_812 = vector.broadcast %sign3A_811 : i32 to vector<16xi32>
          %sign3A_813 = arith.andi %sign3A, %sign3A_812 : vector<16xi32>
          %sign3A_814 = arith.constant 1065353216 : i32
          %sign3A_815 = vector.broadcast %sign3A_814 : i32 to vector<16xi32>
          %sign3A_816 = arith.ori %sign3A_815, %sign3A_813 : vector<16xi32>
          %sign3A_817 = tpu.bitcast %sign3A_816 : vector<16xi32> -> vector<16xf32>
          %sign3A_818 = math.absf %add3A_723 : vector<16xf32>
          %sign3A_819 = arith.constant 0.000000e+00 : f32
          %sign3A_820 = vector.broadcast %sign3A_819 : f32 to vector<16xf32>
          %sign3A_821 = arith.cmpf ogt, %sign3A_818, %sign3A_820 : vector<16xf32>
          %sign3A_822 = arith.select %sign3A_821, %sign3A_817, %add3A_723 : vector<16xi1>, vector<16xf32>
          %mul3A_823 = arith.mulf %sign3A_822, %sub3A_807 : vector<16xf32>
          %add3A_824 = arith.constant 1.000000e+00 : f32
          %add3A_825 = vector.broadcast %add3A_824 : f32 to vector<16xf32>
          %add3A_826 = arith.addf %add3A_825, %mul3A_823 : vector<16xf32>
          %mul3A_827 = arith.mulf %mul3A_810, %add3A_826 : vector<16xf32>
          %mul3A_828 = arith.mulf %mul3A_827, %select_n3A : vector<16xf32>
          %sub3A_829 = arith.subf %add3A_160, %add3A_157 : vector<16xf32>
          %mul3A_830 = arith.mulf %sub3A_829, %mul3A_828 : vector<16xf32>
          %neg3A_831 = arith.constant 0.000000e+00 : f32
          %neg3A_832 = vector.broadcast %neg3A_831 : f32 to vector<16xf32>
          %neg3A_833 = arith.subf %neg3A_832, %scan3A_143 : vector<16xf32>
          %exp3A_834 = math.exp %neg3A_833 : vector<16xf32>
          %neg3A_835 = arith.constant 0.000000e+00 : f32
          %neg3A_836 = vector.broadcast %neg3A_835 : f32 to vector<16xf32>
          %neg3A_837 = arith.subf %neg3A_836, %mul3A_830 : vector<16xf32>
          %exp3A_838 = math.exp %neg3A_837 : vector<16xf32>
          %sub3A_839 = arith.constant 1.000000e+00 : f32
          %sub3A_840 = vector.broadcast %sub3A_839 : f32 to vector<16xf32>
          %sub3A_841 = arith.subf %sub3A_840, %exp3A_838 : vector<16xf32>
          %mul3A_842 = arith.mulf %exp3A_834, %sub3A_841 : vector<16xf32>
          %mul3A_843 = arith.mulf %mul3A_779, %mul3A_779 : vector<16xf32>
          %mul3A_844 = arith.mulf %mul3A_783, %mul3A_783 : vector<16xf32>
          %add3A_845 = arith.addf %mul3A_843, %mul3A_844 : vector<16xf32>
          %mul3A_846 = arith.mulf %mul3A_787, %mul3A_787 : vector<16xf32>
          %add3A_847 = arith.addf %add3A_845, %mul3A_846 : vector<16xf32>
          %max3A_848 = arith.constant 1.000000e-24 : f32
          %max3A_849 = vector.broadcast %max3A_848 : f32 to vector<16xf32>
          %max3A_850 = arith.maximumf %add3A_847, %max3A_849 : vector<16xf32>
          %bitcast3A = vector.bitcast %max3A_850 : vector<16xf32> to vector<16xi32>
          %shift_right_logical3A_851 = arith.constant 1 : i32
          %shift_right_logical3A_852 = vector.broadcast %shift_right_logical3A_851 : i32 to vector<16xi32>
          %shift_right_logical3A_853 = arith.shrui %bitcast3A, %shift_right_logical3A_852 : vector<16xi32>
          %sub3A_854 = arith.constant 1597463007 : i32
          %sub3A_855 = vector.broadcast %sub3A_854 : i32 to vector<16xi32>
          %sub3A_856 = arith.subi %sub3A_855, %shift_right_logical3A_853 : vector<16xi32>
          %bitcast3A_857 = vector.bitcast %sub3A_856 : vector<16xi32> to vector<16xf32>
          %mul3A_858 = arith.constant 5.000000e-01 : f32
          %mul3A_859 = vector.broadcast %mul3A_858 : f32 to vector<16xf32>
          %mul3A_860 = arith.mulf %mul3A_859, %max3A_850 : vector<16xf32>
          %mul3A_861 = arith.mulf %mul3A_860, %bitcast3A_857 : vector<16xf32>
          %mul3A_862 = arith.mulf %mul3A_861, %bitcast3A_857 : vector<16xf32>
          %sub3A_863 = arith.constant 1.500000e+00 : f32
          %sub3A_864 = vector.broadcast %sub3A_863 : f32 to vector<16xf32>
          %sub3A_865 = arith.subf %sub3A_864, %mul3A_862 : vector<16xf32>
          %mul3A_866 = arith.mulf %bitcast3A_857, %sub3A_865 : vector<16xf32>
          %mul3A_867 = arith.constant 5.000000e-01 : f32
          %mul3A_868 = vector.broadcast %mul3A_867 : f32 to vector<16xf32>
          %mul3A_869 = arith.mulf %mul3A_868, %max3A_850 : vector<16xf32>
          %mul3A_870 = arith.mulf %mul3A_869, %mul3A_866 : vector<16xf32>
          %mul3A_871 = arith.mulf %mul3A_870, %mul3A_866 : vector<16xf32>
          %sub3A_872 = arith.constant 1.500000e+00 : f32
          %sub3A_873 = vector.broadcast %sub3A_872 : f32 to vector<16xf32>
          %sub3A_874 = arith.subf %sub3A_873, %mul3A_871 : vector<16xf32>
          %mul3A_875 = arith.mulf %mul3A_866, %sub3A_874 : vector<16xf32>
          %mul3A_876 = arith.constant 5.000000e-01 : f32
          %mul3A_877 = vector.broadcast %mul3A_876 : f32 to vector<16xf32>
          %mul3A_878 = arith.mulf %mul3A_877, %max3A_850 : vector<16xf32>
          %mul3A_879 = arith.mulf %mul3A_878, %mul3A_875 : vector<16xf32>
          %mul3A_880 = arith.mulf %mul3A_879, %mul3A_875 : vector<16xf32>
          %sub3A_881 = arith.constant 1.500000e+00 : f32
          %sub3A_882 = vector.broadcast %sub3A_881 : f32 to vector<16xf32>
          %sub3A_883 = arith.subf %sub3A_882, %mul3A_880 : vector<16xf32>
          %mul3A_884 = arith.mulf %mul3A_875, %sub3A_883 : vector<16xf32>
          %add3A_885 = arith.addf %scan3A_143, %mul3A_830 : vector<16xf32>
          %mul3A_886 = arith.mulf %mul3A_842, %add3A_733 : vector<16xf32>
          %add3A_887 = arith.addf %scan3A_144, %mul3A_886 : vector<16xf32>
          %mul3A_888 = arith.mulf %mul3A_842, %add3A_743 : vector<16xf32>
          %add3A_889 = arith.addf %scan3A_145, %mul3A_888 : vector<16xf32>
          %mul3A_890 = arith.mulf %mul3A_842, %add3A_753 : vector<16xf32>
          %add3A_891 = arith.addf %scan3A_146, %mul3A_890 : vector<16xf32>
          %mul3A_892 = arith.mulf %mul3A_842, %mul3A_164 : vector<16xf32>
          %add3A_893 = arith.addf %scan3A_147, %mul3A_892 : vector<16xf32>
          %mul3A_894 = arith.mulf %mul3A_779, %mul3A_884 : vector<16xf32>
          %mul3A_895 = arith.mulf %mul3A_842, %mul3A_894 : vector<16xf32>
          %add3A_896 = arith.addf %scan3A_148, %mul3A_895 : vector<16xf32>
          %mul3A_897 = arith.mulf %mul3A_783, %mul3A_884 : vector<16xf32>
          %mul3A_898 = arith.mulf %mul3A_842, %mul3A_897 : vector<16xf32>
          %add3A_899 = arith.addf %scan3A_149, %mul3A_898 : vector<16xf32>
          %mul3A_900 = arith.mulf %mul3A_787, %mul3A_884 : vector<16xf32>
          %mul3A_901 = arith.mulf %mul3A_842, %mul3A_900 : vector<16xf32>
          %add3A_902 = arith.addf %scan3A_150, %mul3A_901 : vector<16xf32>
          %add3A_903 = arith.addf %scan3A_151, %mul3A_842 : vector<16xf32>
          scf.yield %add3A_885, %add3A_887, %add3A_889, %add3A_891, %add3A_893, %add3A_896, %add3A_899, %add3A_902, %add3A_903 : vector<16xf32>, vector<16xf32>, vector<16xf32>, vector<16xf32>, vector<16xf32>, vector<16xf32>, vector<16xf32>, vector<16xf32>, vector<16xf32>
        }
        %scan3A_128 = arith.constant 16 : i32
        %lt3A = arith.constant 3 : i32
        %lt3A_129 = arith.cmpi slt, %scan3A_93, %lt3A : i32
        %convert_element_type3A = arith.extui %lt3A_129 : i1 to i32
        %cond3A = arith.constant 0 : i32
        %cond3A_130 = arith.cmpi ne, %convert_element_type3A, %cond3A : i32
        scf.if %cond3A_130 {
          %add3A_142 = arith.constant 2 : i32
          %add3A_143 = arith.addi %mul3A_104, %add3A_142 : i32
          %mul3A_144 = arith.constant 16 : i32
          %mul3A_145 = arith.muli %add3A_143, %mul3A_144 : i32
          %scan3A_146 = arith.constant 0 : i32
          %scan3A_147 = arith.constant 0 : i32
          %scan3A_148 = arith.constant 16 : i32
          %scan3A_149 = arith.addi %scan3A_147, %scan3A_148 : i32
          %scan3A_150 = arith.constant 1 : i32
          %scan3A_151 = scf.for %scan3A_156 = %scan3A_147 to %scan3A_149 step %scan3A_150 iter_args(%scan3A_157 = %scan3A_146) -> (i32)  : i32 {
            %add3A_158 = arith.addi %mul3A_145, %scan3A_156 : i32
            %convert_element_type3A_159 = arith.sitofp %add3A_158 : i32 to f32
            %mul3A_160 = arith.constant 0.00999999977 : f32
            %mul3A_161 = arith.mulf %convert_element_type3A_159, %mul3A_160 : f32
            %add3A_162 = vector.broadcast %mul3A_161 : f32 to vector<16xf32>
            %add3A_163 = arith.addf %gather3A_47, %add3A_162 : vector<16xf32>
            %add3A_164 = arith.constant 0.00999999977 : f32
            %add3A_165 = vector.broadcast %add3A_164 : f32 to vector<16xf32>
            %add3A_166 = arith.addf %add3A_163, %add3A_165 : vector<16xf32>
            %add3A_167 = arith.addf %add3A_163, %add3A_166 : vector<16xf32>
            %mul3A_168 = arith.constant 5.000000e-01 : f32
            %mul3A_169 = vector.broadcast %mul3A_168 : f32 to vector<16xf32>
            %mul3A_170 = arith.mulf %mul3A_169, %add3A_167 : vector<16xf32>
            %mul3A_171 = arith.mulf %mul3A_170, %gather3A_32 : vector<16xf32>
            %add3A_172 = arith.addf %gather3A, %mul3A_171 : vector<16xf32>
            %div3A_173 = arith.constant 0.00999999977 : f32
            %div3A_174 = vector.broadcast %div3A_173 : f32 to vector<16xf32>
            %div3A_175 = arith.divf %add3A_172, %div3A_174 : vector<16xf32>
            %convert_element_type3A_176 = arith.fptosi %div3A_175 : vector<16xf32> to vector<16xi32>
            %convert_element_type3A_177 = arith.sitofp %convert_element_type3A_176 : vector<16xi32> to vector<16xf32>
            %lt3A_178 = arith.cmpf olt, %div3A_175, %convert_element_type3A_177 : vector<16xf32>
            %convert_element_type3A_179 = arith.extui %lt3A_178 : vector<16xi1> to vector<16xi32>
            %sub3A = arith.subi %convert_element_type3A_176, %convert_element_type3A_179 : vector<16xi32>
            %convert_element_type3A_180 = arith.extui %lt3A_178 : vector<16xi1> to vector<16xi32>
            %convert_element_type3A_181 = arith.sitofp %convert_element_type3A_180 : vector<16xi32> to vector<16xf32>
            %sub3A_182 = arith.subf %convert_element_type3A_177, %convert_element_type3A_181 : vector<16xf32>
            %sub3A_183 = arith.subf %div3A_175, %sub3A_182 : vector<16xf32>
            %swap3A = arith.constant 0 : i32
            %swap3A_184 = arith.index_cast %scan3A_156 : i32 to index
            %swap3A_185 = arith.index_cast %swap3A : i32 to index
            %swap3A_186 = arith.constant 0 : index
            %swap3A_187 = tpu.vector_load %arg14[%swap3A_184, %swap3A_185, %swap3A_186] {strides = array<i32>} : memref<16x3x16xf32, #tpu.memory_space<vmem>>, vector<16xf32>,
            tpu.vector_store %arg14[%swap3A_184, %swap3A_185, %swap3A_186], %sub3A_183 {strides = array<i32>} : memref<16x3x16xf32, #tpu.memory_space<vmem>>, vector<16xf32>,
            %mul3A_188 = arith.mulf %mul3A_170, %gather3A_37 : vector<16xf32>
            %add3A_189 = arith.addf %gather3A_22, %mul3A_188 : vector<16xf32>
            %div3A_190 = arith.constant 0.00999999977 : f32
            %div3A_191 = vector.broadcast %div3A_190 : f32 to vector<16xf32>
            %div3A_192 = arith.divf %add3A_189, %div3A_191 : vector<16xf32>
            %convert_element_type3A_193 = arith.fptosi %div3A_192 : vector<16xf32> to vector<16xi32>
            %convert_element_type3A_194 = arith.sitofp %convert_element_type3A_193 : vector<16xi32> to vector<16xf32>
            %lt3A_195 = arith.cmpf olt, %div3A_192, %convert_element_type3A_194 : vector<16xf32>
            %convert_element_type3A_196 = arith.extui %lt3A_195 : vector<16xi1> to vector<16xi32>
            %sub3A_197 = arith.subi %convert_element_type3A_193, %convert_element_type3A_196 : vector<16xi32>
            %convert_element_type3A_198 = arith.extui %lt3A_195 : vector<16xi1> to vector<16xi32>
            %convert_element_type3A_199 = arith.sitofp %convert_element_type3A_198 : vector<16xi32> to vector<16xf32>
            %sub3A_200 = arith.subf %convert_element_type3A_194, %convert_element_type3A_199 : vector<16xf32>
            %sub3A_201 = arith.subf %div3A_192, %sub3A_200 : vector<16xf32>
            %swap3A_202 = arith.constant 1 : i32
            %swap3A_203 = arith.index_cast %scan3A_156 : i32 to index
            %swap3A_204 = arith.index_cast %swap3A_202 : i32 to index
            %swap3A_205 = arith.constant 0 : index
            %swap3A_206 = tpu.vector_load %arg14[%swap3A_203, %swap3A_204, %swap3A_205] {strides = array<i32>} : memref<16x3x16xf32, #tpu.memory_space<vmem>>, vector<16xf32>,
            tpu.vector_store %arg14[%swap3A_203, %swap3A_204, %swap3A_205], %sub3A_201 {strides = array<i32>} : memref<16x3x16xf32, #tpu.memory_space<vmem>>, vector<16xf32>,
            %mul3A_207 = arith.mulf %mul3A_170, %gather3A_42 : vector<16xf32>
            %add3A_208 = arith.addf %gather3A_27, %mul3A_207 : vector<16xf32>
            %div3A_209 = arith.constant 0.00999999977 : f32
            %div3A_210 = vector.broadcast %div3A_209 : f32 to vector<16xf32>
            %div3A_211 = arith.divf %add3A_208, %div3A_210 : vector<16xf32>
            %convert_element_type3A_212 = arith.fptosi %div3A_211 : vector<16xf32> to vector<16xi32>
            %convert_element_type3A_213 = arith.sitofp %convert_element_type3A_212 : vector<16xi32> to vector<16xf32>
            %lt3A_214 = arith.cmpf olt, %div3A_211, %convert_element_type3A_213 : vector<16xf32>
            %convert_element_type3A_215 = arith.extui %lt3A_214 : vector<16xi1> to vector<16xi32>
            %sub3A_216 = arith.subi %convert_element_type3A_212, %convert_element_type3A_215 : vector<16xi32>
            %convert_element_type3A_217 = arith.extui %lt3A_214 : vector<16xi1> to vector<16xi32>
            %convert_element_type3A_218 = arith.sitofp %convert_element_type3A_217 : vector<16xi32> to vector<16xf32>
            %sub3A_219 = arith.subf %convert_element_type3A_213, %convert_element_type3A_218 : vector<16xf32>
            %sub3A_220 = arith.subf %div3A_211, %sub3A_219 : vector<16xf32>
            %swap3A_221 = arith.constant 2 : i32
            %swap3A_222 = arith.index_cast %scan3A_156 : i32 to index
            %swap3A_223 = arith.index_cast %swap3A_221 : i32 to index
            %swap3A_224 = arith.constant 0 : index
            %swap3A_225 = tpu.vector_load %arg14[%swap3A_222, %swap3A_223, %swap3A_224] {strides = array<i32>} : memref<16x3x16xf32, #tpu.memory_space<vmem>>, vector<16xf32>,
            tpu.vector_store %arg14[%swap3A_222, %swap3A_223, %swap3A_224], %sub3A_220 {strides = array<i32>} : memref<16x3x16xf32, #tpu.memory_space<vmem>>, vector<16xf32>,
            %mul3A_226 = arith.constant 73856093 : i32
            %mul3A_227 = vector.broadcast %mul3A_226 : i32 to vector<16xi32>
            %mul3A_228 = arith.muli %sub3A, %mul3A_227 : vector<16xi32>
            %add3A_229 = arith.constant 73856093 : i32
            %add3A_230 = vector.broadcast %add3A_229 : i32 to vector<16xi32>
            %add3A_231 = arith.addi %mul3A_228, %add3A_230 : vector<16xi32>
            %mul3A_232 = arith.constant 19349663 : i32
            %mul3A_233 = vector.broadcast %mul3A_232 : i32 to vector<16xi32>
            %mul3A_234 = arith.muli %sub3A_197, %mul3A_233 : vector<16xi32>
            %add3A_235 = arith.constant 19349663 : i32
            %add3A_236 = vector.broadcast %add3A_235 : i32 to vector<16xi32>
            %add3A_237 = arith.addi %mul3A_234, %add3A_236 : vector<16xi32>
            %mul3A_238 = arith.constant 83492791 : i32
            %mul3A_239 = vector.broadcast %mul3A_238 : i32 to vector<16xi32>
            %mul3A_240 = arith.muli %sub3A_216, %mul3A_239 : vector<16xi32>
            %add3A_241 = arith.constant 83492791 : i32
            %add3A_242 = vector.broadcast %add3A_241 : i32 to vector<16xi32>
            %add3A_243 = arith.addi %mul3A_240, %add3A_242 : vector<16xi32>
            %xor3A = arith.xori %mul3A_228, %mul3A_234 : vector<16xi32>
            %xor3A_244 = arith.xori %xor3A, %mul3A_240 : vector<16xi32>
            %and3A = arith.constant 2097151 : i32
            %and3A_245 = vector.broadcast %and3A : i32 to vector<16xi32>
            %and3A_246 = arith.andi %xor3A_244, %and3A_245 : vector<16xi32>
            %mul3A_247 = arith.constant 5 : i32
            %mul3A_248 = vector.broadcast %mul3A_247 : i32 to vector<16xi32>
            %mul3A_249 = arith.muli %and3A_246, %mul3A_248 : vector<16xi32>
            %shift_right_logical3A = arith.constant 3 : i32
            %shift_right_logical3A_250 = vector.broadcast %shift_right_logical3A : i32 to vector<16xi32>
            %shift_right_logical3A_251 = arith.shrui %mul3A_249, %shift_right_logical3A_250 : vector<16xi32>
            %and3A_252 = arith.constant 7 : i32
            %and3A_253 = vector.broadcast %and3A_252 : i32 to vector<16xi32>
            %and3A_254 = arith.andi %mul3A_249, %and3A_253 : vector<16xi32>
            %add3A_255 = arith.constant 1 : i32
            %add3A_256 = vector.broadcast %add3A_255 : i32 to vector<16xi32>
            %add3A_257 = arith.addi %shift_right_logical3A_251, %add3A_256 : vector<16xi32>
            %min3A = arith.constant 1310719 : i32
            %min3A_258 = vector.broadcast %min3A : i32 to vector<16xi32>
            %min3A_259 = arith.minsi %add3A_257, %min3A_258 : vector<16xi32>
            %mul3A_260 = arith.constant 8 : i32
            %mul3A_261 = arith.muli %scan3A_156, %mul3A_260 : i32
            %add3A_262 = arith.constant 0 : i32
            %add3A_263 = arith.addi %mul3A_261, %add3A_262 : i32
            %mul3A_264 = arith.constant 32 : i32
            %mul3A_265 = arith.muli %add3A_263, %mul3A_264 : i32
            %mul3A_266 = arith.constant 2 : i32
            %mul3A_267 = vector.broadcast %mul3A_266 : i32 to vector<16xi32>
            %mul3A_268 = arith.muli %iota3A, %mul3A_267 : vector<16xi32>
            %add3A_269 = vector.broadcast %mul3A_265 : i32 to vector<16xi32>
            %add3A_270 = arith.addi %add3A_269, %mul3A_268 : vector<16xi32>
            tpu.vector_store_idx %arg12[%add3A_270], %shift_right_logical3A_251 : memref<4096xi32, #tpu.memory_space<vmem>>[vector<16xi32>], vector<16xi32>,
            %add3A_271 = arith.constant 1 : i32
            %add3A_272 = vector.broadcast %add3A_271 : i32 to vector<16xi32>
            %add3A_273 = arith.addi %add3A_270, %add3A_272 : vector<16xi32>
            tpu.vector_store_idx %arg12[%add3A_273], %min3A_259 : memref<4096xi32, #tpu.memory_space<vmem>>[vector<16xi32>], vector<16xi32>,
            %swap3A_274 = arith.constant 0 : i32
            %swap3A_275 = arith.index_cast %scan3A_156 : i32 to index
            %swap3A_276 = arith.index_cast %swap3A_274 : i32 to index
            %swap3A_277 = arith.constant 0 : index
            %swap3A_278 = tpu.vector_load %arg16[%swap3A_275, %swap3A_276, %swap3A_277] {strides = array<i32>} : memref<16x8x16xi32, #tpu.memory_space<vmem>>, vector<16xi32>,
            tpu.vector_store %arg16[%swap3A_275, %swap3A_276, %swap3A_277], %and3A_254 {strides = array<i32>} : memref<16x8x16xi32, #tpu.memory_space<vmem>>, vector<16xi32>,
            %xor3A_279 = arith.xori %xor3A, %add3A_243 : vector<16xi32>
            %and3A_280 = arith.constant 2097151 : i32
            %and3A_281 = vector.broadcast %and3A_280 : i32 to vector<16xi32>
            %and3A_282 = arith.andi %xor3A_279, %and3A_281 : vector<16xi32>
            %mul3A_283 = arith.constant 5 : i32
            %mul3A_284 = vector.broadcast %mul3A_283 : i32 to vector<16xi32>
            %mul3A_285 = arith.muli %and3A_282, %mul3A_284 : vector<16xi32>
            %shift_right_logical3A_286 = arith.constant 3 : i32
            %shift_right_logical3A_287 = vector.broadcast %shift_right_logical3A_286 : i32 to vector<16xi32>
            %shift_right_logical3A_288 = arith.shrui %mul3A_285, %shift_right_logical3A_287 : vector<16xi32>
            %and3A_289 = arith.constant 7 : i32
            %and3A_290 = vector.broadcast %and3A_289 : i32 to vector<16xi32>
            %and3A_291 = arith.andi %mul3A_285, %and3A_290 : vector<16xi32>
            %add3A_292 = arith.constant 1 : i32
            %add3A_293 = vector.broadcast %add3A_292 : i32 to vector<16xi32>
            %add3A_294 = arith.addi %shift_right_logical3A_288, %add3A_293 : vector<16xi32>
            %min3A_295 = arith.constant 1310719 : i32
            %min3A_296 = vector.broadcast %min3A_295 : i32 to vector<16xi32>
            %min3A_297 = arith.minsi %add3A_294, %min3A_296 : vector<16xi32>
            %mul3A_298 = arith.constant 8 : i32
            %mul3A_299 = arith.muli %scan3A_156, %mul3A_298 : i32
            %add3A_300 = arith.constant 1 : i32
            %add3A_301 = arith.addi %mul3A_299, %add3A_300 : i32
            %mul3A_302 = arith.constant 32 : i32
            %mul3A_303 = arith.muli %add3A_301, %mul3A_302 : i32
            %mul3A_304 = arith.constant 2 : i32
            %mul3A_305 = vector.broadcast %mul3A_304 : i32 to vector<16xi32>
            %mul3A_306 = arith.muli %iota3A, %mul3A_305 : vector<16xi32>
            %add3A_307 = vector.broadcast %mul3A_303 : i32 to vector<16xi32>
            %add3A_308 = arith.addi %add3A_307, %mul3A_306 : vector<16xi32>
            tpu.vector_store_idx %arg12[%add3A_308], %shift_right_logical3A_288 : memref<4096xi32, #tpu.memory_space<vmem>>[vector<16xi32>], vector<16xi32>,
            %add3A_309 = arith.constant 1 : i32
            %add3A_310 = vector.broadcast %add3A_309 : i32 to vector<16xi32>
            %add3A_311 = arith.addi %add3A_308, %add3A_310 : vector<16xi32>
            tpu.vector_store_idx %arg12[%add3A_311], %min3A_297 : memref<4096xi32, #tpu.memory_space<vmem>>[vector<16xi32>], vector<16xi32>,
            %swap3A_312 = arith.constant 1 : i32
            %swap3A_313 = arith.index_cast %scan3A_156 : i32 to index
            %swap3A_314 = arith.index_cast %swap3A_312 : i32 to index
            %swap3A_315 = arith.constant 0 : index
            %swap3A_316 = tpu.vector_load %arg16[%swap3A_313, %swap3A_314, %swap3A_315] {strides = array<i32>} : memref<16x8x16xi32, #tpu.memory_space<vmem>>, vector<16xi32>,
            tpu.vector_store %arg16[%swap3A_313, %swap3A_314, %swap3A_315], %and3A_291 {strides = array<i32>} : memref<16x8x16xi32, #tpu.memory_space<vmem>>, vector<16xi32>,
            %xor3A_317 = arith.xori %mul3A_228, %add3A_237 : vector<16xi32>
            %xor3A_318 = arith.xori %xor3A_317, %mul3A_240 : vector<16xi32>
            %and3A_319 = arith.constant 2097151 : i32
            %and3A_320 = vector.broadcast %and3A_319 : i32 to vector<16xi32>
            %and3A_321 = arith.andi %xor3A_318, %and3A_320 : vector<16xi32>
            %mul3A_322 = arith.constant 5 : i32
            %mul3A_323 = vector.broadcast %mul3A_322 : i32 to vector<16xi32>
            %mul3A_324 = arith.muli %and3A_321, %mul3A_323 : vector<16xi32>
            %shift_right_logical3A_325 = arith.constant 3 : i32
            %shift_right_logical3A_326 = vector.broadcast %shift_right_logical3A_325 : i32 to vector<16xi32>
            %shift_right_logical3A_327 = arith.shrui %mul3A_324, %shift_right_logical3A_326 : vector<16xi32>
            %and3A_328 = arith.constant 7 : i32
            %and3A_329 = vector.broadcast %and3A_328 : i32 to vector<16xi32>
            %and3A_330 = arith.andi %mul3A_324, %and3A_329 : vector<16xi32>
            %add3A_331 = arith.constant 1 : i32
            %add3A_332 = vector.broadcast %add3A_331 : i32 to vector<16xi32>
            %add3A_333 = arith.addi %shift_right_logical3A_327, %add3A_332 : vector<16xi32>
            %min3A_334 = arith.constant 1310719 : i32
            %min3A_335 = vector.broadcast %min3A_334 : i32 to vector<16xi32>
            %min3A_336 = arith.minsi %add3A_333, %min3A_335 : vector<16xi32>
            %mul3A_337 = arith.constant 8 : i32
            %mul3A_338 = arith.muli %scan3A_156, %mul3A_337 : i32
            %add3A_339 = arith.constant 2 : i32
            %add3A_340 = arith.addi %mul3A_338, %add3A_339 : i32
            %mul3A_341 = arith.constant 32 : i32
            %mul3A_342 = arith.muli %add3A_340, %mul3A_341 : i32
            %mul3A_343 = arith.constant 2 : i32
            %mul3A_344 = vector.broadcast %mul3A_343 : i32 to vector<16xi32>
            %mul3A_345 = arith.muli %iota3A, %mul3A_344 : vector<16xi32>
            %add3A_346 = vector.broadcast %mul3A_342 : i32 to vector<16xi32>
            %add3A_347 = arith.addi %add3A_346, %mul3A_345 : vector<16xi32>
            tpu.vector_store_idx %arg12[%add3A_347], %shift_right_logical3A_327 : memref<4096xi32, #tpu.memory_space<vmem>>[vector<16xi32>], vector<16xi32>,
            %add3A_348 = arith.constant 1 : i32
            %add3A_349 = vector.broadcast %add3A_348 : i32 to vector<16xi32>
            %add3A_350 = arith.addi %add3A_347, %add3A_349 : vector<16xi32>
            tpu.vector_store_idx %arg12[%add3A_350], %min3A_336 : memref<4096xi32, #tpu.memory_space<vmem>>[vector<16xi32>], vector<16xi32>,
            %swap3A_351 = arith.constant 2 : i32
            %swap3A_352 = arith.index_cast %scan3A_156 : i32 to index
            %swap3A_353 = arith.index_cast %swap3A_351 : i32 to index
            %swap3A_354 = arith.constant 0 : index
            %swap3A_355 = tpu.vector_load %arg16[%swap3A_352, %swap3A_353, %swap3A_354] {strides = array<i32>} : memref<16x8x16xi32, #tpu.memory_space<vmem>>, vector<16xi32>,
            tpu.vector_store %arg16[%swap3A_352, %swap3A_353, %swap3A_354], %and3A_330 {strides = array<i32>} : memref<16x8x16xi32, #tpu.memory_space<vmem>>, vector<16xi32>,
            %xor3A_356 = arith.xori %xor3A_317, %add3A_243 : vector<16xi32>
            %and3A_357 = arith.constant 2097151 : i32
            %and3A_358 = vector.broadcast %and3A_357 : i32 to vector<16xi32>
            %and3A_359 = arith.andi %xor3A_356, %and3A_358 : vector<16xi32>
            %mul3A_360 = arith.constant 5 : i32
            %mul3A_361 = vector.broadcast %mul3A_360 : i32 to vector<16xi32>
            %mul3A_362 = arith.muli %and3A_359, %mul3A_361 : vector<16xi32>
            %shift_right_logical3A_363 = arith.constant 3 : i32
            %shift_right_logical3A_364 = vector.broadcast %shift_right_logical3A_363 : i32 to vector<16xi32>
            %shift_right_logical3A_365 = arith.shrui %mul3A_362, %shift_right_logical3A_364 : vector<16xi32>
            %and3A_366 = arith.constant 7 : i32
            %and3A_367 = vector.broadcast %and3A_366 : i32 to vector<16xi32>
            %and3A_368 = arith.andi %mul3A_362, %and3A_367 : vector<16xi32>
            %add3A_369 = arith.constant 1 : i32
            %add3A_370 = vector.broadcast %add3A_369 : i32 to vector<16xi32>
            %add3A_371 = arith.addi %shift_right_logical3A_365, %add3A_370 : vector<16xi32>
            %min3A_372 = arith.constant 1310719 : i32
            %min3A_373 = vector.broadcast %min3A_372 : i32 to vector<16xi32>
            %min3A_374 = arith.minsi %add3A_371, %min3A_373 : vector<16xi32>
            %mul3A_375 = arith.constant 8 : i32
            %mul3A_376 = arith.muli %scan3A_156, %mul3A_375 : i32
            %add3A_377 = arith.constant 3 : i32
            %add3A_378 = arith.addi %mul3A_376, %add3A_377 : i32
            %mul3A_379 = arith.constant 32 : i32
            %mul3A_380 = arith.muli %add3A_378, %mul3A_379 : i32
            %mul3A_381 = arith.constant 2 : i32
            %mul3A_382 = vector.broadcast %mul3A_381 : i32 to vector<16xi32>
            %mul3A_383 = arith.muli %iota3A, %mul3A_382 : vector<16xi32>
            %add3A_384 = vector.broadcast %mul3A_380 : i32 to vector<16xi32>
            %add3A_385 = arith.addi %add3A_384, %mul3A_383 : vector<16xi32>
            tpu.vector_store_idx %arg12[%add3A_385], %shift_right_logical3A_365 : memref<4096xi32, #tpu.memory_space<vmem>>[vector<16xi32>], vector<16xi32>,
            %add3A_386 = arith.constant 1 : i32
            %add3A_387 = vector.broadcast %add3A_386 : i32 to vector<16xi32>
            %add3A_388 = arith.addi %add3A_385, %add3A_387 : vector<16xi32>
            tpu.vector_store_idx %arg12[%add3A_388], %min3A_374 : memref<4096xi32, #tpu.memory_space<vmem>>[vector<16xi32>], vector<16xi32>,
            %swap3A_389 = arith.constant 3 : i32
            %swap3A_390 = arith.index_cast %scan3A_156 : i32 to index
            %swap3A_391 = arith.index_cast %swap3A_389 : i32 to index
            %swap3A_392 = arith.constant 0 : index
            %swap3A_393 = tpu.vector_load %arg16[%swap3A_390, %swap3A_391, %swap3A_392] {strides = array<i32>} : memref<16x8x16xi32, #tpu.memory_space<vmem>>, vector<16xi32>,
            tpu.vector_store %arg16[%swap3A_390, %swap3A_391, %swap3A_392], %and3A_368 {strides = array<i32>} : memref<16x8x16xi32, #tpu.memory_space<vmem>>, vector<16xi32>,
            %xor3A_394 = arith.xori %add3A_231, %mul3A_234 : vector<16xi32>
            %xor3A_395 = arith.xori %xor3A_394, %mul3A_240 : vector<16xi32>
            %and3A_396 = arith.constant 2097151 : i32
            %and3A_397 = vector.broadcast %and3A_396 : i32 to vector<16xi32>
            %and3A_398 = arith.andi %xor3A_395, %and3A_397 : vector<16xi32>
            %mul3A_399 = arith.constant 5 : i32
            %mul3A_400 = vector.broadcast %mul3A_399 : i32 to vector<16xi32>
            %mul3A_401 = arith.muli %and3A_398, %mul3A_400 : vector<16xi32>
            %shift_right_logical3A_402 = arith.constant 3 : i32
            %shift_right_logical3A_403 = vector.broadcast %shift_right_logical3A_402 : i32 to vector<16xi32>
            %shift_right_logical3A_404 = arith.shrui %mul3A_401, %shift_right_logical3A_403 : vector<16xi32>
            %and3A_405 = arith.constant 7 : i32
            %and3A_406 = vector.broadcast %and3A_405 : i32 to vector<16xi32>
            %and3A_407 = arith.andi %mul3A_401, %and3A_406 : vector<16xi32>
            %add3A_408 = arith.constant 1 : i32
            %add3A_409 = vector.broadcast %add3A_408 : i32 to vector<16xi32>
            %add3A_410 = arith.addi %shift_right_logical3A_404, %add3A_409 : vector<16xi32>
            %min3A_411 = arith.constant 1310719 : i32
            %min3A_412 = vector.broadcast %min3A_411 : i32 to vector<16xi32>
            %min3A_413 = arith.minsi %add3A_410, %min3A_412 : vector<16xi32>
            %mul3A_414 = arith.constant 8 : i32
            %mul3A_415 = arith.muli %scan3A_156, %mul3A_414 : i32
            %add3A_416 = arith.constant 4 : i32
            %add3A_417 = arith.addi %mul3A_415, %add3A_416 : i32
            %mul3A_418 = arith.constant 32 : i32
            %mul3A_419 = arith.muli %add3A_417, %mul3A_418 : i32
            %mul3A_420 = arith.constant 2 : i32
            %mul3A_421 = vector.broadcast %mul3A_420 : i32 to vector<16xi32>
            %mul3A_422 = arith.muli %iota3A, %mul3A_421 : vector<16xi32>
            %add3A_423 = vector.broadcast %mul3A_419 : i32 to vector<16xi32>
            %add3A_424 = arith.addi %add3A_423, %mul3A_422 : vector<16xi32>
            tpu.vector_store_idx %arg12[%add3A_424], %shift_right_logical3A_404 : memref<4096xi32, #tpu.memory_space<vmem>>[vector<16xi32>], vector<16xi32>,
            %add3A_425 = arith.constant 1 : i32
            %add3A_426 = vector.broadcast %add3A_425 : i32 to vector<16xi32>
            %add3A_427 = arith.addi %add3A_424, %add3A_426 : vector<16xi32>
            tpu.vector_store_idx %arg12[%add3A_427], %min3A_413 : memref<4096xi32, #tpu.memory_space<vmem>>[vector<16xi32>], vector<16xi32>,
            %swap3A_428 = arith.constant 4 : i32
            %swap3A_429 = arith.index_cast %scan3A_156 : i32 to index
            %swap3A_430 = arith.index_cast %swap3A_428 : i32 to index
            %swap3A_431 = arith.constant 0 : index
            %swap3A_432 = tpu.vector_load %arg16[%swap3A_429, %swap3A_430, %swap3A_431] {strides = array<i32>} : memref<16x8x16xi32, #tpu.memory_space<vmem>>, vector<16xi32>,
            tpu.vector_store %arg16[%swap3A_429, %swap3A_430, %swap3A_431], %and3A_407 {strides = array<i32>} : memref<16x8x16xi32, #tpu.memory_space<vmem>>, vector<16xi32>,
            %xor3A_433 = arith.xori %xor3A_394, %add3A_243 : vector<16xi32>
            %and3A_434 = arith.constant 2097151 : i32
            %and3A_435 = vector.broadcast %and3A_434 : i32 to vector<16xi32>
            %and3A_436 = arith.andi %xor3A_433, %and3A_435 : vector<16xi32>
            %mul3A_437 = arith.constant 5 : i32
            %mul3A_438 = vector.broadcast %mul3A_437 : i32 to vector<16xi32>
            %mul3A_439 = arith.muli %and3A_436, %mul3A_438 : vector<16xi32>
            %shift_right_logical3A_440 = arith.constant 3 : i32
            %shift_right_logical3A_441 = vector.broadcast %shift_right_logical3A_440 : i32 to vector<16xi32>
            %shift_right_logical3A_442 = arith.shrui %mul3A_439, %shift_right_logical3A_441 : vector<16xi32>
            %and3A_443 = arith.constant 7 : i32
            %and3A_444 = vector.broadcast %and3A_443 : i32 to vector<16xi32>
            %and3A_445 = arith.andi %mul3A_439, %and3A_444 : vector<16xi32>
            %add3A_446 = arith.constant 1 : i32
            %add3A_447 = vector.broadcast %add3A_446 : i32 to vector<16xi32>
            %add3A_448 = arith.addi %shift_right_logical3A_442, %add3A_447 : vector<16xi32>
            %min3A_449 = arith.constant 1310719 : i32
            %min3A_450 = vector.broadcast %min3A_449 : i32 to vector<16xi32>
            %min3A_451 = arith.minsi %add3A_448, %min3A_450 : vector<16xi32>
            %mul3A_452 = arith.constant 8 : i32
            %mul3A_453 = arith.muli %scan3A_156, %mul3A_452 : i32
            %add3A_454 = arith.constant 5 : i32
            %add3A_455 = arith.addi %mul3A_453, %add3A_454 : i32
            %mul3A_456 = arith.constant 32 : i32
            %mul3A_457 = arith.muli %add3A_455, %mul3A_456 : i32
            %mul3A_458 = arith.constant 2 : i32
            %mul3A_459 = vector.broadcast %mul3A_458 : i32 to vector<16xi32>
            %mul3A_460 = arith.muli %iota3A, %mul3A_459 : vector<16xi32>
            %add3A_461 = vector.broadcast %mul3A_457 : i32 to vector<16xi32>
            %add3A_462 = arith.addi %add3A_461, %mul3A_460 : vector<16xi32>
            tpu.vector_store_idx %arg12[%add3A_462], %shift_right_logical3A_442 : memref<4096xi32, #tpu.memory_space<vmem>>[vector<16xi32>], vector<16xi32>,
            %add3A_463 = arith.constant 1 : i32
            %add3A_464 = vector.broadcast %add3A_463 : i32 to vector<16xi32>
            %add3A_465 = arith.addi %add3A_462, %add3A_464 : vector<16xi32>
            tpu.vector_store_idx %arg12[%add3A_465], %min3A_451 : memref<4096xi32, #tpu.memory_space<vmem>>[vector<16xi32>], vector<16xi32>,
            %swap3A_466 = arith.constant 5 : i32
            %swap3A_467 = arith.index_cast %scan3A_156 : i32 to index
            %swap3A_468 = arith.index_cast %swap3A_466 : i32 to index
            %swap3A_469 = arith.constant 0 : index
            %swap3A_470 = tpu.vector_load %arg16[%swap3A_467, %swap3A_468, %swap3A_469] {strides = array<i32>} : memref<16x8x16xi32, #tpu.memory_space<vmem>>, vector<16xi32>,
            tpu.vector_store %arg16[%swap3A_467, %swap3A_468, %swap3A_469], %and3A_445 {strides = array<i32>} : memref<16x8x16xi32, #tpu.memory_space<vmem>>, vector<16xi32>,
            %xor3A_471 = arith.xori %add3A_231, %add3A_237 : vector<16xi32>
            %xor3A_472 = arith.xori %xor3A_471, %mul3A_240 : vector<16xi32>
            %and3A_473 = arith.constant 2097151 : i32
            %and3A_474 = vector.broadcast %and3A_473 : i32 to vector<16xi32>
            %and3A_475 = arith.andi %xor3A_472, %and3A_474 : vector<16xi32>
            %mul3A_476 = arith.constant 5 : i32
            %mul3A_477 = vector.broadcast %mul3A_476 : i32 to vector<16xi32>
            %mul3A_478 = arith.muli %and3A_475, %mul3A_477 : vector<16xi32>
            %shift_right_logical3A_479 = arith.constant 3 : i32
            %shift_right_logical3A_480 = vector.broadcast %shift_right_logical3A_479 : i32 to vector<16xi32>
            %shift_right_logical3A_481 = arith.shrui %mul3A_478, %shift_right_logical3A_480 : vector<16xi32>
            %and3A_482 = arith.constant 7 : i32
            %and3A_483 = vector.broadcast %and3A_482 : i32 to vector<16xi32>
            %and3A_484 = arith.andi %mul3A_478, %and3A_483 : vector<16xi32>
            %add3A_485 = arith.constant 1 : i32
            %add3A_486 = vector.broadcast %add3A_485 : i32 to vector<16xi32>
            %add3A_487 = arith.addi %shift_right_logical3A_481, %add3A_486 : vector<16xi32>
            %min3A_488 = arith.constant 1310719 : i32
            %min3A_489 = vector.broadcast %min3A_488 : i32 to vector<16xi32>
            %min3A_490 = arith.minsi %add3A_487, %min3A_489 : vector<16xi32>
            %mul3A_491 = arith.constant 8 : i32
            %mul3A_492 = arith.muli %scan3A_156, %mul3A_491 : i32
            %add3A_493 = arith.constant 6 : i32
            %add3A_494 = arith.addi %mul3A_492, %add3A_493 : i32
            %mul3A_495 = arith.constant 32 : i32
            %mul3A_496 = arith.muli %add3A_494, %mul3A_495 : i32
            %mul3A_497 = arith.constant 2 : i32
            %mul3A_498 = vector.broadcast %mul3A_497 : i32 to vector<16xi32>
            %mul3A_499 = arith.muli %iota3A, %mul3A_498 : vector<16xi32>
            %add3A_500 = vector.broadcast %mul3A_496 : i32 to vector<16xi32>
            %add3A_501 = arith.addi %add3A_500, %mul3A_499 : vector<16xi32>
            tpu.vector_store_idx %arg12[%add3A_501], %shift_right_logical3A_481 : memref<4096xi32, #tpu.memory_space<vmem>>[vector<16xi32>], vector<16xi32>,
            %add3A_502 = arith.constant 1 : i32
            %add3A_503 = vector.broadcast %add3A_502 : i32 to vector<16xi32>
            %add3A_504 = arith.addi %add3A_501, %add3A_503 : vector<16xi32>
            tpu.vector_store_idx %arg12[%add3A_504], %min3A_490 : memref<4096xi32, #tpu.memory_space<vmem>>[vector<16xi32>], vector<16xi32>,
            %swap3A_505 = arith.constant 6 : i32
            %swap3A_506 = arith.index_cast %scan3A_156 : i32 to index
            %swap3A_507 = arith.index_cast %swap3A_505 : i32 to index
            %swap3A_508 = arith.constant 0 : index
            %swap3A_509 = tpu.vector_load %arg16[%swap3A_506, %swap3A_507, %swap3A_508] {strides = array<i32>} : memref<16x8x16xi32, #tpu.memory_space<vmem>>, vector<16xi32>,
            tpu.vector_store %arg16[%swap3A_506, %swap3A_507, %swap3A_508], %and3A_484 {strides = array<i32>} : memref<16x8x16xi32, #tpu.memory_space<vmem>>, vector<16xi32>,
            %xor3A_510 = arith.xori %xor3A_471, %add3A_243 : vector<16xi32>
            %and3A_511 = arith.constant 2097151 : i32
            %and3A_512 = vector.broadcast %and3A_511 : i32 to vector<16xi32>
            %and3A_513 = arith.andi %xor3A_510, %and3A_512 : vector<16xi32>
            %mul3A_514 = arith.constant 5 : i32
            %mul3A_515 = vector.broadcast %mul3A_514 : i32 to vector<16xi32>
            %mul3A_516 = arith.muli %and3A_513, %mul3A_515 : vector<16xi32>
            %shift_right_logical3A_517 = arith.constant 3 : i32
            %shift_right_logical3A_518 = vector.broadcast %shift_right_logical3A_517 : i32 to vector<16xi32>
            %shift_right_logical3A_519 = arith.shrui %mul3A_516, %shift_right_logical3A_518 : vector<16xi32>
            %and3A_520 = arith.constant 7 : i32
            %and3A_521 = vector.broadcast %and3A_520 : i32 to vector<16xi32>
            %and3A_522 = arith.andi %mul3A_516, %and3A_521 : vector<16xi32>
            %add3A_523 = arith.constant 1 : i32
            %add3A_524 = vector.broadcast %add3A_523 : i32 to vector<16xi32>
            %add3A_525 = arith.addi %shift_right_logical3A_519, %add3A_524 : vector<16xi32>
            %min3A_526 = arith.constant 1310719 : i32
            %min3A_527 = vector.broadcast %min3A_526 : i32 to vector<16xi32>
            %min3A_528 = arith.minsi %add3A_525, %min3A_527 : vector<16xi32>
            %mul3A_529 = arith.constant 8 : i32
            %mul3A_530 = arith.muli %scan3A_156, %mul3A_529 : i32
            %add3A_531 = arith.constant 7 : i32
            %add3A_532 = arith.addi %mul3A_530, %add3A_531 : i32
            %mul3A_533 = arith.constant 32 : i32
            %mul3A_534 = arith.muli %add3A_532, %mul3A_533 : i32
            %mul3A_535 = arith.constant 2 : i32
            %mul3A_536 = vector.broadcast %mul3A_535 : i32 to vector<16xi32>
            %mul3A_537 = arith.muli %iota3A, %mul3A_536 : vector<16xi32>
            %add3A_538 = vector.broadcast %mul3A_534 : i32 to vector<16xi32>
            %add3A_539 = arith.addi %add3A_538, %mul3A_537 : vector<16xi32>
            tpu.vector_store_idx %arg12[%add3A_539], %shift_right_logical3A_519 : memref<4096xi32, #tpu.memory_space<vmem>>[vector<16xi32>], vector<16xi32>,
            %add3A_540 = arith.constant 1 : i32
            %add3A_541 = vector.broadcast %add3A_540 : i32 to vector<16xi32>
            %add3A_542 = arith.addi %add3A_539, %add3A_541 : vector<16xi32>
            tpu.vector_store_idx %arg12[%add3A_542], %min3A_528 : memref<4096xi32, #tpu.memory_space<vmem>>[vector<16xi32>], vector<16xi32>,
            %swap3A_543 = arith.constant 7 : i32
            %swap3A_544 = arith.index_cast %scan3A_156 : i32 to index
            %swap3A_545 = arith.index_cast %swap3A_543 : i32 to index
            %swap3A_546 = arith.constant 0 : index
            %swap3A_547 = tpu.vector_load %arg16[%swap3A_544, %swap3A_545, %swap3A_546] {strides = array<i32>} : memref<16x8x16xi32, #tpu.memory_space<vmem>>, vector<16xi32>,
            tpu.vector_store %arg16[%swap3A_544, %swap3A_545, %swap3A_546], %and3A_522 {strides = array<i32>} : memref<16x8x16xi32, #tpu.memory_space<vmem>>, vector<16xi32>,
            %scan3A_548 = arith.constant 0 : i32
            scf.yield %scan3A_548 : i32
          }
          %scan3A_152 = arith.constant 16 : i32
          %dma_start3A_153 = arith.constant 0 : i32
          %dma_start3A_154 = arith.constant 0 : i32
          %dma_start3A_155 = tpu.memref_slice %arg4[%dma_start3A_153, %dma_start3A_154] : memref<1310720x8xf32, #tpu.memory_space<hbm>> -> memref<1310720x8xf32, #tpu.memory_space<hbm>>
          tpu.enqueue_indirect_dma source(%dma_start3A_155 : memref<1310720x8xf32, #tpu.memory_space<hbm>>) target(%arg18 : memref<4096x8xf32, #tpu.memory_space<vmem>>) offsets(%arg12 : memref<4096xi32, #tpu.memory_space<vmem>>) semaphore(%arg25 : memref<!tpu.dma_semaphore, #tpu.memory_space<semaphore_mem>>)
        } else {
        }
        %dma_wait3A_131 = arith.constant 0 : i32
        %dma_wait3A_132 = arith.constant 0 : i32
        %dma_wait3A_133 = tpu.memref_slice %arg4[%dma_wait3A_131, %dma_wait3A_132] : memref<1310720x8xf32, #tpu.memory_space<hbm>> -> memref<1310720x8xf32, #tpu.memory_space<hbm>>
        tpu.wait_indirect_dma semaphore(%arg26 : memref<!tpu.dma_semaphore, #tpu.memory_space<semaphore_mem>>) src(%dma_wait3A_133 : memref<1310720x8xf32, #tpu.memory_space<hbm>>) dst(%arg19 : memref<4096x8xf32, #tpu.memory_space<vmem>>)
        %mul3A_134 = arith.constant 16 : i32
        %mul3A_135 = arith.muli %add3A_106, %mul3A_134 : i32
        %scan3A_136 = arith.constant 0 : i32
        %scan3A_137 = arith.constant 16 : i32
        %scan3A_138 = arith.addi %scan3A_136, %scan3A_137 : i32
        %scan3A_139 = arith.constant 1 : i32
        %scan3A_140:9 = scf.for %scan3A_142 = %scan3A_136 to %scan3A_138 step %scan3A_139 iter_args(%scan3A_143 = %scan3A_127#0, %scan3A_144 = %scan3A_127#1, %scan3A_145 = %scan3A_127#2, %scan3A_146 = %scan3A_127#3, %scan3A_147 = %scan3A_127#4, %scan3A_148 = %scan3A_127#5, %scan3A_149 = %scan3A_127#6, %scan3A_150 = %scan3A_127#7, %scan3A_151 = %scan3A_127#8) -> (vector<16xf32>, vector<16xf32>, vector<16xf32>, vector<16xf32>, vector<16xf32>, vector<16xf32>, vector<16xf32>, vector<16xf32>, vector<16xf32>)  : i32 {
          %add3A_152 = arith.addi %mul3A_135, %scan3A_142 : i32
          %convert_element_type3A_153 = arith.sitofp %add3A_152 : i32 to f32
          %mul3A_154 = arith.constant 0.00999999977 : f32
          %mul3A_155 = arith.mulf %convert_element_type3A_153, %mul3A_154 : f32
          %add3A_156 = vector.broadcast %mul3A_155 : f32 to vector<16xf32>
          %add3A_157 = arith.addf %gather3A_47, %add3A_156 : vector<16xf32>
          %add3A_158 = arith.constant 0.00999999977 : f32
          %add3A_159 = vector.broadcast %add3A_158 : f32 to vector<16xf32>
          %add3A_160 = arith.addf %add3A_157, %add3A_159 : vector<16xf32>
          %add3A_161 = arith.addf %add3A_157, %add3A_160 : vector<16xf32>
          %mul3A_162 = arith.constant 5.000000e-01 : f32
          %mul3A_163 = vector.broadcast %mul3A_162 : f32 to vector<16xf32>
          %mul3A_164 = arith.mulf %mul3A_163, %add3A_161 : vector<16xf32>
          %get3A_165 = arith.constant 0 : i32
          %get3A_166 = arith.index_cast %scan3A_142 : i32 to index
          %get3A_167 = arith.index_cast %get3A_165 : i32 to index
          %get3A_168 = arith.constant 0 : index
          %get3A_169 = tpu.vector_load %arg15[%get3A_166, %get3A_167, %get3A_168] {strides = array<i32>} : memref<16x3x16xf32, #tpu.memory_space<vmem>>, vector<16xf32>,
          %get3A_170 = arith.constant 1 : i32
          %get3A_171 = arith.index_cast %scan3A_142 : i32 to index
          %get3A_172 = arith.index_cast %get3A_170 : i32 to index
          %get3A_173 = arith.constant 0 : index
          %get3A_174 = tpu.vector_load %arg15[%get3A_171, %get3A_172, %get3A_173] {strides = array<i32>} : memref<16x3x16xf32, #tpu.memory_space<vmem>>, vector<16xf32>,
          %get3A_175 = arith.constant 2 : i32
          %get3A_176 = arith.index_cast %scan3A_142 : i32 to index
          %get3A_177 = arith.index_cast %get3A_175 : i32 to index
          %get3A_178 = arith.constant 0 : index
          %get3A_179 = tpu.vector_load %arg15[%get3A_176, %get3A_177, %get3A_178] {strides = array<i32>} : memref<16x3x16xf32, #tpu.memory_space<vmem>>, vector<16xf32>,
          %sub3A = arith.constant 1.000000e+00 : f32
          %sub3A_180 = vector.broadcast %sub3A : f32 to vector<16xf32>
          %sub3A_181 = arith.subf %sub3A_180, %get3A_169 : vector<16xf32>
          %sub3A_182 = arith.constant 1.000000e+00 : f32
          %sub3A_183 = vector.broadcast %sub3A_182 : f32 to vector<16xf32>
          %sub3A_184 = arith.subf %sub3A_183, %get3A_174 : vector<16xf32>
          %sub3A_185 = arith.constant 1.000000e+00 : f32
          %sub3A_186 = vector.broadcast %sub3A_185 : f32 to vector<16xf32>
          %sub3A_187 = arith.subf %sub3A_186, %get3A_179 : vector<16xf32>
          %mul3A_188 = arith.constant 128 : i32
          %mul3A_189 = arith.muli %scan3A_142, %mul3A_188 : i32
          %broadcast_in_dim3A_190 = arith.constant 7 : i32
          %broadcast_in_dim3A_191 = vector.broadcast %broadcast_in_dim3A_190 : i32 to vector<16xi32>
          %mul3A_192 = arith.mulf %sub3A_181, %sub3A_184 : vector<16xf32>
          %add3A_193 = arith.constant 0 : i32
          %add3A_194 = arith.addi %mul3A_189, %add3A_193 : i32
          %add3A_195 = vector.broadcast %add3A_194 : i32 to vector<16xi32>
          %add3A_196 = arith.addi %add3A_195, %iota3A : vector<16xi32>
          %mul3A_197 = arith.constant 16 : i32
          %mul3A_198 = vector.broadcast %mul3A_197 : i32 to vector<16xi32>
          %mul3A_199 = arith.muli %add3A_196, %mul3A_198 : vector<16xi32>
          %get3A_200 = arith.constant 0 : i32
          %get3A_201 = arith.index_cast %scan3A_142 : i32 to index
          %get3A_202 = arith.index_cast %get3A_200 : i32 to index
          %get3A_203 = arith.constant 0 : index
          %get3A_204 = tpu.vector_load %arg17[%get3A_201, %get3A_202, %get3A_203] {strides = array<i32>} : memref<16x8x16xi32, #tpu.memory_space<vmem>>, vector<16xi32>,
          %add3A_205 = arith.addi %mul3A_199, %get3A_204 : vector<16xi32>
          %add3A_206 = arith.constant 0 : i32
          %add3A_207 = vector.broadcast %add3A_206 : i32 to vector<16xi32>
          %add3A_208 = arith.addi %add3A_205, %add3A_207 : vector<16xi32>
          %shift_right_logical3A = arith.constant 3 : i32
          %shift_right_logical3A_209 = vector.broadcast %shift_right_logical3A : i32 to vector<16xi32>
          %shift_right_logical3A_210 = arith.shrui %add3A_208, %shift_right_logical3A_209 : vector<16xi32>
          %and3A = arith.andi %add3A_208, %broadcast_in_dim3A_191 : vector<16xi32>
          %gather3A_211 = tpu.vector_load_idx %arg19[%shift_right_logical3A_210, %and3A] : memref<4096x8xf32, #tpu.memory_space<vmem>>[vector<16xi32>, vector<16xi32>], vector<16xf32>,
          %mul3A_212 = arith.mulf %sub3A_184, %sub3A_187 : vector<16xf32>
          %mul3A_213 = arith.mulf %sub3A_181, %sub3A_187 : vector<16xf32>
          %mul3A_214 = arith.mulf %mul3A_192, %sub3A_187 : vector<16xf32>
          %mul3A_215 = arith.mulf %mul3A_214, %gather3A_211 : vector<16xf32>
          %add3A_216 = arith.addf %broadcast_in_dim3A_3, %mul3A_215 : vector<16xf32>
          %add3A_217 = arith.constant 1 : i32
          %add3A_218 = vector.broadcast %add3A_217 : i32 to vector<16xi32>
          %add3A_219 = arith.addi %add3A_205, %add3A_218 : vector<16xi32>
          %shift_right_logical3A_220 = arith.constant 3 : i32
          %shift_right_logical3A_221 = vector.broadcast %shift_right_logical3A_220 : i32 to vector<16xi32>
          %shift_right_logical3A_222 = arith.shrui %add3A_219, %shift_right_logical3A_221 : vector<16xi32>
          %and3A_223 = arith.andi %add3A_219, %broadcast_in_dim3A_191 : vector<16xi32>
          %gather3A_224 = tpu.vector_load_idx %arg19[%shift_right_logical3A_222, %and3A_223] : memref<4096x8xf32, #tpu.memory_space<vmem>>[vector<16xi32>, vector<16xi32>], vector<16xf32>,
          %mul3A_225 = arith.mulf %mul3A_214, %gather3A_224 : vector<16xf32>
          %add3A_226 = arith.addf %broadcast_in_dim3A_3, %mul3A_225 : vector<16xf32>
          %add3A_227 = arith.constant 2 : i32
          %add3A_228 = vector.broadcast %add3A_227 : i32 to vector<16xi32>
          %add3A_229 = arith.addi %add3A_205, %add3A_228 : vector<16xi32>
          %shift_right_logical3A_230 = arith.constant 3 : i32
          %shift_right_logical3A_231 = vector.broadcast %shift_right_logical3A_230 : i32 to vector<16xi32>
          %shift_right_logical3A_232 = arith.shrui %add3A_229, %shift_right_logical3A_231 : vector<16xi32>
          %and3A_233 = arith.andi %add3A_229, %broadcast_in_dim3A_191 : vector<16xi32>
          %gather3A_234 = tpu.vector_load_idx %arg19[%shift_right_logical3A_232, %and3A_233] : memref<4096x8xf32, #tpu.memory_space<vmem>>[vector<16xi32>, vector<16xi32>], vector<16xf32>,
          %mul3A_235 = arith.mulf %mul3A_214, %gather3A_234 : vector<16xf32>
          %add3A_236 = arith.addf %broadcast_in_dim3A_3, %mul3A_235 : vector<16xf32>
          %add3A_237 = arith.constant 3 : i32
          %add3A_238 = vector.broadcast %add3A_237 : i32 to vector<16xi32>
          %add3A_239 = arith.addi %add3A_205, %add3A_238 : vector<16xi32>
          %shift_right_logical3A_240 = arith.constant 3 : i32
          %shift_right_logical3A_241 = vector.broadcast %shift_right_logical3A_240 : i32 to vector<16xi32>
          %shift_right_logical3A_242 = arith.shrui %add3A_239, %shift_right_logical3A_241 : vector<16xi32>
          %and3A_243 = arith.andi %add3A_239, %broadcast_in_dim3A_191 : vector<16xi32>
          %gather3A_244 = tpu.vector_load_idx %arg19[%shift_right_logical3A_242, %and3A_243] : memref<4096x8xf32, #tpu.memory_space<vmem>>[vector<16xi32>, vector<16xi32>], vector<16xf32>,
          %mul3A_245 = arith.mulf %mul3A_214, %gather3A_244 : vector<16xf32>
          %add3A_246 = arith.addf %broadcast_in_dim3A_3, %mul3A_245 : vector<16xf32>
          %add3A_247 = arith.constant 4 : i32
          %add3A_248 = vector.broadcast %add3A_247 : i32 to vector<16xi32>
          %add3A_249 = arith.addi %add3A_205, %add3A_248 : vector<16xi32>
          %shift_right_logical3A_250 = arith.constant 3 : i32
          %shift_right_logical3A_251 = vector.broadcast %shift_right_logical3A_250 : i32 to vector<16xi32>
          %shift_right_logical3A_252 = arith.shrui %add3A_249, %shift_right_logical3A_251 : vector<16xi32>
          %and3A_253 = arith.andi %add3A_249, %broadcast_in_dim3A_191 : vector<16xi32>
          %gather3A_254 = tpu.vector_load_idx %arg19[%shift_right_logical3A_252, %and3A_253] : memref<4096x8xf32, #tpu.memory_space<vmem>>[vector<16xi32>, vector<16xi32>], vector<16xf32>,
          %mul3A_255 = arith.mulf %mul3A_214, %gather3A_254 : vector<16xf32>
          %add3A_256 = arith.addf %broadcast_in_dim3A_3, %mul3A_255 : vector<16xf32>
          %mul3A_257 = arith.mulf %mul3A_212, %gather3A_211 : vector<16xf32>
          %sub3A_258 = arith.subf %broadcast_in_dim3A_3, %mul3A_257 : vector<16xf32>
          %mul3A_259 = arith.mulf %mul3A_213, %gather3A_211 : vector<16xf32>
          %sub3A_260 = arith.subf %broadcast_in_dim3A_3, %mul3A_259 : vector<16xf32>
          %mul3A_261 = arith.mulf %mul3A_192, %gather3A_211 : vector<16xf32>
          %sub3A_262 = arith.subf %broadcast_in_dim3A_3, %mul3A_261 : vector<16xf32>
          %add3A_263 = arith.constant 16 : i32
          %add3A_264 = arith.addi %mul3A_189, %add3A_263 : i32
          %add3A_265 = vector.broadcast %add3A_264 : i32 to vector<16xi32>
          %add3A_266 = arith.addi %add3A_265, %iota3A : vector<16xi32>
          %mul3A_267 = arith.constant 16 : i32
          %mul3A_268 = vector.broadcast %mul3A_267 : i32 to vector<16xi32>
          %mul3A_269 = arith.muli %add3A_266, %mul3A_268 : vector<16xi32>
          %get3A_270 = arith.constant 1 : i32
          %get3A_271 = arith.index_cast %scan3A_142 : i32 to index
          %get3A_272 = arith.index_cast %get3A_270 : i32 to index
          %get3A_273 = arith.constant 0 : index
          %get3A_274 = tpu.vector_load %arg17[%get3A_271, %get3A_272, %get3A_273] {strides = array<i32>} : memref<16x8x16xi32, #tpu.memory_space<vmem>>, vector<16xi32>,
          %add3A_275 = arith.addi %mul3A_269, %get3A_274 : vector<16xi32>
          %add3A_276 = arith.constant 0 : i32
          %add3A_277 = vector.broadcast %add3A_276 : i32 to vector<16xi32>
          %add3A_278 = arith.addi %add3A_275, %add3A_277 : vector<16xi32>
          %shift_right_logical3A_279 = arith.constant 3 : i32
          %shift_right_logical3A_280 = vector.broadcast %shift_right_logical3A_279 : i32 to vector<16xi32>
          %shift_right_logical3A_281 = arith.shrui %add3A_278, %shift_right_logical3A_280 : vector<16xi32>
          %and3A_282 = arith.andi %add3A_278, %broadcast_in_dim3A_191 : vector<16xi32>
          %gather3A_283 = tpu.vector_load_idx %arg19[%shift_right_logical3A_281, %and3A_282] : memref<4096x8xf32, #tpu.memory_space<vmem>>[vector<16xi32>, vector<16xi32>], vector<16xf32>,
          %mul3A_284 = arith.mulf %sub3A_184, %get3A_179 : vector<16xf32>
          %mul3A_285 = arith.mulf %sub3A_181, %get3A_179 : vector<16xf32>
          %mul3A_286 = arith.mulf %mul3A_192, %get3A_179 : vector<16xf32>
          %mul3A_287 = arith.mulf %mul3A_286, %gather3A_283 : vector<16xf32>
          %add3A_288 = arith.addf %add3A_216, %mul3A_287 : vector<16xf32>
          %add3A_289 = arith.constant 1 : i32
          %add3A_290 = vector.broadcast %add3A_289 : i32 to vector<16xi32>
          %add3A_291 = arith.addi %add3A_275, %add3A_290 : vector<16xi32>
          %shift_right_logical3A_292 = arith.constant 3 : i32
          %shift_right_logical3A_293 = vector.broadcast %shift_right_logical3A_292 : i32 to vector<16xi32>
          %shift_right_logical3A_294 = arith.shrui %add3A_291, %shift_right_logical3A_293 : vector<16xi32>
          %and3A_295 = arith.andi %add3A_291, %broadcast_in_dim3A_191 : vector<16xi32>
          %gather3A_296 = tpu.vector_load_idx %arg19[%shift_right_logical3A_294, %and3A_295] : memref<4096x8xf32, #tpu.memory_space<vmem>>[vector<16xi32>, vector<16xi32>], vector<16xf32>,
          %mul3A_297 = arith.mulf %mul3A_286, %gather3A_296 : vector<16xf32>
          %add3A_298 = arith.addf %add3A_226, %mul3A_297 : vector<16xf32>
          %add3A_299 = arith.constant 2 : i32
          %add3A_300 = vector.broadcast %add3A_299 : i32 to vector<16xi32>
          %add3A_301 = arith.addi %add3A_275, %add3A_300 : vector<16xi32>
          %shift_right_logical3A_302 = arith.constant 3 : i32
          %shift_right_logical3A_303 = vector.broadcast %shift_right_logical3A_302 : i32 to vector<16xi32>
          %shift_right_logical3A_304 = arith.shrui %add3A_301, %shift_right_logical3A_303 : vector<16xi32>
          %and3A_305 = arith.andi %add3A_301, %broadcast_in_dim3A_191 : vector<16xi32>
          %gather3A_306 = tpu.vector_load_idx %arg19[%shift_right_logical3A_304, %and3A_305] : memref<4096x8xf32, #tpu.memory_space<vmem>>[vector<16xi32>, vector<16xi32>], vector<16xf32>,
          %mul3A_307 = arith.mulf %mul3A_286, %gather3A_306 : vector<16xf32>
          %add3A_308 = arith.addf %add3A_236, %mul3A_307 : vector<16xf32>
          %add3A_309 = arith.constant 3 : i32
          %add3A_310 = vector.broadcast %add3A_309 : i32 to vector<16xi32>
          %add3A_311 = arith.addi %add3A_275, %add3A_310 : vector<16xi32>
          %shift_right_logical3A_312 = arith.constant 3 : i32
          %shift_right_logical3A_313 = vector.broadcast %shift_right_logical3A_312 : i32 to vector<16xi32>
          %shift_right_logical3A_314 = arith.shrui %add3A_311, %shift_right_logical3A_313 : vector<16xi32>
          %and3A_315 = arith.andi %add3A_311, %broadcast_in_dim3A_191 : vector<16xi32>
          %gather3A_316 = tpu.vector_load_idx %arg19[%shift_right_logical3A_314, %and3A_315] : memref<4096x8xf32, #tpu.memory_space<vmem>>[vector<16xi32>, vector<16xi32>], vector<16xf32>,
          %mul3A_317 = arith.mulf %mul3A_286, %gather3A_316 : vector<16xf32>
          %add3A_318 = arith.addf %add3A_246, %mul3A_317 : vector<16xf32>
          %add3A_319 = arith.constant 4 : i32
          %add3A_320 = vector.broadcast %add3A_319 : i32 to vector<16xi32>
          %add3A_321 = arith.addi %add3A_275, %add3A_320 : vector<16xi32>
          %shift_right_logical3A_322 = arith.constant 3 : i32
          %shift_right_logical3A_323 = vector.broadcast %shift_right_logical3A_322 : i32 to vector<16xi32>
          %shift_right_logical3A_324 = arith.shrui %add3A_321, %shift_right_logical3A_323 : vector<16xi32>
          %and3A_325 = arith.andi %add3A_321, %broadcast_in_dim3A_191 : vector<16xi32>
          %gather3A_326 = tpu.vector_load_idx %arg19[%shift_right_logical3A_324, %and3A_325] : memref<4096x8xf32, #tpu.memory_space<vmem>>[vector<16xi32>, vector<16xi32>], vector<16xf32>,
          %mul3A_327 = arith.mulf %mul3A_286, %gather3A_326 : vector<16xf32>
          %add3A_328 = arith.addf %add3A_256, %mul3A_327 : vector<16xf32>
          %mul3A_329 = arith.mulf %mul3A_284, %gather3A_283 : vector<16xf32>
          %sub3A_330 = arith.subf %sub3A_258, %mul3A_329 : vector<16xf32>
          %mul3A_331 = arith.mulf %mul3A_285, %gather3A_283 : vector<16xf32>
          %sub3A_332 = arith.subf %sub3A_260, %mul3A_331 : vector<16xf32>
          %mul3A_333 = arith.mulf %mul3A_192, %gather3A_283 : vector<16xf32>
          %add3A_334 = arith.addf %sub3A_262, %mul3A_333 : vector<16xf32>
          %mul3A_335 = arith.mulf %sub3A_181, %get3A_174 : vector<16xf32>
          %add3A_336 = arith.constant 32 : i32
          %add3A_337 = arith.addi %mul3A_189, %add3A_336 : i32
          %add3A_338 = vector.broadcast %add3A_337 : i32 to vector<16xi32>
          %add3A_339 = arith.addi %add3A_338, %iota3A : vector<16xi32>
          %mul3A_340 = arith.constant 16 : i32
          %mul3A_341 = vector.broadcast %mul3A_340 : i32 to vector<16xi32>
          %mul3A_342 = arith.muli %add3A_339, %mul3A_341 : vector<16xi32>
          %get3A_343 = arith.constant 2 : i32
          %get3A_344 = arith.index_cast %scan3A_142 : i32 to index
          %get3A_345 = arith.index_cast %get3A_343 : i32 to index
          %get3A_346 = arith.constant 0 : index
          %get3A_347 = tpu.vector_load %arg17[%get3A_344, %get3A_345, %get3A_346] {strides = array<i32>} : memref<16x8x16xi32, #tpu.memory_space<vmem>>, vector<16xi32>,
          %add3A_348 = arith.addi %mul3A_342, %get3A_347 : vector<16xi32>
          %add3A_349 = arith.constant 0 : i32
          %add3A_350 = vector.broadcast %add3A_349 : i32 to vector<16xi32>
          %add3A_351 = arith.addi %add3A_348, %add3A_350 : vector<16xi32>
          %shift_right_logical3A_352 = arith.constant 3 : i32
          %shift_right_logical3A_353 = vector.broadcast %shift_right_logical3A_352 : i32 to vector<16xi32>
          %shift_right_logical3A_354 = arith.shrui %add3A_351, %shift_right_logical3A_353 : vector<16xi32>
          %and3A_355 = arith.andi %add3A_351, %broadcast_in_dim3A_191 : vector<16xi32>
          %gather3A_356 = tpu.vector_load_idx %arg19[%shift_right_logical3A_354, %and3A_355] : memref<4096x8xf32, #tpu.memory_space<vmem>>[vector<16xi32>, vector<16xi32>], vector<16xf32>,
          %mul3A_357 = arith.mulf %get3A_174, %sub3A_187 : vector<16xf32>
          %mul3A_358 = arith.mulf %sub3A_181, %sub3A_187 : vector<16xf32>
          %mul3A_359 = arith.mulf %mul3A_335, %sub3A_187 : vector<16xf32>
          %mul3A_360 = arith.mulf %mul3A_359, %gather3A_356 : vector<16xf32>
          %add3A_361 = arith.addf %add3A_288, %mul3A_360 : vector<16xf32>
          %add3A_362 = arith.constant 1 : i32
          %add3A_363 = vector.broadcast %add3A_362 : i32 to vector<16xi32>
          %add3A_364 = arith.addi %add3A_348, %add3A_363 : vector<16xi32>
          %shift_right_logical3A_365 = arith.constant 3 : i32
          %shift_right_logical3A_366 = vector.broadcast %shift_right_logical3A_365 : i32 to vector<16xi32>
          %shift_right_logical3A_367 = arith.shrui %add3A_364, %shift_right_logical3A_366 : vector<16xi32>
          %and3A_368 = arith.andi %add3A_364, %broadcast_in_dim3A_191 : vector<16xi32>
          %gather3A_369 = tpu.vector_load_idx %arg19[%shift_right_logical3A_367, %and3A_368] : memref<4096x8xf32, #tpu.memory_space<vmem>>[vector<16xi32>, vector<16xi32>], vector<16xf32>,
          %mul3A_370 = arith.mulf %mul3A_359, %gather3A_369 : vector<16xf32>
          %add3A_371 = arith.addf %add3A_298, %mul3A_370 : vector<16xf32>
          %add3A_372 = arith.constant 2 : i32
          %add3A_373 = vector.broadcast %add3A_372 : i32 to vector<16xi32>
          %add3A_374 = arith.addi %add3A_348, %add3A_373 : vector<16xi32>
          %shift_right_logical3A_375 = arith.constant 3 : i32
          %shift_right_logical3A_376 = vector.broadcast %shift_right_logical3A_375 : i32 to vector<16xi32>
          %shift_right_logical3A_377 = arith.shrui %add3A_374, %shift_right_logical3A_376 : vector<16xi32>
          %and3A_378 = arith.andi %add3A_374, %broadcast_in_dim3A_191 : vector<16xi32>
          %gather3A_379 = tpu.vector_load_idx %arg19[%shift_right_logical3A_377, %and3A_378] : memref<4096x8xf32, #tpu.memory_space<vmem>>[vector<16xi32>, vector<16xi32>], vector<16xf32>,
          %mul3A_380 = arith.mulf %mul3A_359, %gather3A_379 : vector<16xf32>
          %add3A_381 = arith.addf %add3A_308, %mul3A_380 : vector<16xf32>
          %add3A_382 = arith.constant 3 : i32
          %add3A_383 = vector.broadcast %add3A_382 : i32 to vector<16xi32>
          %add3A_384 = arith.addi %add3A_348, %add3A_383 : vector<16xi32>
          %shift_right_logical3A_385 = arith.constant 3 : i32
          %shift_right_logical3A_386 = vector.broadcast %shift_right_logical3A_385 : i32 to vector<16xi32>
          %shift_right_logical3A_387 = arith.shrui %add3A_384, %shift_right_logical3A_386 : vector<16xi32>
          %and3A_388 = arith.andi %add3A_384, %broadcast_in_dim3A_191 : vector<16xi32>
          %gather3A_389 = tpu.vector_load_idx %arg19[%shift_right_logical3A_387, %and3A_388] : memref<4096x8xf32, #tpu.memory_space<vmem>>[vector<16xi32>, vector<16xi32>], vector<16xf32>,
          %mul3A_390 = arith.mulf %mul3A_359, %gather3A_389 : vector<16xf32>
          %add3A_391 = arith.addf %add3A_318, %mul3A_390 : vector<16xf32>
          %add3A_392 = arith.constant 4 : i32
          %add3A_393 = vector.broadcast %add3A_392 : i32 to vector<16xi32>
          %add3A_394 = arith.addi %add3A_348, %add3A_393 : vector<16xi32>
          %shift_right_logical3A_395 = arith.constant 3 : i32
          %shift_right_logical3A_396 = vector.broadcast %shift_right_logical3A_395 : i32 to vector<16xi32>
          %shift_right_logical3A_397 = arith.shrui %add3A_394, %shift_right_logical3A_396 : vector<16xi32>
          %and3A_398 = arith.andi %add3A_394, %broadcast_in_dim3A_191 : vector<16xi32>
          %gather3A_399 = tpu.vector_load_idx %arg19[%shift_right_logical3A_397, %and3A_398] : memref<4096x8xf32, #tpu.memory_space<vmem>>[vector<16xi32>, vector<16xi32>], vector<16xf32>,
          %mul3A_400 = arith.mulf %mul3A_359, %gather3A_399 : vector<16xf32>
          %add3A_401 = arith.addf %add3A_328, %mul3A_400 : vector<16xf32>
          %mul3A_402 = arith.mulf %mul3A_357, %gather3A_356 : vector<16xf32>
          %sub3A_403 = arith.subf %sub3A_330, %mul3A_402 : vector<16xf32>
          %mul3A_404 = arith.mulf %mul3A_358, %gather3A_356 : vector<16xf32>
          %add3A_405 = arith.addf %sub3A_332, %mul3A_404 : vector<16xf32>
          %mul3A_406 = arith.mulf %mul3A_335, %gather3A_356 : vector<16xf32>
          %sub3A_407 = arith.subf %add3A_334, %mul3A_406 : vector<16xf32>
          %add3A_408 = arith.constant 48 : i32
          %add3A_409 = arith.addi %mul3A_189, %add3A_408 : i32
          %add3A_410 = vector.broadcast %add3A_409 : i32 to vector<16xi32>
          %add3A_411 = arith.addi %add3A_410, %iota3A : vector<16xi32>
          %mul3A_412 = arith.constant 16 : i32
          %mul3A_413 = vector.broadcast %mul3A_412 : i32 to vector<16xi32>
          %mul3A_414 = arith.muli %add3A_411, %mul3A_413 : vector<16xi32>
          %get3A_415 = arith.constant 3 : i32
          %get3A_416 = arith.index_cast %scan3A_142 : i32 to index
          %get3A_417 = arith.index_cast %get3A_415 : i32 to index
          %get3A_418 = arith.constant 0 : index
          %get3A_419 = tpu.vector_load %arg17[%get3A_416, %get3A_417, %get3A_418] {strides = array<i32>} : memref<16x8x16xi32, #tpu.memory_space<vmem>>, vector<16xi32>,
          %add3A_420 = arith.addi %mul3A_414, %get3A_419 : vector<16xi32>
          %add3A_421 = arith.constant 0 : i32
          %add3A_422 = vector.broadcast %add3A_421 : i32 to vector<16xi32>
          %add3A_423 = arith.addi %add3A_420, %add3A_422 : vector<16xi32>
          %shift_right_logical3A_424 = arith.constant 3 : i32
          %shift_right_logical3A_425 = vector.broadcast %shift_right_logical3A_424 : i32 to vector<16xi32>
          %shift_right_logical3A_426 = arith.shrui %add3A_423, %shift_right_logical3A_425 : vector<16xi32>
          %and3A_427 = arith.andi %add3A_423, %broadcast_in_dim3A_191 : vector<16xi32>
          %gather3A_428 = tpu.vector_load_idx %arg19[%shift_right_logical3A_426, %and3A_427] : memref<4096x8xf32, #tpu.memory_space<vmem>>[vector<16xi32>, vector<16xi32>], vector<16xf32>,
          %mul3A_429 = arith.mulf %get3A_174, %get3A_179 : vector<16xf32>
          %mul3A_430 = arith.mulf %sub3A_181, %get3A_179 : vector<16xf32>
          %mul3A_431 = arith.mulf %mul3A_335, %get3A_179 : vector<16xf32>
          %mul3A_432 = arith.mulf %mul3A_431, %gather3A_428 : vector<16xf32>
          %add3A_433 = arith.addf %add3A_361, %mul3A_432 : vector<16xf32>
          %add3A_434 = arith.constant 1 : i32
          %add3A_435 = vector.broadcast %add3A_434 : i32 to vector<16xi32>
          %add3A_436 = arith.addi %add3A_420, %add3A_435 : vector<16xi32>
          %shift_right_logical3A_437 = arith.constant 3 : i32
          %shift_right_logical3A_438 = vector.broadcast %shift_right_logical3A_437 : i32 to vector<16xi32>
          %shift_right_logical3A_439 = arith.shrui %add3A_436, %shift_right_logical3A_438 : vector<16xi32>
          %and3A_440 = arith.andi %add3A_436, %broadcast_in_dim3A_191 : vector<16xi32>
          %gather3A_441 = tpu.vector_load_idx %arg19[%shift_right_logical3A_439, %and3A_440] : memref<4096x8xf32, #tpu.memory_space<vmem>>[vector<16xi32>, vector<16xi32>], vector<16xf32>,
          %mul3A_442 = arith.mulf %mul3A_431, %gather3A_441 : vector<16xf32>
          %add3A_443 = arith.addf %add3A_371, %mul3A_442 : vector<16xf32>
          %add3A_444 = arith.constant 2 : i32
          %add3A_445 = vector.broadcast %add3A_444 : i32 to vector<16xi32>
          %add3A_446 = arith.addi %add3A_420, %add3A_445 : vector<16xi32>
          %shift_right_logical3A_447 = arith.constant 3 : i32
          %shift_right_logical3A_448 = vector.broadcast %shift_right_logical3A_447 : i32 to vector<16xi32>
          %shift_right_logical3A_449 = arith.shrui %add3A_446, %shift_right_logical3A_448 : vector<16xi32>
          %and3A_450 = arith.andi %add3A_446, %broadcast_in_dim3A_191 : vector<16xi32>
          %gather3A_451 = tpu.vector_load_idx %arg19[%shift_right_logical3A_449, %and3A_450] : memref<4096x8xf32, #tpu.memory_space<vmem>>[vector<16xi32>, vector<16xi32>], vector<16xf32>,
          %mul3A_452 = arith.mulf %mul3A_431, %gather3A_451 : vector<16xf32>
          %add3A_453 = arith.addf %add3A_381, %mul3A_452 : vector<16xf32>
          %add3A_454 = arith.constant 3 : i32
          %add3A_455 = vector.broadcast %add3A_454 : i32 to vector<16xi32>
          %add3A_456 = arith.addi %add3A_420, %add3A_455 : vector<16xi32>
          %shift_right_logical3A_457 = arith.constant 3 : i32
          %shift_right_logical3A_458 = vector.broadcast %shift_right_logical3A_457 : i32 to vector<16xi32>
          %shift_right_logical3A_459 = arith.shrui %add3A_456, %shift_right_logical3A_458 : vector<16xi32>
          %and3A_460 = arith.andi %add3A_456, %broadcast_in_dim3A_191 : vector<16xi32>
          %gather3A_461 = tpu.vector_load_idx %arg19[%shift_right_logical3A_459, %and3A_460] : memref<4096x8xf32, #tpu.memory_space<vmem>>[vector<16xi32>, vector<16xi32>], vector<16xf32>,
          %mul3A_462 = arith.mulf %mul3A_431, %gather3A_461 : vector<16xf32>
          %add3A_463 = arith.addf %add3A_391, %mul3A_462 : vector<16xf32>
          %add3A_464 = arith.constant 4 : i32
          %add3A_465 = vector.broadcast %add3A_464 : i32 to vector<16xi32>
          %add3A_466 = arith.addi %add3A_420, %add3A_465 : vector<16xi32>
          %shift_right_logical3A_467 = arith.constant 3 : i32
          %shift_right_logical3A_468 = vector.broadcast %shift_right_logical3A_467 : i32 to vector<16xi32>
          %shift_right_logical3A_469 = arith.shrui %add3A_466, %shift_right_logical3A_468 : vector<16xi32>
          %and3A_470 = arith.andi %add3A_466, %broadcast_in_dim3A_191 : vector<16xi32>
          %gather3A_471 = tpu.vector_load_idx %arg19[%shift_right_logical3A_469, %and3A_470] : memref<4096x8xf32, #tpu.memory_space<vmem>>[vector<16xi32>, vector<16xi32>], vector<16xf32>,
          %mul3A_472 = arith.mulf %mul3A_431, %gather3A_471 : vector<16xf32>
          %add3A_473 = arith.addf %add3A_401, %mul3A_472 : vector<16xf32>
          %mul3A_474 = arith.mulf %mul3A_429, %gather3A_428 : vector<16xf32>
          %sub3A_475 = arith.subf %sub3A_403, %mul3A_474 : vector<16xf32>
          %mul3A_476 = arith.mulf %mul3A_430, %gather3A_428 : vector<16xf32>
          %add3A_477 = arith.addf %add3A_405, %mul3A_476 : vector<16xf32>
          %mul3A_478 = arith.mulf %mul3A_335, %gather3A_428 : vector<16xf32>
          %add3A_479 = arith.addf %sub3A_407, %mul3A_478 : vector<16xf32>
          %mul3A_480 = arith.mulf %get3A_169, %sub3A_184 : vector<16xf32>
          %add3A_481 = arith.constant 64 : i32
          %add3A_482 = arith.addi %mul3A_189, %add3A_481 : i32
          %add3A_483 = vector.broadcast %add3A_482 : i32 to vector<16xi32>
          %add3A_484 = arith.addi %add3A_483, %iota3A : vector<16xi32>
          %mul3A_485 = arith.constant 16 : i32
          %mul3A_486 = vector.broadcast %mul3A_485 : i32 to vector<16xi32>
          %mul3A_487 = arith.muli %add3A_484, %mul3A_486 : vector<16xi32>
          %get3A_488 = arith.constant 4 : i32
          %get3A_489 = arith.index_cast %scan3A_142 : i32 to index
          %get3A_490 = arith.index_cast %get3A_488 : i32 to index
          %get3A_491 = arith.constant 0 : index
          %get3A_492 = tpu.vector_load %arg17[%get3A_489, %get3A_490, %get3A_491] {strides = array<i32>} : memref<16x8x16xi32, #tpu.memory_space<vmem>>, vector<16xi32>,
          %add3A_493 = arith.addi %mul3A_487, %get3A_492 : vector<16xi32>
          %add3A_494 = arith.constant 0 : i32
          %add3A_495 = vector.broadcast %add3A_494 : i32 to vector<16xi32>
          %add3A_496 = arith.addi %add3A_493, %add3A_495 : vector<16xi32>
          %shift_right_logical3A_497 = arith.constant 3 : i32
          %shift_right_logical3A_498 = vector.broadcast %shift_right_logical3A_497 : i32 to vector<16xi32>
          %shift_right_logical3A_499 = arith.shrui %add3A_496, %shift_right_logical3A_498 : vector<16xi32>
          %and3A_500 = arith.andi %add3A_496, %broadcast_in_dim3A_191 : vector<16xi32>
          %gather3A_501 = tpu.vector_load_idx %arg19[%shift_right_logical3A_499, %and3A_500] : memref<4096x8xf32, #tpu.memory_space<vmem>>[vector<16xi32>, vector<16xi32>], vector<16xf32>,
          %mul3A_502 = arith.mulf %sub3A_184, %sub3A_187 : vector<16xf32>
          %mul3A_503 = arith.mulf %get3A_169, %sub3A_187 : vector<16xf32>
          %mul3A_504 = arith.mulf %mul3A_480, %sub3A_187 : vector<16xf32>
          %mul3A_505 = arith.mulf %mul3A_504, %gather3A_501 : vector<16xf32>
          %add3A_506 = arith.addf %add3A_433, %mul3A_505 : vector<16xf32>
          %add3A_507 = arith.constant 1 : i32
          %add3A_508 = vector.broadcast %add3A_507 : i32 to vector<16xi32>
          %add3A_509 = arith.addi %add3A_493, %add3A_508 : vector<16xi32>
          %shift_right_logical3A_510 = arith.constant 3 : i32
          %shift_right_logical3A_511 = vector.broadcast %shift_right_logical3A_510 : i32 to vector<16xi32>
          %shift_right_logical3A_512 = arith.shrui %add3A_509, %shift_right_logical3A_511 : vector<16xi32>
          %and3A_513 = arith.andi %add3A_509, %broadcast_in_dim3A_191 : vector<16xi32>
          %gather3A_514 = tpu.vector_load_idx %arg19[%shift_right_logical3A_512, %and3A_513] : memref<4096x8xf32, #tpu.memory_space<vmem>>[vector<16xi32>, vector<16xi32>], vector<16xf32>,
          %mul3A_515 = arith.mulf %mul3A_504, %gather3A_514 : vector<16xf32>
          %add3A_516 = arith.addf %add3A_443, %mul3A_515 : vector<16xf32>
          %add3A_517 = arith.constant 2 : i32
          %add3A_518 = vector.broadcast %add3A_517 : i32 to vector<16xi32>
          %add3A_519 = arith.addi %add3A_493, %add3A_518 : vector<16xi32>
          %shift_right_logical3A_520 = arith.constant 3 : i32
          %shift_right_logical3A_521 = vector.broadcast %shift_right_logical3A_520 : i32 to vector<16xi32>
          %shift_right_logical3A_522 = arith.shrui %add3A_519, %shift_right_logical3A_521 : vector<16xi32>
          %and3A_523 = arith.andi %add3A_519, %broadcast_in_dim3A_191 : vector<16xi32>
          %gather3A_524 = tpu.vector_load_idx %arg19[%shift_right_logical3A_522, %and3A_523] : memref<4096x8xf32, #tpu.memory_space<vmem>>[vector<16xi32>, vector<16xi32>], vector<16xf32>,
          %mul3A_525 = arith.mulf %mul3A_504, %gather3A_524 : vector<16xf32>
          %add3A_526 = arith.addf %add3A_453, %mul3A_525 : vector<16xf32>
          %add3A_527 = arith.constant 3 : i32
          %add3A_528 = vector.broadcast %add3A_527 : i32 to vector<16xi32>
          %add3A_529 = arith.addi %add3A_493, %add3A_528 : vector<16xi32>
          %shift_right_logical3A_530 = arith.constant 3 : i32
          %shift_right_logical3A_531 = vector.broadcast %shift_right_logical3A_530 : i32 to vector<16xi32>
          %shift_right_logical3A_532 = arith.shrui %add3A_529, %shift_right_logical3A_531 : vector<16xi32>
          %and3A_533 = arith.andi %add3A_529, %broadcast_in_dim3A_191 : vector<16xi32>
          %gather3A_534 = tpu.vector_load_idx %arg19[%shift_right_logical3A_532, %and3A_533] : memref<4096x8xf32, #tpu.memory_space<vmem>>[vector<16xi32>, vector<16xi32>], vector<16xf32>,
          %mul3A_535 = arith.mulf %mul3A_504, %gather3A_534 : vector<16xf32>
          %add3A_536 = arith.addf %add3A_463, %mul3A_535 : vector<16xf32>
          %add3A_537 = arith.constant 4 : i32
          %add3A_538 = vector.broadcast %add3A_537 : i32 to vector<16xi32>
          %add3A_539 = arith.addi %add3A_493, %add3A_538 : vector<16xi32>
          %shift_right_logical3A_540 = arith.constant 3 : i32
          %shift_right_logical3A_541 = vector.broadcast %shift_right_logical3A_540 : i32 to vector<16xi32>
          %shift_right_logical3A_542 = arith.shrui %add3A_539, %shift_right_logical3A_541 : vector<16xi32>
          %and3A_543 = arith.andi %add3A_539, %broadcast_in_dim3A_191 : vector<16xi32>
          %gather3A_544 = tpu.vector_load_idx %arg19[%shift_right_logical3A_542, %and3A_543] : memref<4096x8xf32, #tpu.memory_space<vmem>>[vector<16xi32>, vector<16xi32>], vector<16xf32>,
          %mul3A_545 = arith.mulf %mul3A_504, %gather3A_544 : vector<16xf32>
          %add3A_546 = arith.addf %add3A_473, %mul3A_545 : vector<16xf32>
          %mul3A_547 = arith.mulf %mul3A_502, %gather3A_501 : vector<16xf32>
          %add3A_548 = arith.addf %sub3A_475, %mul3A_547 : vector<16xf32>
          %mul3A_549 = arith.mulf %mul3A_503, %gather3A_501 : vector<16xf32>
          %sub3A_550 = arith.subf %add3A_477, %mul3A_549 : vector<16xf32>
          %mul3A_551 = arith.mulf %mul3A_480, %gather3A_501 : vector<16xf32>
          %sub3A_552 = arith.subf %add3A_479, %mul3A_551 : vector<16xf32>
          %add3A_553 = arith.constant 80 : i32
          %add3A_554 = arith.addi %mul3A_189, %add3A_553 : i32
          %add3A_555 = vector.broadcast %add3A_554 : i32 to vector<16xi32>
          %add3A_556 = arith.addi %add3A_555, %iota3A : vector<16xi32>
          %mul3A_557 = arith.constant 16 : i32
          %mul3A_558 = vector.broadcast %mul3A_557 : i32 to vector<16xi32>
          %mul3A_559 = arith.muli %add3A_556, %mul3A_558 : vector<16xi32>
          %get3A_560 = arith.constant 5 : i32
          %get3A_561 = arith.index_cast %scan3A_142 : i32 to index
          %get3A_562 = arith.index_cast %get3A_560 : i32 to index
          %get3A_563 = arith.constant 0 : index
          %get3A_564 = tpu.vector_load %arg17[%get3A_561, %get3A_562, %get3A_563] {strides = array<i32>} : memref<16x8x16xi32, #tpu.memory_space<vmem>>, vector<16xi32>,
          %add3A_565 = arith.addi %mul3A_559, %get3A_564 : vector<16xi32>
          %add3A_566 = arith.constant 0 : i32
          %add3A_567 = vector.broadcast %add3A_566 : i32 to vector<16xi32>
          %add3A_568 = arith.addi %add3A_565, %add3A_567 : vector<16xi32>
          %shift_right_logical3A_569 = arith.constant 3 : i32
          %shift_right_logical3A_570 = vector.broadcast %shift_right_logical3A_569 : i32 to vector<16xi32>
          %shift_right_logical3A_571 = arith.shrui %add3A_568, %shift_right_logical3A_570 : vector<16xi32>
          %and3A_572 = arith.andi %add3A_568, %broadcast_in_dim3A_191 : vector<16xi32>
          %gather3A_573 = tpu.vector_load_idx %arg19[%shift_right_logical3A_571, %and3A_572] : memref<4096x8xf32, #tpu.memory_space<vmem>>[vector<16xi32>, vector<16xi32>], vector<16xf32>,
          %mul3A_574 = arith.mulf %sub3A_184, %get3A_179 : vector<16xf32>
          %mul3A_575 = arith.mulf %get3A_169, %get3A_179 : vector<16xf32>
          %mul3A_576 = arith.mulf %mul3A_480, %get3A_179 : vector<16xf32>
          %mul3A_577 = arith.mulf %mul3A_576, %gather3A_573 : vector<16xf32>
          %add3A_578 = arith.addf %add3A_506, %mul3A_577 : vector<16xf32>
          %add3A_579 = arith.constant 1 : i32
          %add3A_580 = vector.broadcast %add3A_579 : i32 to vector<16xi32>
          %add3A_581 = arith.addi %add3A_565, %add3A_580 : vector<16xi32>
          %shift_right_logical3A_582 = arith.constant 3 : i32
          %shift_right_logical3A_583 = vector.broadcast %shift_right_logical3A_582 : i32 to vector<16xi32>
          %shift_right_logical3A_584 = arith.shrui %add3A_581, %shift_right_logical3A_583 : vector<16xi32>
          %and3A_585 = arith.andi %add3A_581, %broadcast_in_dim3A_191 : vector<16xi32>
          %gather3A_586 = tpu.vector_load_idx %arg19[%shift_right_logical3A_584, %and3A_585] : memref<4096x8xf32, #tpu.memory_space<vmem>>[vector<16xi32>, vector<16xi32>], vector<16xf32>,
          %mul3A_587 = arith.mulf %mul3A_576, %gather3A_586 : vector<16xf32>
          %add3A_588 = arith.addf %add3A_516, %mul3A_587 : vector<16xf32>
          %add3A_589 = arith.constant 2 : i32
          %add3A_590 = vector.broadcast %add3A_589 : i32 to vector<16xi32>
          %add3A_591 = arith.addi %add3A_565, %add3A_590 : vector<16xi32>
          %shift_right_logical3A_592 = arith.constant 3 : i32
          %shift_right_logical3A_593 = vector.broadcast %shift_right_logical3A_592 : i32 to vector<16xi32>
          %shift_right_logical3A_594 = arith.shrui %add3A_591, %shift_right_logical3A_593 : vector<16xi32>
          %and3A_595 = arith.andi %add3A_591, %broadcast_in_dim3A_191 : vector<16xi32>
          %gather3A_596 = tpu.vector_load_idx %arg19[%shift_right_logical3A_594, %and3A_595] : memref<4096x8xf32, #tpu.memory_space<vmem>>[vector<16xi32>, vector<16xi32>], vector<16xf32>,
          %mul3A_597 = arith.mulf %mul3A_576, %gather3A_596 : vector<16xf32>
          %add3A_598 = arith.addf %add3A_526, %mul3A_597 : vector<16xf32>
          %add3A_599 = arith.constant 3 : i32
          %add3A_600 = vector.broadcast %add3A_599 : i32 to vector<16xi32>
          %add3A_601 = arith.addi %add3A_565, %add3A_600 : vector<16xi32>
          %shift_right_logical3A_602 = arith.constant 3 : i32
          %shift_right_logical3A_603 = vector.broadcast %shift_right_logical3A_602 : i32 to vector<16xi32>
          %shift_right_logical3A_604 = arith.shrui %add3A_601, %shift_right_logical3A_603 : vector<16xi32>
          %and3A_605 = arith.andi %add3A_601, %broadcast_in_dim3A_191 : vector<16xi32>
          %gather3A_606 = tpu.vector_load_idx %arg19[%shift_right_logical3A_604, %and3A_605] : memref<4096x8xf32, #tpu.memory_space<vmem>>[vector<16xi32>, vector<16xi32>], vector<16xf32>,
          %mul3A_607 = arith.mulf %mul3A_576, %gather3A_606 : vector<16xf32>
          %add3A_608 = arith.addf %add3A_536, %mul3A_607 : vector<16xf32>
          %add3A_609 = arith.constant 4 : i32
          %add3A_610 = vector.broadcast %add3A_609 : i32 to vector<16xi32>
          %add3A_611 = arith.addi %add3A_565, %add3A_610 : vector<16xi32>
          %shift_right_logical3A_612 = arith.constant 3 : i32
          %shift_right_logical3A_613 = vector.broadcast %shift_right_logical3A_612 : i32 to vector<16xi32>
          %shift_right_logical3A_614 = arith.shrui %add3A_611, %shift_right_logical3A_613 : vector<16xi32>
          %and3A_615 = arith.andi %add3A_611, %broadcast_in_dim3A_191 : vector<16xi32>
          %gather3A_616 = tpu.vector_load_idx %arg19[%shift_right_logical3A_614, %and3A_615] : memref<4096x8xf32, #tpu.memory_space<vmem>>[vector<16xi32>, vector<16xi32>], vector<16xf32>,
          %mul3A_617 = arith.mulf %mul3A_576, %gather3A_616 : vector<16xf32>
          %add3A_618 = arith.addf %add3A_546, %mul3A_617 : vector<16xf32>
          %mul3A_619 = arith.mulf %mul3A_574, %gather3A_573 : vector<16xf32>
          %add3A_620 = arith.addf %add3A_548, %mul3A_619 : vector<16xf32>
          %mul3A_621 = arith.mulf %mul3A_575, %gather3A_573 : vector<16xf32>
          %sub3A_622 = arith.subf %sub3A_550, %mul3A_621 : vector<16xf32>
          %mul3A_623 = arith.mulf %mul3A_480, %gather3A_573 : vector<16xf32>
          %add3A_624 = arith.addf %sub3A_552, %mul3A_623 : vector<16xf32>
          %mul3A_625 = arith.mulf %get3A_169, %get3A_174 : vector<16xf32>
          %add3A_626 = arith.constant 96 : i32
          %add3A_627 = arith.addi %mul3A_189, %add3A_626 : i32
          %add3A_628 = vector.broadcast %add3A_627 : i32 to vector<16xi32>
          %add3A_629 = arith.addi %add3A_628, %iota3A : vector<16xi32>
          %mul3A_630 = arith.constant 16 : i32
          %mul3A_631 = vector.broadcast %mul3A_630 : i32 to vector<16xi32>
          %mul3A_632 = arith.muli %add3A_629, %mul3A_631 : vector<16xi32>
          %get3A_633 = arith.constant 6 : i32
          %get3A_634 = arith.index_cast %scan3A_142 : i32 to index
          %get3A_635 = arith.index_cast %get3A_633 : i32 to index
          %get3A_636 = arith.constant 0 : index
          %get3A_637 = tpu.vector_load %arg17[%get3A_634, %get3A_635, %get3A_636] {strides = array<i32>} : memref<16x8x16xi32, #tpu.memory_space<vmem>>, vector<16xi32>,
          %add3A_638 = arith.addi %mul3A_632, %get3A_637 : vector<16xi32>
          %add3A_639 = arith.constant 0 : i32
          %add3A_640 = vector.broadcast %add3A_639 : i32 to vector<16xi32>
          %add3A_641 = arith.addi %add3A_638, %add3A_640 : vector<16xi32>
          %shift_right_logical3A_642 = arith.constant 3 : i32
          %shift_right_logical3A_643 = vector.broadcast %shift_right_logical3A_642 : i32 to vector<16xi32>
          %shift_right_logical3A_644 = arith.shrui %add3A_641, %shift_right_logical3A_643 : vector<16xi32>
          %and3A_645 = arith.andi %add3A_641, %broadcast_in_dim3A_191 : vector<16xi32>
          %gather3A_646 = tpu.vector_load_idx %arg19[%shift_right_logical3A_644, %and3A_645] : memref<4096x8xf32, #tpu.memory_space<vmem>>[vector<16xi32>, vector<16xi32>], vector<16xf32>,
          %mul3A_647 = arith.mulf %get3A_174, %sub3A_187 : vector<16xf32>
          %mul3A_648 = arith.mulf %get3A_169, %sub3A_187 : vector<16xf32>
          %mul3A_649 = arith.mulf %mul3A_625, %sub3A_187 : vector<16xf32>
          %mul3A_650 = arith.mulf %mul3A_649, %gather3A_646 : vector<16xf32>
          %add3A_651 = arith.addf %add3A_578, %mul3A_650 : vector<16xf32>
          %add3A_652 = arith.constant 1 : i32
          %add3A_653 = vector.broadcast %add3A_652 : i32 to vector<16xi32>
          %add3A_654 = arith.addi %add3A_638, %add3A_653 : vector<16xi32>
          %shift_right_logical3A_655 = arith.constant 3 : i32
          %shift_right_logical3A_656 = vector.broadcast %shift_right_logical3A_655 : i32 to vector<16xi32>
          %shift_right_logical3A_657 = arith.shrui %add3A_654, %shift_right_logical3A_656 : vector<16xi32>
          %and3A_658 = arith.andi %add3A_654, %broadcast_in_dim3A_191 : vector<16xi32>
          %gather3A_659 = tpu.vector_load_idx %arg19[%shift_right_logical3A_657, %and3A_658] : memref<4096x8xf32, #tpu.memory_space<vmem>>[vector<16xi32>, vector<16xi32>], vector<16xf32>,
          %mul3A_660 = arith.mulf %mul3A_649, %gather3A_659 : vector<16xf32>
          %add3A_661 = arith.addf %add3A_588, %mul3A_660 : vector<16xf32>
          %add3A_662 = arith.constant 2 : i32
          %add3A_663 = vector.broadcast %add3A_662 : i32 to vector<16xi32>
          %add3A_664 = arith.addi %add3A_638, %add3A_663 : vector<16xi32>
          %shift_right_logical3A_665 = arith.constant 3 : i32
          %shift_right_logical3A_666 = vector.broadcast %shift_right_logical3A_665 : i32 to vector<16xi32>
          %shift_right_logical3A_667 = arith.shrui %add3A_664, %shift_right_logical3A_666 : vector<16xi32>
          %and3A_668 = arith.andi %add3A_664, %broadcast_in_dim3A_191 : vector<16xi32>
          %gather3A_669 = tpu.vector_load_idx %arg19[%shift_right_logical3A_667, %and3A_668] : memref<4096x8xf32, #tpu.memory_space<vmem>>[vector<16xi32>, vector<16xi32>], vector<16xf32>,
          %mul3A_670 = arith.mulf %mul3A_649, %gather3A_669 : vector<16xf32>
          %add3A_671 = arith.addf %add3A_598, %mul3A_670 : vector<16xf32>
          %add3A_672 = arith.constant 3 : i32
          %add3A_673 = vector.broadcast %add3A_672 : i32 to vector<16xi32>
          %add3A_674 = arith.addi %add3A_638, %add3A_673 : vector<16xi32>
          %shift_right_logical3A_675 = arith.constant 3 : i32
          %shift_right_logical3A_676 = vector.broadcast %shift_right_logical3A_675 : i32 to vector<16xi32>
          %shift_right_logical3A_677 = arith.shrui %add3A_674, %shift_right_logical3A_676 : vector<16xi32>
          %and3A_678 = arith.andi %add3A_674, %broadcast_in_dim3A_191 : vector<16xi32>
          %gather3A_679 = tpu.vector_load_idx %arg19[%shift_right_logical3A_677, %and3A_678] : memref<4096x8xf32, #tpu.memory_space<vmem>>[vector<16xi32>, vector<16xi32>], vector<16xf32>,
          %mul3A_680 = arith.mulf %mul3A_649, %gather3A_679 : vector<16xf32>
          %add3A_681 = arith.addf %add3A_608, %mul3A_680 : vector<16xf32>
          %add3A_682 = arith.constant 4 : i32
          %add3A_683 = vector.broadcast %add3A_682 : i32 to vector<16xi32>
          %add3A_684 = arith.addi %add3A_638, %add3A_683 : vector<16xi32>
          %shift_right_logical3A_685 = arith.constant 3 : i32
          %shift_right_logical3A_686 = vector.broadcast %shift_right_logical3A_685 : i32 to vector<16xi32>
          %shift_right_logical3A_687 = arith.shrui %add3A_684, %shift_right_logical3A_686 : vector<16xi32>
          %and3A_688 = arith.andi %add3A_684, %broadcast_in_dim3A_191 : vector<16xi32>
          %gather3A_689 = tpu.vector_load_idx %arg19[%shift_right_logical3A_687, %and3A_688] : memref<4096x8xf32, #tpu.memory_space<vmem>>[vector<16xi32>, vector<16xi32>], vector<16xf32>,
          %mul3A_690 = arith.mulf %mul3A_649, %gather3A_689 : vector<16xf32>
          %add3A_691 = arith.addf %add3A_618, %mul3A_690 : vector<16xf32>
          %mul3A_692 = arith.mulf %mul3A_647, %gather3A_646 : vector<16xf32>
          %add3A_693 = arith.addf %add3A_620, %mul3A_692 : vector<16xf32>
          %mul3A_694 = arith.mulf %mul3A_648, %gather3A_646 : vector<16xf32>
          %add3A_695 = arith.addf %sub3A_622, %mul3A_694 : vector<16xf32>
          %mul3A_696 = arith.mulf %mul3A_625, %gather3A_646 : vector<16xf32>
          %sub3A_697 = arith.subf %add3A_624, %mul3A_696 : vector<16xf32>
          %add3A_698 = arith.constant 112 : i32
          %add3A_699 = arith.addi %mul3A_189, %add3A_698 : i32
          %add3A_700 = vector.broadcast %add3A_699 : i32 to vector<16xi32>
          %add3A_701 = arith.addi %add3A_700, %iota3A : vector<16xi32>
          %mul3A_702 = arith.constant 16 : i32
          %mul3A_703 = vector.broadcast %mul3A_702 : i32 to vector<16xi32>
          %mul3A_704 = arith.muli %add3A_701, %mul3A_703 : vector<16xi32>
          %get3A_705 = arith.constant 7 : i32
          %get3A_706 = arith.index_cast %scan3A_142 : i32 to index
          %get3A_707 = arith.index_cast %get3A_705 : i32 to index
          %get3A_708 = arith.constant 0 : index
          %get3A_709 = tpu.vector_load %arg17[%get3A_706, %get3A_707, %get3A_708] {strides = array<i32>} : memref<16x8x16xi32, #tpu.memory_space<vmem>>, vector<16xi32>,
          %add3A_710 = arith.addi %mul3A_704, %get3A_709 : vector<16xi32>
          %add3A_711 = arith.constant 0 : i32
          %add3A_712 = vector.broadcast %add3A_711 : i32 to vector<16xi32>
          %add3A_713 = arith.addi %add3A_710, %add3A_712 : vector<16xi32>
          %shift_right_logical3A_714 = arith.constant 3 : i32
          %shift_right_logical3A_715 = vector.broadcast %shift_right_logical3A_714 : i32 to vector<16xi32>
          %shift_right_logical3A_716 = arith.shrui %add3A_713, %shift_right_logical3A_715 : vector<16xi32>
          %and3A_717 = arith.andi %add3A_713, %broadcast_in_dim3A_191 : vector<16xi32>
          %gather3A_718 = tpu.vector_load_idx %arg19[%shift_right_logical3A_716, %and3A_717] : memref<4096x8xf32, #tpu.memory_space<vmem>>[vector<16xi32>, vector<16xi32>], vector<16xf32>,
          %mul3A_719 = arith.mulf %get3A_174, %get3A_179 : vector<16xf32>
          %mul3A_720 = arith.mulf %get3A_169, %get3A_179 : vector<16xf32>
          %mul3A_721 = arith.mulf %mul3A_625, %get3A_179 : vector<16xf32>
          %mul3A_722 = arith.mulf %mul3A_721, %gather3A_718 : vector<16xf32>
          %add3A_723 = arith.addf %add3A_651, %mul3A_722 : vector<16xf32>
          %add3A_724 = arith.constant 1 : i32
          %add3A_725 = vector.broadcast %add3A_724 : i32 to vector<16xi32>
          %add3A_726 = arith.addi %add3A_710, %add3A_725 : vector<16xi32>
          %shift_right_logical3A_727 = arith.constant 3 : i32
          %shift_right_logical3A_728 = vector.broadcast %shift_right_logical3A_727 : i32 to vector<16xi32>
          %shift_right_logical3A_729 = arith.shrui %add3A_726, %shift_right_logical3A_728 : vector<16xi32>
          %and3A_730 = arith.andi %add3A_726, %broadcast_in_dim3A_191 : vector<16xi32>
          %gather3A_731 = tpu.vector_load_idx %arg19[%shift_right_logical3A_729, %and3A_730] : memref<4096x8xf32, #tpu.memory_space<vmem>>[vector<16xi32>, vector<16xi32>], vector<16xf32>,
          %mul3A_732 = arith.mulf %mul3A_721, %gather3A_731 : vector<16xf32>
          %add3A_733 = arith.addf %add3A_661, %mul3A_732 : vector<16xf32>
          %add3A_734 = arith.constant 2 : i32
          %add3A_735 = vector.broadcast %add3A_734 : i32 to vector<16xi32>
          %add3A_736 = arith.addi %add3A_710, %add3A_735 : vector<16xi32>
          %shift_right_logical3A_737 = arith.constant 3 : i32
          %shift_right_logical3A_738 = vector.broadcast %shift_right_logical3A_737 : i32 to vector<16xi32>
          %shift_right_logical3A_739 = arith.shrui %add3A_736, %shift_right_logical3A_738 : vector<16xi32>
          %and3A_740 = arith.andi %add3A_736, %broadcast_in_dim3A_191 : vector<16xi32>
          %gather3A_741 = tpu.vector_load_idx %arg19[%shift_right_logical3A_739, %and3A_740] : memref<4096x8xf32, #tpu.memory_space<vmem>>[vector<16xi32>, vector<16xi32>], vector<16xf32>,
          %mul3A_742 = arith.mulf %mul3A_721, %gather3A_741 : vector<16xf32>
          %add3A_743 = arith.addf %add3A_671, %mul3A_742 : vector<16xf32>
          %add3A_744 = arith.constant 3 : i32
          %add3A_745 = vector.broadcast %add3A_744 : i32 to vector<16xi32>
          %add3A_746 = arith.addi %add3A_710, %add3A_745 : vector<16xi32>
          %shift_right_logical3A_747 = arith.constant 3 : i32
          %shift_right_logical3A_748 = vector.broadcast %shift_right_logical3A_747 : i32 to vector<16xi32>
          %shift_right_logical3A_749 = arith.shrui %add3A_746, %shift_right_logical3A_748 : vector<16xi32>
          %and3A_750 = arith.andi %add3A_746, %broadcast_in_dim3A_191 : vector<16xi32>
          %gather3A_751 = tpu.vector_load_idx %arg19[%shift_right_logical3A_749, %and3A_750] : memref<4096x8xf32, #tpu.memory_space<vmem>>[vector<16xi32>, vector<16xi32>], vector<16xf32>,
          %mul3A_752 = arith.mulf %mul3A_721, %gather3A_751 : vector<16xf32>
          %add3A_753 = arith.addf %add3A_681, %mul3A_752 : vector<16xf32>
          %add3A_754 = arith.constant 4 : i32
          %add3A_755 = vector.broadcast %add3A_754 : i32 to vector<16xi32>
          %add3A_756 = arith.addi %add3A_710, %add3A_755 : vector<16xi32>
          %shift_right_logical3A_757 = arith.constant 3 : i32
          %shift_right_logical3A_758 = vector.broadcast %shift_right_logical3A_757 : i32 to vector<16xi32>
          %shift_right_logical3A_759 = arith.shrui %add3A_756, %shift_right_logical3A_758 : vector<16xi32>
          %and3A_760 = arith.andi %add3A_756, %broadcast_in_dim3A_191 : vector<16xi32>
          %gather3A_761 = tpu.vector_load_idx %arg19[%shift_right_logical3A_759, %and3A_760] : memref<4096x8xf32, #tpu.memory_space<vmem>>[vector<16xi32>, vector<16xi32>], vector<16xf32>,
          %mul3A_762 = arith.mulf %mul3A_721, %gather3A_761 : vector<16xf32>
          %add3A_763 = arith.addf %add3A_691, %mul3A_762 : vector<16xf32>
          %mul3A_764 = arith.mulf %mul3A_719, %gather3A_718 : vector<16xf32>
          %add3A_765 = arith.addf %add3A_693, %mul3A_764 : vector<16xf32>
          %mul3A_766 = arith.mulf %mul3A_720, %gather3A_718 : vector<16xf32>
          %add3A_767 = arith.addf %add3A_695, %mul3A_766 : vector<16xf32>
          %mul3A_768 = arith.mulf %mul3A_625, %gather3A_718 : vector<16xf32>
          %add3A_769 = arith.addf %sub3A_697, %mul3A_768 : vector<16xf32>
          %le3A = arith.cmpf ole, %mul3A_164, %gather3A_52 : vector<16xf32>
          %ge3A = arith.constant 1.000000e+00 : f32
          %ge3A_770 = vector.broadcast %ge3A : f32 to vector<16xf32>
          %ge3A_771 = arith.cmpf oge, %add3A_763, %ge3A_770 : vector<16xf32>
          %and3A_772 = arith.andi %le3A, %ge3A_771 : vector<16xi1>
          %jit3A = arith.constant 1.000000e+00 : f32
          %jit3A_773 = arith.constant 0.000000e+00 : f32
          %broadcast_in_dim3A_774 = vector.broadcast %jit3A : f32 to vector<16xf32>
          %broadcast_in_dim3A_775 = vector.broadcast %jit3A_773 : f32 to vector<16xf32>
          %select_n3A = arith.select %and3A_772, %broadcast_in_dim3A_774, %broadcast_in_dim3A_775 : vector<16xi1>, vector<16xf32>
          %mul3A_776 = arith.constant 1.000000e+02 : f32
          %mul3A_777 = vector.broadcast %mul3A_776 : f32 to vector<16xf32>
          %mul3A_778 = arith.mulf %add3A_765, %mul3A_777 : vector<16xf32>
          %mul3A_779 = arith.mulf %mul3A_778, %select_n3A : vector<16xf32>
          %mul3A_780 = arith.constant 1.000000e+02 : f32
          %mul3A_781 = vector.broadcast %mul3A_780 : f32 to vector<16xf32>
          %mul3A_782 = arith.mulf %add3A_767, %mul3A_781 : vector<16xf32>
          %mul3A_783 = arith.mulf %mul3A_782, %select_n3A : vector<16xf32>
          %mul3A_784 = arith.constant 1.000000e+02 : f32
          %mul3A_785 = vector.broadcast %mul3A_784 : f32 to vector<16xf32>
          %mul3A_786 = arith.mulf %add3A_769, %mul3A_785 : vector<16xf32>
          %mul3A_787 = arith.mulf %mul3A_786, %select_n3A : vector<16xf32>
          %mul3A_788 = arith.constant 128 : i32
          %mul3A_789 = vector.broadcast %mul3A_788 : i32 to vector<16xi32>
          %mul3A_790 = arith.muli %iota3A, %mul3A_789 : vector<16xi32>
          %add3A_791 = arith.addi %mul3A_135, %scan3A_142 : i32
          %add3A_792 = vector.broadcast %add3A_791 : i32 to vector<16xi32>
          %add3A_793 = arith.addi %mul3A_790, %add3A_792 : vector<16xi32>
          %broadcast_in_dim3A_794 = arith.constant 0 : i32
          %broadcast_in_dim3A_795 = vector.broadcast %broadcast_in_dim3A_794 : i32 to vector<16xi32>
          tpu.vector_store_idx %arg20[%broadcast_in_dim3A_795, %add3A_793], %mul3A_779 : memref<3x2048xf32, #tpu.memory_space<vmem>>[vector<16xi32>, vector<16xi32>], vector<16xf32>,
          %add3A_796 = arith.constant 1 : i32
          %add3A_797 = vector.broadcast %add3A_796 : i32 to vector<16xi32>
          %add3A_798 = arith.addi %broadcast_in_dim3A_795, %add3A_797 : vector<16xi32>
          tpu.vector_store_idx %arg20[%add3A_798, %add3A_793], %mul3A_783 : memref<3x2048xf32, #tpu.memory_space<vmem>>[vector<16xi32>, vector<16xi32>], vector<16xf32>,
          %add3A_799 = arith.constant 2 : i32
          %add3A_800 = vector.broadcast %add3A_799 : i32 to vector<16xi32>
          %add3A_801 = arith.addi %broadcast_in_dim3A_795, %add3A_800 : vector<16xi32>
          tpu.vector_store_idx %arg20[%add3A_801, %add3A_793], %mul3A_787 : memref<3x2048xf32, #tpu.memory_space<vmem>>[vector<16xi32>, vector<16xi32>], vector<16xf32>,
          %abs3A = math.absf %add3A_723 : vector<16xf32>
          %neg3A = arith.constant 0.000000e+00 : f32
          %neg3A_802 = vector.broadcast %neg3A : f32 to vector<16xf32>
          %neg3A_803 = arith.subf %neg3A_802, %abs3A : vector<16xf32>
          %div3A_804 = arith.divf %neg3A_803, %max3A_60 : vector<16xf32>
          %exp3A = math.exp %div3A_804 : vector<16xf32>
          %sub3A_805 = arith.constant 1.000000e+00 : f32
          %sub3A_806 = vector.broadcast %sub3A_805 : f32 to vector<16xf32>
          %sub3A_807 = arith.subf %exp3A, %sub3A_806 : vector<16xf32>
          %mul3A_808 = arith.constant 5.000000e-01 : f32
          %mul3A_809 = vector.broadcast %mul3A_808 : f32 to vector<16xf32>
          %mul3A_810 = arith.mulf %mul3A_809, %div3A_62 : vector<16xf32>
          %sign3A = tpu.bitcast %add3A_723 : vector<16xf32> -> vector<16xi32>
          %sign3A_811 = arith.constant -2147483648 : i32
          %sign3A_812 = vector.broadcast %sign3A_811 : i32 to vector<16xi32>
          %sign3A_813 = arith.andi %sign3A, %sign3A_812 : vector<16xi32>
          %sign3A_814 = arith.constant 1065353216 : i32
          %sign3A_815 = vector.broadcast %sign3A_814 : i32 to vector<16xi32>
          %sign3A_816 = arith.ori %sign3A_815, %sign3A_813 : vector<16xi32>
          %sign3A_817 = tpu.bitcast %sign3A_816 : vector<16xi32> -> vector<16xf32>
          %sign3A_818 = math.absf %add3A_723 : vector<16xf32>
          %sign3A_819 = arith.constant 0.000000e+00 : f32
          %sign3A_820 = vector.broadcast %sign3A_819 : f32 to vector<16xf32>
          %sign3A_821 = arith.cmpf ogt, %sign3A_818, %sign3A_820 : vector<16xf32>
          %sign3A_822 = arith.select %sign3A_821, %sign3A_817, %add3A_723 : vector<16xi1>, vector<16xf32>
          %mul3A_823 = arith.mulf %sign3A_822, %sub3A_807 : vector<16xf32>
          %add3A_824 = arith.constant 1.000000e+00 : f32
          %add3A_825 = vector.broadcast %add3A_824 : f32 to vector<16xf32>
          %add3A_826 = arith.addf %add3A_825, %mul3A_823 : vector<16xf32>
          %mul3A_827 = arith.mulf %mul3A_810, %add3A_826 : vector<16xf32>
          %mul3A_828 = arith.mulf %mul3A_827, %select_n3A : vector<16xf32>
          %sub3A_829 = arith.subf %add3A_160, %add3A_157 : vector<16xf32>
          %mul3A_830 = arith.mulf %sub3A_829, %mul3A_828 : vector<16xf32>
          %neg3A_831 = arith.constant 0.000000e+00 : f32
          %neg3A_832 = vector.broadcast %neg3A_831 : f32 to vector<16xf32>
          %neg3A_833 = arith.subf %neg3A_832, %scan3A_143 : vector<16xf32>
          %exp3A_834 = math.exp %neg3A_833 : vector<16xf32>
          %neg3A_835 = arith.constant 0.000000e+00 : f32
          %neg3A_836 = vector.broadcast %neg3A_835 : f32 to vector<16xf32>
          %neg3A_837 = arith.subf %neg3A_836, %mul3A_830 : vector<16xf32>
          %exp3A_838 = math.exp %neg3A_837 : vector<16xf32>
          %sub3A_839 = arith.constant 1.000000e+00 : f32
          %sub3A_840 = vector.broadcast %sub3A_839 : f32 to vector<16xf32>
          %sub3A_841 = arith.subf %sub3A_840, %exp3A_838 : vector<16xf32>
          %mul3A_842 = arith.mulf %exp3A_834, %sub3A_841 : vector<16xf32>
          %mul3A_843 = arith.mulf %mul3A_779, %mul3A_779 : vector<16xf32>
          %mul3A_844 = arith.mulf %mul3A_783, %mul3A_783 : vector<16xf32>
          %add3A_845 = arith.addf %mul3A_843, %mul3A_844 : vector<16xf32>
          %mul3A_846 = arith.mulf %mul3A_787, %mul3A_787 : vector<16xf32>
          %add3A_847 = arith.addf %add3A_845, %mul3A_846 : vector<16xf32>
          %max3A_848 = arith.constant 1.000000e-24 : f32
          %max3A_849 = vector.broadcast %max3A_848 : f32 to vector<16xf32>
          %max3A_850 = arith.maximumf %add3A_847, %max3A_849 : vector<16xf32>
          %bitcast3A = vector.bitcast %max3A_850 : vector<16xf32> to vector<16xi32>
          %shift_right_logical3A_851 = arith.constant 1 : i32
          %shift_right_logical3A_852 = vector.broadcast %shift_right_logical3A_851 : i32 to vector<16xi32>
          %shift_right_logical3A_853 = arith.shrui %bitcast3A, %shift_right_logical3A_852 : vector<16xi32>
          %sub3A_854 = arith.constant 1597463007 : i32
          %sub3A_855 = vector.broadcast %sub3A_854 : i32 to vector<16xi32>
          %sub3A_856 = arith.subi %sub3A_855, %shift_right_logical3A_853 : vector<16xi32>
          %bitcast3A_857 = vector.bitcast %sub3A_856 : vector<16xi32> to vector<16xf32>
          %mul3A_858 = arith.constant 5.000000e-01 : f32
          %mul3A_859 = vector.broadcast %mul3A_858 : f32 to vector<16xf32>
          %mul3A_860 = arith.mulf %mul3A_859, %max3A_850 : vector<16xf32>
          %mul3A_861 = arith.mulf %mul3A_860, %bitcast3A_857 : vector<16xf32>
          %mul3A_862 = arith.mulf %mul3A_861, %bitcast3A_857 : vector<16xf32>
          %sub3A_863 = arith.constant 1.500000e+00 : f32
          %sub3A_864 = vector.broadcast %sub3A_863 : f32 to vector<16xf32>
          %sub3A_865 = arith.subf %sub3A_864, %mul3A_862 : vector<16xf32>
          %mul3A_866 = arith.mulf %bitcast3A_857, %sub3A_865 : vector<16xf32>
          %mul3A_867 = arith.constant 5.000000e-01 : f32
          %mul3A_868 = vector.broadcast %mul3A_867 : f32 to vector<16xf32>
          %mul3A_869 = arith.mulf %mul3A_868, %max3A_850 : vector<16xf32>
          %mul3A_870 = arith.mulf %mul3A_869, %mul3A_866 : vector<16xf32>
          %mul3A_871 = arith.mulf %mul3A_870, %mul3A_866 : vector<16xf32>
          %sub3A_872 = arith.constant 1.500000e+00 : f32
          %sub3A_873 = vector.broadcast %sub3A_872 : f32 to vector<16xf32>
          %sub3A_874 = arith.subf %sub3A_873, %mul3A_871 : vector<16xf32>
          %mul3A_875 = arith.mulf %mul3A_866, %sub3A_874 : vector<16xf32>
          %mul3A_876 = arith.constant 5.000000e-01 : f32
          %mul3A_877 = vector.broadcast %mul3A_876 : f32 to vector<16xf32>
          %mul3A_878 = arith.mulf %mul3A_877, %max3A_850 : vector<16xf32>
          %mul3A_879 = arith.mulf %mul3A_878, %mul3A_875 : vector<16xf32>
          %mul3A_880 = arith.mulf %mul3A_879, %mul3A_875 : vector<16xf32>
          %sub3A_881 = arith.constant 1.500000e+00 : f32
          %sub3A_882 = vector.broadcast %sub3A_881 : f32 to vector<16xf32>
          %sub3A_883 = arith.subf %sub3A_882, %mul3A_880 : vector<16xf32>
          %mul3A_884 = arith.mulf %mul3A_875, %sub3A_883 : vector<16xf32>
          %add3A_885 = arith.addf %scan3A_143, %mul3A_830 : vector<16xf32>
          %mul3A_886 = arith.mulf %mul3A_842, %add3A_733 : vector<16xf32>
          %add3A_887 = arith.addf %scan3A_144, %mul3A_886 : vector<16xf32>
          %mul3A_888 = arith.mulf %mul3A_842, %add3A_743 : vector<16xf32>
          %add3A_889 = arith.addf %scan3A_145, %mul3A_888 : vector<16xf32>
          %mul3A_890 = arith.mulf %mul3A_842, %add3A_753 : vector<16xf32>
          %add3A_891 = arith.addf %scan3A_146, %mul3A_890 : vector<16xf32>
          %mul3A_892 = arith.mulf %mul3A_842, %mul3A_164 : vector<16xf32>
          %add3A_893 = arith.addf %scan3A_147, %mul3A_892 : vector<16xf32>
          %mul3A_894 = arith.mulf %mul3A_779, %mul3A_884 : vector<16xf32>
          %mul3A_895 = arith.mulf %mul3A_842, %mul3A_894 : vector<16xf32>
          %add3A_896 = arith.addf %scan3A_148, %mul3A_895 : vector<16xf32>
          %mul3A_897 = arith.mulf %mul3A_783, %mul3A_884 : vector<16xf32>
          %mul3A_898 = arith.mulf %mul3A_842, %mul3A_897 : vector<16xf32>
          %add3A_899 = arith.addf %scan3A_149, %mul3A_898 : vector<16xf32>
          %mul3A_900 = arith.mulf %mul3A_787, %mul3A_884 : vector<16xf32>
          %mul3A_901 = arith.mulf %mul3A_842, %mul3A_900 : vector<16xf32>
          %add3A_902 = arith.addf %scan3A_150, %mul3A_901 : vector<16xf32>
          %add3A_903 = arith.addf %scan3A_151, %mul3A_842 : vector<16xf32>
          scf.yield %add3A_885, %add3A_887, %add3A_889, %add3A_891, %add3A_893, %add3A_896, %add3A_899, %add3A_902, %add3A_903 : vector<16xf32>, vector<16xf32>, vector<16xf32>, vector<16xf32>, vector<16xf32>, vector<16xf32>, vector<16xf32>, vector<16xf32>, vector<16xf32>
        }
        %scan3A_141 = arith.constant 16 : i32
        scf.yield %scan3A_140#0, %scan3A_140#1, %scan3A_140#2, %scan3A_140#3, %scan3A_140#4, %scan3A_140#5, %scan3A_140#6, %scan3A_140#7, %scan3A_140#8 : vector<16xf32>, vector<16xf32>, vector<16xf32>, vector<16xf32>, vector<16xf32>, vector<16xf32>, vector<16xf32>, vector<16xf32>, vector<16xf32>
      }
      %scan3A_77 = arith.constant 4 : i32
      %broadcast_in_dim3A_78 = arith.constant 0 : i32
      %broadcast_in_dim3A_79 = vector.broadcast %broadcast_in_dim3A_78 : i32 to vector<16xi32>
      tpu.vector_store_idx %arg21[%iota3A, %broadcast_in_dim3A_79], %scan3A_76#1 : memref<16x3xf32, #tpu.memory_space<vmem>>[vector<16xi32>, vector<16xi32>], vector<16xf32>,
      %broadcast_in_dim3A_80 = arith.constant 1 : i32
      %broadcast_in_dim3A_81 = vector.broadcast %broadcast_in_dim3A_80 : i32 to vector<16xi32>
      tpu.vector_store_idx %arg21[%iota3A, %broadcast_in_dim3A_81], %scan3A_76#2 : memref<16x3xf32, #tpu.memory_space<vmem>>[vector<16xi32>, vector<16xi32>], vector<16xf32>,
      %broadcast_in_dim3A_82 = arith.constant 2 : i32
      %broadcast_in_dim3A_83 = vector.broadcast %broadcast_in_dim3A_82 : i32 to vector<16xi32>
      tpu.vector_store_idx %arg21[%iota3A, %broadcast_in_dim3A_83], %scan3A_76#3 : memref<16x3xf32, #tpu.memory_space<vmem>>[vector<16xi32>, vector<16xi32>], vector<16xf32>,
      tpu.vector_store_idx %arg23[%iota3A, %broadcast_in_dim3A_79], %scan3A_76#5 : memref<16x3xf32, #tpu.memory_space<vmem>>[vector<16xi32>, vector<16xi32>], vector<16xf32>,
      %broadcast_in_dim3A_84 = arith.constant 1 : i32
      %broadcast_in_dim3A_85 = vector.broadcast %broadcast_in_dim3A_84 : i32 to vector<16xi32>
      tpu.vector_store_idx %arg23[%iota3A, %broadcast_in_dim3A_85], %scan3A_76#6 : memref<16x3xf32, #tpu.memory_space<vmem>>[vector<16xi32>, vector<16xi32>], vector<16xf32>,
      %broadcast_in_dim3A_86 = arith.constant 2 : i32
      %broadcast_in_dim3A_87 = vector.broadcast %broadcast_in_dim3A_86 : i32 to vector<16xi32>
      tpu.vector_store_idx %arg23[%iota3A, %broadcast_in_dim3A_87], %scan3A_76#7 : memref<16x3xf32, #tpu.memory_space<vmem>>[vector<16xi32>, vector<16xi32>], vector<16xf32>,
      %div3A_88 = arith.divf %scan3A_76#4, %gather3A_57 : vector<16xf32>
      tpu.vector_store_idx %arg22[%iota3A, %broadcast_in_dim3A_79], %div3A_88 : memref<16x1xf32, #tpu.memory_space<vmem>>[vector<16xi32>, vector<16xi32>], vector<16xf32>,
      tpu.vector_store_idx %arg24[%iota3A, %broadcast_in_dim3A_79], %scan3A_76#8 : memref<16x1xf32, #tpu.memory_space<vmem>>[vector<16xi32>, vector<16xi32>], vector<16xf32>,
      %add3A_89 = arith.addi %mul3A_2, %mul3A_13 : i32
      "tpu.region"() ({
        %run_scoped3A = tpu.sem_alloc : memref<!tpu.dma_semaphore, #tpu.memory_space<semaphore_mem>>
        %dma_start3A_93 = arith.constant 0 : i32
        %dma_start3A_94 = tpu.memref_slice %arg5[%add3A_89, %dma_start3A_93] : memref<4096x3xf32, #tpu.memory_space<hbm>> -> memref<16x3xf32, #tpu.memory_space<hbm>>
        %dma_start3A_95 = arith.constant 0 : i32
        %dma_start3A_96 = tpu.memref_slice %arg5[%add3A_89, %dma_start3A_95] : memref<4096x3xf32, #tpu.memory_space<hbm>> -> memref<16x3xf32, #tpu.memory_space<hbm>>
        tpu.enqueue_dma source(%arg21 : memref<16x3xf32, #tpu.memory_space<vmem>>) target(%dma_start3A_96 : memref<16x3xf32, #tpu.memory_space<hbm>>) target_semaphore(%run_scoped3A : memref<!tpu.dma_semaphore, #tpu.memory_space<semaphore_mem>>)
        %dma_wait3A = arith.constant 0 : i32
        %dma_wait3A_97 = tpu.memref_slice %arg5[%add3A_89, %dma_wait3A] : memref<4096x3xf32, #tpu.memory_space<hbm>> -> memref<16x3xf32, #tpu.memory_space<hbm>>
        %dma_wait3A_98 = arith.constant 0 : i32
        %dma_wait3A_99 = tpu.memref_slice %arg5[%add3A_89, %dma_wait3A_98] : memref<4096x3xf32, #tpu.memory_space<hbm>> -> memref<16x3xf32, #tpu.memory_space<hbm>>
        tpu.wait_dma2 semaphore(%run_scoped3A : memref<!tpu.dma_semaphore, #tpu.memory_space<semaphore_mem>>) src(%arg21 : memref<16x3xf32, #tpu.memory_space<vmem>>) dst(%dma_wait3A_99 : memref<16x3xf32, #tpu.memory_space<hbm>>)
        tpu.yield
      }) : () -> ()
      "tpu.region"() ({
        %run_scoped3A = tpu.sem_alloc : memref<!tpu.dma_semaphore, #tpu.memory_space<semaphore_mem>>
        %dma_start3A_93 = arith.constant 0 : i32
        %dma_start3A_94 = tpu.memref_slice %arg7[%add3A_89, %dma_start3A_93] : memref<4096x3xf32, #tpu.memory_space<hbm>> -> memref<16x3xf32, #tpu.memory_space<hbm>>
        %dma_start3A_95 = arith.constant 0 : i32
        %dma_start3A_96 = tpu.memref_slice %arg7[%add3A_89, %dma_start3A_95] : memref<4096x3xf32, #tpu.memory_space<hbm>> -> memref<16x3xf32, #tpu.memory_space<hbm>>
        tpu.enqueue_dma source(%arg23 : memref<16x3xf32, #tpu.memory_space<vmem>>) target(%dma_start3A_96 : memref<16x3xf32, #tpu.memory_space<hbm>>) target_semaphore(%run_scoped3A : memref<!tpu.dma_semaphore, #tpu.memory_space<semaphore_mem>>)
        %dma_wait3A = arith.constant 0 : i32
        %dma_wait3A_97 = tpu.memref_slice %arg7[%add3A_89, %dma_wait3A] : memref<4096x3xf32, #tpu.memory_space<hbm>> -> memref<16x3xf32, #tpu.memory_space<hbm>>
        %dma_wait3A_98 = arith.constant 0 : i32
        %dma_wait3A_99 = tpu.memref_slice %arg7[%add3A_89, %dma_wait3A_98] : memref<4096x3xf32, #tpu.memory_space<hbm>> -> memref<16x3xf32, #tpu.memory_space<hbm>>
        tpu.wait_dma2 semaphore(%run_scoped3A : memref<!tpu.dma_semaphore, #tpu.memory_space<semaphore_mem>>) src(%arg23 : memref<16x3xf32, #tpu.memory_space<vmem>>) dst(%dma_wait3A_99 : memref<16x3xf32, #tpu.memory_space<hbm>>)
        tpu.yield
      }) : () -> ()
      "tpu.region"() ({
        %run_scoped3A = tpu.sem_alloc : memref<!tpu.dma_semaphore, #tpu.memory_space<semaphore_mem>>
        %dma_start3A_93 = arith.constant 0 : i32
        %dma_start3A_94 = tpu.memref_slice %arg6[%add3A_89, %dma_start3A_93] : memref<4096x1xf32, #tpu.memory_space<hbm>> -> memref<16x1xf32, #tpu.memory_space<hbm>>
        %dma_start3A_95 = arith.constant 0 : i32
        %dma_start3A_96 = tpu.memref_slice %arg6[%add3A_89, %dma_start3A_95] : memref<4096x1xf32, #tpu.memory_space<hbm>> -> memref<16x1xf32, #tpu.memory_space<hbm>>
        tpu.enqueue_dma source(%arg22 : memref<16x1xf32, #tpu.memory_space<vmem>>) target(%dma_start3A_96 : memref<16x1xf32, #tpu.memory_space<hbm>>) target_semaphore(%run_scoped3A : memref<!tpu.dma_semaphore, #tpu.memory_space<semaphore_mem>>)
        %dma_wait3A = arith.constant 0 : i32
        %dma_wait3A_97 = tpu.memref_slice %arg6[%add3A_89, %dma_wait3A] : memref<4096x1xf32, #tpu.memory_space<hbm>> -> memref<16x1xf32, #tpu.memory_space<hbm>>
        %dma_wait3A_98 = arith.constant 0 : i32
        %dma_wait3A_99 = tpu.memref_slice %arg6[%add3A_89, %dma_wait3A_98] : memref<4096x1xf32, #tpu.memory_space<hbm>> -> memref<16x1xf32, #tpu.memory_space<hbm>>
        tpu.wait_dma2 semaphore(%run_scoped3A : memref<!tpu.dma_semaphore, #tpu.memory_space<semaphore_mem>>) src(%arg22 : memref<16x1xf32, #tpu.memory_space<vmem>>) dst(%dma_wait3A_99 : memref<16x1xf32, #tpu.memory_space<hbm>>)
        tpu.yield
      }) : () -> ()
      "tpu.region"() ({
        %run_scoped3A = tpu.sem_alloc : memref<!tpu.dma_semaphore, #tpu.memory_space<semaphore_mem>>
        %dma_start3A_93 = arith.constant 0 : i32
        %dma_start3A_94 = tpu.memref_slice %arg8[%add3A_89, %dma_start3A_93] : memref<4096x1xf32, #tpu.memory_space<hbm>> -> memref<16x1xf32, #tpu.memory_space<hbm>>
        %dma_start3A_95 = arith.constant 0 : i32
        %dma_start3A_96 = tpu.memref_slice %arg8[%add3A_89, %dma_start3A_95] : memref<4096x1xf32, #tpu.memory_space<hbm>> -> memref<16x1xf32, #tpu.memory_space<hbm>>
        tpu.enqueue_dma source(%arg24 : memref<16x1xf32, #tpu.memory_space<vmem>>) target(%dma_start3A_96 : memref<16x1xf32, #tpu.memory_space<hbm>>) target_semaphore(%run_scoped3A : memref<!tpu.dma_semaphore, #tpu.memory_space<semaphore_mem>>)
        %dma_wait3A = arith.constant 0 : i32
        %dma_wait3A_97 = tpu.memref_slice %arg8[%add3A_89, %dma_wait3A] : memref<4096x1xf32, #tpu.memory_space<hbm>> -> memref<16x1xf32, #tpu.memory_space<hbm>>
        %dma_wait3A_98 = arith.constant 0 : i32
        %dma_wait3A_99 = tpu.memref_slice %arg8[%add3A_89, %dma_wait3A_98] : memref<4096x1xf32, #tpu.memory_space<hbm>> -> memref<16x1xf32, #tpu.memory_space<hbm>>
        tpu.wait_dma2 semaphore(%run_scoped3A : memref<!tpu.dma_semaphore, #tpu.memory_space<semaphore_mem>>) src(%arg24 : memref<16x1xf32, #tpu.memory_space<vmem>>) dst(%dma_wait3A_99 : memref<16x1xf32, #tpu.memory_space<hbm>>)
        tpu.yield
      }) : () -> ()
      %mul3A_90 = arith.constant 128 : i32
      %mul3A_91 = arith.muli %add3A_89, %mul3A_90 : i32
      "tpu.region"() ({
        %run_scoped3A = tpu.sem_alloc : memref<!tpu.dma_semaphore, #tpu.memory_space<semaphore_mem>>
        %dma_start3A_93 = arith.constant 0 : i32
        %dma_start3A_94 = tpu.memref_slice %arg9[%dma_start3A_93, %mul3A_91] : memref<3x524288xf32, #tpu.memory_space<hbm>> -> memref<3x2048xf32, #tpu.memory_space<hbm>>
        %dma_start3A_95 = arith.constant 0 : i32
        %dma_start3A_96 = tpu.memref_slice %arg9[%dma_start3A_95, %mul3A_91] : memref<3x524288xf32, #tpu.memory_space<hbm>> -> memref<3x2048xf32, #tpu.memory_space<hbm>>
        tpu.enqueue_dma source(%arg20 : memref<3x2048xf32, #tpu.memory_space<vmem>>) target(%dma_start3A_96 : memref<3x2048xf32, #tpu.memory_space<hbm>>) target_semaphore(%run_scoped3A : memref<!tpu.dma_semaphore, #tpu.memory_space<semaphore_mem>>)
        %dma_wait3A = arith.constant 0 : i32
        %dma_wait3A_97 = tpu.memref_slice %arg9[%dma_wait3A, %mul3A_91] : memref<3x524288xf32, #tpu.memory_space<hbm>> -> memref<3x2048xf32, #tpu.memory_space<hbm>>
        %dma_wait3A_98 = arith.constant 0 : i32
        %dma_wait3A_99 = tpu.memref_slice %arg9[%dma_wait3A_98, %mul3A_91] : memref<3x524288xf32, #tpu.memory_space<hbm>> -> memref<3x2048xf32, #tpu.memory_space<hbm>>
        tpu.wait_dma2 semaphore(%run_scoped3A : memref<!tpu.dma_semaphore, #tpu.memory_space<semaphore_mem>>) src(%arg20 : memref<3x2048xf32, #tpu.memory_space<vmem>>) dst(%dma_wait3A_99 : memref<3x2048xf32, #tpu.memory_space<hbm>>)
        tpu.yield
      }) : () -> ()
      %scan3A_92 = arith.constant 0 : i32
      scf.yield %scan3A_92 : i32
    }
    %scan3A_9 = arith.constant 8 : i32
    return
  }
}

</mosaic_0001>

<sc_bundles>
// kernel: kernel.3.cloned.1.call-start
scs
__scs_entry_jumppad:
0x0: {  	(pc) =	sbr.rel $0x88, $3  }
0x1: {  	(tag) =	ssettag $0x0;
	lr =	simm.s32 $0x1  }
0x2: {  	[smem:$0x3F9A] =	sst lr;
	_ =	strace $0xD0000000  }
0x3: {  	_ = 	snop  }
0x4: {  	_ = 	snop  }
0x5: {  	_ = 	snop  }
0x6: {  	_ = 	snop  }
0x7: {  	_ = 	snop  }
__scs_overlays_trampoline_lowered:
0x8: {  	[smem:$0x3FA9] =	sst s0  }
0x9: {  	[smem:$0x3FAA] =	sst s1  }
0xa: {  	[smem:$0x3FAB] =	sst s2  }
0xb: {  	[smem:$0x3FAC] =	sst s3  }
0xc: {  	[smem:$0x3FAD] =	sst s4  }
0xd: {  	[smem:$0x3FAE] =	sst s5  }
0xe: {  	[smem:$0x3FAF] =	sst s6  }
0xf: {  	[smem:$0x3FB0] =	sst s7  }
0x10: {  	[smem:$0x3FB1] =	sst s8  }
0x11: {  	[smem:$0x3FB2] =	sst s9;
	s0 =	simm.s32 @!p0 $0x0  }
0x12: {  	s1 =	sld [smem:$0x3F98];
	s0 =	simm.s32 @p0 $0x1  }
0x13: {  	[smem:$0x3FB3] =	sst s0;
	s0 =	simm.s32 @!p1 $0x0  }
0x14: {  	s2 =	sld [smem:$0x3F97];
	s0 =	simm.s32 @p1 $0x1  }
0x15: {  	[smem:$0x3FB4] =	sst s0;
	s0 =	simm.s32 @!p2 $0x0  }
0x16: {  	s3 =	sld [smem:$0x3FDB];
	s0 =	simm.s32 @p2 $0x1  }
0x17: {  	s4 =	simm.s32 $0x1BF5;
	[smem:$0x3FB6] =	sst s0  }
0x18: {  	s0 =	sld [smem:$0x3F99];
	_ =	swait.ge [sflag:s4], $0x0  }
0x19: {  	s7 =	sld [smem:$0x3F9A]  }
0x1a: {  	s8 =	sadd.s32 $0xFFFFE003, lr  }
0x1b: {  	s9 =	sadd.s32 $0xFFFFFEF7, lr;
	s5 =	simm.s32 $0xFFFFFFFF;
	p2 =	slt.u32 s8, $0xFFFFF086  }
0x1c: {  	p1 =	slt.u32 s9, $0xF7A;
	s5 =	simm.s32 @!p2 $0x0  }
0x1d: {  	s5 =	simm.s32 @p1 $0x1;
	p0 =	seq.s32 s7, s2  }
0x1e: {  	s7 =	smul.u32 @!p0 $0xF7A, s2;
	p2 =	seq.s32 @!p0 s5, $0x0  }
0x1f: {  	s9 =	smul.u32 $0xF7A, s1;
	s8 =	simm.s32 @!p0 $0x1BF5;
	p2 =	por !p2, p0  }
0x20: {  	[sflag:s8] =	ssyncset.s32 @!p0 $0xFFFFF086;
	s6 =	sadd.s32 @!p0 s3, s7;
	s7 =	simm.s32 @!p0 $0x108  }
0x21: {  	s3 =	sadd.s32 s3, s9;
	s6 =	sadd.s32 @!p0 $0x88, s6;
	s7 =	simm.s32 @p2 $0x1082  }
0x22: {  	[simem:s7], [sflag:s8] =	dma.local @!p0 [hbm:s6], $0xF7A  }
0x23: {  	s9 =	sor.u32 $0xD0000000, s2;
	s6 =	simm.s32 $0x108;
	_ =	swait.ge @!p0 [sflag:s8], $0x0  }
0x24: {  	s3 =	sadd.s32 $0x88, s3;
	s6 =	simm.s32 @!p1 $0x1082;
	[sflag:s4] =	ssyncset.s32 $0xFFFFF086  }
0x25: {  	[simem:s6], [sflag:s4] =	dma.local [hbm:s3], $0xF7A  }
0x26: {  	[smem:$0x3F9A] =	sst s1;
	(tag) =	ssettag s2;
	_ =	strace s9  }
0x27: {  	s1 =	sld [smem:$0x3FAA]  }
0x28: {  	s2 =	sld [smem:$0x3FAB]  }
0x29: {  	s4 =	sld [smem:$0x3FAD]  }
0x2a: {  	p0 =	seq.s32 s5, $0x0;
	s5 =	sld [smem:$0x3FAE]  }
0x2b: {  	s6 =	sld [smem:$0x3FAF]  }
0x2c: {  	s7 =	sld [smem:$0x3FB0]  }
0x2d: {  	s3 =	simm.s32 $0x108;
	s8 =	sld [smem:$0x3FB1]  }
0x2e: {  	s3 =	simm.s32 @!p0 $0x1082;
	s9 =	sld [smem:$0x3FB2]  }
0x2f: {  	lr =	sadd.s32 s0, s3;
	s0 =	sld [smem:$0x3FA9]  }
0x30: {  	s3 =	sld [smem:$0x3FAC]  }
0x31: {  	[smem:$0x3FB5] =	sst s10  }
0x32: {  	s10 =	sld [smem:$0x3FB3];
	_ =	sdelay $0x3  }
0x33: {  	p0 =	seq.s32 s10, $0x1;
	s10 =	sld [smem:$0x3FB5];
	_ =	sdelay $0x3  }
0x34: {  	[smem:$0x3FB5] =	sst s10  }
0x35: {  	s10 =	sld [smem:$0x3FB4];
	_ =	sdelay $0x3  }
0x36: {  	p1 =	seq.s32 s10, $0x1;
	s10 =	sld [smem:$0x3FB5];
	_ =	sdelay $0x3  }
0x37: {  	[smem:$0x3FB5] =	sst s10  }
0x38: {  	s10 =	sld [smem:$0x3FB6]  }
0x39: {  	_ = 	snop;
	(pc) =	sbr.ind lr, $3  }
0x3a: {  	_ = 	snop  }
0x3b: {  	_ = 	snop  }
0x3c: {  	p2 =	seq.s32 s10, $0x1;
	s10 =	sld [smem:$0x3FB5]  }
0x3d: {  	_ =	shalt  }
0x3e: {  	_ =	shalt  }
0x3f: {  	_ =	shalt  }
0x40: {  	_ =	shalt  }
0x41: {  	_ =	shalt  }
0x42: {  	_ =	shalt  }
0x43: {  	_ =	shalt  }
0x44: {  	_ =	shalt  }
0x45: {  	_ =	shalt  }
0x46: {  	_ =	shalt  }
0x47: {  	_ =	shalt  }
0x48: {  	_ =	shalt  }
0x49: {  	_ =	shalt  }
0x4a: {  	_ =	shalt  }
0x4b: {  	_ =	shalt  }
0x4c: {  	_ =	shalt  }
0x4d: {  	_ =	shalt  }
0x4e: {  	_ =	shalt  }
0x4f: {  	_ =	shalt  }
0x50: {  	_ =	shalt  }
0x51: {  	_ =	shalt  }
0x52: {  	_ =	shalt  }
0x53: {  	_ =	shalt  }
0x54: {  	_ =	shalt  }
0x55: {  	_ =	shalt  }
0x56: {  	_ =	shalt  }
0x57: {  	_ =	shalt  }
0x58: {  	_ =	shalt  }
0x59: {  	_ =	shalt  }
0x5a: {  	_ =	shalt  }
0x5b: {  	_ =	shalt  }
0x5c: {  	_ =	shalt  }
0x5d: {  	_ =	shalt  }
0x5e: {  	_ =	shalt  }
0x5f: {  	_ =	shalt  }
0x60: {  	_ =	shalt  }
0x61: {  	_ =	shalt  }
0x62: {  	_ =	shalt  }
0x63: {  	_ =	shalt  }
0x64: {  	_ =	shalt  }
0x65: {  	_ =	shalt  }
0x66: {  	_ =	shalt  }
0x67: {  	_ =	shalt  }
0x68: {  	_ =	shalt  }
0x69: {  	_ =	shalt  }
0x6a: {  	_ =	shalt  }
0x6b: {  	_ =	shalt  }
0x6c: {  	_ =	shalt  }
0x6d: {  	_ =	shalt  }
0x6e: {  	_ =	shalt  }
0x6f: {  	_ =	shalt  }
0x70: {  	_ =	shalt  }
0x71: {  	_ =	shalt  }
0x72: {  	_ =	shalt  }
0x73: {  	_ =	shalt  }
0x74: {  	_ =	shalt  }
0x75: {  	_ =	shalt  }
0x76: {  	_ =	shalt  }
0x77: {  	_ =	shalt  }
0x78: {  	_ =	shalt  }
0x79: {  	_ =	shalt  }
0x7a: {  	_ =	shalt  }
0x7b: {  	_ =	shalt  }
0x7c: {  	_ =	shalt  }
0x7d: {  	_ =	shalt  }
0x7e: {  	_ =	shalt  }
0x7f: {  	_ =	shalt  }
0x80: {  	_ =	shalt  }
0x81: {  	_ =	shalt  }
0x82: {  	_ =	shalt  }
0x83: {  	_ =	shalt  }
0x84: {  	_ =	shalt  }
0x85: {  	_ =	shalt  }
0x86: {  	_ =	shalt  }
0x87: {  	_ =	shalt  }
.Lfunc_end0:
.L_simem_size_0:
called_computation_lowered:
.L_overlay_start_0:
0x88: {  	s2 =	sld [smem:$0x3FD9]  }
0x89: {  	s3 =	sld [smem:$0x3FFE];
	_ =	sdelay $0x1  }
0x8a: {  	s1 =	srdreg.scid  }
0x8b: {  	s0 =	sand.u32 $0x1, s1  }
0x8c: {  	s14 =	sshll.u32 s0, $0xA;
	s2 =	sadd.s32 s3, s2  }
0x8d: {  	s2 =	sadd.s32 s2, s14  }
0x8e: {  	[smem:$0x3FC1] =	sst s2  }
0x8f: {  	_ = 	snop  }
0x90: {  	s2 =	sld [smem:$0x3FD0];
	_ =	sdelay $0x2  }
0x91: {  	s15 =	simm.s32 $0xA;
	s4 =	simm.s32 $0x10  }
0x92: {  	[smem:s4], [sflag:s15] =	dma.local [hbm:s2], $0x1  }
0x93: {  	_ =	swait.eq [sflag:s15], $0x1  }
0x94: {  	[sflag:s15] =	ssyncset.done $0x0  }
0x95: {  	s16 =	sld [smem:$0x11];
	[sflag:s15] =	ssyncadd.s32 $0xFFFFFFFF  }
0x96: {  	s17 =	sld [smem:$0x14];
	(tm) =	ssettm $0x1  }
0x97: {  	s18 =	sld [smem:$0x3FFB];
	_ =	sdelay $0x3  }
0x98: {  	_ =	strace s18  }
0x99: {  	s4 =	sld [smem:$0x3FFC];
	_ =	sdelay $0x3  }
0x9a: {  	_ =	strace s4  }
0x9b: {  	s4 =	sld [smem:$0x3FFD];
	_ =	sdelay $0x3  }
0x9c: {  	_ =	strace s4  }
0x9d: {  	_ =	strace $0x8FFFFFFF  }
0x9e: {  	s19 =	sld [smem:$0x3FDB];
	_ =	sdelay $0x1  }
0x9f: {  	s5 =	simm.s32 $_scs_section_size  }
0xa0: {  	s6 =	simm.s32 $_size__tile_overlayer_lowered;
	s7 =	simm.s32 $_tile_overlayer_lowered  }
0xa1: {  	s22 =	simm.s32 $0x1BFF;
	s21 =	sshll.u32 s7, $0x1;
	s4 =	sadd.s32 s5, s19  }
0xa2: {  	s8 =	simm.s32 $0x0;
	s20 =	sshll.u32 s6, $0x1;
	s6 =	sadd.s32 s21, s4  }
0xa3: {  	[timem:s8], [sflag:s22] =	dma.local [hbm:s6], s20  }
0xa4: {  	_ =	swait.ge [sflag:s22], s20  }
0xa5: {  	s5 =	ssub.s32 $0x0, s20;
	[sflag:s22] =	ssyncset.done $0x0  }
0xa6: {  	[sflag:s22] =	ssyncadd.s32 s5;
	_ =	sdelay $0x1  }
0xa7: {  	s23 =	simm.s32 $0x1B8B  }
0xa8: {  	_ =	swait.ge [sflag:s23], $0x1  }
0xa9: {  	[sflag:s23] =	ssyncset.done $0x0  }
0xaa: {  	s25 =	simm.s32 $0x1B8E;
	s24 =	sld [smem:$0x3FFE];
	[sflag:s23] =	ssyncadd.s32 $0xFFFFFFFF  }
0xab: {  	s26 =	simm.s32 $execute0_lowered;
	[smem:$0x3FD2] =	sst s25  }
0xac: {  	s6 =	sshll.u32 s26, $0x1;
	_ =	strace $0x80000046;
	[dreg:$0x1] =	wrdreg $0xFFFFFFFF  }
0xad: {  	s28 =	simm.s32 $_size_execute0_lowered;
	s4 =	sadd.s32 s4, s6;
	[dreg:$0x0] =	wrdreg $0x0  }
0xae: {  	s6 =	sshll.u32 s28, $0x1;
	[dreg:$0x2] =	wrdreg s4  }
0xaf: {  	[dreg:$0x3] =	wrdreg s6  }
0xb0: {  	[dreg:$0x4] =	wrdreg $0xC0  }
0xb1: {  	_ =	task [dreg:s8], $0x5FFFF  }
0xb2: {  	[dreg:$0x1] =	wrdreg $0xFFFFFFFF  }
0xb3: {  	[dreg:$0x0] =	wrdreg $0x60  }
0xb4: {  	[dreg:$0x2] =	wrdreg s17  }
0xb5: {  	[dreg:$0x3] =	wrdreg s16  }
0xb6: {  	[dreg:$0x4] =	wrdreg s24  }
0xb7: {  	[dreg:$0x5] =	wrdreg $0x9  }
0xb8: {  	_ =	task.clear_ibuf [dreg:s8], $0x6FFFF;
	_ =	strace $0x90000046  }
0xb9: {  	s29 =	simm.s32 $0x9;
	_ =	strace $0x80000048  }
0xba: {  	_ =	swait.ge [sflag:s29], $0x1  }
0xbb: {  	[sflag:s29] =	ssyncadd.s32 $0xFFFFFFFF  }
0xbc: {  	_ =	strace $0x90000048  }
0xbd: {  	_ =	sfence  }
0xbe: {  	s30 =	sld [smem:$0x0];
	_ =	sdelay $0x2  }
0xbf: {  	s31 =	sshll.u32 s1, $0xD;
	s1 =	sshrl.u32 s1, $0x2  }
0xc0: {  	s3 =	sand.u32 $0x4000, s31;
	s1 =	sadd.s32 s1, s30  }
0xc1: {  	s0 =	sor.u32 s3, s0;
	s1 =	sshll.u32 s1, $0x11  }
0xc2: {  	s0 =	sor.u32 s1, s0  }
0xc3: {  	s0 =	sadd.s32 $0x8F2B, s0  }
0xc4: {  	[sflag:s0] =	ssyncadd.remote.s32 $0x1  }
0xc5: {  	_ =	sfence.sel $0xFFFF  }
0xc6: {  	[dreg:$0x0] =	wrdreg $0xFFFFFFFF;
	(pc) =	sbr.abs _section_cstart, $3  }
0xc7: {  	[dreg:$0x1] =	wrdreg $0xFFFFFFFF  }
0xc8: {  	_ =	task.clear_ibuf [dreg:s8], $0x2FFFF;
	_ =	strace $0x9FFFFFFF  }
0xc9: {  	(tm) =	ssettm $0x7FFFFFFF  }
tec
execute0_lowered:
.L_overlay_start_1:
0x0: {  	(tag) =	ssettag $0x1  }
0x1: {  	s0 =	rddreg [dreg:$0x0]  }
0x2: {  	s1 =	rddreg [dreg:$0x2];
	s2 =	simm.s32 $0x0;
	s4 =	srdreg.scid  }
0x3: {  	s26 =	stileid.u32;
	s15 =	simm.s32 $0x810;
	[smem:$0x7FF] =	sst s2  }
0x4: {  	v0 =	vimm.f32 $9.999999770e-03;
	s16 =	simm.s32 $0x1000;
	s17 =	simm.s32 $0x3E10;
	_ =	strace $0x80000047  }
0x5: {  	s18 =	simm.s32 $0x1810;
	s19 =	simm.s32 $0xBE10;
	s20 =	simm.s32 $0x1;
	(erf) = vrcp.f32 v0  }
0x6: {  	s3 =	sadd.s32 $0x2001A00, s1;
	s23 =	sadd.s32 $0x31A00, s1;
	s24 =	sadd.s32 $0x33A00, s1  }
0x7: {  	s25 =	sadd.s32 $0x32A00, s1;
	s4 =	sand.u32 $0x1, s4;
	[dreg:$0x4] =	wrdreg s23  }
0x8: {  	s6 =	sshll.u32 s26, $0x8;
	s28 =	sadd.s32 $0x34A00, s1;
	[dreg:$0x5] =	wrdreg s24;
	v0 =	vlaneseq.u32  }
0x9: {  	[dreg:$0x6] =	wrdreg s25;
	s5 =	ssub.s32 $0x2, s4;
	s4 =	sshll.u32 s4, $0x7;
	v2 =	vand.u32 $0x3, v0  }
0xa: {  	v15 =	vimm.f32 $1.000000000e+00;
	s1 =	sadd.s32 $0x1A00, s1;
	[dreg:$0x7] =	wrdreg s28;
	s29 =	sor.u32 s4, s6;
	v1 =	vmul.u32 $0x2, v0;
	v13 =	vmul.u32 $0x2, v2  }
0xb: {  	v3 =	vimm.s32 $0x0;
	[dreg:$0x9] =	wrdreg s1;
	s7 =	sshrl.u32 s5, $0x1;
	s4 =	sshll.u32 s29, $0x1;
	v2 =	vmul.u32 $0x10, v0;
	v0 =	vand.u32 $0x7FFFFFFF, v15  }
0xc: {  	s30 =	ssub.s32 s5, s7;
	[dreg:$0x8] =	wrdreg s29;
	s0 =	sadd.s32 s0, s4;
	v5 =	vor.u32 $0x1, v1;
	v4 =	vor.u32 $0xFFFFFF18, v13;
	v6 =	vor.u32 $0xFFFFFF38, v13  }
0xd: {  	s21 =	simm.s32 $0x13E10;
	s31 =	smax.u32 s30, $0x1;
	[dreg:$0xa] =	wrdreg s0;
	[tilespmem:$0x1FFE0] =	vst v0;
	v7 =	vor.u32 $0xFFFFFF58, v13;
	v8 =	vor.u32 $0xFFFFFF78, v13;
	v9 =	vor.u32 $0xFFFFFF98, v13  }
0xe: {  	s22 =	simm.s32 $0x2;
	s1 =	simm.s32 $0x0;
	[dreg:$0xb] =	wrdreg s31;
	v10 =	vor.u32 $0xFFFFFFB8, v13;
	v11 =	vor.u32 $0xFFFFFFD8, v13;
	v13 =	vor.u32 $0xFFFFFFF8, v13;
	[tilespmem:$0x1FFF0] =	vst v2;
	v12 =	vpop (erf)  }
.LBB2_1:
0xf: {  	[dreg:$0xc] =	wrdreg s1  }
0x10: {  	s29 =	simm.s32 $0x0;
	s0 =	rddreg [dreg:$0xa];
	s2 =	simm.s32 $0x3  }
0x11: {  	[tilespmem:s29], [sflag:$0x3] =	stream.linear.gather [hbm4b:s0+s29], $0x800, $0x38;
	[tilespmem:$0x15810] =	vst v63  }
0x12: {  	_ =	swait.ge [sflag:s2], $0x800  }
0x13: {  	[sflag:s2] =	ssyncset.done $0x0  }
0x14: {  	[sflag:s2] =	ssyncadd.s32 $0xFFFFF800  }
0x15: {  	s4 =	simm.s32 $0x800;
	s31 =	rddreg [dreg:$0x1]  }
0x16: {  	[tilespmem:s4], [sflag:$0x3] =	stream.linear.gather [hbm4b:s31+s29], $0x10, $0x38;
	[tilespmem:$0x15810] =	vst v63  }
0x17: {  	_ =	swait.ge [sflag:s2], $0x10  }
0x18: {  	[sflag:s2] =	ssyncset.done $0x0  }
0x19: {  	s30 =	simm.s32 $0x0;
	[sflag:s2] =	ssyncadd.s32 $0xFFFFFFF0  }
.LBB2_2:
0x1a: {  	s0 =	sshll.u32 s30, $0x4  }
0x1b: {  	v16 =	vmov s0  }
0x1c: {  	v16 =	vshll.u32 v16, $0x4  }
0x1d: {  	v23 =	vor.u32 v2, v16  }
0x1e: {  	v16 =	vor.u32 $0x6, v23;
	_ =	sdelay $0x3  }
0x1f: {  	s4 =	simm.s32 $0x0  }
0x20: {  	v16 =	vld.idx.msk [tilespmem:v16+s4+$0x0], $0xffff  }
0x21: {  	s31 =	scvt.s32.f32 s4  }
0x22: {  	v18 =	vor.u32 $0x3, v23  }
0x23: {  	[dreg:$0xd] =	wrdreg s0;
	s0 =	smul.f32 $9.999999770e-03, s31;
	v19 =	vor.u32 $0x4, v23  }
0x24: {  	v20 =	vor.u32 $0x5, v23  }
0x25: {  	v22 =	vor.u32 $0x1, v23;
	v21 =	vadd.f32 s0, v16  }
0x26: {  	v24 =	vor.u32 $0x2, v23;
	v17 =	vld.idx.msk [tilespmem:v23+s4+$0x0], $0xffff  }
0x27: {  	v18 =	vld.idx.msk [tilespmem:v18+s4+$0x0], $0xffff;
	v25 =	vadd.f32 $9.999999770e-03, v21  }
0x28: {  	v19 =	vld.idx.msk [tilespmem:v19+s4+$0x0], $0xffff  }
0x29: {  	v20 =	vld.idx.msk [tilespmem:v20+s4+$0x0], $0xffff;
	v25 =	vadd.f32 v25, v21  }
0x2a: {  	v21 =	vld.idx.msk [tilespmem:v22+s4+$0x0], $0xffff  }
0x2b: {  	v22 =	vld.idx.msk [tilespmem:v24+s4+$0x0], $0xffff;
	v25 =	vmul.f32 $5.000000000e-01, v25;
	_ =	sdelay $0x1  }
0x2c: {  	v29 =	vor.u32 $0x7, v23;
	v24 =	vmul.f32 v25, v18  }
0x2d: {  	v32 =	vor.u32 $0x8, v23;
	v26 =	vmul.f32 v25, v19;
	v23 =	vmul.f32 v25, v20  }
0x2e: {  	v24 =	vadd.f32 v24, v17  }
0x2f: {  	v26 =	vadd.f32 v26, v21;
	v23 =	vadd.f32 v23, v22  }
0x30: {  	s7 =	simm.s32 $0x20;
	v24 =	vmul.f32 v24, v12  }
0x31: {  	s11 =	simm.s32 $0x60;
	s5 =	simm.s32 $0x80;
	v30 =	vor.u32 s7, v1;
	v35 =	vmul.f32 v26, v12;
	v23 =	vmul.f32 v23, v12  }
0x32: {  	v28 =	vor.u32 s11, v1;
	v27 =	vor.u32 s5, v1;
	v31 =	vtrunc.f32 v24  }
0x33: {  	s6 =	simm.s32 $0x0;
	v38 =	vor.u32 s7, v5;
	v34 =	vtrunc.f32 v35;
	v36 =	vtrunc.f32 v23  }
0x34: {  	s7 =	simm.s32 $0x40;
	v41 =	vor.u32 s6, v5;
	v31 =	vcvt.f32.s32 v31;
	v34 =	vcvt.f32.s32 v34  }
0x35: {  	v40 =	vand.u32 v6, v30;
	v30 =	vor.u32 s7, v1;
	v36 =	vcvt.f32.s32 v36  }
0x36: {  	v25 =	vor.u32 s6, v1;
	v37 =	vcvt.s32.f32 v31;
	v39 =	vcvt.s32.f32 v34  }
0x37: {  	v30 =	vand.u32 v7, v30;
	s0 =	simm.s32 $0xC0;
	v33 =	vand.u32 v4, v25;
	v42 =	vcvt.s32.f32 v36  }
0x38: {  	v25 =	vor.u32 s0, v1;
	vm0 =	vlt.f32 v24, v37;
	vm15 =	vlt.f32 v35, v39  }
0x39: {  	v0 =	vld.idx.msk [tilespmem:v29+s4+$0x0], $0xffff;
	vm1 =	vlt.f32 v23, v42;
	v43 =	vsel vm0, $0xFFFFFFFF, v3;
	v44 =	vsel vm0, $0x3F800000, v3  }
0x3a: {  	v60 =	vsel vm15, $0xFFFFFFFF, v3;
	v61 =	vsel vm1, $0xFFFFFFFF, v3;
	v62 =	vsel vm1, $0x3F800000, v3  }
0x3b: {  	v49 =	vsel vm15, $0x3F800000, v3;
	v31 =	vadd.s32 v31, v43;
	v34 =	vadd.s32 v34, v60  }
0x3c: {  	v37 =	vsub.f32 v37, v44;
	v39 =	vsub.f32 v39, v49;
	v46 =	vmul.u32 $0x466F45D, v31  }
0x3d: {  	s1 =	simm.s32 $0xA0;
	v31 =	vadd.s32 v36, v61;
	v63 =	vmul.u32 $0x127409F, v34;
	v36 =	vsub.f32 v42, v62  }
0x3e: {  	[tilespmem:$0x1FFC0] =	vst v0;
	v26 =	vor.u32 s1, v1;
	v31 =	vmul.u32 $0x4F9FFB7, v31;
	v35 =	vsub.f32 v35, v39  }
0x3f: {  	v0 =	vld.idx.msk [tilespmem:v32+s4+$0x0], $0xffff;
	v37 =	vsub.f32 v24, v37;
	v50 =	vxor.u32 v63, v46;
	v36 =	vsub.f32 v23, v36  }
0x40: {  	v44 =	vadd.s32 $0x466F45D, v46;
	v45 =	vadd.s32 $0x127409F, v63;
	v34 =	vadd.s32 $0x4F9FFB7, v31  }
0x41: {  	v23 =	vxor.u32 v31, v50;
	v46 =	vxor.u32 v46, v45;
	v43 =	vxor.u32 v63, v44  }
0x42: {  	v23 =	vand.u32 $0x1FFFFF, v23;
	v51 =	vxor.u32 v34, v50;
	v49 =	vxor.u32 v31, v46  }
0x43: {  	v46 =	vxor.u32 v34, v46;
	v60 =	vxor.u32 v31, v43;
	v61 =	vxor.u32 v34, v43  }
0x44: {  	[tilespmem:$0x1FFD0] =	vst v0;
	s6 =	simm.s32 $0x2830;
	v52 =	vmul.u32 $0x5, v23;
	v24 =	vand.u32 $0x1FFFFF, v51;
	v49 =	vand.u32 $0x1FFFFF, v49  }
0x45: {  	v0 =	vld [tilespmem:$0x800];
	[tilespmem:s6+$0xFFFFFFF0] =	vst v35;
	v46 =	vand.u32 $0x1FFFFF, v46;
	v63 =	vand.u32 $0x1FFFFF, v61;
	v39 =	vmul.u32 $0x5, v24  }
0x46: {  	[tilespmem:s6+$0xFFFFFFE0] =	vst v37;
	v57 =	vmul.u32 $0x5, v49;
	v58 =	vmul.u32 $0x5, v46;
	v53 =	vshrl.u32 v52, $0x3  }
0x47: {  	[tilespmem:s6+$0x0] =	vst v36;
	v35 =	vmul.u32 $0x5, v63;
	v42 =	vand.u32 $0x7, v52;
	v47 =	vmin.u32 v53, $0x13FFFE  }
0x48: {  	v48 =	vshrl.u32 v39, $0x3;
	v39 =	vand.u32 $0x7, v39;
	[tilespmem:v33+s15+$0x0] =	vst.idx.msk $0xffff, v53;
	v54 =	vadd.s32 $0x1, v47  }
0x49: {  	s12 =	simm.s32 $0x2E50;
	v37 =	vshrl.u32 v57, $0x3;
	v33 =	vand.u32 $0x7, v57;
	v36 =	vshrl.u32 v58, $0x3;
	[tilespmem:v41+s15+$0x0] =	vst.idx.msk $0xffff, v54  }
0x4a: {  	v32 =	vand.u32 $0x7, v58;
	v55 =	vmin.u32 v48, $0x13FFFE;
	v59 =	vmin.u32 v37, $0x13FFFE;
	[tilespmem:s12+$0xFFFFFFC0] =	vst v42  }
0x4b: {  	v62 =	vmin.u32 v36, $0x13FFFE;
	v56 =	vadd.s32 $0x1, v55;
	v41 =	vand.u32 $0x1FFFFF, v60;
	[tilespmem:v40+s15+$0x0] =	vst.idx.msk $0xffff, v48  }
0x4c: {  	s8 =	simm.s32 $0x1E0;
	s10 =	simm.s32 $0x1;
	s4 =	simm.s32 $0xE0;
	v43 =	vadd.s32 $0x1, v59;
	v40 =	vadd.s32 $0x1, v62;
	[tilespmem:v38+s15+$0x0] =	vst.idx.msk $0xffff, v56;
	v38 =	vmul.u32 $0x5, v41  }
.LBB2_3:
0x4d: {  	s9 =	scvt.s32.f32 s10  }
0x4e: {  	p0 =	sne.s32 s8, $0xFE0;
	v41 =	vxor.u32 v45, v44;
	s25 =	smov.u32 s8;
	s8 =	sadd.s32 $0x100, s8  }
0x4f: {  	v45 =	vshrl.u32 v38, $0x3;
	v46 =	vand.u32 $0x7, v38;
	v34 =	vxor.u32 v34, v41  }
0x50: {  	v47 =	vshrl.u32 v35, $0x3;
	s9 =	smul.f32 $9.999999770e-03, s9;
	v38 =	vmin.u32 v45, $0x13FFFE;
	v34 =	vand.u32 $0x1FFFFF, v34  }
0x51: {  	v31 =	vxor.u32 v31, v41;
	v48 =	vadd.s32 $0x1, v38;
	v41 =	vmul.u32 $0x5, v34  }
0x52: {  	v31 =	vand.u32 $0x1FFFFF, v31;
	v34 =	vand.u32 $0x7, v35;
	v49 =	vadd.f32 s9, v16  }
0x53: {  	v35 =	vmin.u32 v47, $0x13FFFE;
	v31 =	vmul.u32 $0x5, v31;
	v38 =	vshrl.u32 v41, $0x3  }
0x54: {  	v51 =	vadd.s32 $0x1, v35;
	v50 =	vadd.f32 $9.999999770e-03, v49;
	v35 =	vmin.u32 v38, $0x13FFFE  }
0x55: {  	v52 =	vshrl.u32 v31, $0x3;
	v44 =	vand.u32 $0x7, v31;
	v42 =	vadd.s32 $0x1, v35  }
0x56: {  	s14 =	sadd.s32 $0xFFFFFF40, s25;
	s9 =	sadd.s32 $0xFFFFFF20, s25;
	v41 =	vand.u32 $0x7, v41;
	v35 =	vmin.u32 v52, $0x13FFFE;
	v31 =	vadd.f32 v50, v49  }
0x57: {  	s26 =	sadd.s32 $0xFFFFFF80, s25;
	v49 =	vor.u32 s9, v1;
	v50 =	vor.u32 s14, v1;
	v53 =	vadd.s32 $0x1, v35  }
0x58: {  	s28 =	sadd.s32 $0xFFFFFFA0, s25;
	s29 =	sadd.s32 $0xFFFFFFC0, s25;
	s2 =	sadd.s32 $0xFFFFFFE0, s25;
	v35 =	vand.u32 v4, v49;
	v49 =	vor.u32 s26, v1;
	v31 =	vmul.f32 $5.000000000e-01, v31  }
0x59: {  	v54 =	vor.u32 s28, v1;
	v55 =	vor.u32 s29, v1;
	v56 =	vor.u32 s2, v1  }
0x5a: {  	v59 =	vor.u32 s4, v5;
	v57 =	vmul.f32 v31, v18;
	v58 =	vmul.f32 v31, v19  }
0x5b: {  	v60 =	vor.u32 s7, v5;
	v61 =	vor.u32 s4, v1;
	s4 =	smov.u32 s25;
	v31 =	vmul.f32 v31, v20  }
0x5c: {  	v61 =	vand.u32 v13, v61;
	v57 =	vadd.f32 v57, v17;
	v58 =	vadd.f32 v58, v21  }
0x5d: {  	v62 =	vand.u32 v11, v25;
	v63 =	vor.u32 s0, v5;
	s0 =	smov.u32 s2;
	v25 =	vmovc v56;
	v31 =	vadd.f32 v31, v22  }
0x5e: {  	v56 =	vmul.f32 v57, v12;
	v57 =	vmul.f32 v58, v12;
	v58 =	vand.u32 v8, v28;
	v28 =	vmovc v49  }
0x5f: {  	v49 =	vmul.f32 v31, v12;
	v31 =	vor.u32 s11, v5;
	s11 =	smov.u32 s26;
	[tilespmem:s12+$0xFFFFFFD0] =	vst v39;
	v39 =	vor.u32 s1, v5;
	s1 =	smov.u32 s29  }
0x60: {  	v24 =	vtrunc.f32 v56;
	v29 =	vtrunc.f32 v57;
	[tilespmem:v30+s15+$0x0] =	vst.idx.msk $0xffff, v37;
	v37 =	vand.u32 v10, v26;
	v26 =	vmovc v55  }
0x61: {  	v24 =	vcvt.f32.s32 v24;
	v29 =	vcvt.f32.s32 v29;
	[tilespmem:v60+s15+$0x0] =	vst.idx.msk $0xffff, v43;
	v43 =	vand.u32 v9, v27;
	v27 =	vmovc v54  }
0x62: {  	v30 =	vtrunc.f32 v49;
	v54 =	vor.u32 s14, v5;
	[tilespmem:s12+$0xFFFFFFE0] =	vst v33;
	v33 =	vor.u32 s5, v5;
	s5 =	smov.u32 s28  }
0x63: {  	s7 =	sadd.s32 $0xFFFFFF60, s4;
	v50 =	vand.u32 v6, v50;
	v60 =	vcvt.f32.s32 v30;
	v55 =	vcvt.s32.f32 v24;
	[tilespmem:v58+s15+$0x0] =	vst.idx.msk $0xffff, v36  }
0x64: {  	v30 =	vor.u32 s7, v1;
	v36 =	vcvt.s32.f32 v29;
	v58 =	vor.u32 s9, v5;
	[tilespmem:v31+s15+$0x0] =	vst.idx.msk $0xffff, v40  }
0x65: {  	v30 =	vand.u32 v7, v30;
	v31 =	vcvt.s32.f32 v60;
	vm0 =	vlt.f32 v56, v55;
	[tilespmem:s12+$0xFFFFFFF0] =	vst v32  }
0x66: {  	v32 =	vsel vm0, $0xFFFFFFFF, v3;
	v40 =	vsel vm0, $0x3F800000, v3;
	vm0 =	vlt.f32 v57, v36;
	[tilespmem:v43+s15+$0x0] =	vst.idx.msk $0xffff, v45  }
0x67: {  	vm1 =	vlt.f32 v49, v31;
	v24 =	vadd.s32 v24, v32;
	v32 =	vsel vm0, $0xFFFFFFFF, v3;
	[tilespmem:v33+s15+$0x0] =	vst.idx.msk $0xffff, v48  }
0x68: {  	v29 =	vadd.s32 v29, v32;
	v32 =	vsel vm1, $0xFFFFFFFF, v3;
	v24 =	vmul.u32 $0x466F45D, v24;
	[tilespmem:s12+$0x0] =	vst v46  }
0x69: {  	v33 =	vsel vm1, $0x3F800000, v3;
	v32 =	vadd.s32 v60, v32;
	v29 =	vmul.u32 $0x127409F, v29;
	[tilespmem:v37+s15+$0x0] =	vst.idx.msk $0xffff, v47  }
0x6a: {  	v33 =	vsub.f32 v31, v33;
	v37 =	vsel vm0, $0x3F800000, v3;
	v31 =	vmul.u32 $0x4F9FFB7, v32;
	[tilespmem:v39+s15+$0x0] =	vst.idx.msk $0xffff, v51  }
0x6b: {  	v32 =	vsub.f32 v55, v40;
	v36 =	vsub.f32 v36, v37;
	v37 =	vxor.u32 v29, v24;
	[tilespmem:s12+$0x10] =	vst v34  }
0x6c: {  	v33 =	vsub.f32 v49, v33;
	v34 =	vadd.s32 $0x4F9FFB7, v31;
	v39 =	vxor.u32 v31, v37;
	[tilespmem:v62+s15+$0x0] =	vst.idx.msk $0xffff, v52  }
0x6d: {  	v36 =	vsub.f32 v57, v36;
	v39 =	vand.u32 $0x1FFFFF, v39;
	v37 =	vxor.u32 v34, v37;
	[tilespmem:v63+s15+$0x0] =	vst.idx.msk $0xffff, v53  }
0x6e: {  	v32 =	vsub.f32 v56, v32;
	v39 =	vmul.u32 $0x5, v39;
	v37 =	vand.u32 $0x1FFFFF, v37;
	[tilespmem:s12+$0x20] =	vst v44  }
0x6f: {  	v45 =	vadd.s32 $0x127409F, v29;
	v44 =	vadd.s32 $0x466F45D, v24;
	v37 =	vmul.u32 $0x5, v37;
	[tilespmem:v61+s15+$0x0] =	vst.idx.msk $0xffff, v38  }
0x70: {  	s6 =	sadd.s32 $0x30, s6;
	v24 =	vxor.u32 v24, v45;
	v38 =	vshrl.u32 v39, $0x3;
	v40 =	vand.u32 $0x7, v39;
	[tilespmem:v59+s15+$0x0] =	vst.idx.msk $0xffff, v42  }
0x71: {  	v43 =	vxor.u32 v31, v24;
	v39 =	vmin.u32 v38, $0x13FFFE;
	v42 =	vshrl.u32 v37, $0x3;
	[tilespmem:s12+$0x30] =	vst v41  }
0x72: {  	[tilespmem:s6+$0x0] =	vst v33;
	v41 =	vadd.s32 $0x1, v39;
	v33 =	vmin.u32 v42, $0x13FFFE;
	v39 =	vand.u32 $0x1FFFFF, v43  }
0x73: {  	v24 =	vxor.u32 v34, v24;
	s12 =	sadd.s32 $0x80, s12;
	[tilespmem:s6+$0xFFFFFFF0] =	vst v36;
	v46 =	vadd.s32 $0x1, v33;
	v33 =	vmul.u32 $0x5, v39  }
0x74: {  	v29 =	vxor.u32 v29, v44;
	v24 =	vand.u32 $0x1FFFFF, v24;
	v39 =	vand.u32 $0x7, v37;
	[tilespmem:s6+$0xFFFFFFE0] =	vst v32  }
.Ltmp0:
0x75: {  	v24 =	vmul.u32 $0x5, v24;
	[tilespmem:v35+s15+$0x0] =	vst.idx.msk $0xffff, v38;
	v37 =	vshrl.u32 v33, $0x3;
	v33 =	vand.u32 $0x7, v33;
	(pc) =	sbr.rel @p0 .LBB2_3-.Ltmp0, $4  }
0x76: {  	v35 =	vxor.u32 v31, v29;
	v29 =	vxor.u32 v34, v29;
	[tilespmem:v58+s15+$0x0] =	vst.idx.msk $0xffff, v41;
	v32 =	vmin.u32 v37, $0x13FFFE  }
0x77: {  	v36 =	vshrl.u32 v24, $0x3;
	[tilespmem:s12+$0xFFFFFFC0] =	vst v40;
	v43 =	vadd.s32 $0x1, v32;
	v32 =	vand.u32 $0x7, v24  }
0x78: {  	v35 =	vand.u32 $0x1FFFFF, v35;
	v29 =	vand.u32 $0x1FFFFF, v29;
	v24 =	vmin.u32 v36, $0x13FFFE;
	[tilespmem:v50+s15+$0x0] =	vst.idx.msk $0xffff, v42  }
0x79: {  	s10 =	sadd.s32 $0x1, s10;
	v38 =	vmul.u32 $0x5, v35;
	v35 =	vmul.u32 $0x5, v29;
	v40 =	vadd.s32 $0x1, v24;
	[tilespmem:v54+s15+$0x0] =	vst.idx.msk $0xffff, v46  }
0x7a: {  	v24 =	vor.u32 s7, v5;
	_ =	sdelay $0x1  }
0x7b: {  	v28 =	vand.u32 v8, v28  }
0x7c: {  	[tilespmem:s12+$0xFFFFFFD0] =	vst v39;
	v29 =	vor.u32 s11, v5  }
0x7d: {  	[tilespmem:v30+s15+$0x0] =	vst.idx.msk $0xffff, v37  }
0x7e: {  	[tilespmem:v24+s15+$0x0] =	vst.idx.msk $0xffff, v43;
	v24 =	vand.u32 v9, v27  }
0x7f: {  	v27 =	vor.u32 s5, v5;
	[tilespmem:s12+$0xFFFFFFE0] =	vst v33  }
0x80: {  	v26 =	vand.u32 v10, v26;
	v62 =	vor.u32 s1, v5;
	[tilespmem:v28+s15+$0x0] =	vst.idx.msk $0xffff, v36  }
0x81: {  	v25 =	vand.u32 v11, v25;
	v30 =	vxor.u32 v45, v44;
	v60 =	vshrl.u32 v38, $0x3;
	[tilespmem:v29+s15+$0x0] =	vst.idx.msk $0xffff, v40  }
0x82: {  	v61 =	vshrl.u32 v35, $0x3;
	v34 =	vxor.u32 v34, v30;
	v29 =	vmin.u32 v60, $0x13FFFE;
	[tilespmem:s12+$0xFFFFFFF0] =	vst v32  }
0x83: {  	v30 =	vxor.u32 v31, v30;
	v29 =	vadd.s32 $0x1, v29;
	[tilespmem:v24+s15+$0x0] =	vst.idx.msk $0xffff, v60;
	v24 =	vmax.f32 v0, $9.999999740e-05  }
0x84: {  	v30 =	vand.u32 $0x1FFFFF, v30;
	v28 =	vand.u32 $0x7, v38;
	[tilespmem:v27+s15+$0x0] =	vst.idx.msk $0xffff, v29;
	(erf) = vrcp.f32 v24  }
0x85: {  	v24 =	vmin.u32 v61, $0x13FFFE;
	v27 =	vmul.u32 $0x5, v30;
	v29 =	vor.u32 s0, v5;
	[tilespmem:s12+$0x0] =	vst v28  }
0x86: {  	v30 =	vor.u32 s4, v1;
	v28 =	vand.u32 $0x1FFFFF, v34;
	v24 =	vadd.s32 $0x1, v24;
	[tilespmem:v26+s15+$0x0] =	vst.idx.msk $0xffff, v61  }
0x87: {  	v30 =	vand.u32 v13, v30;
	v26 =	vand.u32 $0x7, v35;
	v31 =	vshrl.u32 v27, $0x3;
	[tilespmem:v62+s15+$0x0] =	vst.idx.msk $0xffff, v24  }
0x88: {  	v63 =	vor.u32 s4, v5;
	v24 =	vmul.u32 $0x5, v28;
	v28 =	vmin.u32 v31, $0x13FFFE;
	[tilespmem:s12+$0x10] =	vst v26  }
0x89: {  	v26 =	vadd.s32 $0x1, v28;
	[tilespmem:v25+s15+$0x0] =	vst.idx.msk $0xffff, v31  }
0x8a: {  	v27 =	vand.u32 $0x7, v27;
	v25 =	vshrl.u32 v24, $0x3;
	[tilespmem:v29+s15+$0x0] =	vst.idx.msk $0xffff, v26  }
0x8b: {  	v26 =	vmin.u32 v25, $0x13FFFE;
	[tilespmem:s12+$0x20] =	vst v27  }
0x8c: {  	v26 =	vadd.s32 $0x1, v26;
	[tilespmem:v30+s15+$0x0] =	vst.idx.msk $0xffff, v25  }
0x8d: {  	v24 =	vand.u32 $0x7, v24;
	[tilespmem:v63+s15+$0x0] =	vst.idx.msk $0xffff, v26  }
0x8e: {  	v0 =	vpop (erf);
	[tilespmem:s12+$0x30] =	vst v24  }
0x8f: {  	[tilespmem:$0x1FF70] =	vst v0  }
0x90: {  	v54 =	vmul.f32 $5.000000000e-01, v0;
	v0 =	vimm.f32 $0.0e+00;
	[tilespmem:s17], [sflag:$0x1] =	stream.indirect.gather [hbm4b:s3+s16], $0x8, s15, s16, $0xb8;
	[tilespmem:$0x15810] =	vst v63  }
0x91: {  	[tilespmem:$0x1FF80] =	vst v0;
	v0 =	vimm.f32 $0.0e+00  }
0x92: {  	v23 =	vimm.f32 $0.0e+00;
	[tilespmem:$0x1FF90] =	vst v0  }
0x93: {  	s14 =	simm.s32 $0x10;
	v62 =	vimm.f32 $0.0e+00;
	v28 =	vimm.f32 $0.0e+00;
	v0 =	vimm.f32 $0.0e+00;
	[tilespmem:$0x1FFB0] =	vst v54  }
0x94: {  	s1 =	simm.s32 $0x20;
	s11 =	simm.s32 $0x0;
	s5 =	simm.s32 $0x0;
	v25 =	vimm.f32 $0.0e+00;
	v63 =	vimm.f32 $0.0e+00;
	v24 =	vimm.f32 $0.0e+00;
	[tilespmem:$0x1FFA0] =	vst v0  }
.LBB2_5:
0x95: {  	s0 =	scvt.s32.f32 s14;
	_ =	sdelay $0x1  }
0x96: {  	s0 =	smul.f32 $9.999999770e-03, s0;
	_ =	sdelay $0x1  }
0x97: {  	v31 =	vadd.f32 s0, v16;
	_ =	sdelay $0x1  }
0x98: {  	v36 =	vadd.f32 $9.999999770e-03, v31;
	_ =	sdelay $0x1  }
0x99: {  	[tilespmem:$0x1FF20] =	vst v24;
	v24 =	vadd.f32 v36, v31;
	_ =	sdelay $0x1  }
0x9a: {  	v24 =	vmul.f32 $5.000000000e-01, v24;
	_ =	sdelay $0x1  }
0x9b: {  	v32 =	vmul.f32 v24, v18  }
0x9c: {  	v37 =	vmul.f32 v24, v19;
	v24 =	vmul.f32 v24, v20  }
0x9d: {  	v36 =	vadd.f32 v32, v17  }
0x9e: {  	v37 =	vadd.f32 v37, v21;
	v24 =	vadd.f32 v24, v22  }
0x9f: {  	s2 =	simm.s32 $0x0;
	v43 =	vmul.f32 v36, v12  }
0xa0: {  	s4 =	simm.s32 $0x20;
	s29 =	simm.s32 $0x60;
	v38 =	vor.u32 s2, v1;
	v45 =	vmul.f32 v37, v12;
	v24 =	vmul.f32 v24, v12  }
0xa1: {  	v40 =	vor.u32 s4, v1;
	v39 =	vor.u32 s29, v1;
	v41 =	vtrunc.f32 v43  }
0xa2: {  	v48 =	vor.u32 s4, v5;
	v44 =	vtrunc.f32 v45;
	v46 =	vtrunc.f32 v24  }
0xa3: {  	s8 =	simm.s32 $0x40;
	v51 =	vor.u32 s2, v5;
	v41 =	vcvt.f32.s32 v41;
	v44 =	vcvt.f32.s32 v44  }
0xa4: {  	s28 =	simm.s32 $0x80;
	v33 =	vor.u32 s8, v1;
	v42 =	vand.u32 v4, v38;
	v46 =	vcvt.f32.s32 v46  }
0xa5: {  	v38 =	vor.u32 s28, v1;
	v47 =	vcvt.s32.f32 v41;
	v49 =	vcvt.s32.f32 v44  }
0xa6: {  	s12 =	simm.s32 $0xA0;
	v50 =	vand.u32 v6, v40;
	v40 =	vand.u32 v7, v33;
	v52 =	vcvt.s32.f32 v46  }
0xa7: {  	v37 =	vor.u32 s12, v1;
	vm0 =	vlt.f32 v43, v47;
	vm15 =	vlt.f32 v45, v49  }
0xa8: {  	vm1 =	vlt.f32 v24, v52;
	v53 =	vsel vm0, $0xFFFFFFFF, v3;
	v54 =	vsel vm0, $0x3F800000, v3  }
0xa9: {  	v34 =	vsel vm15, $0xFFFFFFFF, v3;
	v35 =	vsel vm1, $0xFFFFFFFF, v3;
	v60 =	vsel vm1, $0x3F800000, v3  }
0xaa: {  	[tilespmem:$0x1FF10] =	vst v62;
	v62 =	vsel vm15, $0x3F800000, v3;
	v41 =	vadd.s32 v41, v53;
	v44 =	vadd.s32 v44, v34  }
0xab: {  	v59 =	vadd.s32 v46, v35;
	v46 =	vsub.f32 v52, v60;
	v47 =	vsub.f32 v47, v54  }
0xac: {  	s0 =	simm.s32 $0xC0;
	v49 =	vsub.f32 v49, v62;
	v56 =	vmul.u32 $0x466F45D, v41;
	v61 =	vmul.u32 $0x127409F, v44  }
0xad: {  	v36 =	vor.u32 s0, v1;
	v41 =	vmul.u32 $0x4F9FFB7, v59;
	v24 =	vsub.f32 v24, v46  }
0xae: {  	[tilespmem:$0x1FF30] =	vst v63;
	v45 =	vsub.f32 v45, v49;
	v43 =	vsub.f32 v43, v47;
	v63 =	vxor.u32 v61, v56  }
0xaf: {  	v44 =	vadd.s32 $0x4F9FFB7, v41;
	v54 =	vadd.s32 $0x466F45D, v56;
	v55 =	vadd.s32 $0x127409F, v61  }
0xb0: {  	[tilespmem:$0x1FF50] =	vst v25;
	v25 =	vxor.u32 v41, v63;
	v26 =	vxor.u32 v44, v63;
	v29 =	vxor.u32 v56, v55  }
0xb1: {  	v53 =	vxor.u32 v61, v54;
	v46 =	vand.u32 $0x1FFFFF, v25;
	v27 =	vand.u32 $0x1FFFFF, v26  }
0xb2: {  	[tilespmem:$0x1FF40] =	vst v28;
	v58 =	vxor.u32 v41, v29;
	v35 =	vxor.u32 v44, v29;
	v59 =	vxor.u32 v41, v53  }
0xb3: {  	[tilespmem:$0x1FF60] =	vst v23;
	s7 =	simm.s32 $0x2B30;
	v60 =	vxor.u32 v44, v53;
	v46 =	vmul.u32 $0x5, v46;
	v47 =	vmul.u32 $0x5, v27  }
0xb4: {  	[tilespmem:s7+$0x0] =	vst v24;
	v58 =	vand.u32 $0x1FFFFF, v58;
	v62 =	vand.u32 $0x1FFFFF, v59;
	v63 =	vand.u32 $0x1FFFFF, v60  }
0xb5: {  	[tilespmem:s7+$0xFFFFFFF0] =	vst v45;
	v34 =	vmul.u32 $0x5, v58;
	v58 =	vand.u32 $0x1FFFFF, v35;
	v28 =	vshrl.u32 v46, $0x3  }
0xb6: {  	[tilespmem:s7+$0xFFFFFFE0] =	vst v43;
	v45 =	vmul.u32 $0x5, v63;
	v46 =	vand.u32 $0x7, v46;
	v30 =	vmin.u32 v28, $0x13FFFE  }
0xb7: {  	v57 =	vshrl.u32 v47, $0x3;
	v56 =	vmul.u32 $0x5, v58;
	[tilespmem:v42+s18+$0x0] =	vst.idx.msk $0xffff, v28;
	v31 =	vadd.s32 $0x1, v30  }
0xb8: {  	s4 =	simm.s32 $0x3650;
	v49 =	vand.u32 $0x7, v47;
	v32 =	vmin.u32 v57, $0x13FFFE;
	v47 =	vshrl.u32 v34, $0x3;
	[tilespmem:v51+s18+$0x0] =	vst.idx.msk $0xffff, v31  }
0xb9: {  	v43 =	vand.u32 $0x7, v34;
	v33 =	vadd.s32 $0x1, v32;
	[tilespmem:s4+$0xFFFFFFC0] =	vst v46;
	v46 =	vshrl.u32 v56, $0x3  }
0xba: {  	v58 =	vmin.u32 v47, $0x13FFFE;
	v42 =	vand.u32 $0x7, v56;
	[tilespmem:v50+s18+$0x0] =	vst.idx.msk $0xffff, v57;
	v61 =	vmin.u32 v46, $0x13FFFE  }
0xbb: {  	s6 =	simm.s32 $0xE0;
	s10 =	simm.s32 $0x1E0;
	s9 =	sadd.s32 $0x1, s14;
	v53 =	vadd.s32 $0x1, v58;
	[tilespmem:v48+s18+$0x0] =	vst.idx.msk $0xffff, v33;
	v52 =	vadd.s32 $0x1, v61;
	v48 =	vmul.u32 $0x5, v62  }
.LBB2_6:
0xbc: {  	s2 =	scvt.s32.f32 s9  }
0xbd: {  	p0 =	sne.s32 s10, $0xFE0;
	v24 =	vxor.u32 v55, v54;
	s23 =	smov.u32 s10;
	s10 =	sadd.s32 $0x100, s10  }
0xbe: {  	v55 =	vshrl.u32 v48, $0x3;
	v56 =	vand.u32 $0x7, v48;
	v44 =	vxor.u32 v44, v24  }
0xbf: {  	v57 =	vshrl.u32 v45, $0x3;
	s2 =	smul.f32 $9.999999770e-03, s2;
	v48 =	vmin.u32 v55, $0x13FFFE;
	v44 =	vand.u32 $0x1FFFFF, v44  }
0xc0: {  	v24 =	vxor.u32 v41, v24;
	v58 =	vadd.s32 $0x1, v48;
	v41 =	vmul.u32 $0x5, v44  }
0xc1: {  	v24 =	vand.u32 $0x1FFFFF, v24;
	v44 =	vand.u32 $0x7, v45;
	v50 =	vadd.f32 s2, v16  }
0xc2: {  	v45 =	vmin.u32 v57, $0x13FFFE;
	v24 =	vmul.u32 $0x5, v24;
	v48 =	vshrl.u32 v41, $0x3  }
0xc3: {  	v60 =	vadd.s32 $0x1, v45;
	v59 =	vadd.f32 $9.999999770e-03, v50;
	v45 =	vmin.u32 v48, $0x13FFFE  }
0xc4: {  	v61 =	vshrl.u32 v24, $0x3;
	v54 =	vand.u32 $0x7, v24;
	v51 =	vadd.s32 $0x1, v45  }
0xc5: {  	s25 =	sadd.s32 $0xFFFFFF20, s23;
	s26 =	sadd.s32 $0xFFFFFF40, s23;
	v45 =	vmin.u32 v61, $0x13FFFE;
	v24 =	vadd.f32 v59, v50;
	v50 =	vand.u32 $0x7, v41  }
0xc6: {  	s2 =	sadd.s32 $0xFFFFFF80, s23;
	v41 =	vor.u32 s25, v1;
	v59 =	vor.u32 s26, v1;
	v62 =	vadd.s32 $0x1, v45  }
0xc7: {  	s24 =	sadd.s32 $0xFFFFFFA0, s23;
	s31 =	sadd.s32 $0xFFFFFFC0, s23;
	s13 =	sadd.s32 $0xFFFFFFE0, s23;
	v45 =	vand.u32 v4, v41;
	v41 =	vor.u32 s2, v1;
	v24 =	vmul.f32 $5.000000000e-01, v24  }
0xc8: {  	v63 =	vor.u32 s24, v1;
	v0 =	vor.u32 s31, v1;
	v14 =	vor.u32 s13, v1  }
0xc9: {  	v30 =	vor.u32 s6, v5;
	v15 =	vmul.f32 v24, v18;
	v23 =	vmul.f32 v24, v19  }
0xca: {  	v31 =	vor.u32 s8, v5;
	v25 =	vor.u32 s6, v1;
	s6 =	smov.u32 s23;
	v24 =	vmul.f32 v24, v20  }
0xcb: {  	v25 =	vand.u32 v13, v25;
	v15 =	vadd.f32 v15, v17;
	v23 =	vadd.f32 v23, v21  }
0xcc: {  	v26 =	vand.u32 v11, v36;
	v27 =	vor.u32 s0, v5;
	s0 =	smov.u32 s13;
	v36 =	vmovc v14;
	v24 =	vadd.f32 v24, v22  }
0xcd: {  	v14 =	vmul.f32 v15, v12;
	v15 =	vmul.f32 v23, v12;
	v23 =	vand.u32 v8, v39;
	v39 =	vmovc v41  }
0xce: {  	v24 =	vmul.f32 v24, v12;
	v41 =	vor.u32 s29, v5;
	s29 =	smov.u32 s2;
	[tilespmem:s4+$0xFFFFFFD0] =	vst v49;
	v49 =	vor.u32 s12, v5;
	s12 =	smov.u32 s31  }
0xcf: {  	v28 =	vtrunc.f32 v14;
	v29 =	vtrunc.f32 v15;
	[tilespmem:v40+s18+$0x0] =	vst.idx.msk $0xffff, v47;
	v47 =	vand.u32 v10, v37;
	v37 =	vmovc v0  }
0xd0: {  	v0 =	vcvt.f32.s32 v28;
	v28 =	vcvt.f32.s32 v29;
	[tilespmem:v31+s18+$0x0] =	vst.idx.msk $0xffff, v53;
	v29 =	vand.u32 v9, v38;
	v38 =	vmovc v63  }
0xd1: {  	v31 =	vtrunc.f32 v24;
	v63 =	vor.u32 s26, v5;
	[tilespmem:s4+$0xFFFFFFE0] =	vst v43;
	v43 =	vor.u32 s28, v5;
	s28 =	smov.u32 s24  }
0xd2: {  	s8 =	sadd.s32 $0xFFFFFF60, s6;
	v59 =	vand.u32 v6, v59;
	v31 =	vcvt.f32.s32 v31;
	v53 =	vcvt.s32.f32 v0;
	[tilespmem:v23+s18+$0x0] =	vst.idx.msk $0xffff, v46  }
0xd3: {  	v40 =	vor.u32 s8, v1;
	v23 =	vcvt.s32.f32 v28;
	v46 =	vor.u32 s25, v5;
	[tilespmem:v41+s18+$0x0] =	vst.idx.msk $0xffff, v52  }
0xd4: {  	v40 =	vand.u32 v7, v40;
	v41 =	vcvt.s32.f32 v31;
	vm0 =	vlt.f32 v14, v53;
	[tilespmem:s4+$0xFFFFFFF0] =	vst v42  }
0xd5: {  	v42 =	vsel vm0, $0xFFFFFFFF, v3;
	v52 =	vsel vm0, $0x3F800000, v3;
	vm0 =	vlt.f32 v15, v23;
	[tilespmem:v29+s18+$0x0] =	vst.idx.msk $0xffff, v55  }
0xd6: {  	vm1 =	vlt.f32 v24, v41;
	v0 =	vadd.s32 v0, v42;
	v29 =	vsel vm0, $0xFFFFFFFF, v3;
	[tilespmem:v43+s18+$0x0] =	vst.idx.msk $0xffff, v58  }
0xd7: {  	v28 =	vadd.s32 v28, v29;
	v29 =	vsel vm1, $0xFFFFFFFF, v3;
	v0 =	vmul.u32 $0x466F45D, v0;
	[tilespmem:s4+$0x0] =	vst v56  }
0xd8: {  	v29 =	vadd.s32 v31, v29;
	v31 =	vsel vm1, $0x3F800000, v3;
	v28 =	vmul.u32 $0x127409F, v28;
	[tilespmem:v47+s18+$0x0] =	vst.idx.msk $0xffff, v57  }
0xd9: {  	v42 =	vsel vm0, $0x3F800000, v3;
	v31 =	vsub.f32 v41, v31;
	v41 =	vmul.u32 $0x4F9FFB7, v29;
	[tilespmem:v49+s18+$0x0] =	vst.idx.msk $0xffff, v60  }
0xda: {  	v23 =	vsub.f32 v23, v42;
	v29 =	vsub.f32 v53, v52;
	v42 =	vxor.u32 v28, v0;
	[tilespmem:s4+$0x10] =	vst v44  }
0xdb: {  	v24 =	vsub.f32 v24, v31;
	v44 =	vadd.s32 $0x4F9FFB7, v41;
	v31 =	vxor.u32 v41, v42;
	[tilespmem:v26+s18+$0x0] =	vst.idx.msk $0xffff, v61  }
0xdc: {  	v15 =	vsub.f32 v15, v23;
	v23 =	vand.u32 $0x1FFFFF, v31;
	v26 =	vxor.u32 v44, v42;
	[tilespmem:v27+s18+$0x0] =	vst.idx.msk $0xffff, v62  }
0xdd: {  	v14 =	vsub.f32 v14, v29;
	v23 =	vmul.u32 $0x5, v23;
	v26 =	vand.u32 $0x1FFFFF, v26;
	[tilespmem:s4+$0x20] =	vst v54  }
0xde: {  	v55 =	vadd.s32 $0x127409F, v28;
	v54 =	vadd.s32 $0x466F45D, v0;
	v26 =	vmul.u32 $0x5, v26;
	[tilespmem:v25+s18+$0x0] =	vst.idx.msk $0xffff, v48  }
0xdf: {  	s7 =	sadd.s32 $0x30, s7;
	v0 =	vxor.u32 v0, v55;
	v25 =	vshrl.u32 v23, $0x3;
	v23 =	vand.u32 $0x7, v23;
	[tilespmem:v30+s18+$0x0] =	vst.idx.msk $0xffff, v51  }
0xe0: {  	v30 =	vxor.u32 v41, v0;
	v27 =	vmin.u32 v25, $0x13FFFE;
	v29 =	vshrl.u32 v26, $0x3;
	[tilespmem:s4+$0x30] =	vst v50  }
0xe1: {  	v30 =	vand.u32 $0x1FFFFF, v30;
	[tilespmem:s7+$0x0] =	vst v24;
	v24 =	vadd.s32 $0x1, v27;
	v27 =	vmin.u32 v29, $0x13FFFE  }
0xe2: {  	v0 =	vxor.u32 v44, v0;
	s4 =	sadd.s32 $0x80, s4;
	[tilespmem:s7+$0xFFFFFFF0] =	vst v15;
	v15 =	vadd.s32 $0x1, v27;
	v27 =	vmul.u32 $0x5, v30  }
0xe3: {  	v49 =	vand.u32 $0x7, v26;
	v0 =	vand.u32 $0x1FFFFF, v0;
	[tilespmem:s7+$0xFFFFFFE0] =	vst v14;
	v14 =	vxor.u32 v28, v54  }
.Ltmp1:
0xe4: {  	v0 =	vmul.u32 $0x5, v0;
	[tilespmem:v45+s18+$0x0] =	vst.idx.msk $0xffff, v25;
	v47 =	vshrl.u32 v27, $0x3;
	v43 =	vand.u32 $0x7, v27;
	(pc) =	sbr.rel @p0 .LBB2_6-.Ltmp1, $4  }
0xe5: {  	v25 =	vxor.u32 v41, v14;
	v14 =	vxor.u32 v44, v14;
	[tilespmem:v46+s18+$0x0] =	vst.idx.msk $0xffff, v24;
	v24 =	vmin.u32 v47, $0x13FFFE  }
0xe6: {  	v42 =	vand.u32 $0x7, v0;
	v46 =	vshrl.u32 v0, $0x3;
	[tilespmem:s4+$0xFFFFFFC0] =	vst v23;
	v53 =	vadd.s32 $0x1, v24  }
0xe7: {  	v14 =	vand.u32 $0x1FFFFF, v14;
	v0 =	vmin.u32 v46, $0x13FFFE;
	v23 =	vand.u32 $0x1FFFFF, v25;
	[tilespmem:v59+s18+$0x0] =	vst.idx.msk $0xffff, v29  }
0xe8: {  	s9 =	sadd.s32 $0x1, s9;
	v45 =	vmul.u32 $0x5, v14;
	v52 =	vadd.s32 $0x1, v0;
	v48 =	vmul.u32 $0x5, v23;
	[tilespmem:v63+s18+$0x0] =	vst.idx.msk $0xffff, v15  }
0xe9: {  	v0 =	vor.u32 s8, v5;
	_ =	sdelay $0x1  }
0xea: {  	v14 =	vand.u32 v8, v39  }
0xeb: {  	[tilespmem:s4+$0xFFFFFFD0] =	vst v49;
	v15 =	vor.u32 s29, v5  }
0xec: {  	[tilespmem:v40+s18+$0x0] =	vst.idx.msk $0xffff, v47  }
0xed: {  	[tilespmem:v0+s18+$0x0] =	vst.idx.msk $0xffff, v53;
	v0 =	vand.u32 v9, v38  }
0xee: {  	v23 =	vor.u32 s28, v5;
	[tilespmem:s4+$0xFFFFFFE0] =	vst v43  }
0xef: {  	[tilespmem:v14+s18+$0x0] =	vst.idx.msk $0xffff, v46  }
0xf0: {  	v25 =	vand.u32 v10, v37;
	v27 =	vor.u32 s12, v5;
	v24 =	vshrl.u32 v48, $0x3;
	[tilespmem:v15+s18+$0x0] =	vst.idx.msk $0xffff, v52  }
0xf1: {  	v59 =	vand.u32 v11, v36;
	v26 =	vmin.u32 v24, $0x13FFFE;
	v14 =	vxor.u32 v55, v54;
	[tilespmem:s4+$0xFFFFFFF0] =	vst v42  }
0xf2: {  	v26 =	vadd.s32 $0x1, v26;
	v28 =	vxor.u32 v44, v14;
	v14 =	vxor.u32 v41, v14;
	[tilespmem:v0+s18+$0x0] =	vst.idx.msk $0xffff, v24  }
0xf3: {  	v15 =	vand.u32 $0x7, v48;
	v14 =	vand.u32 $0x1FFFFF, v14;
	v0 =	vshrl.u32 v45, $0x3;
	[tilespmem:v23+s18+$0x0] =	vst.idx.msk $0xffff, v26  }
0xf4: {  	v60 =	vor.u32 s0, v5;
	v14 =	vmul.u32 $0x5, v14;
	v23 =	vmin.u32 v0, $0x13FFFE;
	[tilespmem:s4+$0x0] =	vst v15  }
0xf5: {  	v61 =	vor.u32 s6, v1;
	v15 =	vand.u32 $0x1FFFFF, v28;
	v23 =	vadd.s32 $0x1, v23;
	[tilespmem:v25+s18+$0x0] =	vst.idx.msk $0xffff, v0  }
0xf6: {  	v62 =	vshrl.u32 v14, $0x3;
	v28 =	vand.u32 v13, v61;
	v0 =	vand.u32 $0x7, v45;
	[tilespmem:v27+s18+$0x0] =	vst.idx.msk $0xffff, v23  }
0xf7: {  	v63 =	vor.u32 s6, v5;
	v15 =	vmul.u32 $0x5, v15;
	v23 =	vmin.u32 v62, $0x13FFFE;
	[tilespmem:s4+$0x10] =	vst v0  }
0xf8: {  	v0 =	vadd.s32 $0x1, v23;
	[tilespmem:v59+s18+$0x0] =	vst.idx.msk $0xffff, v62  }
0xf9: {  	v14 =	vand.u32 $0x7, v14;
	v23 =	vshrl.u32 v15, $0x3;
	[tilespmem:v60+s18+$0x0] =	vst.idx.msk $0xffff, v0  }
0xfa: {  	v0 =	vmin.u32 v23, $0x13FFFE;
	[tilespmem:s4+$0x20] =	vst v14  }
0xfb: {  	v0 =	vadd.s32 $0x1, v0;
	[tilespmem:v28+s18+$0x0] =	vst.idx.msk $0xffff, v23  }
0xfc: {  	v14 =	vand.u32 $0x7, v15;
	[tilespmem:v63+s18+$0x0] =	vst.idx.msk $0xffff, v0  }
0xfd: {  	[tilespmem:s4+$0x30] =	vst v14  }
0xfe: {  	[tilespmem:s19], [sflag:$0x2] =	stream.indirect.gather [hbm4b:s3+s16], $0x8, s18, s16, $0xb8;
	[tilespmem:$0x15810] =	vst v63  }
0xff: {  	_ =	swait.ge [sflag:s20], $0x8000  }
0x100: {  	v0 =	vld [tilespmem:$0x1FF60]  }
0x101: {  	v14 =	vld [tilespmem:$0x1FF50]  }
0x102: {  	v15 =	vld [tilespmem:$0x1FF80]  }
0x103: {  	v34 =	vld [tilespmem:$0x1FFA0]  }
0x104: {  	v2 =	vld [tilespmem:$0x1FF90]  }
0x105: {  	v35 =	vld [tilespmem:$0x1FFF0]  }
0x106: {  	v63 =	vld [tilespmem:$0x1FF40]  }
0x107: {  	v62 =	vld [tilespmem:$0x1FF30]  }
0x108: {  	s12 =	simm.s32 $0x70;
	s29 =	simm.s32 $0x2830;
	[sflag:s20] =	ssyncset.done $0x0;
	v32 =	vld [tilespmem:$0x1FF20]  }
0x109: {  	s28 =	simm.s32 $0x2E50;
	s0 =	smov.u32 s5;
	v33 =	vld [tilespmem:$0x1FF10];
	[sflag:s20] =	ssyncadd.s32 $0xFFFF8000  }
.LBB2_8:
0x10a: {  	_ = 	snop  }
0x10b: {  	[tilespmem:$0x1FF60] =	vst v0;
	v0 =	vld [tilespmem:s28+$0xFFFFFFC0]  }
0x10c: {  	s2 =	sadd.s32 $0xFFFFFF90, s12  }
0x10d: {  	[tilespmem:$0x1FF50] =	vst v14;
	v14 =	vmov s2  }
0x10e: {  	v40 =	vld [tilespmem:s29+$0xFFFFFFE0];
	v14 =	vshll.u32 v14, $0x4  }
0x10f: {  	v52 =	vld [tilespmem:s29+$0xFFFFFFF0];
	v14 =	vor.u32 v35, v14  }
0x110: {  	v41 =	vld [tilespmem:s29+$0x0];
	v0 =	vadd.s32 v14, v0  }
0x111: {  	v14 =	vld [tilespmem:s28+$0xFFFFFFD0];
	v24 =	vadd.s32 $0x4, v0  }
0x112: {  	s10 =	sadd.s32 $0xFFFFFFA0, s12;
	s13 =	sadd.s32 $0xFFFFFFB0, s12;
	s23 =	sadd.s32 $0xFFFFFFC0, s12  }
0x113: {  	v26 =	vmov s10;
	v31 =	vmov s13;
	v60 =	vmov s23  }
0x114: {  	s24 =	sadd.s32 $0xFFFFFFD0, s12;
	[tilespmem:$0x1FF80] =	vst v15;
	v26 =	vshll.u32 v26, $0x4;
	v15 =	vsub.f32 $1.000000000e+00, v40;
	v23 =	vsub.f32 $1.000000000e+00, v52  }
0x115: {  	v28 =	vld [tilespmem:s28+$0xFFFFFFE0];
	v50 =	vmov s24;
	v26 =	vor.u32 v35, v26;
	v53 =	vsub.f32 $1.000000000e+00, v41  }
0x116: {  	v31 =	vshll.u32 v31, $0x4;
	v27 =	vmul.f32 v23, v15;
	v44 =	vadd.s32 v26, v14;
	v14 =	vld.idx.msk [tilespmem:v24+s17+$0x0], $0xffff  }
0x117: {  	v29 =	vmul.f32 v53, v23;
	v30 =	vmul.f32 v53, v15;
	v54 =	vadd.s32 $0x1, v0;
	v25 =	vld.idx.msk [tilespmem:v0+s17+$0x0], $0xffff  }
0x118: {  	v56 =	vmul.f32 v41, v23;
	v43 =	vmul.f32 v41, v15;
	v26 =	vadd.s32 $0x4, v44  }
0x119: {  	v55 =	vadd.s32 $0x2, v0;
	v15 =	vmul.f32 v52, v15;
	v47 =	vmul.f32 v53, v27  }
0x11a: {  	v46 =	vld [tilespmem:s28+$0xFFFFFFF0];
	v51 =	vadd.s32 $0x3, v0;
	v57 =	vmul.f32 v53, v52;
	v23 =	vmul.f32 v23, v40  }
0x11b: {  	v39 =	vmul.f32 v27, v41;
	v36 =	vld.idx.msk [tilespmem:v44+s17+$0x0], $0xffff;
	v0 =	vmul.f32 v14, v47;
	v14 =	vor.u32 v35, v31  }
0x11c: {  	v45 =	vmul.f32 v25, v47;
	v37 =	vmul.f32 v25, v29;
	v48 =	vadd.s32 v14, v28  }
0x11d: {  	v38 =	vmul.f32 v25, v30;
	v25 =	vmul.f32 v25, v27;
	v26 =	vld.idx.msk [tilespmem:v26+s17+$0x0], $0xffff;
	v28 =	vshll.u32 v60, $0x4  }
0x11e: {  	v24 =	vadd.f32 $0.0e+00, v45;
	v14 =	vadd.s32 $0x4, v48;
	v28 =	vor.u32 v35, v28  }
0x11f: {  	v42 =	vsub.f32 $0.0e+00, v37;
	v38 =	vsub.f32 $0.0e+00, v38;
	v37 =	vadd.s32 v28, v46  }
0x120: {  	v25 =	vsub.f32 $0.0e+00, v25;
	v28 =	vld [tilespmem:s28+$0x0];
	v61 =	vmul.f32 v36, v39;
	v45 =	vadd.s32 $0x4, v37  }
0x121: {  	v0 =	vadd.f32 $0.0e+00, v0;
	v46 =	vmul.f32 v36, v56;
	v49 =	vmul.f32 v36, v43;
	v31 =	vld.idx.msk [tilespmem:v48+s17+$0x0], $0xffff  }
0x122: {  	v27 =	vmul.f32 v36, v27;
	v36 =	vshll.u32 v50, $0x4;
	v26 =	vmul.f32 v26, v39  }
0x123: {  	v36 =	vor.u32 v35, v36;
	v24 =	vadd.f32 v61, v24;
	v46 =	vsub.f32 v42, v46;
	v14 =	vld.idx.msk [tilespmem:v14+s17+$0x0], $0xffff  }
0x124: {  	v42 =	vmul.f32 v53, v15;
	v25 =	vadd.f32 v27, v25;
	v27 =	vmul.f32 v41, v52;
	v58 =	vld.idx.msk [tilespmem:v37+s17+$0x0], $0xffff  }
0x125: {  	v0 =	vadd.f32 v26, v0;
	v60 =	vld.idx.msk [tilespmem:v45+s17+$0x0], $0xffff;
	v45 =	vadd.s32 v36, v28;
	v36 =	vmul.f32 v41, v15  }
0x126: {  	v26 =	vsub.f32 v38, v49;
	v59 =	vmul.f32 v31, v42;
	v49 =	vmul.f32 v31, v57  }
0x127: {  	v61 =	vmul.f32 v31, v30;
	v50 =	vmul.f32 v31, v15  }
0x128: {  	v30 =	vadd.s32 $0x4, v45;
	v14 =	vmul.f32 v14, v42;
	v24 =	vadd.f32 v59, v24  }
0x129: {  	v28 =	vld [tilespmem:s28+$0x10];
	v26 =	vadd.f32 v61, v26;
	v59 =	vmul.f32 v58, v36;
	v25 =	vsub.f32 v25, v50  }
0x12a: {  	s25 =	sadd.s32 $0xFFFFFFE0, s12;
	v43 =	vmul.f32 v58, v43;
	v15 =	vmul.f32 v58, v15;
	v0 =	vadd.f32 v14, v0  }
0x12b: {  	v50 =	vld [tilespmem:s28+$0x20];
	v14 =	vsub.f32 v46, v49;
	v38 =	vmul.f32 v60, v36;
	v60 =	vmov s25  }
0x12c: {  	s26 =	sadd.s32 $0xFFFFFFF0, s12;
	v31 =	vld.idx.msk [tilespmem:v45+s17+$0x0], $0xffff;
	v46 =	vshll.u32 v60, $0x4;
	v24 =	vadd.f32 v59, v24;
	v26 =	vadd.f32 v43, v26  }
0x12d: {  	v59 =	vld [tilespmem:s28+$0x30];
	v0 =	vadd.f32 v38, v0;
	v61 =	vor.u32 v35, v46;
	v38 =	vmov s26  }
0x12e: {  	v46 =	vmul.f32 v58, v27;
	v49 =	vadd.s32 v61, v28;
	v28 =	vshll.u32 v38, $0x4  }
0x12f: {  	v30 =	vld.idx.msk [tilespmem:v30+s17+$0x0], $0xffff;
	v61 =	vmov s12;
	v60 =	vadd.s32 $0x4, v49;
	v28 =	vor.u32 v35, v28  }
0x130: {  	v38 =	vmul.f32 v53, v23;
	v61 =	vshll.u32 v61, $0x4;
	v50 =	vadd.s32 v28, v50  }
0x131: {  	v15 =	vadd.f32 v15, v25;
	v25 =	vmul.f32 v53, v40;
	v28 =	vor.u32 v35, v61  }
0x132: {  	v14 =	vsub.f32 v14, v46;
	v43 =	vmul.f32 v31, v38;
	v46 =	vadd.s32 v28, v59  }
0x133: {  	v29 =	vmul.f32 v31, v29;
	v59 =	vadd.s32 $0x4, v50;
	v28 =	vmul.f32 v31, v25;
	v58 =	vld.idx.msk [tilespmem:v49+s17+$0x0], $0xffff  }
0x134: {  	v61 =	vmul.f32 v30, v38;
	v24 =	vadd.f32 v43, v24;
	v43 =	vmul.f32 v23, v41;
	v30 =	vld.idx.msk [tilespmem:v60+s17+$0x0], $0xffff  }
0x135: {  	v14 =	vadd.f32 v29, v14;
	v29 =	vmul.f32 v31, v23;
	v31 =	vmul.f32 v52, v40;
	v60 =	vld.idx.msk [tilespmem:v50+s17+$0x0], $0xffff  }
0x136: {  	v54 =	vld.idx.msk [tilespmem:v54+s17+$0x0], $0xffff;
	v26 =	vsub.f32 v26, v28;
	v28 =	vmul.f32 v41, v40;
	v0 =	vadd.f32 v61, v0  }
0x137: {  	v40 =	vmul.f32 v53, v31;
	v53 =	vadd.s32 $0x4, v46;
	v41 =	vmul.f32 v41, v31;
	v61 =	vld.idx.msk [tilespmem:v46+s17+$0x0], $0xffff  }
0x138: {  	v15 =	vsub.f32 v15, v29;
	v59 =	vld.idx.msk [tilespmem:v59+s17+$0x0], $0xffff;
	v52 =	vmul.f32 v58, v43;
	v29 =	vmul.f32 v58, v56  }
0x139: {  	v56 =	vmul.f32 v58, v28;
	v23 =	vmul.f32 v58, v23  }
0x13a: {  	v30 =	vmul.f32 v30, v43;
	v24 =	vadd.f32 v52, v24;
	v52 =	vmul.f32 v60, v40  }
0x13b: {  	v26 =	vsub.f32 v26, v56;
	v15 =	vadd.f32 v23, v15;
	v56 =	vmul.f32 v60, v57  }
0x13c: {  	s31 =	scvt.s32.f32 s0;
	v55 =	vld.idx.msk [tilespmem:v55+s17+$0x0], $0xffff;
	v25 =	vmul.f32 v60, v25;
	v58 =	vmul.f32 v61, v41;
	v24 =	vadd.f32 v52, v24  }
0x13d: {  	v23 =	vld.idx.msk [tilespmem:v53+s17+$0x0], $0xffff;
	v0 =	vadd.f32 v30, v0;
	v52 =	vmul.f32 v54, v47;
	v54 =	vmul.f32 v59, v40  }
0x13e: {  	s2 =	smul.f32 $9.999999770e-03, s31;
	v25 =	vadd.f32 v25, v26;
	v26 =	vmul.f32 v60, v31;
	v60 =	vld [tilespmem:$0x1FF70];
	v24 =	vadd.f32 v58, v24  }
0x13f: {  	v51 =	vld.idx.msk [tilespmem:v51+s17+$0x0], $0xffff;
	v14 =	vadd.f32 v29, v14  }
0x140: {  	v30 =	vadd.f32 s2, v16;
	v0 =	vadd.f32 v54, v0;
	v54 =	vand.u32 $0x7FFFFFFF, v24  }
0x141: {  	v55 =	vmul.f32 v55, v47;
	v54 =	vsub.f32 $0.0e+00, v54  }
0x142: {  	v53 =	vadd.s32 $0x1, v44;
	v14 =	vadd.f32 v56, v14;
	v29 =	vadd.f32 $9.999999770e-03, v30  }
0x143: {  	v56 =	vadd.s32 $0x2, v44;
	v23 =	vmul.f32 v23, v41;
	v54 =	vmul.f32 v54, v60  }
0x144: {  	v51 =	vmul.f32 v51, v47;
	v27 =	vmul.f32 v61, v27;
	v57 =	vadd.f32 v29, v30  }
0x145: {  	v28 =	vmul.f32 v61, v28;
	v0 =	vadd.f32 v23, v0;
	v23 =	vmul.f32 $1.442695020e+00, v54  }
0x146: {  	v59 =	vimm.f32 $0.0e+00;
	v31 =	vmul.f32 v61, v31;
	v47 =	vmul.f32 $5.000000000e-01, v57;
	v57 =	vld [tilespmem:$0x1FFC0]  }
0x147: {  	v15 =	vsub.f32 v15, v26;
	v14 =	vadd.f32 v27, v14;
	v53 =	vld.idx.msk [tilespmem:v53+s17+$0x0], $0xffff;
	(erf) = vpow2.f32 v23  }
0x148: {  	v26 =	vadd.f32 $0.0e+00, v52;
	v27 =	vadd.s32 $0x3, v44;
	v25 =	vadd.f32 v28, v25;
	v44 =	vld.idx.msk [tilespmem:v56+s17+$0x0], $0xffff  }
0x149: {  	v52 =	vadd.f32 $0.0e+00, v55;
	v14 =	vmul.f32 $1.000000000e+02, v14;
	v15 =	vadd.f32 v31, v15  }
0x14a: {  	v25 =	vmul.f32 $1.000000000e+02, v25;
	vm14 =	vlt.f32 v24, $0.0e+00;
	v23 =	vadd.s32 $0x1, v48  }
0x14b: {  	v60 =	vadd.s32 $0x2, v48;
	vm1 =	vge.f32 v0, $1.000000000e+00;
	vm0 =	vle.f32 v47, v57  }
0x14c: {  	vm15 =	vgt.f32 v24, $0.0e+00;
	v56 =	vld [tilespmem:$0x1FFE0];
	v0 =	vadd.s32 $0x3, v48;
	vm0 =	vmand vm0, vm1  }
0x14d: {  	v53 =	vmul.f32 v53, v39;
	v55 =	vmul.f32 v44, v39;
	v31 =	vsel vm0, $0x3F800000, v59  }
0x14e: {  	v27 =	vld.idx.msk [tilespmem:v27+s17+$0x0], $0xffff;
	v54 =	vadd.f32 $0.0e+00, v51;
	v51 =	vmul.f32 v31, v14;
	v44 =	vmul.f32 v31, v25  }
0x14f: {  	v58 =	vand.u32 $0x80000000, v24;
	v15 =	vmul.f32 $1.000000000e+02, v15;
	vm0 =	vmor vm15, vm14;
	v23 =	vld.idx.msk [tilespmem:v23+s17+$0x0], $0xffff  }
0x150: {  	v59 =	vld.idx.msk [tilespmem:v60+s17+$0x0], $0xffff;
	v14 =	vadd.f32 v53, v26;
	v61 =	vmul.f32 v51, v51;
	v53 =	vmul.f32 v44, v44;
	v60 =	vpop (erf)  }
0x151: {  	v48 =	vmul.f32 v31, v15;
	v15 =	vor.u32 v58, v56;
	v25 =	vadd.f32 $-1.000000000e+00, v60  }
0x152: {  	v15 =	vsel vm0, v15, v24;
	v24 =	vadd.f32 v53, v61;
	v53 =	vld [tilespmem:$0x1FFB0]  }
0x153: {  	v0 =	vld.idx.msk [tilespmem:v0+s17+$0x0], $0xffff;
	v56 =	vadd.s32 $0x1, v37;
	v15 =	vmul.f32 v25, v15  }
0x154: {  	v29 =	vsub.f32 v29, v30;
	v57 =	vmul.f32 v48, v48;
	v23 =	vmul.f32 v23, v42  }
0x155: {  	v27 =	vmul.f32 v27, v39;
	v52 =	vadd.f32 v55, v52;
	v15 =	vadd.f32 $1.000000000e+00, v15  }
0x156: {  	v58 =	vadd.s32 $0x2, v37;
	v24 =	vadd.f32 v24, v57;
	v14 =	vadd.f32 v23, v14  }
0x157: {  	v23 =	vmul.f32 v59, v42;
	v59 =	vadd.s32 $0x3, v37;
	v15 =	vmul.f32 v15, v53  }
0x158: {  	v27 =	vadd.f32 v27, v54;
	v0 =	vmul.f32 v0, v42;
	v61 =	vld.idx.msk [tilespmem:v56+s17+$0x0], $0xffff;
	v24 =	vmax.f32 v24, $1.000000020e-24  }
0x159: {  	v54 =	vshrl.u32 v24, $0x1;
	v24 =	vmul.f32 $5.000000000e-01, v24;
	v15 =	vmul.f32 v15, v31  }
0x15a: {  	v55 =	vadd.s32 $0x2, v45;
	v60 =	vadd.s32 $0x1, v45;
	v39 =	vsub.s32 $0x5F3759DF, v54  }
0x15b: {  	v0 =	vadd.f32 v0, v27;
	v56 =	vmul.f32 v39, v24;
	v15 =	vmul.f32 v15, v29  }
0x15c: {  	v27 =	vadd.s32 $0x1, v49;
	v45 =	vadd.s32 $0x3, v45;
	v26 =	vld.idx.msk [tilespmem:v59+s17+$0x0], $0xffff;
	v59 =	vsub.f32 $0.0e+00, v33  }
0x15d: {  	v25 =	vld.idx.msk [tilespmem:v58+s17+$0x0], $0xffff;
	v58 =	vmul.f32 v61, v36;
	v57 =	vmul.f32 v39, v56;
	v61 =	vsub.f32 $0.0e+00, v15  }
0x15e: {  	v37 =	vadd.s32 $0x3, v49;
	v31 =	vadd.s32 $0x2, v49;
	v49 =	vmul.f32 $1.442695020e+00, v59  }
0x15f: {  	v28 =	vld.idx.msk [tilespmem:v60+s17+$0x0], $0xffff;
	v60 =	vadd.s32 $0x1, v50;
	v29 =	vsub.f32 $1.500000000e+00, v57;
	v53 =	vmul.f32 $1.442695020e+00, v61  }
0x160: {  	v42 =	vld.idx.msk [tilespmem:v55+s17+$0x0], $0xffff;
	v14 =	vadd.f32 v58, v14;
	v58 =	vadd.s32 $0x1, v46;
	(erf) = vpow2.f32 v49  }
0x161: {  	v56 =	vld.idx.msk [tilespmem:v45+s17+$0x0], $0xffff;
	v29 =	vmul.f32 v39, v29;
	(erf) = vpow2.f32 v53  }
0x162: {  	v27 =	vld.idx.msk [tilespmem:v27+s17+$0x0], $0xffff;
	v57 =	vadd.s32 $0x2, v50;
	v50 =	vadd.s32 $0x3, v50  }
0x163: {  	v23 =	vadd.f32 v23, v52;
	v25 =	vmul.f32 v25, v36;
	v37 =	vld.idx.msk [tilespmem:v37+s17+$0x0], $0xffff;
	v59 =	vmul.f32 v29, v24  }
0x164: {  	v49 =	vadd.s32 $0x2, v46;
	v46 =	vadd.s32 $0x3, v46;
	v26 =	vmul.f32 v26, v36;
	v36 =	vld.idx.msk [tilespmem:v60+s17+$0x0], $0xffff  }
0x165: {  	v55 =	vld.idx.msk [tilespmem:v58+s17+$0x0], $0xffff;
	v28 =	vmul.f32 v28, v38;
	v61 =	vmul.f32 v59, v29  }
0x166: {  	v23 =	vadd.f32 v25, v23;
	v52 =	vmul.f32 v56, v38;
	v60 =	vmul.f32 v42, v38  }
0x167: {  	v54 =	vmul.f32 v27, v43;
	v14 =	vadd.f32 v28, v14;
	v53 =	vld.idx.msk [tilespmem:v50+s17+$0x0], $0xffff;
	v56 =	vsub.f32 $1.500000000e+00, v61  }
0x168: {  	v0 =	vadd.f32 v26, v0;
	v23 =	vadd.f32 v60, v23  }
0x169: {  	v14 =	vadd.f32 v54, v14;
	v60 =	vmul.f32 v36, v40;
	v61 =	vld.idx.msk [tilespmem:v46+s17+$0x0], $0xffff;
	v29 =	vmul.f32 v56, v29;
	v45 =	vpop (erf)  }
0x16a: {  	v58 =	vmul.f32 v37, v43;
	v0 =	vadd.f32 v52, v0;
	v50 =	vmul.f32 v55, v41;
	v52 =	vpop (erf)  }
0x16b: {  	v31 =	vld.idx.msk [tilespmem:v31+s17+$0x0], $0xffff;
	v14 =	vadd.f32 v60, v14;
	v24 =	vmul.f32 v29, v24;
	v27 =	vsub.f32 $1.000000000e+00, v52  }
0x16c: {  	v59 =	vld.idx.msk [tilespmem:v49+s17+$0x0], $0xffff;
	v0 =	vadd.f32 v58, v0;
	v49 =	vmul.f32 v53, v40  }
0x16d: {  	v42 =	vld.idx.msk [tilespmem:v57+s17+$0x0], $0xffff;
	v14 =	vadd.f32 v50, v14;
	v24 =	vmul.f32 v24, v29;
	v56 =	vmul.f32 v27, v45  }
0x16e: {  	v33 =	vadd.f32 v15, v33;
	v0 =	vadd.f32 v49, v0;
	v55 =	vmul.f32 v61, v41  }
0x16f: {  	v46 =	vlaneseq.u32;
	v24 =	vsub.f32 $1.500000000e+00, v24;
	v14 =	vmul.f32 v56, v14  }
0x170: {  	v57 =	vmul.f32 v31, v43;
	v36 =	vmul.u32 $0x80, v46;
	v0 =	vadd.f32 v55, v0  }
0x171: {  	v24 =	vmul.f32 v24, v29;
	v32 =	vadd.f32 v14, v32;
	v14 =	vmul.f32 v56, v47  }
0x172: {  	v23 =	vadd.f32 v57, v23;
	v43 =	vmul.f32 v42, v40;
	v54 =	vmul.f32 v59, v41  }
0x173: {  	v0 =	vmul.f32 v56, v0;
	v15 =	vmul.f32 v24, v51;
	v34 =	vadd.f32 v14, v34;
	v14 =	vld [tilespmem:$0x1FF50]  }
0x174: {  	v59 =	vmul.f32 v24, v44;
	v24 =	vmul.f32 v24, v48  }
0x175: {  	v53 =	vor.u32 s0, v36;
	v23 =	vadd.f32 v43, v23;
	v15 =	vmul.f32 v15, v56  }
0x176: {  	v57 =	vand.u32 $0x7EF, v53;
	v63 =	vadd.f32 v0, v63;
	v0 =	vmul.f32 v24, v56  }
0x177: {  	v58 =	vor.u32 $0x800, v57;
	v23 =	vadd.f32 v54, v23;
	v2 =	vadd.f32 v15, v2;
	v15 =	vld [tilespmem:$0x1FF80]  }
0x178: {  	p0 =	sne.s32 s12, $0x7F0;
	v25 =	vor.u32 $0x1000, v57;
	v14 =	vadd.f32 v0, v14;
	v0 =	vld [tilespmem:$0x1FF60]  }
.Ltmp2:
0x179: {  	v23 =	vmul.f32 v56, v23;
	(pc) =	sbr.rel @p0 .LBB2_8-.Ltmp2, $4  }
0x17a: {  	_ = 	snop  }
0x17b: {  	[tilespmem:v53+s21+$0x0] =	vst.idx.msk $0xffff, v51;
	v62 =	vadd.f32 v23, v62;
	v23 =	vmul.f32 v59, v56  }
0x17c: {  	s29 =	sadd.s32 $0x30, s29;
	[tilespmem:v58+s21+$0x0] =	vst.idx.msk $0xffff, v44  }
0x17d: {  	s28 =	sadd.s32 $0x80, s28;
	s12 =	sadd.s32 $0x80, s12;
	s0 =	sadd.s32 $0x1, s0;
	[tilespmem:v25+s21+$0x0] =	vst.idx.msk $0xffff, v48;
	v15 =	vadd.f32 v23, v15;
	v0 =	vadd.f32 v56, v0  }
0x17e: {  	[tilespmem:$0x1FF10] =	vst v33  }
0x17f: {  	[tilespmem:$0x1FF20] =	vst v32  }
0x180: {  	[tilespmem:$0x1FF30] =	vst v62  }
0x181: {  	[tilespmem:$0x1FF40] =	vst v63;
	p0 =	seq.s32 s11, $0x3  }
.Ltmp3:
0x182: {  	[tilespmem:$0x1FF90] =	vst v2;
	(pc) =	sbr.rel @p0 .LBB2_13-.Ltmp3, $4  }
0x183: {  	[tilespmem:$0x1FFA0] =	vst v34  }
0x184: {  	[tilespmem:$0x1FF50] =	vst v14  }
0x185: {  	[tilespmem:$0x1FF80] =	vst v15  }
0x186: {  	[tilespmem:$0x1FF60] =	vst v0  }
0x187: {  	s0 =	scvt.s32.f32 s1;
	_ =	sdelay $0x1  }
0x188: {  	s0 =	smul.f32 $9.999999770e-03, s0;
	_ =	sdelay $0x1  }
0x189: {  	v0 =	vadd.f32 s0, v16;
	_ =	sdelay $0x1  }
0x18a: {  	v14 =	vadd.f32 $9.999999770e-03, v0;
	_ =	sdelay $0x1  }
0x18b: {  	v0 =	vadd.f32 v14, v0;
	_ =	sdelay $0x1  }
0x18c: {  	v0 =	vmul.f32 $5.000000000e-01, v0;
	_ =	sdelay $0x1  }
0x18d: {  	v14 =	vmul.f32 v0, v18  }
0x18e: {  	v15 =	vmul.f32 v0, v19;
	v0 =	vmul.f32 v0, v20  }
0x18f: {  	v14 =	vadd.f32 v14, v17  }
0x190: {  	v15 =	vadd.f32 v15, v21;
	v0 =	vadd.f32 v0, v22  }
0x191: {  	s2 =	simm.s32 $0x0;
	v14 =	vmul.f32 v14, v12  }
0x192: {  	s4 =	simm.s32 $0x20;
	s29 =	simm.s32 $0x60;
	v23 =	vor.u32 s2, v1;
	v15 =	vmul.f32 v15, v12;
	v0 =	vmul.f32 v0, v12  }
0x193: {  	s28 =	simm.s32 $0x80;
	v24 =	vor.u32 s4, v1;
	v40 =	vor.u32 s29, v1;
	v25 =	vtrunc.f32 v14  }
0x194: {  	s12 =	simm.s32 $0xA0;
	v39 =	vor.u32 s28, v1;
	v26 =	vtrunc.f32 v15;
	v27 =	vtrunc.f32 v0  }
0x195: {  	v38 =	vor.u32 s12, v1;
	v25 =	vcvt.f32.s32 v25;
	v26 =	vcvt.f32.s32 v26  }
0x196: {  	s8 =	simm.s32 $0x40;
	v28 =	vor.u32 s4, v5;
	v31 =	vor.u32 s2, v5;
	v27 =	vcvt.f32.s32 v27  }
0x197: {  	v41 =	vor.u32 s8, v1;
	v29 =	vcvt.s32.f32 v25;
	v30 =	vcvt.s32.f32 v26  }
0x198: {  	v23 =	vand.u32 v4, v23;
	v24 =	vand.u32 v6, v24;
	v42 =	vcvt.s32.f32 v27  }
0x199: {  	v41 =	vand.u32 v7, v41;
	vm0 =	vlt.f32 v14, v29;
	vm15 =	vlt.f32 v15, v30  }
0x19a: {  	vm1 =	vlt.f32 v0, v42;
	v43 =	vsel vm0, $0xFFFFFFFF, v3;
	v44 =	vsel vm0, $0x3F800000, v3  }
0x19b: {  	v63 =	vsel vm15, $0xFFFFFFFF, v3;
	v32 =	vsel vm1, $0xFFFFFFFF, v3;
	v33 =	vsel vm1, $0x3F800000, v3  }
0x19c: {  	v45 =	vsel vm15, $0x3F800000, v3;
	v25 =	vadd.s32 v25, v43;
	v26 =	vadd.s32 v26, v63  }
0x19d: {  	v27 =	vadd.s32 v27, v32;
	v43 =	vsub.f32 v42, v33;
	v34 =	vsub.f32 v29, v44  }
0x19e: {  	s0 =	simm.s32 $0xC0;
	v35 =	vsub.f32 v30, v45;
	v25 =	vmul.u32 $0x466F45D, v25;
	v26 =	vmul.u32 $0x127409F, v26  }
0x19f: {  	v37 =	vor.u32 s0, v1;
	v42 =	vmul.u32 $0x4F9FFB7, v27;
	v0 =	vsub.f32 v0, v43  }
0x1a0: {  	v2 =	vmovc v36;
	v15 =	vsub.f32 v15, v35;
	v14 =	vsub.f32 v14, v34;
	v36 =	vxor.u32 v26, v25  }
0x1a1: {  	v45 =	vadd.s32 $0x4F9FFB7, v42;
	v55 =	vadd.s32 $0x466F45D, v25;
	v56 =	vadd.s32 $0x127409F, v26  }
0x1a2: {  	v48 =	vxor.u32 v42, v36;
	v30 =	vxor.u32 v45, v36;
	v25 =	vxor.u32 v25, v56  }
0x1a3: {  	v63 =	vxor.u32 v26, v55;
	v49 =	vand.u32 $0x1FFFFF, v48;
	v51 =	vand.u32 $0x1FFFFF, v30  }
0x1a4: {  	s7 =	simm.s32 $0x2830;
	v60 =	vxor.u32 v42, v25;
	v25 =	vxor.u32 v45, v25;
	v50 =	vmul.u32 $0x5, v49  }
0x1a5: {  	[tilespmem:s7+$0xFFFFFFE0] =	vst v14;
	v29 =	vmul.u32 $0x5, v51;
	v44 =	vand.u32 $0x1FFFFF, v60;
	v14 =	vand.u32 $0x1FFFFF, v25  }
0x1a6: {  	v25 =	vxor.u32 v45, v63;
	v62 =	vmul.u32 $0x5, v44;
	v14 =	vmul.u32 $0x5, v14  }
0x1a7: {  	[tilespmem:s7+$0x0] =	vst v0;
	v58 =	vshrl.u32 v50, $0x3;
	v27 =	vand.u32 $0x7, v50;
	v46 =	vshrl.u32 v29, $0x3  }
0x1a8: {  	[tilespmem:s7+$0xFFFFFFF0] =	vst v15;
	v50 =	vand.u32 $0x7, v29;
	v59 =	vmin.u32 v58, $0x13FFFE;
	v61 =	vmin.u32 v46, $0x13FFFE  }
0x1a9: {  	[tilespmem:v23+s15+$0x0] =	vst.idx.msk $0xffff, v58;
	v48 =	vshrl.u32 v62, $0x3;
	v44 =	vand.u32 $0x7, v62;
	v0 =	vadd.s32 $0x1, v59  }
0x1aa: {  	s4 =	simm.s32 $0x2E50;
	v23 =	vxor.u32 v42, v63;
	v47 =	vshrl.u32 v14, $0x3;
	v43 =	vand.u32 $0x7, v14;
	[tilespmem:v31+s15+$0x0] =	vst.idx.msk $0xffff, v0  }
0x1ab: {  	v15 =	vadd.s32 $0x1, v61;
	v14 =	vand.u32 $0x1FFFFF, v23;
	v0 =	vmin.u32 v48, $0x13FFFE;
	[tilespmem:s4+$0xFFFFFFC0] =	vst v27  }
0x1ac: {  	v23 =	vand.u32 $0x1FFFFF, v25;
	v54 =	vadd.s32 $0x1, v0;
	v0 =	vmin.u32 v47, $0x13FFFE;
	[tilespmem:v24+s15+$0x0] =	vst.idx.msk $0xffff, v46  }
0x1ad: {  	s6 =	simm.s32 $0xE0;
	s10 =	simm.s32 $0x1E0;
	s9 =	sadd.s32 $0x1, s1;
	v49 =	vmul.u32 $0x5, v14;
	v53 =	vadd.s32 $0x1, v0;
	v46 =	vmul.u32 $0x5, v23;
	[tilespmem:v28+s15+$0x0] =	vst.idx.msk $0xffff, v15  }
.LBB2_11:
0x1ae: {  	s2 =	scvt.s32.f32 s9  }
0x1af: {  	p0 =	sne.s32 s10, $0xFE0;
	v0 =	vxor.u32 v56, v55;
	s13 =	smov.u32 s10;
	s10 =	sadd.s32 $0x100, s10  }
0x1b0: {  	v14 =	vshrl.u32 v49, $0x3;
	v15 =	vand.u32 $0x7, v49;
	v23 =	vxor.u32 v45, v0  }
0x1b1: {  	v25 =	vshrl.u32 v46, $0x3;
	s2 =	smul.f32 $9.999999770e-03, s2;
	v24 =	vmin.u32 v14, $0x13FFFE;
	v23 =	vand.u32 $0x1FFFFF, v23  }
0x1b2: {  	v0 =	vxor.u32 v42, v0;
	v24 =	vadd.s32 $0x1, v24;
	v23 =	vmul.u32 $0x5, v23  }
0x1b3: {  	v45 =	vand.u32 $0x7, v46;
	v0 =	vand.u32 $0x1FFFFF, v0;
	v26 =	vadd.f32 s2, v16  }
0x1b4: {  	v27 =	vmin.u32 v25, $0x13FFFE;
	v0 =	vmul.u32 $0x5, v0;
	v49 =	vshrl.u32 v23, $0x3  }
0x1b5: {  	v27 =	vadd.s32 $0x1, v27;
	v28 =	vadd.f32 $9.999999770e-03, v26;
	v29 =	vmin.u32 v49, $0x13FFFE  }
0x1b6: {  	v30 =	vshrl.u32 v0, $0x3;
	v55 =	vand.u32 $0x7, v0;
	v52 =	vadd.s32 $0x1, v29  }
0x1b7: {  	s25 =	sadd.s32 $0xFFFFFF20, s13;
	s26 =	sadd.s32 $0xFFFFFF40, s13;
	v51 =	vand.u32 $0x7, v23;
	v0 =	vadd.f32 v28, v26;
	v26 =	vmin.u32 v30, $0x13FFFE  }
0x1b8: {  	s2 =	sadd.s32 $0xFFFFFF80, s13;
	v23 =	vor.u32 s25, v1;
	v28 =	vor.u32 s26, v1;
	v26 =	vadd.s32 $0x1, v26  }
0x1b9: {  	s23 =	sadd.s32 $0xFFFFFFA0, s13;
	s24 =	sadd.s32 $0xFFFFFFC0, s13;
	s31 =	sadd.s32 $0xFFFFFFE0, s13;
	v46 =	vand.u32 v4, v23;
	v23 =	vor.u32 s2, v1;
	v0 =	vmul.f32 $5.000000000e-01, v0  }
0x1ba: {  	v31 =	vor.u32 s24, v1;
	v42 =	vor.u32 s31, v1;
	v29 =	vor.u32 s23, v1  }
0x1bb: {  	v58 =	vor.u32 s6, v5;
	v56 =	vmul.f32 v0, v18;
	v57 =	vmul.f32 v0, v19  }
0x1bc: {  	v59 =	vor.u32 s8, v5;
	v60 =	vor.u32 s6, v1;
	s6 =	smov.u32 s13;
	v0 =	vmul.f32 v0, v20  }
0x1bd: {  	v60 =	vand.u32 v13, v60;
	v56 =	vadd.f32 v56, v17;
	v57 =	vadd.f32 v57, v21  }
0x1be: {  	v61 =	vand.u32 v11, v37;
	v62 =	vor.u32 s0, v5;
	s0 =	smov.u32 s31;
	v37 =	vmovc v42;
	v0 =	vadd.f32 v0, v22  }
0x1bf: {  	v42 =	vand.u32 v8, v40;
	v40 =	vmovc v23;
	v56 =	vmul.f32 v56, v12;
	v57 =	vmul.f32 v57, v12  }
0x1c0: {  	v23 =	vor.u32 s29, v5;
	s29 =	smov.u32 s2;
	v0 =	vmul.f32 v0, v12;
	[tilespmem:s4+$0xFFFFFFD0] =	vst v50;
	v50 =	vor.u32 s12, v5;
	s12 =	smov.u32 s24  }
0x1c1: {  	v63 =	vtrunc.f32 v56;
	v36 =	vtrunc.f32 v57;
	[tilespmem:v41+s15+$0x0] =	vst.idx.msk $0xffff, v48;
	v48 =	vand.u32 v10, v38;
	v38 =	vmovc v31  }
0x1c2: {  	v31 =	vcvt.f32.s32 v63;
	v36 =	vcvt.f32.s32 v36;
	[tilespmem:v59+s15+$0x0] =	vst.idx.msk $0xffff, v54;
	v54 =	vand.u32 v9, v39;
	v39 =	vmovc v29  }
0x1c3: {  	v29 =	vtrunc.f32 v0;
	v59 =	vor.u32 s26, v5;
	[tilespmem:s4+$0xFFFFFFE0] =	vst v44;
	v44 =	vor.u32 s28, v5;
	s28 =	smov.u32 s23  }
0x1c4: {  	s8 =	sadd.s32 $0xFFFFFF60, s6;
	v28 =	vand.u32 v6, v28;
	v29 =	vcvt.f32.s32 v29;
	v63 =	vcvt.s32.f32 v31;
	[tilespmem:v42+s15+$0x0] =	vst.idx.msk $0xffff, v47  }
0x1c5: {  	v32 =	vor.u32 s25, v5;
	v41 =	vor.u32 s8, v1;
	v47 =	vcvt.s32.f32 v36;
	[tilespmem:v23+s15+$0x0] =	vst.idx.msk $0xffff, v53  }
0x1c6: {  	v41 =	vand.u32 v7, v41;
	v23 =	vcvt.s32.f32 v29;
	vm0 =	vlt.f32 v56, v63;
	[tilespmem:s4+$0xFFFFFFF0] =	vst v43  }
0x1c7: {  	v42 =	vsel vm0, $0xFFFFFFFF, v3;
	v43 =	vsel vm0, $0x3F800000, v3;
	vm0 =	vlt.f32 v57, v47;
	[tilespmem:v54+s15+$0x0] =	vst.idx.msk $0xffff, v14  }
0x1c8: {  	vm1 =	vlt.f32 v0, v23;
	v14 =	vadd.s32 v31, v42;
	v31 =	vsel vm0, $0xFFFFFFFF, v3;
	[tilespmem:v44+s15+$0x0] =	vst.idx.msk $0xffff, v24  }
0x1c9: {  	v24 =	vadd.s32 v36, v31;
	v31 =	vsel vm1, $0xFFFFFFFF, v3;
	v14 =	vmul.u32 $0x466F45D, v14;
	[tilespmem:s4+$0x0] =	vst v15  }
0x1ca: {  	v15 =	vadd.s32 v29, v31;
	v29 =	vsel vm1, $0x3F800000, v3;
	v24 =	vmul.u32 $0x127409F, v24;
	[tilespmem:v48+s15+$0x0] =	vst.idx.msk $0xffff, v25  }
0x1cb: {  	v25 =	vsel vm0, $0x3F800000, v3;
	v23 =	vsub.f32 v23, v29;
	v42 =	vmul.u32 $0x4F9FFB7, v15;
	[tilespmem:v50+s15+$0x0] =	vst.idx.msk $0xffff, v27  }
0x1cc: {  	v15 =	vsub.f32 v63, v43;
	v25 =	vsub.f32 v47, v25;
	v27 =	vxor.u32 v24, v14;
	[tilespmem:s4+$0x10] =	vst v45  }
0x1cd: {  	v0 =	vsub.f32 v0, v23;
	v45 =	vadd.s32 $0x4F9FFB7, v42;
	v23 =	vxor.u32 v42, v27;
	[tilespmem:v61+s15+$0x0] =	vst.idx.msk $0xffff, v30  }
0x1ce: {  	v25 =	vsub.f32 v57, v25;
	v23 =	vand.u32 $0x1FFFFF, v23;
	v27 =	vxor.u32 v45, v27;
	[tilespmem:v62+s15+$0x0] =	vst.idx.msk $0xffff, v26  }
0x1cf: {  	v15 =	vsub.f32 v56, v15;
	v23 =	vmul.u32 $0x5, v23;
	v26 =	vand.u32 $0x1FFFFF, v27;
	[tilespmem:s4+$0x20] =	vst v55  }
0x1d0: {  	v56 =	vadd.s32 $0x127409F, v24;
	v55 =	vadd.s32 $0x466F45D, v14;
	v26 =	vmul.u32 $0x5, v26;
	[tilespmem:v60+s15+$0x0] =	vst.idx.msk $0xffff, v49  }
0x1d1: {  	s7 =	sadd.s32 $0x30, s7;
	v14 =	vxor.u32 v14, v56;
	v27 =	vshrl.u32 v23, $0x3;
	v23 =	vand.u32 $0x7, v23;
	[tilespmem:v58+s15+$0x0] =	vst.idx.msk $0xffff, v52  }
0x1d2: {  	v31 =	vxor.u32 v42, v14;
	v29 =	vmin.u32 v27, $0x13FFFE;
	v30 =	vshrl.u32 v26, $0x3;
	[tilespmem:s4+$0x30] =	vst v51  }
0x1d3: {  	v31 =	vand.u32 $0x1FFFFF, v31;
	[tilespmem:s7+$0x0] =	vst v0;
	v0 =	vadd.s32 $0x1, v29;
	v29 =	vmin.u32 v30, $0x13FFFE  }
0x1d4: {  	v14 =	vxor.u32 v45, v14;
	s4 =	sadd.s32 $0x80, s4;
	[tilespmem:s7+$0xFFFFFFF0] =	vst v25;
	v25 =	vadd.s32 $0x1, v29;
	v29 =	vmul.u32 $0x5, v31  }
0x1d5: {  	v14 =	vand.u32 $0x1FFFFF, v14;
	v50 =	vand.u32 $0x7, v26;
	[tilespmem:s7+$0xFFFFFFE0] =	vst v15;
	v15 =	vxor.u32 v24, v55  }
.Ltmp4:
0x1d6: {  	v14 =	vmul.u32 $0x5, v14;
	[tilespmem:v46+s15+$0x0] =	vst.idx.msk $0xffff, v27;
	v48 =	vshrl.u32 v29, $0x3;
	v44 =	vand.u32 $0x7, v29;
	(pc) =	sbr.rel @p0 .LBB2_11-.Ltmp4, $4  }
0x1d7: {  	v24 =	vxor.u32 v42, v15;
	v15 =	vxor.u32 v45, v15;
	[tilespmem:v32+s15+$0x0] =	vst.idx.msk $0xffff, v0;
	v0 =	vmin.u32 v48, $0x13FFFE  }
0x1d8: {  	v47 =	vshrl.u32 v14, $0x3;
	v43 =	vand.u32 $0x7, v14;
	[tilespmem:s4+$0xFFFFFFC0] =	vst v23;
	v54 =	vadd.s32 $0x1, v0  }
0x1d9: {  	v14 =	vand.u32 $0x1FFFFF, v24;
	v15 =	vand.u32 $0x1FFFFF, v15;
	v0 =	vmin.u32 v47, $0x13FFFE;
	[tilespmem:v28+s15+$0x0] =	vst.idx.msk $0xffff, v30  }
0x1da: {  	s9 =	sadd.s32 $0x1, s9;
	v49 =	vmul.u32 $0x5, v14;
	v46 =	vmul.u32 $0x5, v15;
	v53 =	vadd.s32 $0x1, v0;
	[tilespmem:v59+s15+$0x0] =	vst.idx.msk $0xffff, v25  }
0x1db: {  	v0 =	vor.u32 s8, v5;
	_ =	sdelay $0x1  }
0x1dc: {  	v14 =	vand.u32 v8, v40  }
0x1dd: {  	[tilespmem:s4+$0xFFFFFFD0] =	vst v50;
	v15 =	vor.u32 s29, v5  }
0x1de: {  	[tilespmem:v41+s15+$0x0] =	vst.idx.msk $0xffff, v48  }
0x1df: {  	[tilespmem:v0+s15+$0x0] =	vst.idx.msk $0xffff, v54;
	v0 =	vand.u32 v9, v39  }
0x1e0: {  	v23 =	vor.u32 s28, v5;
	[tilespmem:s4+$0xFFFFFFE0] =	vst v44  }
0x1e1: {  	[tilespmem:v14+s15+$0x0] =	vst.idx.msk $0xffff, v47  }
0x1e2: {  	v25 =	vand.u32 v10, v38;
	v27 =	vor.u32 s12, v5;
	v24 =	vshrl.u32 v49, $0x3;
	[tilespmem:v15+s15+$0x0] =	vst.idx.msk $0xffff, v53  }
0x1e3: {  	v59 =	vand.u32 v11, v37;
	v26 =	vmin.u32 v24, $0x13FFFE;
	v14 =	vxor.u32 v56, v55;
	[tilespmem:s4+$0xFFFFFFF0] =	vst v43  }
0x1e4: {  	v26 =	vadd.s32 $0x1, v26;
	v28 =	vxor.u32 v45, v14;
	v14 =	vxor.u32 v42, v14;
	[tilespmem:v0+s15+$0x0] =	vst.idx.msk $0xffff, v24  }
0x1e5: {  	v15 =	vand.u32 $0x7, v49;
	v14 =	vand.u32 $0x1FFFFF, v14;
	v0 =	vshrl.u32 v46, $0x3;
	[tilespmem:v23+s15+$0x0] =	vst.idx.msk $0xffff, v26  }
0x1e6: {  	v60 =	vor.u32 s0, v5;
	v14 =	vmul.u32 $0x5, v14;
	v23 =	vmin.u32 v0, $0x13FFFE;
	[tilespmem:s4+$0x0] =	vst v15  }
0x1e7: {  	v61 =	vor.u32 s6, v1;
	v15 =	vand.u32 $0x1FFFFF, v28;
	v23 =	vadd.s32 $0x1, v23;
	[tilespmem:v25+s15+$0x0] =	vst.idx.msk $0xffff, v0  }
0x1e8: {  	v62 =	vshrl.u32 v14, $0x3;
	v28 =	vand.u32 v13, v61;
	v0 =	vand.u32 $0x7, v46;
	[tilespmem:v27+s15+$0x0] =	vst.idx.msk $0xffff, v23  }
0x1e9: {  	v63 =	vor.u32 s6, v5;
	v15 =	vmul.u32 $0x5, v15;
	v23 =	vmin.u32 v62, $0x13FFFE;
	[tilespmem:s4+$0x10] =	vst v0  }
0x1ea: {  	v0 =	vadd.s32 $0x1, v23;
	[tilespmem:v59+s15+$0x0] =	vst.idx.msk $0xffff, v62  }
0x1eb: {  	v14 =	vand.u32 $0x7, v14;
	v23 =	vshrl.u32 v15, $0x3;
	[tilespmem:v60+s15+$0x0] =	vst.idx.msk $0xffff, v0  }
0x1ec: {  	v0 =	vmin.u32 v23, $0x13FFFE;
	[tilespmem:s4+$0x20] =	vst v14  }
0x1ed: {  	v0 =	vadd.s32 $0x1, v0;
	[tilespmem:v28+s15+$0x0] =	vst.idx.msk $0xffff, v23  }
0x1ee: {  	v14 =	vand.u32 $0x7, v15;
	[tilespmem:v63+s15+$0x0] =	vst.idx.msk $0xffff, v0  }
0x1ef: {  	[tilespmem:s4+$0x30] =	vst v14  }
0x1f0: {  	v36 =	vmov v2;
	[tilespmem:s17], [sflag:$0x1] =	stream.indirect.gather [hbm4b:s3+s16], $0x8, s15, s16, $0xb8;
	[tilespmem:$0x15810] =	vst v63  }
.LBB2_13:
0x1f1: {  	_ =	swait.ge [sflag:s22], $0x8000  }
0x1f2: {  	v23 =	vld [tilespmem:$0x1FF60]  }
0x1f3: {  	v25 =	vld [tilespmem:$0x1FF50]  }
0x1f4: {  	v33 =	vld [tilespmem:$0x1FF80]  }
0x1f5: {  	v34 =	vld [tilespmem:$0x1FFA0]  }
0x1f6: {  	v2 =	vld [tilespmem:$0x1FF90]  }
0x1f7: {  	v35 =	vld [tilespmem:$0x1FFF0]  }
0x1f8: {  	v28 =	vld [tilespmem:$0x1FF40]  }
0x1f9: {  	v63 =	vld [tilespmem:$0x1FF30]  }
0x1fa: {  	s12 =	simm.s32 $0x70;
	s29 =	simm.s32 $0x2B30;
	[sflag:s22] =	ssyncset.done $0x0;
	v29 =	vld [tilespmem:$0x1FF20]  }
0x1fb: {  	s28 =	simm.s32 $0x3650;
	s0 =	smov.u32 s14;
	v62 =	vld [tilespmem:$0x1FF10];
	[tilespmem:$0x1FF00] =	vst v36;
	[sflag:s22] =	ssyncadd.s32 $0xFFFF8000  }
.LBB2_14:
0x1fc: {  	v0 =	vld [tilespmem:s28+$0xFFFFFFC0]  }
0x1fd: {  	s2 =	sadd.s32 $0xFFFFFF90, s12  }
0x1fe: {  	v45 =	vld [tilespmem:s29+$0xFFFFFFE0];
	v14 =	vmov s2  }
0x1ff: {  	[tilespmem:$0x1FF60] =	vst v23;
	v23 =	vld [tilespmem:s28+$0xFFFFFFD0];
	v14 =	vshll.u32 v14, $0x4  }
0x200: {  	v53 =	vld [tilespmem:s29+$0xFFFFFFF0];
	s10 =	sadd.s32 $0xFFFFFFA0, s12;
	v14 =	vor.u32 v35, v14  }
0x201: {  	v41 =	vld [tilespmem:s29+$0x0];
	v27 =	vmov s10;
	v0 =	vadd.s32 v14, v0  }
0x202: {  	v27 =	vshll.u32 v27, $0x4;
	v14 =	vadd.s32 $0x1, v0  }
0x203: {  	s13 =	sadd.s32 $0xFFFFFFB0, s12;
	v27 =	vor.u32 v35, v27;
	v15 =	vadd.s32 $0x4, v0  }
0x204: {  	v39 =	vld [tilespmem:s28+$0xFFFFFFF0];
	v31 =	vmov s13;
	v48 =	vadd.s32 v27, v23  }
0x205: {  	s23 =	sadd.s32 $0xFFFFFFC0, s12;
	[tilespmem:$0x1FF50] =	vst v25;
	v24 =	vsub.f32 $1.000000000e+00, v45;
	v25 =	vsub.f32 $1.000000000e+00, v53;
	v27 =	vld [tilespmem:s28+$0xFFFFFFE0];
	v23 =	vadd.s32 $0x1, v48  }
0x206: {  	s25 =	sadd.s32 $0xFFFFFFE0, s12;
	v40 =	vmov s23;
	v54 =	vsub.f32 $1.000000000e+00, v41;
	v30 =	vadd.s32 $0x4, v48;
	v26 =	vld.idx.msk [tilespmem:v0+s19+$0x0], $0xffff  }
0x207: {  	[tilespmem:$0x1FF40] =	vst v28;
	v61 =	vmov s25;
	v58 =	vmul.f32 v41, v53;
	v28 =	vmul.f32 v25, v24;
	v14 =	vld.idx.msk [tilespmem:v14+s19+$0x0], $0xffff  }
0x208: {  	v31 =	vshll.u32 v31, $0x4;
	v32 =	vmul.f32 v54, v25;
	v36 =	vmul.f32 v54, v24;
	v15 =	vld.idx.msk [tilespmem:v15+s19+$0x0], $0xffff  }
0x209: {  	v31 =	vor.u32 v35, v31;
	v56 =	vmul.f32 v41, v25;
	v51 =	vmul.f32 v54, v28;
	v37 =	vld.idx.msk [tilespmem:v48+s19+$0x0], $0xffff  }
0x20a: {  	v43 =	vmul.f32 v41, v24;
	v24 =	vmul.f32 v53, v24;
	v44 =	vadd.s32 v31, v27;
	v23 =	vld.idx.msk [tilespmem:v23+s19+$0x0], $0xffff  }
0x20b: {  	[tilespmem:$0x1FF20] =	vst v29;
	v47 =	vmul.f32 v28, v41;
	v38 =	vadd.s32 $0x4, v44;
	v30 =	vld.idx.msk [tilespmem:v30+s19+$0x0], $0xffff;
	v29 =	vmul.f32 v26, v51  }
0x20c: {  	v40 =	vshll.u32 v40, $0x4;
	v27 =	vmul.f32 v26, v32;
	v31 =	vmul.f32 v26, v36  }
0x20d: {  	v40 =	vor.u32 v35, v40;
	v26 =	vmul.f32 v26, v28;
	v14 =	vmul.f32 v14, v51  }
0x20e: {  	v55 =	vadd.s32 $0x2, v0;
	v15 =	vmul.f32 v15, v51;
	v42 =	vmul.f32 v37, v47  }
0x20f: {  	v46 =	vld.idx.msk [tilespmem:v44+s19+$0x0], $0xffff;
	v50 =	vmul.f32 v37, v56;
	v29 =	vadd.f32 $0.0e+00, v29;
	v27 =	vsub.f32 $0.0e+00, v27  }
0x210: {  	v49 =	vld.idx.msk [tilespmem:v38+s19+$0x0], $0xffff;
	v38 =	vadd.s32 v40, v39;
	v23 =	vmul.f32 v23, v47;
	v30 =	vmul.f32 v30, v47  }
0x211: {  	v14 =	vadd.f32 $0.0e+00, v14;
	v15 =	vadd.f32 $0.0e+00, v15;
	v40 =	vadd.s32 $0x4, v38  }
0x212: {  	v26 =	vsub.f32 $0.0e+00, v26;
	v39 =	vmul.f32 v54, v24;
	v29 =	vadd.f32 v42, v29  }
0x213: {  	v25 =	vmul.f32 v25, v45;
	v42 =	vadd.f32 v23, v14;
	v14 =	vadd.f32 v30, v15  }
0x214: {  	v23 =	vsub.f32 v27, v50;
	v27 =	vmul.f32 v37, v28;
	v30 =	vld [tilespmem:s28+$0x0];
	v28 =	vmul.f32 v46, v39  }
0x215: {  	s24 =	sadd.s32 $0xFFFFFFD0, s12;
	v0 =	vadd.s32 $0x3, v0;
	v31 =	vsub.f32 $0.0e+00, v31;
	v15 =	vmul.f32 v37, v43;
	v57 =	vld.idx.msk [tilespmem:v38+s19+$0x0], $0xffff  }
0x216: {  	v26 =	vadd.f32 v27, v26;
	v27 =	vadd.f32 v28, v29;
	v28 =	vld.idx.msk [tilespmem:v40+s19+$0x0], $0xffff;
	v29 =	vmov s24  }
0x217: {  	v15 =	vsub.f32 v31, v15;
	v31 =	vmul.f32 v54, v53;
	v29 =	vshll.u32 v29, $0x4  }
0x218: {  	v37 =	vmul.f32 v41, v24;
	v36 =	vmul.f32 v46, v36;
	v29 =	vor.u32 v35, v29  }
0x219: {  	v52 =	vmul.f32 v49, v39;
	v59 =	vmul.f32 v46, v31;
	v49 =	vadd.s32 v29, v30;
	v29 =	vld [tilespmem:s28+$0x10]  }
0x21a: {  	v15 =	vadd.f32 v36, v15;
	v30 =	vmul.f32 v57, v37;
	v36 =	vadd.s32 $0x4, v49  }
0x21b: {  	v50 =	vld [tilespmem:s28+$0x20];
	v60 =	vmul.f32 v46, v24;
	v14 =	vadd.f32 v52, v14;
	v28 =	vmul.f32 v28, v37  }
0x21c: {  	s26 =	sadd.s32 $0xFFFFFFF0, s12;
	v23 =	vsub.f32 v23, v59;
	v27 =	vadd.f32 v30, v27;
	v30 =	vshll.u32 v61, $0x4  }
0x21d: {  	v59 =	vld [tilespmem:s28+$0x30];
	v14 =	vadd.f32 v28, v14;
	v28 =	vor.u32 v35, v30;
	v30 =	vmov s26  }
0x21e: {  	v26 =	vsub.f32 v26, v60;
	v60 =	vld.idx.msk [tilespmem:v49+s19+$0x0], $0xffff;
	v52 =	vadd.s32 v28, v29;
	v28 =	vshll.u32 v30, $0x4  }
0x21f: {  	v40 =	vmov s12;
	v29 =	vld.idx.msk [tilespmem:v36+s19+$0x0], $0xffff;
	v30 =	vadd.s32 $0x4, v52;
	v28 =	vor.u32 v35, v28  }
0x220: {  	v46 =	vmul.f32 v57, v43;
	v50 =	vadd.s32 v28, v50;
	v28 =	vshll.u32 v40, $0x4  }
0x221: {  	v24 =	vmul.f32 v57, v24;
	v40 =	vmul.f32 v54, v25;
	v28 =	vor.u32 v35, v28  }
0x222: {  	v61 =	vmul.f32 v57, v58;
	v15 =	vadd.f32 v46, v15;
	v43 =	vadd.s32 v28, v59  }
0x223: {  	v24 =	vadd.f32 v24, v26;
	v28 =	vmul.f32 v54, v45;
	v46 =	vmul.f32 v60, v40;
	v57 =	vld.idx.msk [tilespmem:v52+s19+$0x0], $0xffff  }
0x224: {  	v23 =	vsub.f32 v23, v61;
	v26 =	vmul.f32 v29, v40;
	v29 =	vld.idx.msk [tilespmem:v30+s19+$0x0], $0xffff;
	v30 =	vadd.s32 $0x4, v50  }
0x225: {  	v32 =	vmul.f32 v60, v32;
	v36 =	vmul.f32 v60, v28;
	v27 =	vadd.f32 v46, v27;
	v59 =	vld.idx.msk [tilespmem:v50+s19+$0x0], $0xffff  }
0x226: {  	v46 =	vmul.f32 v25, v41;
	v14 =	vadd.f32 v26, v14;
	v26 =	vmul.f32 v53, v45  }
0x227: {  	v23 =	vadd.f32 v32, v23;
	v32 =	vmul.f32 v60, v25;
	v53 =	vmul.f32 v41, v45;
	v60 =	vld.idx.msk [tilespmem:v43+s19+$0x0], $0xffff  }
0x228: {  	v55 =	vld.idx.msk [tilespmem:v55+s19+$0x0], $0xffff;
	v61 =	vmul.f32 v57, v46;
	v45 =	vmul.f32 v54, v26  }
0x229: {  	v15 =	vsub.f32 v15, v36;
	v54 =	vmul.f32 v57, v56;
	v29 =	vmul.f32 v29, v46;
	v30 =	vld.idx.msk [tilespmem:v30+s19+$0x0], $0xffff  }
0x22a: {  	v41 =	vmul.f32 v41, v26;
	v27 =	vadd.f32 v61, v27;
	v61 =	vmul.f32 v59, v45  }
0x22b: {  	v24 =	vsub.f32 v24, v32;
	v14 =	vadd.f32 v29, v14;
	v29 =	vmul.f32 v57, v53  }
0x22c: {  	v0 =	vld.idx.msk [tilespmem:v0+s19+$0x0], $0xffff;
	v23 =	vadd.f32 v54, v23;
	v27 =	vadd.f32 v61, v27;
	v54 =	vmul.f32 v60, v41  }
0x22d: {  	v56 =	vadd.s32 $0x4, v43;
	v25 =	vmul.f32 v57, v25;
	v15 =	vsub.f32 v15, v29  }
0x22e: {  	v29 =	vmul.f32 v55, v51;
	v55 =	vld [tilespmem:$0x1FF70];
	v27 =	vadd.f32 v54, v27;
	v30 =	vmul.f32 v30, v45  }
0x22f: {  	v24 =	vadd.f32 v25, v24  }
0x230: {  	s31 =	scvt.s32.f32 s0;
	v25 =	vmul.f32 v59, v31;
	v14 =	vadd.f32 v30, v14;
	v30 =	vand.u32 $0x7FFFFFFF, v27  }
0x231: {  	v0 =	vmul.f32 v0, v51;
	v30 =	vsub.f32 $0.0e+00, v30  }
0x232: {  	s2 =	smul.f32 $9.999999770e-03, s31;
	v23 =	vadd.f32 v25, v23;
	v25 =	vmul.f32 v59, v28;
	v28 =	vmul.f32 v59, v26  }
0x233: {  	v0 =	vadd.f32 $0.0e+00, v0;
	v32 =	vadd.s32 $0x2, v48;
	v36 =	vld.idx.msk [tilespmem:v56+s19+$0x0], $0xffff;
	v30 =	vmul.f32 v30, v55  }
0x234: {  	v51 =	vadd.f32 s2, v16;
	v24 =	vsub.f32 v24, v28  }
0x235: {  	v15 =	vadd.f32 v25, v15;
	v28 =	vmul.f32 $1.442695020e+00, v30;
	v30 =	vmul.f32 v60, v53  }
0x236: {  	v57 =	vadd.s32 $0x2, v49;
	v54 =	vadd.s32 $0x3, v48;
	v31 =	vadd.f32 $9.999999770e-03, v51  }
0x237: {  	v26 =	vmul.f32 v60, v26;
	v59 =	vadd.s32 $0x1, v38;
	v15 =	vadd.f32 v30, v15;
	v30 =	vld [tilespmem:$0x1FFC0]  }
0x238: {  	v32 =	vld.idx.msk [tilespmem:v32+s19+$0x0], $0xffff;
	v56 =	vimm.f32 $0.0e+00;
	v61 =	vadd.f32 v31, v51;
	v36 =	vmul.f32 v36, v41  }
0x239: {  	v25 =	vmul.f32 v60, v58;
	v29 =	vadd.f32 $0.0e+00, v29;
	(erf) = vpow2.f32 v28  }
0x23a: {  	v48 =	vmul.f32 $5.000000000e-01, v61;
	v14 =	vadd.f32 v36, v14;
	v28 =	vadd.s32 $0x2, v44  }
0x23b: {  	v24 =	vadd.f32 v26, v24;
	vm14 =	vlt.f32 v27, $0.0e+00;
	v23 =	vadd.f32 v25, v23;
	v61 =	vld.idx.msk [tilespmem:v54+s19+$0x0], $0xffff  }
0x23c: {  	v25 =	vadd.s32 $0x1, v44;
	v53 =	vld [tilespmem:$0x1FFE0];
	vm1 =	vge.f32 v14, $1.000000000e+00;
	vm0 =	vle.f32 v48, v30  }
0x23d: {  	v32 =	vmul.f32 v32, v47;
	v15 =	vmul.f32 $1.000000000e+02, v15;
	vm0 =	vmand vm0, vm1  }
0x23e: {  	v23 =	vmul.f32 $1.000000000e+02, v23;
	v14 =	vadd.s32 $0x3, v44;
	v26 =	vsel vm0, $0x3F800000, v56  }
0x23f: {  	v28 =	vld.idx.msk [tilespmem:v28+s19+$0x0], $0xffff;
	v44 =	vmul.f32 v26, v15;
	v15 =	vmul.f32 $1.000000000e+02, v24;
	v24 =	vand.u32 $0x80000000, v27  }
0x240: {  	vm15 =	vgt.f32 v27, $0.0e+00;
	v30 =	vmul.f32 v61, v47;
	v23 =	vmul.f32 v26, v23  }
0x241: {  	vm0 =	vmor vm15, vm14;
	v47 =	vmul.f32 v26, v15;
	v15 =	vor.u32 v24, v53  }
0x242: {  	v25 =	vld.idx.msk [tilespmem:v25+s19+$0x0], $0xffff;
	v60 =	vmul.f32 v44, v44;
	v24 =	vpop (erf);
	v15 =	vsel vm0, v15, v27;
	v27 =	vmul.f32 v23, v23  }
0x243: {  	v29 =	vadd.f32 v32, v29;
	v14 =	vld.idx.msk [tilespmem:v14+s19+$0x0], $0xffff;
	v61 =	vadd.s32 $0x2, v38;
	v24 =	vadd.f32 $-1.000000000e+00, v24  }
0x244: {  	v54 =	vld [tilespmem:$0x1FFB0];
	v28 =	vmul.f32 v28, v39;
	v56 =	vmul.f32 v47, v47;
	v27 =	vadd.f32 v60, v27  }
0x245: {  	v58 =	vadd.s32 $0x3, v49;
	v32 =	vld.idx.msk [tilespmem:v57+s19+$0x0], $0xffff;
	v57 =	vadd.s32 $0x1, v50;
	v15 =	vmul.f32 v24, v15  }
0x246: {  	v24 =	vadd.f32 v28, v29;
	v28 =	vadd.s32 $0x3, v38;
	v27 =	vadd.f32 v27, v56  }
0x247: {  	v0 =	vadd.f32 v30, v0;
	v30 =	vadd.s32 $0x1, v49;
	v29 =	vld.idx.msk [tilespmem:v59+s19+$0x0], $0xffff;
	v15 =	vadd.f32 $1.000000000e+00, v15  }
0x248: {  	v25 =	vmul.f32 v25, v39;
	v14 =	vmul.f32 v14, v39;
	v27 =	vmax.f32 v27, $1.000000020e-24  }
0x249: {  	v59 =	vld.idx.msk [tilespmem:v61+s19+$0x0], $0xffff;
	v15 =	vmul.f32 v15, v54;
	v60 =	vshrl.u32 v27, $0x1;
	v27 =	vmul.f32 $5.000000000e-01, v27  }
0x24a: {  	v61 =	vadd.s32 $0x1, v52;
	v56 =	vadd.s32 $0x2, v52;
	v39 =	vsub.s32 $0x5F3759DF, v60  }
0x24b: {  	v28 =	vld.idx.msk [tilespmem:v28+s19+$0x0], $0xffff;
	v15 =	vmul.f32 v15, v26;
	v26 =	vsub.f32 v31, v51;
	v31 =	vmul.f32 v39, v27  }
0x24c: {  	v0 =	vadd.f32 v14, v0;
	v14 =	vmul.f32 v29, v37;
	v29 =	vld.idx.msk [tilespmem:v30+s19+$0x0], $0xffff;
	v30 =	vadd.s32 $0x3, v52  }
0x24d: {  	v36 =	vld.idx.msk [tilespmem:v58+s19+$0x0], $0xffff;
	v58 =	vadd.s32 $0x2, v50;
	v15 =	vmul.f32 v15, v26;
	v26 =	vmul.f32 v39, v31  }
0x24e: {  	v25 =	vadd.f32 v25, v42;
	v31 =	vmul.f32 v59, v37;
	v59 =	vsub.f32 $0.0e+00, v62  }
0x24f: {  	v50 =	vadd.s32 $0x3, v50;
	v42 =	vld.idx.msk [tilespmem:v61+s19+$0x0], $0xffff;
	v60 =	vsub.f32 $0.0e+00, v15;
	v26 =	vsub.f32 $1.500000000e+00, v26  }
0x250: {  	v61 =	vld.idx.msk [tilespmem:v56+s19+$0x0], $0xffff;
	v56 =	vadd.s32 $0x1, v43;
	v28 =	vmul.f32 v28, v37;
	v52 =	vmul.f32 $1.442695020e+00, v59  }
0x251: {  	v14 =	vadd.f32 v14, v25;
	v25 =	vmul.f32 v39, v26;
	v26 =	vld.idx.msk [tilespmem:v30+s19+$0x0], $0xffff;
	v30 =	vmul.f32 $1.442695020e+00, v60  }
0x252: {  	v24 =	vadd.f32 v31, v24;
	v29 =	vmul.f32 v29, v40;
	(erf) = vpow2.f32 v52  }
0x253: {  	v31 =	vld.idx.msk [tilespmem:v57+s19+$0x0], $0xffff;
	v57 =	vadd.s32 $0x2, v43;
	(erf) = vpow2.f32 v30;
	v30 =	vmul.f32 v25, v27  }
0x254: {  	v38 =	vld.idx.msk [tilespmem:v58+s19+$0x0], $0xffff;
	v43 =	vadd.s32 $0x3, v43;
	v0 =	vadd.f32 v28, v0;
	v28 =	vmul.f32 v32, v40  }
0x255: {  	v58 =	vld.idx.msk [tilespmem:v50+s19+$0x0], $0xffff;
	v14 =	vadd.f32 v29, v14;
	v29 =	vmul.f32 v36, v40;
	v30 =	vmul.f32 v30, v25  }
0x256: {  	v37 =	vmul.f32 v61, v46;
	v24 =	vadd.f32 v28, v24;
	v28 =	vmul.f32 v42, v46  }
0x257: {  	v60 =	vld [tilespmem:$0x1FF00];
	v0 =	vadd.f32 v29, v0;
	v26 =	vmul.f32 v26, v46;
	v29 =	vsub.f32 $1.500000000e+00, v30  }
0x258: {  	v59 =	vld.idx.msk [tilespmem:v56+s19+$0x0], $0xffff;
	v14 =	vadd.f32 v28, v14;
	v24 =	vadd.f32 v37, v24;
	v28 =	vmul.f32 v31, v45  }
0x259: {  	v0 =	vadd.f32 v26, v0;
	v26 =	vmul.f32 v38, v45;
	v25 =	vmul.f32 v29, v25  }
0x25a: {  	v30 =	vld.idx.msk [tilespmem:v57+s19+$0x0], $0xffff;
	v14 =	vadd.f32 v28, v14;
	v28 =	vmul.f32 v58, v45  }
0x25b: {  	v31 =	vld.idx.msk [tilespmem:v43+s19+$0x0], $0xffff;
	v24 =	vadd.f32 v26, v24;
	v26 =	vmul.f32 v25, v27  }
0x25c: {  	v0 =	vadd.f32 v28, v0;
	v28 =	vor.u32 s0, v60  }
0x25d: {  	v29 =	vmul.f32 v59, v41;
	v26 =	vmul.f32 v26, v25  }
0x25e: {  	v62 =	vadd.f32 v15, v62;
	v61 =	vpop (erf)  }
0x25f: {  	v14 =	vadd.f32 v29, v14;
	v27 =	vpop (erf);
	v29 =	vmul.f32 v30, v41;
	v26 =	vsub.f32 $1.500000000e+00, v26  }
0x260: {  	v30 =	vmul.f32 v31, v41;
	v31 =	vmov s0;
	v27 =	vsub.f32 $1.000000000e+00, v27  }
0x261: {  	v31 =	vand.u32 $0x7FFFFFFF, v31;
	v24 =	vadd.f32 v29, v24;
	[tilespmem:v28+s21+$0x0] =	vst.idx.msk $0xffff, v23;
	v28 =	vld [tilespmem:$0x1FF40];
	v25 =	vmul.f32 v26, v25  }
0x262: {  	v0 =	vadd.f32 v30, v0;
	v29 =	vor.u32 v60, v31;
	v27 =	vmul.f32 v27, v61  }
0x263: {  	v30 =	vadd.s32 $0x800, v29;
	v15 =	vmul.f32 v25, v23;
	v23 =	vmul.f32 v25, v44  }
0x264: {  	v26 =	vadd.s32 $0x1000, v29;
	v29 =	vld [tilespmem:$0x1FF20];
	v0 =	vmul.f32 v27, v0;
	v25 =	vmul.f32 v25, v47  }
0x265: {  	v23 =	vmul.f32 v23, v27  }
0x266: {  	v28 =	vadd.f32 v0, v28;
	v0 =	vmul.f32 v25, v27;
	v25 =	vld [tilespmem:$0x1FF50]  }
0x267: {  	p0 =	sne.s32 s12, $0x7F0;
	v14 =	vmul.f32 v27, v14;
	v33 =	vadd.f32 v23, v33;
	v23 =	vld [tilespmem:$0x1FF60]  }
.Ltmp5:
0x268: {  	v24 =	vmul.f32 v27, v24;
	(pc) =	sbr.rel @p0 .LBB2_14-.Ltmp5, $4  }
0x269: {  	v15 =	vmul.f32 v15, v27;
	v29 =	vadd.f32 v14, v29;
	v14 =	vmul.f32 v27, v48  }
0x26a: {  	v63 =	vadd.f32 v24, v63  }
0x26b: {  	s29 =	sadd.s32 $0x30, s29;
	[tilespmem:v30+s21+$0x0] =	vst.idx.msk $0xffff, v44;
	v2 =	vadd.f32 v15, v2;
	v34 =	vadd.f32 v14, v34  }
0x26c: {  	s12 =	sadd.s32 $0x80, s12;
	s28 =	sadd.s32 $0x80, s28;
	s0 =	sadd.s32 $0x1, s0;
	[tilespmem:v26+s21+$0x0] =	vst.idx.msk $0xffff, v47;
	v25 =	vadd.f32 v0, v25;
	v23 =	vadd.f32 v27, v23  }
0x26d: {  	s11 =	sadd.s32 $0x1, s11  }
0x26e: {  	p0 =	sne.s32 s11, $0x4  }
.Ltmp6:
0x26f: {  	_ = 	snop;
	(pc) =	sbr.rel @p0 .LBB2_5-.Ltmp6, $4  }
0x270: {  	_ = 	snop  }
0x271: {  	[tilespmem:$0x1FF90] =	vst v2  }
0x272: {  	[tilespmem:$0x1FFA0] =	vst v34  }
0x273: {  	[tilespmem:$0x1FF80] =	vst v33;
	s14 =	sadd.s32 $0x20, s14;
	s5 =	sadd.s32 $0x20, s5;
	s1 =	sadd.s32 $0x20, s1;
	v24 =	vmov v29  }
0x274: {  	v14 =	vld [tilespmem:$0x1FFD0];
	_ =	sdelay $0x1  }
0x275: {  	v0 =	vlaneseq.u32  }
0x276: {  	v0 =	vmul.u32 $0x8, v0;
	_ =	sdelay $0x1  }
0x277: {  	(erf) = vrcp.f32 v14;
	v14 =	vor.u32 $0x1, v0  }
0x278: {  	v15 =	vor.u32 $0x2, v0  }
0x279: {  	v2 =	vld [tilespmem:$0x1FF90]  }
0x27a: {  	s4 =	simm.s32 $0x15610;
	v17 =	vld [tilespmem:$0x1FF80]  }
0x27b: {  	[tilespmem:v0+s4+$0x0] =	vst.idx.msk $0xffff, v24  }
0x27c: {  	[tilespmem:v14+s4+$0x0] =	vst.idx.msk $0xffff, v63  }
0x27d: {  	s5 =	simm.s32 $0x15710;
	[tilespmem:v15+s4+$0x0] =	vst.idx.msk $0xffff, v28  }
0x27e: {  	[tilespmem:v0+s5+$0x0] =	vst.idx.msk $0xffff, v2  }
0x27f: {  	[tilespmem:v14+s5+$0x0] =	vst.idx.msk $0xffff, v17;
	v14 =	vld [tilespmem:$0x1FFA0];
	_ =	sdelay $0x3  }
0x280: {  	v16 =	vpop (erf)  }
0x281: {  	s0 =	rddreg [dreg:$0x8];
	v14 =	vmul.f32 v14, v16  }
0x282: {  	s6 =	simm.s32 $0x15690;
	s1 =	rddreg [dreg:$0xd];
	[tilespmem:v15+s5+$0x0] =	vst.idx.msk $0xffff, v25  }
0x283: {  	s7 =	simm.s32 $0x15790;
	s14 =	rddreg [dreg:$0x4];
	s0 =	sor.u32 s0, s1;
	[tilespmem:v0+s6+$0x0] =	vst.idx.msk $0xffff, v14  }
0x284: {  	s2 =	simm.s32 $0x0;
	s23 =	simm.s32 $0x3;
	s1 =	sadd.s32 s14, s0;
	[tilespmem:v0+s7+$0x0] =	vst.idx.msk $0xffff, v23  }
0x285: {  	[hbm4b:s1+s2] =	stream.linear.scatter [tilespmem:s4], [sflag:$0x3], $0x80, $0x38;
	[tilespmem:$0x15810] =	vst v63  }
0x286: {  	_ =	swait.ge [sflag:s23], $0x80  }
0x287: {  	[sflag:s23] =	ssyncset.done $0x0;
	s24 =	rddreg [dreg:$0x6]  }
0x288: {  	[sflag:s23] =	ssyncadd.s32 $0xFFFFFF80;
	s1 =	sadd.s32 s24, s0  }
0x289: {  	[hbm4b:s1+s2] =	stream.linear.scatter [tilespmem:s5], [sflag:$0x3], $0x80, $0x38;
	[tilespmem:$0x15810] =	vst v63  }
0x28a: {  	_ =	swait.ge [sflag:s23], $0x80  }
0x28b: {  	[sflag:s23] =	ssyncset.done $0x0;
	s25 =	rddreg [dreg:$0x5]  }
0x28c: {  	[sflag:s23] =	ssyncadd.s32 $0xFFFFFF80;
	s1 =	sadd.s32 s25, s0  }
0x28d: {  	[hbm4b:s1+s2] =	stream.linear.scatter [tilespmem:s6], [sflag:$0x3], $0x80, $0x38;
	[tilespmem:$0x15810] =	vst v63  }
0x28e: {  	_ =	swait.ge [sflag:s23], $0x80  }
0x28f: {  	s29 =	simm.s32 $0x800;
	[sflag:s23] =	ssyncset.done $0x0;
	s26 =	rddreg [dreg:$0x7]  }
0x290: {  	s30 =	sadd.s32 $0x1, s30;
	[sflag:s23] =	ssyncadd.s32 $0xFFFFFF80;
	s1 =	sadd.s32 s26, s0  }
0x291: {  	[hbm4b:s1+s2] =	stream.linear.scatter [tilespmem:s7], [sflag:$0x3], $0x80, $0x38;
	[tilespmem:$0x15810] =	vst v63  }
0x292: {  	s31 =	simm.s32 $0x80000;
	p0 =	sne.s32 s30, $0x8;
	_ =	swait.ge [sflag:s23], $0x80  }
0x293: {  	s0 =	sshll.u32 s0, $0x4;
	[sflag:s23] =	ssyncset.done $0x0;
	s28 =	rddreg [dreg:$0x9]  }
.Ltmp7:
0x294: {  	[sflag:s23] =	ssyncadd.s32 $0xFFFFFF80;
	s0 =	sadd.s32 s28, s0;
	(pc) =	sbr.rel @p0 .LBB2_2-.Ltmp7, $4  }
0x295: {  	[hbm4b:s0+s29] =	stream.strided.scatter [tilespmem:s21], [sflag:$0x3], $0x1800, s31, s29, $0x38;
	[tilespmem:$0x15810] =	vst v63  }
0x296: {  	_ =	swait.ge [sflag:s23], $0x1800  }
0x297: {  	[sflag:s23] =	ssyncset.done $0x0;
	v2 =	vld [tilespmem:$0x1FFF0]  }
0x298: {  	[sflag:s23] =	ssyncadd.s32 $0xFFFFE800  }
0x299: {  	s1 =	rddreg [dreg:$0xc]  }
0x29a: {  	s0 =	rddreg [dreg:$0xb];
	s1 =	sadd.s32 $0x1, s1  }
0x29b: {  	p0 =	sne.s32 s1, s0  }
.Ltmp8:
0x29c: {  	_ = 	snop;
	(pc) =	sbr.rel @p0 .LBB2_1-.Ltmp8, $1  }
0x29d: {  	_ =	sdelay $0x3  }
0x29e: {  	_ =	sfence.sel $0x180000  }
0x29f: {  	[bflag:$0x0] =	sbarrier.arrive $0xFFFF  }
0x2a0: {  	_ =	strace $0x90000047  }
0x2a1: {  	s0 =	stileid.u32;
	[bflag:$0x2] =	sbarrier.arrive $0xFFFF  }
0x2a2: {  	p0 =	sne.s32 s0, $0x0;
	s0 =	rddreg [dreg:$0x3]  }
0x2a3: {  	s0 =	sadd.s32 @!p0 $0x100000, s0  }
0x2a4: {  	[sflag:s0] =	ssyncadd.tile.s32 @!p0 $0x1;
	_ =	shalt  }
.Lfunc_end2:
_tile_overlayer_lowered:
.L_overlay_start_2:
0x2a5: {  	(tag) =	ssettag $0x2  }
0x2a6: {  	s0 =	rddreg [dreg:$0x0];
	s2 =	stileid.u32  }
0x2a7: {  	s1 =	rddreg [dreg:$0x1];
	p0 =	sne.s32 s2, $0x0  }
0x2a8: {  	s3 =	rddreg [dreg:$0x2];
	[bflag:$0x3] =	sbarrier.arrive $0xFFFF;
	s2 =	simm.s32 @!p0 $0x1C03  }
0x2a9: {  	[timem:s3], [sflag:s2] =	dma.local @!p0 [hbm:s0], s1  }
0x2aa: {  	s0 =	simm.s32 @!p0 $0x3  }
0x2ab: {  	_ =	swait.ge @!p0 [sflag:s0], s1  }
0x2ac: {  	s1 =	ssub.s32 @!p0 $0x0, s1;
	[sflag:s0] =	ssyncset.done @!p0 $0x0  }
0x2ad: {  	[sflag:s0] =	ssyncadd.s32 @!p0 s1  }
0x2ae: {  	[bflag:$0x3] =	sbarrier.arrive $0xFFFF  }
0x2af: {  	_ =	shalt  }

</sc_bundles>
